<compile_context>
chip_gen: v7x
topology: tpu7x:2x2x1
jax: 0.10.2.dev20260603
libtpu: 0.0.44.dev20260713+nightly
codegen_flags: <defaults>
</compile_context>

<pallas_src>
import jax
import jax.numpy as jnp
from jax import lax
from jax.experimental import pallas as pl
from jax.experimental.pallas import tpu as pltpu
from jax.experimental.pallas import tpu_sc as plsc

_NEQ = 10000
_MU = 500
_NPAD = 10240
_NPT = _NPAD // 16
_E = 160000
_EPAD = 163840
_ECH = 128
_CHUNKS = _EPAD // 16 // _ECH
_MCHUNKS = _EPAD // 32 // _ECH
_WAVE = 20
_PAD_SLOT = 10016
_OPAD = 6144

_NIN = 10500
_FB = 128
_NFB = 512 // _FB


def _rsqrt16(x):
    y = 1.0 / x
    for _ in range(24):
        y = y * (1.5 - 0.5 * x * y * y)
    return y


def _gcn_sc_body(ei_hbm, v_hbm, wb_hbm, out0_hbm, out1_hbm,
                 ridx, cidx, msg, ones, wb_v,
                 cnt_loc, v_loc, g_loc, dinv_loc, s_loc, out_loc,
                 sh_cnt, sh_g, sh_s, sem, sem2):
    c = lax.axis_index("c")
    sid = lax.axis_index("s")

    nb = sid * _NPT
    eb = sid * _CHUNKS
    ebm = (c * 16 + sid) * _MCHUNKS

    def z_body(k, carry):
        out_loc[pl.ds(k * 16, 16)] = jnp.zeros((16,), jnp.float32)
        return carry
    lax.fori_loop(0, _NPT // 16, z_body, None)
    for k in range(_ECH // 16):
        ones[pl.ds(k * 16, 16)] = jnp.ones((16,), jnp.float32)
    pltpu.sync_copy(out_loc, sh_cnt.at[pl.ds(nb, _NPT)])
    pltpu.sync_copy(out_loc, sh_s.at[pl.ds(nb, _NPT)])

    @pl.when(c == 0)
    def _z0():
        pltpu.sync_copy(out_loc.at[pl.ds(0, _OPAD // 16)],
                        out0_hbm.at[pl.ds(_NPAD + sid * (_OPAD // 16),
                                          _OPAD // 16)])

    @pl.when(c == 1)
    def _z1():
        pltpu.sync_copy(out_loc.at[pl.ds(0, _OPAD // 16)],
                        out1_hbm.at[pl.ds(_NPAD + sid * (_OPAD // 16),
                                          _OPAD // 16)])

    pltpu.sync_copy(wb_hbm, wb_v)
    pltpu.sync_copy(ei_hbm.at[1, pl.ds(eb, _CHUNKS)],
                    cidx.at[pl.ds(0, _CHUNKS)])
    pltpu.sync_copy(ei_hbm.at[0, pl.ds(ebm, _MCHUNKS)], ridx)
    pltpu.sync_copy(ei_hbm.at[1, pl.ds(ebm, _MCHUNKS)],
                    cidx.at[pl.ds(_CHUNKS, _MCHUNKS)])
    plsc.subcore_barrier()

    def cnt_wave(wv, carry):
        for b in range(_WAVE):
            j = wv * _WAVE + b
            pltpu.async_copy(ones, sh_cnt.at[cidx.at[j]], sem, add=True)
        for b in range(_WAVE):
            j = wv * _WAVE + b
            pltpu.make_async_copy(ones, sh_cnt.at[cidx.at[j]], sem).wait()
        return carry
    lax.fori_loop(0, _CHUNKS // _WAVE, cnt_wave, None)
    plsc.subcore_barrier()

    pltpu.sync_copy(sh_cnt.at[pl.ds(nb, _NPT)], cnt_loc)
    pltpu.sync_copy(v_hbm.at[pl.ds(nb, _NPT)], v_loc)
    wvec = wb_v[pl.ds(0, 16)]

    def ew_body(k, carry):
        cnt16 = cnt_loc[pl.ds(k * 16, 16)]
        v16 = v_loc[pl.ds(k * 16, 16)]
        deg = cnt16 * 128.0 + 1.0
        y = _rsqrt16(deg)
        dinv_loc[pl.ds(k * 16, 16)] = y
        g_loc[pl.ds(k * 16, 16)] = y * v16 * wvec
        return carry
    lax.fori_loop(0, _NPT // 16, ew_body, None)
    pltpu.sync_copy(g_loc, sh_g.at[pl.ds(nb, _NPT)])
    plsc.subcore_barrier()

    def msg_wave(wv, carry):
        for b in range(_WAVE):
            j = wv * _WAVE + b
            pltpu.async_copy(sh_g.at[ridx.at[j]], msg.at[j], sem2)
        for b in range(_WAVE):
            j = wv * _WAVE + b
            pltpu.make_async_copy(sh_g.at[ridx.at[j]], msg.at[j], sem2).wait()
        for b in range(_WAVE):
            j = wv * _WAVE + b
            pltpu.async_copy(msg.at[j], sh_s.at[cidx.at[_CHUNKS + j]],
                             sem, add=True)
        for b in range(_WAVE):
            j = wv * _WAVE + b
            pltpu.make_async_copy(msg.at[j], sh_s.at[cidx.at[_CHUNKS + j]],
                                  sem).wait()
        return carry
    lax.fori_loop(0, _MCHUNKS // _WAVE, msg_wave, None)
    plsc.subcore_barrier()

    pltpu.sync_copy(sh_s.at[pl.ds(nb, _NPT)], s_loc)
    bvec = wb_v[pl.ds(16, 16)]

    def out_body0(k, carry):
        s16 = s_loc[pl.ds(k * 16, 16)]
        d16 = dinv_loc[pl.ds(k * 16, 16)]
        v16 = v_loc[pl.ds(k * 16, 16)]
        out_loc[pl.ds(k * 16, 16)] = (128.0 * d16 * s16
                                      + d16 * d16 * v16 * wvec + bvec)
        return carry

    def out_body1(k, carry):
        s16 = s_loc[pl.ds(k * 16, 16)]
        d16 = dinv_loc[pl.ds(k * 16, 16)]
        out_loc[pl.ds(k * 16, 16)] = 128.0 * d16 * s16
        return carry

    @pl.when(c == 0)
    def _w0():
        lax.fori_loop(0, _NPT // 16, out_body0, None)
        pltpu.sync_copy(out_loc, out0_hbm.at[pl.ds(nb, _NPT)])

    @pl.when(c == 1)
    def _w1():
        lax.fori_loop(0, _NPT // 16, out_body1, None)
        pltpu.sync_copy(out_loc, out1_hbm.at[pl.ds(nb, _NPT)])


def _gcn_sc(ei_p, v_p, wb):
    mesh = plsc.VectorSubcoreMesh(core_axis_name="c", subcore_axis_name="s")
    return pl.kernel(
        _gcn_sc_body,
        out_type=[jax.ShapeDtypeStruct((_NPAD + _OPAD,), jnp.float32),
                  jax.ShapeDtypeStruct((_NPAD + _OPAD,), jnp.float32)],
        mesh=mesh,
        scratch_types=[
            pltpu.VMEM((_MCHUNKS, _ECH), jnp.int32),
            pltpu.VMEM((_CHUNKS + _MCHUNKS, _ECH), jnp.int32),
            pltpu.VMEM((_MCHUNKS, _ECH), jnp.float32),
            pltpu.VMEM((_ECH,), jnp.float32),
            pltpu.VMEM((32,), jnp.float32),
            pltpu.VMEM((_NPT,), jnp.float32),
            pltpu.VMEM((_NPT,), jnp.float32),
            pltpu.VMEM((_NPT,), jnp.float32),
            pltpu.VMEM((_NPT,), jnp.float32),
            pltpu.VMEM((_NPT,), jnp.float32),
            pltpu.VMEM((_NPT,), jnp.float32),
            pltpu.VMEM_SHARED((_NPAD,), jnp.float32),
            pltpu.VMEM_SHARED((_NPAD,), jnp.float32),
            pltpu.VMEM_SHARED((_NPAD,), jnp.float32),
            pltpu.SemaphoreType.DMA,
            pltpu.SemaphoreType.DMA,
        ],
    )(ei_p, v_p, wb)


def _mlp_a_body(xt_ref, w1t_ref, wb_ref, h1p_ref, base_s):
    i = pl.program_id(0)

    @pl.when(i == 0)
    def _build():
        grow = lax.broadcasted_iota(jnp.int32, (_NIN, 128), 0)
        xt = xt_ref[...]
        w = wb_ref[0, 0]
        gb = wb_ref[0, 1]
        base_s[...] = jnp.where(grow < _NEQ,
                                jnp.maximum(w * xt + gb, 0.0), xt)

    h1p_ref[...] = lax.dot_general(
        base_s[...], w1t_ref[...], (((0,), (0,)), ((), ())),
        preferred_element_type=jnp.float32)


def _mlp_a(xt, W1t, wb2):
    return pl.pallas_call(
        _mlp_a_body,
        grid=(_NFB,),
        in_specs=[
            pl.BlockSpec((_NIN, 128), lambda i: (0, 0)),
            pl.BlockSpec((_NIN, _FB), lambda i: (0, i)),
            pl.BlockSpec((1, 2), lambda i: (0, 0)),
        ],
        out_specs=pl.BlockSpec((128, _FB), lambda i: (0, i)),
        out_shape=jax.ShapeDtypeStruct((128, 512), jnp.float32),
        scratch_shapes=[pltpu.VMEM((_NIN, 128), jnp.float32)],
    )(xt, W1t, wb2)


def _mlp_b_body(h1p_ref, xa_ref, os0_ref, os1_ref, w1a_ref, w2_ref, wout_ref,
                b1_ref, b2_ref, bout_ref, wb_ref, mu_ref, lamb_ref):
    w = wb_ref[0, 0]
    gb = wb_ref[0, 1]
    grow = lax.broadcasted_iota(jnp.int32, (128, 128), 0)
    gcol = lax.broadcasted_iota(jnp.int32, (128, 128), 1)
    flat = grow * 128 + gcol
    base = jnp.maximum(w * xa_ref[...] + gb, 0.0)
    sub = jnp.maximum(os0_ref[...] + os1_ref[...], 0.0)
    delta = jnp.where(flat < _NEQ, sub - base, 0.0)
    corr = lax.dot_general(delta, w1a_ref[...], (((0,), (0,)), ((), ())),
                           preferred_element_type=jnp.float32)
    h1 = jnp.maximum(h1p_ref[...] + corr + b1_ref[...], 0.0)
    h2 = jnp.maximum(
        lax.dot_general(h1, w2_ref[...], (((1,), (1,)), ((), ())),
                        preferred_element_type=jnp.float32) + b2_ref[...],
        0.0)
    o = lax.dot_general(wout_ref[...], h2, (((1,), (1,)), ((), ())),
                        preferred_element_type=jnp.float32)
    o = o + lax.dot_general(bout_ref[...], jnp.ones((1, 128), jnp.float32),
                            (((0,), (0,)), ((), ())),
                            preferred_element_type=jnp.float32)
    mu_ref[...] = o[:_MU, :]
    lamb_ref[...] = o[_MU:, :]


def _mlp_b(h1p, xt, os0, os1, W1t, W2, Wout, b1, b2, bout, wb2):
    return pl.pallas_call(
        _mlp_b_body,
        grid=(1,),
        in_specs=[
            pl.BlockSpec((128, 512), lambda i: (0, 0)),
            pl.BlockSpec((128, 128), lambda i: (0, 0)),
            pl.BlockSpec((128, 128), lambda i: (0, 0)),
            pl.BlockSpec((128, 128), lambda i: (0, 0)),
            pl.BlockSpec((128, 512), lambda i: (0, 0)),
            pl.BlockSpec((256, 512), lambda i: (0, 0)),
            pl.BlockSpec((_NIN, 256), lambda i: (0, 0)),
            pl.BlockSpec((1, 512), lambda i: (0, 0)),
            pl.BlockSpec((1, 256), lambda i: (0, 0)),
            pl.BlockSpec((1, _NIN), lambda i: (0, 0)),
            pl.BlockSpec((1, 2), lambda i: (0, 0)),
        ],
        out_specs=[pl.BlockSpec((_MU, 128), lambda i: (0, 0)),
                   pl.BlockSpec((_NEQ, 128), lambda i: (0, 0))],
        out_shape=[jax.ShapeDtypeStruct((_MU, 128), jnp.float32),
                   jax.ShapeDtypeStruct((_NEQ, 128), jnp.float32)],
    )(h1p, xt, os0, os1, W1t, W2, Wout, b1, b2, bout, wb2)


def kernel(x, edge_index, gcn_W, gcn_b, W1, b1, W2, b2, Wout, bout):
    w = gcn_W[0, 0]

    xt = x.T
    W1t = W1.T
    v_p = xt[: _NPAD // 128].reshape(-1)
    ei_p = jnp.pad(edge_index, ((0, 0), (0, _EPAD - _E)),
                   constant_values=_PAD_SLOT).reshape(2, _EPAD // _ECH, _ECH)
    wb = jnp.concatenate([jnp.full((16,), w, jnp.float32),
                          jnp.full((16,), gcn_b[0], jnp.float32)])
    wb2 = jnp.stack([w, gcn_b[0]]).reshape(1, 2)

    p0, p1 = _gcn_sc(ei_p, v_p, wb)
    h1p = _mlp_a(xt, W1t, wb2)

    os0 = p0.reshape(128, 128)
    os1 = p1.reshape(128, 128)

    mu_t, lamb_t = _mlp_b(h1p, xt, os0, os1, W1t, W2, Wout,
                          b1.reshape(1, 512), b2.reshape(1, 256),
                          bout.reshape(1, _NIN), wb2)

    return (mu_t.T, lamb_t.T)

# --- scband reference (transcript-rebuilt; emitter-appended) ---
"""Pipeline reference for scband-dual-gcnnet-69724499083527 (READ-ONLY COPY).

The authoritative reference and input builder live on the scoring server;
editing this copy changes nothing except your own understanding.
"""

import jax, jax.numpy as jnp
import numpy as np

NEQ = 10000
MU_SIZE = 500

def setup_inputs(seed: int = 0) -> dict:
    key = jax.random.key(seed)
    ks = jax.random.split(key, 8)
    x = jax.random.normal(ks[0], (128, 10500), dtype=jnp.float32)
    edge_index = jax.random.randint(ks[1], (2, 160000), 0, NEQ, dtype=jnp.int32)
    # GCNConv(1, 1): lin weight [out,in]=[1,1] (no bias in lin), separate bias [1]
    gcn_W = jax.random.normal(ks[2], (1, 1), dtype=jnp.float32) * 0.5
    gcn_b = jnp.zeros((1,), dtype=jnp.float32)
    # MLP: [10500 -> 512 -> 256 -> 10500], kaiming-normal hidden weights, zero out_layer
    W1 = jax.random.normal(ks[3], (512, 10500), dtype=jnp.float32) * np.sqrt(2.0 / 10500)
    b1 = jnp.zeros((512,), dtype=jnp.float32)
    W2 = jax.random.normal(ks[4], (256, 512), dtype=jnp.float32) * np.sqrt(2.0 / 512)
    b2 = jnp.zeros((256,), dtype=jnp.float32)
    Wout = jnp.zeros((10500, 256), dtype=jnp.float32)
    bout = jnp.zeros((10500,), dtype=jnp.float32)
    return {"x": x, "edge_index": edge_index, "gcn_W": gcn_W, "gcn_b": gcn_b,
            "W1": W1, "b1": b1, "W2": W2, "b2": b2, "Wout": Wout, "bout": bout}

def _gcn_conv(xf, row, col, N, gcn_W, gcn_b):
    # GCNConv default: add self-loops, symmetric normalization, lin then propagate then + bias
    loops = jnp.arange(N, dtype=row.dtype)
    row_f = jnp.concatenate([row, loops])
    col_f = jnp.concatenate([col, loops])
    deg = jnp.zeros((N,), dtype=xf.dtype).at[col_f].add(1.0)
    dinv = jnp.where(deg > 0, deg ** -0.5, 0.0)
    norm = dinv[row_f] * dinv[col_f]
    h = xf @ gcn_W.T  # lin (no bias)
    msg = norm[:, None] * h[row_f]
    out = jnp.zeros((N, h.shape[1]), dtype=xf.dtype).at[col_f].add(msg)
    return out + gcn_b

def reference(x, edge_index, gcn_W, gcn_b, W1, b1, W2, b2, Wout, bout):
    x_pDemand = x[:, :NEQ]
    x_pGenAva = x[:, NEQ:]
    batch_size, num_nodes = x_pDemand.shape
    xf = x_pDemand.T.reshape(-1, 1)  # [num_nodes*batch, 1]
    N = num_nodes * batch_size
    ei = jnp.tile(edge_index, (1, batch_size))  # torch edge_index.repeat(1, batch_size)
    out = _gcn_conv(xf, ei[0], ei[1], N, gcn_W, gcn_b)
    out = jax.nn.relu(out)
    xd = out.reshape(num_nodes, batch_size).T
    xcat = jnp.concatenate([xd, x_pGenAva], axis=1)
    h1 = jax.nn.relu(xcat @ W1.T + b1)
    h2 = jax.nn.relu(h1 @ W2.T + b2)
    o = h2 @ Wout.T + bout
    out_mu = o[:, :MU_SIZE]
    out_lamb = o[:, MU_SIZE:]
    return (out_mu, out_lamb)

if __name__ == "__main__":
    import jax
    _d = setup_inputs()
    print(jax.jit(kernel)(*tuple(_d.values())))

</pallas_src>

<mosaic_0001>
#map = affine_map<(d0, d1) -> (0, 0, 0)>
#map1 = affine_map<(d0, d1) -> (0)>
module attributes {stable_mosaic.version = 14 : i64} {
  func.func @_gcn_sc_body(%arg0: i32, %arg1: i32, %arg2: memref<2x1280x128xi32, #tpu.memory_space<hbm>>, %arg3: memref<10240xf32, #tpu.memory_space<hbm>>, %arg4: memref<32xf32, #tpu.memory_space<hbm>>, %arg5: memref<16384xf32, #tpu.memory_space<hbm>>, %arg6: memref<16384xf32, #tpu.memory_space<hbm>>, %arg7: memref<40x128xi32, #tpu.memory_space<vmem>>, %arg8: memref<120x128xi32, #tpu.memory_space<vmem>>, %arg9: memref<40x128xf32, #tpu.memory_space<vmem>>, %arg10: memref<128xf32, #tpu.memory_space<vmem>>, %arg11: memref<32xf32, #tpu.memory_space<vmem>>, %arg12: memref<640xf32, #tpu.memory_space<vmem>>, %arg13: memref<640xf32, #tpu.memory_space<vmem>>, %arg14: memref<640xf32, #tpu.memory_space<vmem>>, %arg15: memref<640xf32, #tpu.memory_space<vmem>>, %arg16: memref<640xf32, #tpu.memory_space<vmem>>, %arg17: memref<640xf32, #tpu.memory_space<vmem>>, %arg18: memref<10240xf32, #tpu.memory_space<vmem_shared>>, %arg19: memref<10240xf32, #tpu.memory_space<vmem_shared>>, %arg20: memref<10240xf32, #tpu.memory_space<vmem_shared>>, %arg21: memref<!tpu.dma_semaphore, #tpu.memory_space<semaphore_mem>>, %arg22: memref<!tpu.dma_semaphore, #tpu.memory_space<semaphore_mem>>) attributes {dimension_semantics = [#tpu.dimension_semantics<core_parallel>, #tpu.dimension_semantics<subcore_parallel>], iteration_bounds = array<i64: 2, 16>, scalar_prefetch = 0 : i64, scratch_operands = 16 : i64, tpu.core_type = #tpu.core_type<sc_vector_subcore>, window_params = [{transform_indices = #map}, {transform_indices = #map1}, {transform_indices = #map1}, {transform_indices = #map1}, {transform_indices = #map1}]} {
    %mul3A = arith.constant 640 : i32
    %mul3A_0 = arith.muli %arg1, %mul3A : i32
    %mul3A_1 = arith.constant 80 : i32
    %mul3A_2 = arith.muli %arg1, %mul3A_1 : i32
    %mul3A_3 = arith.constant 16 : i32
    %mul3A_4 = arith.muli %arg0, %mul3A_3 : i32
    %add3A = arith.addi %mul3A_4, %arg1 : i32
    %mul3A_5 = arith.constant 40 : i32
    %mul3A_6 = arith.muli %add3A, %mul3A_5 : i32
    %scan3A = arith.constant 0 : i32
    %scan3A_7 = arith.constant 40 : i32
    %scan3A_8 = arith.addi %scan3A, %scan3A_7 : i32
    %scan3A_9 = arith.constant 1 : i32
    scf.for %scan3A_99 = %scan3A to %scan3A_8 step %scan3A_9  : i32 {
      %broadcast_in_dim3A_100 = arith.constant 0.000000e+00 : f32
      %broadcast_in_dim3A_101 = vector.broadcast %broadcast_in_dim3A_100 : f32 to vector<16xf32>
      %mul3A_102 = arith.constant 16 : i32
      %mul3A_103 = arith.muli %scan3A_99, %mul3A_102 : i32
      %swap3A_104 = arith.index_cast %mul3A_103 : i32 to index
      %swap3A_105 = tpu.vector_load %arg17[%swap3A_104] {strides = array<i32>} : memref<640xf32, #tpu.memory_space<vmem>>, vector<16xf32>,
      %swap3A_106 = vector.shape_cast %swap3A_105 : vector<16xf32> to vector<16xf32>
      %swap3A_107 = vector.shape_cast %broadcast_in_dim3A_101 : vector<16xf32> to vector<16xf32>
      tpu.vector_store %arg17[%swap3A_104], %swap3A_107 {strides = array<i32>} : memref<640xf32, #tpu.memory_space<vmem>>, vector<16xf32>,
    }
    %scan3A_10 = arith.constant 40 : i32
    %broadcast_in_dim3A = arith.constant 1.000000e+00 : f32
    %broadcast_in_dim3A_11 = vector.broadcast %broadcast_in_dim3A : f32 to vector<16xf32>
    %swap3A = arith.constant 0 : index
    %swap3A_12 = tpu.vector_load %arg10[%swap3A] {strides = array<i32>} : memref<128xf32, #tpu.memory_space<vmem>>, vector<16xf32>,
    %swap3A_13 = vector.shape_cast %swap3A_12 : vector<16xf32> to vector<16xf32>
    %swap3A_14 = vector.shape_cast %broadcast_in_dim3A_11 : vector<16xf32> to vector<16xf32>
    tpu.vector_store %arg10[%swap3A], %swap3A_14 {strides = array<i32>} : memref<128xf32, #tpu.memory_space<vmem>>, vector<16xf32>,
    %broadcast_in_dim3A_15 = arith.constant 1.000000e+00 : f32
    %broadcast_in_dim3A_16 = vector.broadcast %broadcast_in_dim3A_15 : f32 to vector<16xf32>
    %swap3A_17 = arith.constant 16 : index
    %swap3A_18 = tpu.vector_load %arg10[%swap3A_17] {strides = array<i32>} : memref<128xf32, #tpu.memory_space<vmem>>, vector<16xf32>,
    %swap3A_19 = vector.shape_cast %swap3A_18 : vector<16xf32> to vector<16xf32>
    %swap3A_20 = vector.shape_cast %broadcast_in_dim3A_16 : vector<16xf32> to vector<16xf32>
    tpu.vector_store %arg10[%swap3A_17], %swap3A_20 {strides = array<i32>} : memref<128xf32, #tpu.memory_space<vmem>>, vector<16xf32>,
    %broadcast_in_dim3A_21 = arith.constant 1.000000e+00 : f32
    %broadcast_in_dim3A_22 = vector.broadcast %broadcast_in_dim3A_21 : f32 to vector<16xf32>
    %swap3A_23 = arith.constant 32 : index
    %swap3A_24 = tpu.vector_load %arg10[%swap3A_23] {strides = array<i32>} : memref<128xf32, #tpu.memory_space<vmem>>, vector<16xf32>,
    %swap3A_25 = vector.shape_cast %swap3A_24 : vector<16xf32> to vector<16xf32>
    %swap3A_26 = vector.shape_cast %broadcast_in_dim3A_22 : vector<16xf32> to vector<16xf32>
    tpu.vector_store %arg10[%swap3A_23], %swap3A_26 {strides = array<i32>} : memref<128xf32, #tpu.memory_space<vmem>>, vector<16xf32>,
    %broadcast_in_dim3A_27 = arith.constant 1.000000e+00 : f32
    %broadcast_in_dim3A_28 = vector.broadcast %broadcast_in_dim3A_27 : f32 to vector<16xf32>
    %swap3A_29 = arith.constant 48 : index
    %swap3A_30 = tpu.vector_load %arg10[%swap3A_29] {strides = array<i32>} : memref<128xf32, #tpu.memory_space<vmem>>, vector<16xf32>,
    %swap3A_31 = vector.shape_cast %swap3A_30 : vector<16xf32> to vector<16xf32>
    %swap3A_32 = vector.shape_cast %broadcast_in_dim3A_28 : vector<16xf32> to vector<16xf32>
    tpu.vector_store %arg10[%swap3A_29], %swap3A_32 {strides = array<i32>} : memref<128xf32, #tpu.memory_space<vmem>>, vector<16xf32>,
    %broadcast_in_dim3A_33 = arith.constant 1.000000e+00 : f32
    %broadcast_in_dim3A_34 = vector.broadcast %broadcast_in_dim3A_33 : f32 to vector<16xf32>
    %swap3A_35 = arith.constant 64 : index
    %swap3A_36 = tpu.vector_load %arg10[%swap3A_35] {strides = array<i32>} : memref<128xf32, #tpu.memory_space<vmem>>, vector<16xf32>,
    %swap3A_37 = vector.shape_cast %swap3A_36 : vector<16xf32> to vector<16xf32>
    %swap3A_38 = vector.shape_cast %broadcast_in_dim3A_34 : vector<16xf32> to vector<16xf32>
    tpu.vector_store %arg10[%swap3A_35], %swap3A_38 {strides = array<i32>} : memref<128xf32, #tpu.memory_space<vmem>>, vector<16xf32>,
    %broadcast_in_dim3A_39 = arith.constant 1.000000e+00 : f32
    %broadcast_in_dim3A_40 = vector.broadcast %broadcast_in_dim3A_39 : f32 to vector<16xf32>
    %swap3A_41 = arith.constant 80 : index
    %swap3A_42 = tpu.vector_load %arg10[%swap3A_41] {strides = array<i32>} : memref<128xf32, #tpu.memory_space<vmem>>, vector<16xf32>,
    %swap3A_43 = vector.shape_cast %swap3A_42 : vector<16xf32> to vector<16xf32>
    %swap3A_44 = vector.shape_cast %broadcast_in_dim3A_40 : vector<16xf32> to vector<16xf32>
    tpu.vector_store %arg10[%swap3A_41], %swap3A_44 {strides = array<i32>} : memref<128xf32, #tpu.memory_space<vmem>>, vector<16xf32>,
    %broadcast_in_dim3A_45 = arith.constant 1.000000e+00 : f32
    %broadcast_in_dim3A_46 = vector.broadcast %broadcast_in_dim3A_45 : f32 to vector<16xf32>
    %swap3A_47 = arith.constant 96 : index
    %swap3A_48 = tpu.vector_load %arg10[%swap3A_47] {strides = array<i32>} : memref<128xf32, #tpu.memory_space<vmem>>, vector<16xf32>,
    %swap3A_49 = vector.shape_cast %swap3A_48 : vector<16xf32> to vector<16xf32>
    %swap3A_50 = vector.shape_cast %broadcast_in_dim3A_46 : vector<16xf32> to vector<16xf32>
    tpu.vector_store %arg10[%swap3A_47], %swap3A_50 {strides = array<i32>} : memref<128xf32, #tpu.memory_space<vmem>>, vector<16xf32>,
    %broadcast_in_dim3A_51 = arith.constant 1.000000e+00 : f32
    %broadcast_in_dim3A_52 = vector.broadcast %broadcast_in_dim3A_51 : f32 to vector<16xf32>
    %swap3A_53 = arith.constant 112 : index
    %swap3A_54 = tpu.vector_load %arg10[%swap3A_53] {strides = array<i32>} : memref<128xf32, #tpu.memory_space<vmem>>, vector<16xf32>,
    %swap3A_55 = vector.shape_cast %swap3A_54 : vector<16xf32> to vector<16xf32>
    %swap3A_56 = vector.shape_cast %broadcast_in_dim3A_52 : vector<16xf32> to vector<16xf32>
    tpu.vector_store %arg10[%swap3A_53], %swap3A_56 {strides = array<i32>} : memref<128xf32, #tpu.memory_space<vmem>>, vector<16xf32>,
    "tpu.region"() ({
      %run_scoped3A_99 = tpu.sem_alloc : memref<!tpu.dma_semaphore, #tpu.memory_space<semaphore_mem>>
      %dma_start3A = tpu.memref_slice %arg18[%mul3A_0] : memref<10240xf32, #tpu.memory_space<vmem_shared>> -> memref<640xf32, #tpu.memory_space<vmem_shared>>
      %dma_start3A_100 = tpu.memref_slice %arg18[%mul3A_0] : memref<10240xf32, #tpu.memory_space<vmem_shared>> -> memref<640xf32, #tpu.memory_space<vmem_shared>>
      tpu.enqueue_dma source(%arg17 : memref<640xf32, #tpu.memory_space<vmem>>) target(%dma_start3A_100 : memref<640xf32, #tpu.memory_space<vmem_shared>>) target_semaphore(%run_scoped3A_99 : memref<!tpu.dma_semaphore, #tpu.memory_space<semaphore_mem>>)
      %dma_wait3A = tpu.memref_slice %arg18[%mul3A_0] : memref<10240xf32, #tpu.memory_space<vmem_shared>> -> memref<640xf32, #tpu.memory_space<vmem_shared>>
      %dma_wait3A_101 = tpu.memref_slice %arg18[%mul3A_0] : memref<10240xf32, #tpu.memory_space<vmem_shared>> -> memref<640xf32, #tpu.memory_space<vmem_shared>>
      tpu.wait_dma2 semaphore(%run_scoped3A_99 : memref<!tpu.dma_semaphore, #tpu.memory_space<semaphore_mem>>) src(%arg17 : memref<640xf32, #tpu.memory_space<vmem>>) dst(%dma_wait3A_101 : memref<640xf32, #tpu.memory_space<vmem_shared>>)
      tpu.yield
    }) : () -> ()
    "tpu.region"() ({
      %run_scoped3A_99 = tpu.sem_alloc : memref<!tpu.dma_semaphore, #tpu.memory_space<semaphore_mem>>
      %dma_start3A = tpu.memref_slice %arg20[%mul3A_0] : memref<10240xf32, #tpu.memory_space<vmem_shared>> -> memref<640xf32, #tpu.memory_space<vmem_shared>>
      %dma_start3A_100 = tpu.memref_slice %arg20[%mul3A_0] : memref<10240xf32, #tpu.memory_space<vmem_shared>> -> memref<640xf32, #tpu.memory_space<vmem_shared>>
      tpu.enqueue_dma source(%arg17 : memref<640xf32, #tpu.memory_space<vmem>>) target(%dma_start3A_100 : memref<640xf32, #tpu.memory_space<vmem_shared>>) target_semaphore(%run_scoped3A_99 : memref<!tpu.dma_semaphore, #tpu.memory_space<semaphore_mem>>)
      %dma_wait3A = tpu.memref_slice %arg20[%mul3A_0] : memref<10240xf32, #tpu.memory_space<vmem_shared>> -> memref<640xf32, #tpu.memory_space<vmem_shared>>
      %dma_wait3A_101 = tpu.memref_slice %arg20[%mul3A_0] : memref<10240xf32, #tpu.memory_space<vmem_shared>> -> memref<640xf32, #tpu.memory_space<vmem_shared>>
      tpu.wait_dma2 semaphore(%run_scoped3A_99 : memref<!tpu.dma_semaphore, #tpu.memory_space<semaphore_mem>>) src(%arg17 : memref<640xf32, #tpu.memory_space<vmem>>) dst(%dma_wait3A_101 : memref<640xf32, #tpu.memory_space<vmem_shared>>)
      tpu.yield
    }) : () -> ()
    %eq3A = arith.constant 0 : i32
    %eq3A_57 = arith.cmpi eq, %arg0, %eq3A : i32
    %convert_element_type3A = arith.extui %eq3A_57 : i1 to i32
    %cond3A = arith.constant 0 : i32
    %cond3A_58 = arith.cmpi ne, %convert_element_type3A, %cond3A : i32
    scf.if %cond3A_58 {
      %mul3A_99 = arith.constant 384 : i32
      %mul3A_100 = arith.muli %arg1, %mul3A_99 : i32
      %add3A_101 = arith.constant 10240 : i32
      %add3A_102 = arith.addi %add3A_101, %mul3A_100 : i32
      "tpu.region"() ({
        %run_scoped3A_103 = tpu.sem_alloc : memref<!tpu.dma_semaphore, #tpu.memory_space<semaphore_mem>>
        %dma_start3A = arith.constant 0 : i32
        %dma_start3A_104 = tpu.memref_slice %arg17[%dma_start3A] : memref<640xf32, #tpu.memory_space<vmem>> -> memref<384xf32, #tpu.memory_space<vmem>>
        %dma_start3A_105 = tpu.memref_slice %arg5[%add3A_102] : memref<16384xf32, #tpu.memory_space<hbm>> -> memref<384xf32, #tpu.memory_space<hbm>>
        %dma_start3A_106 = tpu.memref_slice %arg5[%add3A_102] : memref<16384xf32, #tpu.memory_space<hbm>> -> memref<384xf32, #tpu.memory_space<hbm>>
        %dma_start3A_107 = arith.constant 0 : i32
        %dma_start3A_108 = tpu.memref_slice %arg17[%dma_start3A_107] : memref<640xf32, #tpu.memory_space<vmem>> -> memref<384xf32, #tpu.memory_space<vmem>>
        tpu.enqueue_dma source(%dma_start3A_108 : memref<384xf32, #tpu.memory_space<vmem>>) target(%dma_start3A_106 : memref<384xf32, #tpu.memory_space<hbm>>) target_semaphore(%run_scoped3A_103 : memref<!tpu.dma_semaphore, #tpu.memory_space<semaphore_mem>>)
        %dma_wait3A = arith.constant 0 : i32
        %dma_wait3A_109 = tpu.memref_slice %arg17[%dma_wait3A] : memref<640xf32, #tpu.memory_space<vmem>> -> memref<384xf32, #tpu.memory_space<vmem>>
        %dma_wait3A_110 = tpu.memref_slice %arg5[%add3A_102] : memref<16384xf32, #tpu.memory_space<hbm>> -> memref<384xf32, #tpu.memory_space<hbm>>
        %dma_wait3A_111 = tpu.memref_slice %arg5[%add3A_102] : memref<16384xf32, #tpu.memory_space<hbm>> -> memref<384xf32, #tpu.memory_space<hbm>>
        %dma_wait3A_112 = arith.constant 0 : i32
        %dma_wait3A_113 = tpu.memref_slice %arg17[%dma_wait3A_112] : memref<640xf32, #tpu.memory_space<vmem>> -> memref<384xf32, #tpu.memory_space<vmem>>
        tpu.wait_dma2 semaphore(%run_scoped3A_103 : memref<!tpu.dma_semaphore, #tpu.memory_space<semaphore_mem>>) src(%dma_wait3A_113 : memref<384xf32, #tpu.memory_space<vmem>>) dst(%dma_wait3A_111 : memref<384xf32, #tpu.memory_space<hbm>>)
        tpu.yield
      }) : () -> ()
    } else {
    }
    %eq3A_59 = arith.constant 1 : i32
    %eq3A_60 = arith.cmpi eq, %arg0, %eq3A_59 : i32
    %convert_element_type3A_61 = arith.extui %eq3A_60 : i1 to i32
    %cond3A_62 = arith.constant 0 : i32
    %cond3A_63 = arith.cmpi ne, %convert_element_type3A_61, %cond3A_62 : i32
    scf.if %cond3A_63 {
      %mul3A_99 = arith.constant 384 : i32
      %mul3A_100 = arith.muli %arg1, %mul3A_99 : i32
      %add3A_101 = arith.constant 10240 : i32
      %add3A_102 = arith.addi %add3A_101, %mul3A_100 : i32
      "tpu.region"() ({
        %run_scoped3A_103 = tpu.sem_alloc : memref<!tpu.dma_semaphore, #tpu.memory_space<semaphore_mem>>
        %dma_start3A = arith.constant 0 : i32
        %dma_start3A_104 = tpu.memref_slice %arg17[%dma_start3A] : memref<640xf32, #tpu.memory_space<vmem>> -> memref<384xf32, #tpu.memory_space<vmem>>
        %dma_start3A_105 = tpu.memref_slice %arg6[%add3A_102] : memref<16384xf32, #tpu.memory_space<hbm>> -> memref<384xf32, #tpu.memory_space<hbm>>
        %dma_start3A_106 = tpu.memref_slice %arg6[%add3A_102] : memref<16384xf32, #tpu.memory_space<hbm>> -> memref<384xf32, #tpu.memory_space<hbm>>
        %dma_start3A_107 = arith.constant 0 : i32
        %dma_start3A_108 = tpu.memref_slice %arg17[%dma_start3A_107] : memref<640xf32, #tpu.memory_space<vmem>> -> memref<384xf32, #tpu.memory_space<vmem>>
        tpu.enqueue_dma source(%dma_start3A_108 : memref<384xf32, #tpu.memory_space<vmem>>) target(%dma_start3A_106 : memref<384xf32, #tpu.memory_space<hbm>>) target_semaphore(%run_scoped3A_103 : memref<!tpu.dma_semaphore, #tpu.memory_space<semaphore_mem>>)
        %dma_wait3A = arith.constant 0 : i32
        %dma_wait3A_109 = tpu.memref_slice %arg17[%dma_wait3A] : memref<640xf32, #tpu.memory_space<vmem>> -> memref<384xf32, #tpu.memory_space<vmem>>
        %dma_wait3A_110 = tpu.memref_slice %arg6[%add3A_102] : memref<16384xf32, #tpu.memory_space<hbm>> -> memref<384xf32, #tpu.memory_space<hbm>>
        %dma_wait3A_111 = tpu.memref_slice %arg6[%add3A_102] : memref<16384xf32, #tpu.memory_space<hbm>> -> memref<384xf32, #tpu.memory_space<hbm>>
        %dma_wait3A_112 = arith.constant 0 : i32
        %dma_wait3A_113 = tpu.memref_slice %arg17[%dma_wait3A_112] : memref<640xf32, #tpu.memory_space<vmem>> -> memref<384xf32, #tpu.memory_space<vmem>>
        tpu.wait_dma2 semaphore(%run_scoped3A_103 : memref<!tpu.dma_semaphore, #tpu.memory_space<semaphore_mem>>) src(%dma_wait3A_113 : memref<384xf32, #tpu.memory_space<vmem>>) dst(%dma_wait3A_111 : memref<384xf32, #tpu.memory_space<hbm>>)
        tpu.yield
      }) : () -> ()
    } else {
    }
    "tpu.region"() ({
      %run_scoped3A_99 = tpu.sem_alloc : memref<!tpu.dma_semaphore, #tpu.memory_space<semaphore_mem>>
      tpu.enqueue_dma source(%arg4 : memref<32xf32, #tpu.memory_space<hbm>>) target(%arg11 : memref<32xf32, #tpu.memory_space<vmem>>) target_semaphore(%run_scoped3A_99 : memref<!tpu.dma_semaphore, #tpu.memory_space<semaphore_mem>>)
      tpu.wait_dma2 semaphore(%run_scoped3A_99 : memref<!tpu.dma_semaphore, #tpu.memory_space<semaphore_mem>>) src(%arg4 : memref<32xf32, #tpu.memory_space<hbm>>) dst(%arg11 : memref<32xf32, #tpu.memory_space<vmem>>)
      tpu.yield
    }) : () -> ()
    %run_scoped3A = arith.constant 1 : i32
    "tpu.region"() ({
      %run_scoped3A_99 = tpu.sem_alloc : memref<!tpu.dma_semaphore, #tpu.memory_space<semaphore_mem>>
      %dma_start3A = arith.constant 0 : i32
      %dma_start3A_100 = arith.constant 0 : i32
      %dma_start3A_101 = tpu.memref_slice %arg8[%dma_start3A, %dma_start3A_100] : memref<120x128xi32, #tpu.memory_space<vmem>> -> memref<80x128xi32, #tpu.memory_space<vmem>>
      %dma_start3A_102 = arith.constant 0 : i32
      %dma_start3A_103 = tpu.memref_slice %arg2[%run_scoped3A, %mul3A_2, %dma_start3A_102] : memref<2x1280x128xi32, #tpu.memory_space<hbm>> -> memref<1x80x128xi32, #tpu.memory_space<hbm>>
      %dma_start3A_104 = tpu.memref_squeeze %dma_start3A_103 : memref<1x80x128xi32, #tpu.memory_space<hbm>> -> memref<80x128xi32, #tpu.memory_space<hbm>>
      %dma_start3A_105 = arith.constant 0 : i32
      %dma_start3A_106 = arith.constant 0 : i32
      %dma_start3A_107 = tpu.memref_slice %arg8[%dma_start3A_105, %dma_start3A_106] : memref<120x128xi32, #tpu.memory_space<vmem>> -> memref<80x128xi32, #tpu.memory_space<vmem>>
      %dma_start3A_108 = arith.constant 0 : i32
      %dma_start3A_109 = tpu.memref_slice %arg2[%run_scoped3A, %mul3A_2, %dma_start3A_108] : memref<2x1280x128xi32, #tpu.memory_space<hbm>> -> memref<1x80x128xi32, #tpu.memory_space<hbm>>
      %dma_start3A_110 = tpu.memref_squeeze %dma_start3A_109 : memref<1x80x128xi32, #tpu.memory_space<hbm>> -> memref<80x128xi32, #tpu.memory_space<hbm>>
      tpu.enqueue_dma source(%dma_start3A_110 : memref<80x128xi32, #tpu.memory_space<hbm>>) target(%dma_start3A_107 : memref<80x128xi32, #tpu.memory_space<vmem>>) target_semaphore(%run_scoped3A_99 : memref<!tpu.dma_semaphore, #tpu.memory_space<semaphore_mem>>)
      %dma_wait3A = arith.constant 0 : i32
      %dma_wait3A_111 = arith.constant 0 : i32
      %dma_wait3A_112 = tpu.memref_slice %arg8[%dma_wait3A, %dma_wait3A_111] : memref<120x128xi32, #tpu.memory_space<vmem>> -> memref<80x128xi32, #tpu.memory_space<vmem>>
      %dma_wait3A_113 = arith.constant 0 : i32
      %dma_wait3A_114 = tpu.memref_slice %arg2[%run_scoped3A, %mul3A_2, %dma_wait3A_113] : memref<2x1280x128xi32, #tpu.memory_space<hbm>> -> memref<1x80x128xi32, #tpu.memory_space<hbm>>
      %dma_wait3A_115 = tpu.memref_squeeze %dma_wait3A_114 : memref<1x80x128xi32, #tpu.memory_space<hbm>> -> memref<80x128xi32, #tpu.memory_space<hbm>>
      %dma_wait3A_116 = arith.constant 0 : i32
      %dma_wait3A_117 = arith.constant 0 : i32
      %dma_wait3A_118 = tpu.memref_slice %arg8[%dma_wait3A_116, %dma_wait3A_117] : memref<120x128xi32, #tpu.memory_space<vmem>> -> memref<80x128xi32, #tpu.memory_space<vmem>>
      %dma_wait3A_119 = arith.constant 0 : i32
      %dma_wait3A_120 = tpu.memref_slice %arg2[%run_scoped3A, %mul3A_2, %dma_wait3A_119] : memref<2x1280x128xi32, #tpu.memory_space<hbm>> -> memref<1x80x128xi32, #tpu.memory_space<hbm>>
      %dma_wait3A_121 = tpu.memref_squeeze %dma_wait3A_120 : memref<1x80x128xi32, #tpu.memory_space<hbm>> -> memref<80x128xi32, #tpu.memory_space<hbm>>
      tpu.wait_dma2 semaphore(%run_scoped3A_99 : memref<!tpu.dma_semaphore, #tpu.memory_space<semaphore_mem>>) src(%dma_wait3A_121 : memref<80x128xi32, #tpu.memory_space<hbm>>) dst(%dma_wait3A_118 : memref<80x128xi32, #tpu.memory_space<vmem>>)
      tpu.yield
    }) : () -> ()
    %run_scoped3A_64 = arith.constant 0 : i32
    "tpu.region"() ({
      %run_scoped3A_99 = tpu.sem_alloc : memref<!tpu.dma_semaphore, #tpu.memory_space<semaphore_mem>>
      %dma_start3A = arith.constant 0 : i32
      %dma_start3A_100 = tpu.memref_slice %arg2[%run_scoped3A_64, %mul3A_6, %dma_start3A] : memref<2x1280x128xi32, #tpu.memory_space<hbm>> -> memref<1x40x128xi32, #tpu.memory_space<hbm>>
      %dma_start3A_101 = tpu.memref_squeeze %dma_start3A_100 : memref<1x40x128xi32, #tpu.memory_space<hbm>> -> memref<40x128xi32, #tpu.memory_space<hbm>>
      %dma_start3A_102 = arith.constant 0 : i32
      %dma_start3A_103 = tpu.memref_slice %arg2[%run_scoped3A_64, %mul3A_6, %dma_start3A_102] : memref<2x1280x128xi32, #tpu.memory_space<hbm>> -> memref<1x40x128xi32, #tpu.memory_space<hbm>>
      %dma_start3A_104 = tpu.memref_squeeze %dma_start3A_103 : memref<1x40x128xi32, #tpu.memory_space<hbm>> -> memref<40x128xi32, #tpu.memory_space<hbm>>
      tpu.enqueue_dma source(%dma_start3A_104 : memref<40x128xi32, #tpu.memory_space<hbm>>) target(%arg7 : memref<40x128xi32, #tpu.memory_space<vmem>>) target_semaphore(%run_scoped3A_99 : memref<!tpu.dma_semaphore, #tpu.memory_space<semaphore_mem>>)
      %dma_wait3A = arith.constant 0 : i32
      %dma_wait3A_105 = tpu.memref_slice %arg2[%run_scoped3A_64, %mul3A_6, %dma_wait3A] : memref<2x1280x128xi32, #tpu.memory_space<hbm>> -> memref<1x40x128xi32, #tpu.memory_space<hbm>>
      %dma_wait3A_106 = tpu.memref_squeeze %dma_wait3A_105 : memref<1x40x128xi32, #tpu.memory_space<hbm>> -> memref<40x128xi32, #tpu.memory_space<hbm>>
      %dma_wait3A_107 = arith.constant 0 : i32
      %dma_wait3A_108 = tpu.memref_slice %arg2[%run_scoped3A_64, %mul3A_6, %dma_wait3A_107] : memref<2x1280x128xi32, #tpu.memory_space<hbm>> -> memref<1x40x128xi32, #tpu.memory_space<hbm>>
      %dma_wait3A_109 = tpu.memref_squeeze %dma_wait3A_108 : memref<1x40x128xi32, #tpu.memory_space<hbm>> -> memref<40x128xi32, #tpu.memory_space<hbm>>
      tpu.wait_dma2 semaphore(%run_scoped3A_99 : memref<!tpu.dma_semaphore, #tpu.memory_space<semaphore_mem>>) src(%dma_wait3A_109 : memref<40x128xi32, #tpu.memory_space<hbm>>) dst(%arg7 : memref<40x128xi32, #tpu.memory_space<vmem>>)
      tpu.yield
    }) : () -> ()
    %run_scoped3A_65 = arith.constant 1 : i32
    "tpu.region"() ({
      %run_scoped3A_99 = tpu.sem_alloc : memref<!tpu.dma_semaphore, #tpu.memory_space<semaphore_mem>>
      %dma_start3A = arith.constant 80 : i32
      %dma_start3A_100 = arith.constant 0 : i32
      %dma_start3A_101 = tpu.memref_slice %arg8[%dma_start3A, %dma_start3A_100] : memref<120x128xi32, #tpu.memory_space<vmem>> -> memref<40x128xi32, #tpu.memory_space<vmem>>
      %dma_start3A_102 = arith.constant 0 : i32
      %dma_start3A_103 = tpu.memref_slice %arg2[%run_scoped3A_65, %mul3A_6, %dma_start3A_102] : memref<2x1280x128xi32, #tpu.memory_space<hbm>> -> memref<1x40x128xi32, #tpu.memory_space<hbm>>
      %dma_start3A_104 = tpu.memref_squeeze %dma_start3A_103 : memref<1x40x128xi32, #tpu.memory_space<hbm>> -> memref<40x128xi32, #tpu.memory_space<hbm>>
      %dma_start3A_105 = arith.constant 80 : i32
      %dma_start3A_106 = arith.constant 0 : i32
      %dma_start3A_107 = tpu.memref_slice %arg8[%dma_start3A_105, %dma_start3A_106] : memref<120x128xi32, #tpu.memory_space<vmem>> -> memref<40x128xi32, #tpu.memory_space<vmem>>
      %dma_start3A_108 = arith.constant 0 : i32
      %dma_start3A_109 = tpu.memref_slice %arg2[%run_scoped3A_65, %mul3A_6, %dma_start3A_108] : memref<2x1280x128xi32, #tpu.memory_space<hbm>> -> memref<1x40x128xi32, #tpu.memory_space<hbm>>
      %dma_start3A_110 = tpu.memref_squeeze %dma_start3A_109 : memref<1x40x128xi32, #tpu.memory_space<hbm>> -> memref<40x128xi32, #tpu.memory_space<hbm>>
      tpu.enqueue_dma source(%dma_start3A_110 : memref<40x128xi32, #tpu.memory_space<hbm>>) target(%dma_start3A_107 : memref<40x128xi32, #tpu.memory_space<vmem>>) target_semaphore(%run_scoped3A_99 : memref<!tpu.dma_semaphore, #tpu.memory_space<semaphore_mem>>)
      %dma_wait3A = arith.constant 80 : i32
      %dma_wait3A_111 = arith.constant 0 : i32
      %dma_wait3A_112 = tpu.memref_slice %arg8[%dma_wait3A, %dma_wait3A_111] : memref<120x128xi32, #tpu.memory_space<vmem>> -> memref<40x128xi32, #tpu.memory_space<vmem>>
      %dma_wait3A_113 = arith.constant 0 : i32
      %dma_wait3A_114 = tpu.memref_slice %arg2[%run_scoped3A_65, %mul3A_6, %dma_wait3A_113] : memref<2x1280x128xi32, #tpu.memory_space<hbm>> -> memref<1x40x128xi32, #tpu.memory_space<hbm>>
      %dma_wait3A_115 = tpu.memref_squeeze %dma_wait3A_114 : memref<1x40x128xi32, #tpu.memory_space<hbm>> -> memref<40x128xi32, #tpu.memory_space<hbm>>
      %dma_wait3A_116 = arith.constant 80 : i32
      %dma_wait3A_117 = arith.constant 0 : i32
      %dma_wait3A_118 = tpu.memref_slice %arg8[%dma_wait3A_116, %dma_wait3A_117] : memref<120x128xi32, #tpu.memory_space<vmem>> -> memref<40x128xi32, #tpu.memory_space<vmem>>
      %dma_wait3A_119 = arith.constant 0 : i32
      %dma_wait3A_120 = tpu.memref_slice %arg2[%run_scoped3A_65, %mul3A_6, %dma_wait3A_119] : memref<2x1280x128xi32, #tpu.memory_space<hbm>> -> memref<1x40x128xi32, #tpu.memory_space<hbm>>
      %dma_wait3A_121 = tpu.memref_squeeze %dma_wait3A_120 : memref<1x40x128xi32, #tpu.memory_space<hbm>> -> memref<40x128xi32, #tpu.memory_space<hbm>>
      tpu.wait_dma2 semaphore(%run_scoped3A_99 : memref<!tpu.dma_semaphore, #tpu.memory_space<semaphore_mem>>) src(%dma_wait3A_121 : memref<40x128xi32, #tpu.memory_space<hbm>>) dst(%dma_wait3A_118 : memref<40x128xi32, #tpu.memory_space<vmem>>)
      tpu.yield
    }) : () -> ()
    %barrier3A = arith.constant 0 : index
    tpu.barrier barrier_id(%barrier3A)
    %scan3A_66 = arith.constant 0 : i32
    %scan3A_67 = arith.constant 4 : i32
    %scan3A_68 = arith.addi %scan3A_66, %scan3A_67 : i32
    %scan3A_69 = arith.constant 1 : i32
    scf.for %scan3A_99 = %scan3A_66 to %scan3A_68 step %scan3A_69  : i32 {
      %mul3A_100 = arith.constant 20 : i32
      %mul3A_101 = arith.muli %scan3A_99, %mul3A_100 : i32
      %add3A_102 = arith.constant 0 : i32
      %add3A_103 = arith.addi %mul3A_101, %add3A_102 : i32
      %dma_start3A = arith.constant 0 : i32
      %dma_start3A_104 = tpu.memref_slice %arg8[%add3A_103, %dma_start3A] : memref<120x128xi32, #tpu.memory_space<vmem>> -> memref<1x128xi32, #tpu.memory_space<vmem>>
      %dma_start3A_105 = tpu.memref_squeeze %dma_start3A_104 : memref<1x128xi32, #tpu.memory_space<vmem>> -> memref<128xi32, #tpu.memory_space<vmem>>
      %dma_start3A_106 = arith.constant 0 : i32
      %dma_start3A_107 = tpu.memref_slice %arg18[%dma_start3A_106] : memref<10240xf32, #tpu.memory_space<vmem_shared>> -> memref<10240xf32, #tpu.memory_space<vmem_shared>>
      tpu.enqueue_indirect_dma source(%arg10 : memref<128xf32, #tpu.memory_space<vmem>>) target(%dma_start3A_107 : memref<10240xf32, #tpu.memory_space<vmem_shared>>) offsets(%dma_start3A_105 : memref<128xi32, #tpu.memory_space<vmem>>) semaphore(%arg21 : memref<!tpu.dma_semaphore, #tpu.memory_space<semaphore_mem>>) {add = true}
      %mul3A_108 = arith.constant 20 : i32
      %mul3A_109 = arith.muli %scan3A_99, %mul3A_108 : i32
      %add3A_110 = arith.constant 1 : i32
      %add3A_111 = arith.addi %mul3A_109, %add3A_110 : i32
      %dma_start3A_112 = arith.constant 0 : i32
      %dma_start3A_113 = tpu.memref_slice %arg8[%add3A_111, %dma_start3A_112] : memref<120x128xi32, #tpu.memory_space<vmem>> -> memref<1x128xi32, #tpu.memory_space<vmem>>
      %dma_start3A_114 = tpu.memref_squeeze %dma_start3A_113 : memref<1x128xi32, #tpu.memory_space<vmem>> -> memref<128xi32, #tpu.memory_space<vmem>>
      %dma_start3A_115 = arith.constant 0 : i32
      %dma_start3A_116 = tpu.memref_slice %arg18[%dma_start3A_115] : memref<10240xf32, #tpu.memory_space<vmem_shared>> -> memref<10240xf32, #tpu.memory_space<vmem_shared>>
      tpu.enqueue_indirect_dma source(%arg10 : memref<128xf32, #tpu.memory_space<vmem>>) target(%dma_start3A_116 : memref<10240xf32, #tpu.memory_space<vmem_shared>>) offsets(%dma_start3A_114 : memref<128xi32, #tpu.memory_space<vmem>>) semaphore(%arg21 : memref<!tpu.dma_semaphore, #tpu.memory_space<semaphore_mem>>) {add = true}
      %mul3A_117 = arith.constant 20 : i32
      %mul3A_118 = arith.muli %scan3A_99, %mul3A_117 : i32
      %add3A_119 = arith.constant 2 : i32
      %add3A_120 = arith.addi %mul3A_118, %add3A_119 : i32
      %dma_start3A_121 = arith.constant 0 : i32
      %dma_start3A_122 = tpu.memref_slice %arg8[%add3A_120, %dma_start3A_121] : memref<120x128xi32, #tpu.memory_space<vmem>> -> memref<1x128xi32, #tpu.memory_space<vmem>>
      %dma_start3A_123 = tpu.memref_squeeze %dma_start3A_122 : memref<1x128xi32, #tpu.memory_space<vmem>> -> memref<128xi32, #tpu.memory_space<vmem>>
      %dma_start3A_124 = arith.constant 0 : i32
      %dma_start3A_125 = tpu.memref_slice %arg18[%dma_start3A_124] : memref<10240xf32, #tpu.memory_space<vmem_shared>> -> memref<10240xf32, #tpu.memory_space<vmem_shared>>
      tpu.enqueue_indirect_dma source(%arg10 : memref<128xf32, #tpu.memory_space<vmem>>) target(%dma_start3A_125 : memref<10240xf32, #tpu.memory_space<vmem_shared>>) offsets(%dma_start3A_123 : memref<128xi32, #tpu.memory_space<vmem>>) semaphore(%arg21 : memref<!tpu.dma_semaphore, #tpu.memory_space<semaphore_mem>>) {add = true}
      %mul3A_126 = arith.constant 20 : i32
      %mul3A_127 = arith.muli %scan3A_99, %mul3A_126 : i32
      %add3A_128 = arith.constant 3 : i32
      %add3A_129 = arith.addi %mul3A_127, %add3A_128 : i32
      %dma_start3A_130 = arith.constant 0 : i32
      %dma_start3A_131 = tpu.memref_slice %arg8[%add3A_129, %dma_start3A_130] : memref<120x128xi32, #tpu.memory_space<vmem>> -> memref<1x128xi32, #tpu.memory_space<vmem>>
      %dma_start3A_132 = tpu.memref_squeeze %dma_start3A_131 : memref<1x128xi32, #tpu.memory_space<vmem>> -> memref<128xi32, #tpu.memory_space<vmem>>
      %dma_start3A_133 = arith.constant 0 : i32
      %dma_start3A_134 = tpu.memref_slice %arg18[%dma_start3A_133] : memref<10240xf32, #tpu.memory_space<vmem_shared>> -> memref<10240xf32, #tpu.memory_space<vmem_shared>>
      tpu.enqueue_indirect_dma source(%arg10 : memref<128xf32, #tpu.memory_space<vmem>>) target(%dma_start3A_134 : memref<10240xf32, #tpu.memory_space<vmem_shared>>) offsets(%dma_start3A_132 : memref<128xi32, #tpu.memory_space<vmem>>) semaphore(%arg21 : memref<!tpu.dma_semaphore, #tpu.memory_space<semaphore_mem>>) {add = true}
      %mul3A_135 = arith.constant 20 : i32
      %mul3A_136 = arith.muli %scan3A_99, %mul3A_135 : i32
      %add3A_137 = arith.constant 4 : i32
      %add3A_138 = arith.addi %mul3A_136, %add3A_137 : i32
      %dma_start3A_139 = arith.constant 0 : i32
      %dma_start3A_140 = tpu.memref_slice %arg8[%add3A_138, %dma_start3A_139] : memref<120x128xi32, #tpu.memory_space<vmem>> -> memref<1x128xi32, #tpu.memory_space<vmem>>
      %dma_start3A_141 = tpu.memref_squeeze %dma_start3A_140 : memref<1x128xi32, #tpu.memory_space<vmem>> -> memref<128xi32, #tpu.memory_space<vmem>>
      %dma_start3A_142 = arith.constant 0 : i32
      %dma_start3A_143 = tpu.memref_slice %arg18[%dma_start3A_142] : memref<10240xf32, #tpu.memory_space<vmem_shared>> -> memref<10240xf32, #tpu.memory_space<vmem_shared>>
      tpu.enqueue_indirect_dma source(%arg10 : memref<128xf32, #tpu.memory_space<vmem>>) target(%dma_start3A_143 : memref<10240xf32, #tpu.memory_space<vmem_shared>>) offsets(%dma_start3A_141 : memref<128xi32, #tpu.memory_space<vmem>>) semaphore(%arg21 : memref<!tpu.dma_semaphore, #tpu.memory_space<semaphore_mem>>) {add = true}
      %mul3A_144 = arith.constant 20 : i32
      %mul3A_145 = arith.muli %scan3A_99, %mul3A_144 : i32
      %add3A_146 = arith.constant 5 : i32
      %add3A_147 = arith.addi %mul3A_145, %add3A_146 : i32
      %dma_start3A_148 = arith.constant 0 : i32
      %dma_start3A_149 = tpu.memref_slice %arg8[%add3A_147, %dma_start3A_148] : memref<120x128xi32, #tpu.memory_space<vmem>> -> memref<1x128xi32, #tpu.memory_space<vmem>>
      %dma_start3A_150 = tpu.memref_squeeze %dma_start3A_149 : memref<1x128xi32, #tpu.memory_space<vmem>> -> memref<128xi32, #tpu.memory_space<vmem>>
      %dma_start3A_151 = arith.constant 0 : i32
      %dma_start3A_152 = tpu.memref_slice %arg18[%dma_start3A_151] : memref<10240xf32, #tpu.memory_space<vmem_shared>> -> memref<10240xf32, #tpu.memory_space<vmem_shared>>
      tpu.enqueue_indirect_dma source(%arg10 : memref<128xf32, #tpu.memory_space<vmem>>) target(%dma_start3A_152 : memref<10240xf32, #tpu.memory_space<vmem_shared>>) offsets(%dma_start3A_150 : memref<128xi32, #tpu.memory_space<vmem>>) semaphore(%arg21 : memref<!tpu.dma_semaphore, #tpu.memory_space<semaphore_mem>>) {add = true}
      %mul3A_153 = arith.constant 20 : i32
      %mul3A_154 = arith.muli %scan3A_99, %mul3A_153 : i32
      %add3A_155 = arith.constant 6 : i32
      %add3A_156 = arith.addi %mul3A_154, %add3A_155 : i32
      %dma_start3A_157 = arith.constant 0 : i32
      %dma_start3A_158 = tpu.memref_slice %arg8[%add3A_156, %dma_start3A_157] : memref<120x128xi32, #tpu.memory_space<vmem>> -> memref<1x128xi32, #tpu.memory_space<vmem>>
      %dma_start3A_159 = tpu.memref_squeeze %dma_start3A_158 : memref<1x128xi32, #tpu.memory_space<vmem>> -> memref<128xi32, #tpu.memory_space<vmem>>
      %dma_start3A_160 = arith.constant 0 : i32
      %dma_start3A_161 = tpu.memref_slice %arg18[%dma_start3A_160] : memref<10240xf32, #tpu.memory_space<vmem_shared>> -> memref<10240xf32, #tpu.memory_space<vmem_shared>>
      tpu.enqueue_indirect_dma source(%arg10 : memref<128xf32, #tpu.memory_space<vmem>>) target(%dma_start3A_161 : memref<10240xf32, #tpu.memory_space<vmem_shared>>) offsets(%dma_start3A_159 : memref<128xi32, #tpu.memory_space<vmem>>) semaphore(%arg21 : memref<!tpu.dma_semaphore, #tpu.memory_space<semaphore_mem>>) {add = true}
      %mul3A_162 = arith.constant 20 : i32
      %mul3A_163 = arith.muli %scan3A_99, %mul3A_162 : i32
      %add3A_164 = arith.constant 7 : i32
      %add3A_165 = arith.addi %mul3A_163, %add3A_164 : i32
      %dma_start3A_166 = arith.constant 0 : i32
      %dma_start3A_167 = tpu.memref_slice %arg8[%add3A_165, %dma_start3A_166] : memref<120x128xi32, #tpu.memory_space<vmem>> -> memref<1x128xi32, #tpu.memory_space<vmem>>
      %dma_start3A_168 = tpu.memref_squeeze %dma_start3A_167 : memref<1x128xi32, #tpu.memory_space<vmem>> -> memref<128xi32, #tpu.memory_space<vmem>>
      %dma_start3A_169 = arith.constant 0 : i32
      %dma_start3A_170 = tpu.memref_slice %arg18[%dma_start3A_169] : memref<10240xf32, #tpu.memory_space<vmem_shared>> -> memref<10240xf32, #tpu.memory_space<vmem_shared>>
      tpu.enqueue_indirect_dma source(%arg10 : memref<128xf32, #tpu.memory_space<vmem>>) target(%dma_start3A_170 : memref<10240xf32, #tpu.memory_space<vmem_shared>>) offsets(%dma_start3A_168 : memref<128xi32, #tpu.memory_space<vmem>>) semaphore(%arg21 : memref<!tpu.dma_semaphore, #tpu.memory_space<semaphore_mem>>) {add = true}
      %mul3A_171 = arith.constant 20 : i32
      %mul3A_172 = arith.muli %scan3A_99, %mul3A_171 : i32
      %add3A_173 = arith.constant 8 : i32
      %add3A_174 = arith.addi %mul3A_172, %add3A_173 : i32
      %dma_start3A_175 = arith.constant 0 : i32
      %dma_start3A_176 = tpu.memref_slice %arg8[%add3A_174, %dma_start3A_175] : memref<120x128xi32, #tpu.memory_space<vmem>> -> memref<1x128xi32, #tpu.memory_space<vmem>>
      %dma_start3A_177 = tpu.memref_squeeze %dma_start3A_176 : memref<1x128xi32, #tpu.memory_space<vmem>> -> memref<128xi32, #tpu.memory_space<vmem>>
      %dma_start3A_178 = arith.constant 0 : i32
      %dma_start3A_179 = tpu.memref_slice %arg18[%dma_start3A_178] : memref<10240xf32, #tpu.memory_space<vmem_shared>> -> memref<10240xf32, #tpu.memory_space<vmem_shared>>
      tpu.enqueue_indirect_dma source(%arg10 : memref<128xf32, #tpu.memory_space<vmem>>) target(%dma_start3A_179 : memref<10240xf32, #tpu.memory_space<vmem_shared>>) offsets(%dma_start3A_177 : memref<128xi32, #tpu.memory_space<vmem>>) semaphore(%arg21 : memref<!tpu.dma_semaphore, #tpu.memory_space<semaphore_mem>>) {add = true}
      %mul3A_180 = arith.constant 20 : i32
      %mul3A_181 = arith.muli %scan3A_99, %mul3A_180 : i32
      %add3A_182 = arith.constant 9 : i32
      %add3A_183 = arith.addi %mul3A_181, %add3A_182 : i32
      %dma_start3A_184 = arith.constant 0 : i32
      %dma_start3A_185 = tpu.memref_slice %arg8[%add3A_183, %dma_start3A_184] : memref<120x128xi32, #tpu.memory_space<vmem>> -> memref<1x128xi32, #tpu.memory_space<vmem>>
      %dma_start3A_186 = tpu.memref_squeeze %dma_start3A_185 : memref<1x128xi32, #tpu.memory_space<vmem>> -> memref<128xi32, #tpu.memory_space<vmem>>
      %dma_start3A_187 = arith.constant 0 : i32
      %dma_start3A_188 = tpu.memref_slice %arg18[%dma_start3A_187] : memref<10240xf32, #tpu.memory_space<vmem_shared>> -> memref<10240xf32, #tpu.memory_space<vmem_shared>>
      tpu.enqueue_indirect_dma source(%arg10 : memref<128xf32, #tpu.memory_space<vmem>>) target(%dma_start3A_188 : memref<10240xf32, #tpu.memory_space<vmem_shared>>) offsets(%dma_start3A_186 : memref<128xi32, #tpu.memory_space<vmem>>) semaphore(%arg21 : memref<!tpu.dma_semaphore, #tpu.memory_space<semaphore_mem>>) {add = true}
      %mul3A_189 = arith.constant 20 : i32
      %mul3A_190 = arith.muli %scan3A_99, %mul3A_189 : i32
      %add3A_191 = arith.constant 10 : i32
      %add3A_192 = arith.addi %mul3A_190, %add3A_191 : i32
      %dma_start3A_193 = arith.constant 0 : i32
      %dma_start3A_194 = tpu.memref_slice %arg8[%add3A_192, %dma_start3A_193] : memref<120x128xi32, #tpu.memory_space<vmem>> -> memref<1x128xi32, #tpu.memory_space<vmem>>
      %dma_start3A_195 = tpu.memref_squeeze %dma_start3A_194 : memref<1x128xi32, #tpu.memory_space<vmem>> -> memref<128xi32, #tpu.memory_space<vmem>>
      %dma_start3A_196 = arith.constant 0 : i32
      %dma_start3A_197 = tpu.memref_slice %arg18[%dma_start3A_196] : memref<10240xf32, #tpu.memory_space<vmem_shared>> -> memref<10240xf32, #tpu.memory_space<vmem_shared>>
      tpu.enqueue_indirect_dma source(%arg10 : memref<128xf32, #tpu.memory_space<vmem>>) target(%dma_start3A_197 : memref<10240xf32, #tpu.memory_space<vmem_shared>>) offsets(%dma_start3A_195 : memref<128xi32, #tpu.memory_space<vmem>>) semaphore(%arg21 : memref<!tpu.dma_semaphore, #tpu.memory_space<semaphore_mem>>) {add = true}
      %mul3A_198 = arith.constant 20 : i32
      %mul3A_199 = arith.muli %scan3A_99, %mul3A_198 : i32
      %add3A_200 = arith.constant 11 : i32
      %add3A_201 = arith.addi %mul3A_199, %add3A_200 : i32
      %dma_start3A_202 = arith.constant 0 : i32
      %dma_start3A_203 = tpu.memref_slice %arg8[%add3A_201, %dma_start3A_202] : memref<120x128xi32, #tpu.memory_space<vmem>> -> memref<1x128xi32, #tpu.memory_space<vmem>>
      %dma_start3A_204 = tpu.memref_squeeze %dma_start3A_203 : memref<1x128xi32, #tpu.memory_space<vmem>> -> memref<128xi32, #tpu.memory_space<vmem>>
      %dma_start3A_205 = arith.constant 0 : i32
      %dma_start3A_206 = tpu.memref_slice %arg18[%dma_start3A_205] : memref<10240xf32, #tpu.memory_space<vmem_shared>> -> memref<10240xf32, #tpu.memory_space<vmem_shared>>
      tpu.enqueue_indirect_dma source(%arg10 : memref<128xf32, #tpu.memory_space<vmem>>) target(%dma_start3A_206 : memref<10240xf32, #tpu.memory_space<vmem_shared>>) offsets(%dma_start3A_204 : memref<128xi32, #tpu.memory_space<vmem>>) semaphore(%arg21 : memref<!tpu.dma_semaphore, #tpu.memory_space<semaphore_mem>>) {add = true}
      %mul3A_207 = arith.constant 20 : i32
      %mul3A_208 = arith.muli %scan3A_99, %mul3A_207 : i32
      %add3A_209 = arith.constant 12 : i32
      %add3A_210 = arith.addi %mul3A_208, %add3A_209 : i32
      %dma_start3A_211 = arith.constant 0 : i32
      %dma_start3A_212 = tpu.memref_slice %arg8[%add3A_210, %dma_start3A_211] : memref<120x128xi32, #tpu.memory_space<vmem>> -> memref<1x128xi32, #tpu.memory_space<vmem>>
      %dma_start3A_213 = tpu.memref_squeeze %dma_start3A_212 : memref<1x128xi32, #tpu.memory_space<vmem>> -> memref<128xi32, #tpu.memory_space<vmem>>
      %dma_start3A_214 = arith.constant 0 : i32
      %dma_start3A_215 = tpu.memref_slice %arg18[%dma_start3A_214] : memref<10240xf32, #tpu.memory_space<vmem_shared>> -> memref<10240xf32, #tpu.memory_space<vmem_shared>>
      tpu.enqueue_indirect_dma source(%arg10 : memref<128xf32, #tpu.memory_space<vmem>>) target(%dma_start3A_215 : memref<10240xf32, #tpu.memory_space<vmem_shared>>) offsets(%dma_start3A_213 : memref<128xi32, #tpu.memory_space<vmem>>) semaphore(%arg21 : memref<!tpu.dma_semaphore, #tpu.memory_space<semaphore_mem>>) {add = true}
      %mul3A_216 = arith.constant 20 : i32
      %mul3A_217 = arith.muli %scan3A_99, %mul3A_216 : i32
      %add3A_218 = arith.constant 13 : i32
      %add3A_219 = arith.addi %mul3A_217, %add3A_218 : i32
      %dma_start3A_220 = arith.constant 0 : i32
      %dma_start3A_221 = tpu.memref_slice %arg8[%add3A_219, %dma_start3A_220] : memref<120x128xi32, #tpu.memory_space<vmem>> -> memref<1x128xi32, #tpu.memory_space<vmem>>
      %dma_start3A_222 = tpu.memref_squeeze %dma_start3A_221 : memref<1x128xi32, #tpu.memory_space<vmem>> -> memref<128xi32, #tpu.memory_space<vmem>>
      %dma_start3A_223 = arith.constant 0 : i32
      %dma_start3A_224 = tpu.memref_slice %arg18[%dma_start3A_223] : memref<10240xf32, #tpu.memory_space<vmem_shared>> -> memref<10240xf32, #tpu.memory_space<vmem_shared>>
      tpu.enqueue_indirect_dma source(%arg10 : memref<128xf32, #tpu.memory_space<vmem>>) target(%dma_start3A_224 : memref<10240xf32, #tpu.memory_space<vmem_shared>>) offsets(%dma_start3A_222 : memref<128xi32, #tpu.memory_space<vmem>>) semaphore(%arg21 : memref<!tpu.dma_semaphore, #tpu.memory_space<semaphore_mem>>) {add = true}
      %mul3A_225 = arith.constant 20 : i32
      %mul3A_226 = arith.muli %scan3A_99, %mul3A_225 : i32
      %add3A_227 = arith.constant 14 : i32
      %add3A_228 = arith.addi %mul3A_226, %add3A_227 : i32
      %dma_start3A_229 = arith.constant 0 : i32
      %dma_start3A_230 = tpu.memref_slice %arg8[%add3A_228, %dma_start3A_229] : memref<120x128xi32, #tpu.memory_space<vmem>> -> memref<1x128xi32, #tpu.memory_space<vmem>>
      %dma_start3A_231 = tpu.memref_squeeze %dma_start3A_230 : memref<1x128xi32, #tpu.memory_space<vmem>> -> memref<128xi32, #tpu.memory_space<vmem>>
      %dma_start3A_232 = arith.constant 0 : i32
      %dma_start3A_233 = tpu.memref_slice %arg18[%dma_start3A_232] : memref<10240xf32, #tpu.memory_space<vmem_shared>> -> memref<10240xf32, #tpu.memory_space<vmem_shared>>
      tpu.enqueue_indirect_dma source(%arg10 : memref<128xf32, #tpu.memory_space<vmem>>) target(%dma_start3A_233 : memref<10240xf32, #tpu.memory_space<vmem_shared>>) offsets(%dma_start3A_231 : memref<128xi32, #tpu.memory_space<vmem>>) semaphore(%arg21 : memref<!tpu.dma_semaphore, #tpu.memory_space<semaphore_mem>>) {add = true}
      %mul3A_234 = arith.constant 20 : i32
      %mul3A_235 = arith.muli %scan3A_99, %mul3A_234 : i32
      %add3A_236 = arith.constant 15 : i32
      %add3A_237 = arith.addi %mul3A_235, %add3A_236 : i32
      %dma_start3A_238 = arith.constant 0 : i32
      %dma_start3A_239 = tpu.memref_slice %arg8[%add3A_237, %dma_start3A_238] : memref<120x128xi32, #tpu.memory_space<vmem>> -> memref<1x128xi32, #tpu.memory_space<vmem>>
      %dma_start3A_240 = tpu.memref_squeeze %dma_start3A_239 : memref<1x128xi32, #tpu.memory_space<vmem>> -> memref<128xi32, #tpu.memory_space<vmem>>
      %dma_start3A_241 = arith.constant 0 : i32
      %dma_start3A_242 = tpu.memref_slice %arg18[%dma_start3A_241] : memref<10240xf32, #tpu.memory_space<vmem_shared>> -> memref<10240xf32, #tpu.memory_space<vmem_shared>>
      tpu.enqueue_indirect_dma source(%arg10 : memref<128xf32, #tpu.memory_space<vmem>>) target(%dma_start3A_242 : memref<10240xf32, #tpu.memory_space<vmem_shared>>) offsets(%dma_start3A_240 : memref<128xi32, #tpu.memory_space<vmem>>) semaphore(%arg21 : memref<!tpu.dma_semaphore, #tpu.memory_space<semaphore_mem>>) {add = true}
      %mul3A_243 = arith.constant 20 : i32
      %mul3A_244 = arith.muli %scan3A_99, %mul3A_243 : i32
      %add3A_245 = arith.constant 16 : i32
      %add3A_246 = arith.addi %mul3A_244, %add3A_245 : i32
      %dma_start3A_247 = arith.constant 0 : i32
      %dma_start3A_248 = tpu.memref_slice %arg8[%add3A_246, %dma_start3A_247] : memref<120x128xi32, #tpu.memory_space<vmem>> -> memref<1x128xi32, #tpu.memory_space<vmem>>
      %dma_start3A_249 = tpu.memref_squeeze %dma_start3A_248 : memref<1x128xi32, #tpu.memory_space<vmem>> -> memref<128xi32, #tpu.memory_space<vmem>>
      %dma_start3A_250 = arith.constant 0 : i32
      %dma_start3A_251 = tpu.memref_slice %arg18[%dma_start3A_250] : memref<10240xf32, #tpu.memory_space<vmem_shared>> -> memref<10240xf32, #tpu.memory_space<vmem_shared>>
      tpu.enqueue_indirect_dma source(%arg10 : memref<128xf32, #tpu.memory_space<vmem>>) target(%dma_start3A_251 : memref<10240xf32, #tpu.memory_space<vmem_shared>>) offsets(%dma_start3A_249 : memref<128xi32, #tpu.memory_space<vmem>>) semaphore(%arg21 : memref<!tpu.dma_semaphore, #tpu.memory_space<semaphore_mem>>) {add = true}
      %mul3A_252 = arith.constant 20 : i32
      %mul3A_253 = arith.muli %scan3A_99, %mul3A_252 : i32
      %add3A_254 = arith.constant 17 : i32
      %add3A_255 = arith.addi %mul3A_253, %add3A_254 : i32
      %dma_start3A_256 = arith.constant 0 : i32
      %dma_start3A_257 = tpu.memref_slice %arg8[%add3A_255, %dma_start3A_256] : memref<120x128xi32, #tpu.memory_space<vmem>> -> memref<1x128xi32, #tpu.memory_space<vmem>>
      %dma_start3A_258 = tpu.memref_squeeze %dma_start3A_257 : memref<1x128xi32, #tpu.memory_space<vmem>> -> memref<128xi32, #tpu.memory_space<vmem>>
      %dma_start3A_259 = arith.constant 0 : i32
      %dma_start3A_260 = tpu.memref_slice %arg18[%dma_start3A_259] : memref<10240xf32, #tpu.memory_space<vmem_shared>> -> memref<10240xf32, #tpu.memory_space<vmem_shared>>
      tpu.enqueue_indirect_dma source(%arg10 : memref<128xf32, #tpu.memory_space<vmem>>) target(%dma_start3A_260 : memref<10240xf32, #tpu.memory_space<vmem_shared>>) offsets(%dma_start3A_258 : memref<128xi32, #tpu.memory_space<vmem>>) semaphore(%arg21 : memref<!tpu.dma_semaphore, #tpu.memory_space<semaphore_mem>>) {add = true}
      %mul3A_261 = arith.constant 20 : i32
      %mul3A_262 = arith.muli %scan3A_99, %mul3A_261 : i32
      %add3A_263 = arith.constant 18 : i32
      %add3A_264 = arith.addi %mul3A_262, %add3A_263 : i32
      %dma_start3A_265 = arith.constant 0 : i32
      %dma_start3A_266 = tpu.memref_slice %arg8[%add3A_264, %dma_start3A_265] : memref<120x128xi32, #tpu.memory_space<vmem>> -> memref<1x128xi32, #tpu.memory_space<vmem>>
      %dma_start3A_267 = tpu.memref_squeeze %dma_start3A_266 : memref<1x128xi32, #tpu.memory_space<vmem>> -> memref<128xi32, #tpu.memory_space<vmem>>
      %dma_start3A_268 = arith.constant 0 : i32
      %dma_start3A_269 = tpu.memref_slice %arg18[%dma_start3A_268] : memref<10240xf32, #tpu.memory_space<vmem_shared>> -> memref<10240xf32, #tpu.memory_space<vmem_shared>>
      tpu.enqueue_indirect_dma source(%arg10 : memref<128xf32, #tpu.memory_space<vmem>>) target(%dma_start3A_269 : memref<10240xf32, #tpu.memory_space<vmem_shared>>) offsets(%dma_start3A_267 : memref<128xi32, #tpu.memory_space<vmem>>) semaphore(%arg21 : memref<!tpu.dma_semaphore, #tpu.memory_space<semaphore_mem>>) {add = true}
      %mul3A_270 = arith.constant 20 : i32
      %mul3A_271 = arith.muli %scan3A_99, %mul3A_270 : i32
      %add3A_272 = arith.constant 19 : i32
      %add3A_273 = arith.addi %mul3A_271, %add3A_272 : i32
      %dma_start3A_274 = arith.constant 0 : i32
      %dma_start3A_275 = tpu.memref_slice %arg8[%add3A_273, %dma_start3A_274] : memref<120x128xi32, #tpu.memory_space<vmem>> -> memref<1x128xi32, #tpu.memory_space<vmem>>
      %dma_start3A_276 = tpu.memref_squeeze %dma_start3A_275 : memref<1x128xi32, #tpu.memory_space<vmem>> -> memref<128xi32, #tpu.memory_space<vmem>>
      %dma_start3A_277 = arith.constant 0 : i32
      %dma_start3A_278 = tpu.memref_slice %arg18[%dma_start3A_277] : memref<10240xf32, #tpu.memory_space<vmem_shared>> -> memref<10240xf32, #tpu.memory_space<vmem_shared>>
      tpu.enqueue_indirect_dma source(%arg10 : memref<128xf32, #tpu.memory_space<vmem>>) target(%dma_start3A_278 : memref<10240xf32, #tpu.memory_space<vmem_shared>>) offsets(%dma_start3A_276 : memref<128xi32, #tpu.memory_space<vmem>>) semaphore(%arg21 : memref<!tpu.dma_semaphore, #tpu.memory_space<semaphore_mem>>) {add = true}
      %mul3A_279 = arith.constant 20 : i32
      %mul3A_280 = arith.muli %scan3A_99, %mul3A_279 : i32
      %add3A_281 = arith.constant 0 : i32
      %add3A_282 = arith.addi %mul3A_280, %add3A_281 : i32
      %dma_wait3A = arith.constant 0 : i32
      %dma_wait3A_283 = tpu.memref_slice %arg8[%add3A_282, %dma_wait3A] : memref<120x128xi32, #tpu.memory_space<vmem>> -> memref<1x128xi32, #tpu.memory_space<vmem>>
      %dma_wait3A_284 = tpu.memref_squeeze %dma_wait3A_283 : memref<1x128xi32, #tpu.memory_space<vmem>> -> memref<128xi32, #tpu.memory_space<vmem>>
      %dma_wait3A_285 = arith.constant 0 : i32
      %dma_wait3A_286 = tpu.memref_slice %arg18[%dma_wait3A_285] : memref<10240xf32, #tpu.memory_space<vmem_shared>> -> memref<10240xf32, #tpu.memory_space<vmem_shared>>
      tpu.wait_indirect_dma semaphore(%arg21 : memref<!tpu.dma_semaphore, #tpu.memory_space<semaphore_mem>>) src(%arg10 : memref<128xf32, #tpu.memory_space<vmem>>) dst(%dma_wait3A_286 : memref<10240xf32, #tpu.memory_space<vmem_shared>>)
      %mul3A_287 = arith.constant 20 : i32
      %mul3A_288 = arith.muli %scan3A_99, %mul3A_287 : i32
      %add3A_289 = arith.constant 1 : i32
      %add3A_290 = arith.addi %mul3A_288, %add3A_289 : i32
      %dma_wait3A_291 = arith.constant 0 : i32
      %dma_wait3A_292 = tpu.memref_slice %arg8[%add3A_290, %dma_wait3A_291] : memref<120x128xi32, #tpu.memory_space<vmem>> -> memref<1x128xi32, #tpu.memory_space<vmem>>
      %dma_wait3A_293 = tpu.memref_squeeze %dma_wait3A_292 : memref<1x128xi32, #tpu.memory_space<vmem>> -> memref<128xi32, #tpu.memory_space<vmem>>
      %dma_wait3A_294 = arith.constant 0 : i32
      %dma_wait3A_295 = tpu.memref_slice %arg18[%dma_wait3A_294] : memref<10240xf32, #tpu.memory_space<vmem_shared>> -> memref<10240xf32, #tpu.memory_space<vmem_shared>>
      tpu.wait_indirect_dma semaphore(%arg21 : memref<!tpu.dma_semaphore, #tpu.memory_space<semaphore_mem>>) src(%arg10 : memref<128xf32, #tpu.memory_space<vmem>>) dst(%dma_wait3A_295 : memref<10240xf32, #tpu.memory_space<vmem_shared>>)
      %mul3A_296 = arith.constant 20 : i32
      %mul3A_297 = arith.muli %scan3A_99, %mul3A_296 : i32
      %add3A_298 = arith.constant 2 : i32
      %add3A_299 = arith.addi %mul3A_297, %add3A_298 : i32
      %dma_wait3A_300 = arith.constant 0 : i32
      %dma_wait3A_301 = tpu.memref_slice %arg8[%add3A_299, %dma_wait3A_300] : memref<120x128xi32, #tpu.memory_space<vmem>> -> memref<1x128xi32, #tpu.memory_space<vmem>>
      %dma_wait3A_302 = tpu.memref_squeeze %dma_wait3A_301 : memref<1x128xi32, #tpu.memory_space<vmem>> -> memref<128xi32, #tpu.memory_space<vmem>>
      %dma_wait3A_303 = arith.constant 0 : i32
      %dma_wait3A_304 = tpu.memref_slice %arg18[%dma_wait3A_303] : memref<10240xf32, #tpu.memory_space<vmem_shared>> -> memref<10240xf32, #tpu.memory_space<vmem_shared>>
      tpu.wait_indirect_dma semaphore(%arg21 : memref<!tpu.dma_semaphore, #tpu.memory_space<semaphore_mem>>) src(%arg10 : memref<128xf32, #tpu.memory_space<vmem>>) dst(%dma_wait3A_304 : memref<10240xf32, #tpu.memory_space<vmem_shared>>)
      %mul3A_305 = arith.constant 20 : i32
      %mul3A_306 = arith.muli %scan3A_99, %mul3A_305 : i32
      %add3A_307 = arith.constant 3 : i32
      %add3A_308 = arith.addi %mul3A_306, %add3A_307 : i32
      %dma_wait3A_309 = arith.constant 0 : i32
      %dma_wait3A_310 = tpu.memref_slice %arg8[%add3A_308, %dma_wait3A_309] : memref<120x128xi32, #tpu.memory_space<vmem>> -> memref<1x128xi32, #tpu.memory_space<vmem>>
      %dma_wait3A_311 = tpu.memref_squeeze %dma_wait3A_310 : memref<1x128xi32, #tpu.memory_space<vmem>> -> memref<128xi32, #tpu.memory_space<vmem>>
      %dma_wait3A_312 = arith.constant 0 : i32
      %dma_wait3A_313 = tpu.memref_slice %arg18[%dma_wait3A_312] : memref<10240xf32, #tpu.memory_space<vmem_shared>> -> memref<10240xf32, #tpu.memory_space<vmem_shared>>
      tpu.wait_indirect_dma semaphore(%arg21 : memref<!tpu.dma_semaphore, #tpu.memory_space<semaphore_mem>>) src(%arg10 : memref<128xf32, #tpu.memory_space<vmem>>) dst(%dma_wait3A_313 : memref<10240xf32, #tpu.memory_space<vmem_shared>>)
      %mul3A_314 = arith.constant 20 : i32
      %mul3A_315 = arith.muli %scan3A_99, %mul3A_314 : i32
      %add3A_316 = arith.constant 4 : i32
      %add3A_317 = arith.addi %mul3A_315, %add3A_316 : i32
      %dma_wait3A_318 = arith.constant 0 : i32
      %dma_wait3A_319 = tpu.memref_slice %arg8[%add3A_317, %dma_wait3A_318] : memref<120x128xi32, #tpu.memory_space<vmem>> -> memref<1x128xi32, #tpu.memory_space<vmem>>
      %dma_wait3A_320 = tpu.memref_squeeze %dma_wait3A_319 : memref<1x128xi32, #tpu.memory_space<vmem>> -> memref<128xi32, #tpu.memory_space<vmem>>
      %dma_wait3A_321 = arith.constant 0 : i32
      %dma_wait3A_322 = tpu.memref_slice %arg18[%dma_wait3A_321] : memref<10240xf32, #tpu.memory_space<vmem_shared>> -> memref<10240xf32, #tpu.memory_space<vmem_shared>>
      tpu.wait_indirect_dma semaphore(%arg21 : memref<!tpu.dma_semaphore, #tpu.memory_space<semaphore_mem>>) src(%arg10 : memref<128xf32, #tpu.memory_space<vmem>>) dst(%dma_wait3A_322 : memref<10240xf32, #tpu.memory_space<vmem_shared>>)
      %mul3A_323 = arith.constant 20 : i32
      %mul3A_324 = arith.muli %scan3A_99, %mul3A_323 : i32
      %add3A_325 = arith.constant 5 : i32
      %add3A_326 = arith.addi %mul3A_324, %add3A_325 : i32
      %dma_wait3A_327 = arith.constant 0 : i32
      %dma_wait3A_328 = tpu.memref_slice %arg8[%add3A_326, %dma_wait3A_327] : memref<120x128xi32, #tpu.memory_space<vmem>> -> memref<1x128xi32, #tpu.memory_space<vmem>>
      %dma_wait3A_329 = tpu.memref_squeeze %dma_wait3A_328 : memref<1x128xi32, #tpu.memory_space<vmem>> -> memref<128xi32, #tpu.memory_space<vmem>>
      %dma_wait3A_330 = arith.constant 0 : i32
      %dma_wait3A_331 = tpu.memref_slice %arg18[%dma_wait3A_330] : memref<10240xf32, #tpu.memory_space<vmem_shared>> -> memref<10240xf32, #tpu.memory_space<vmem_shared>>
      tpu.wait_indirect_dma semaphore(%arg21 : memref<!tpu.dma_semaphore, #tpu.memory_space<semaphore_mem>>) src(%arg10 : memref<128xf32, #tpu.memory_space<vmem>>) dst(%dma_wait3A_331 : memref<10240xf32, #tpu.memory_space<vmem_shared>>)
      %mul3A_332 = arith.constant 20 : i32
      %mul3A_333 = arith.muli %scan3A_99, %mul3A_332 : i32
      %add3A_334 = arith.constant 6 : i32
      %add3A_335 = arith.addi %mul3A_333, %add3A_334 : i32
      %dma_wait3A_336 = arith.constant 0 : i32
      %dma_wait3A_337 = tpu.memref_slice %arg8[%add3A_335, %dma_wait3A_336] : memref<120x128xi32, #tpu.memory_space<vmem>> -> memref<1x128xi32, #tpu.memory_space<vmem>>
      %dma_wait3A_338 = tpu.memref_squeeze %dma_wait3A_337 : memref<1x128xi32, #tpu.memory_space<vmem>> -> memref<128xi32, #tpu.memory_space<vmem>>
      %dma_wait3A_339 = arith.constant 0 : i32
      %dma_wait3A_340 = tpu.memref_slice %arg18[%dma_wait3A_339] : memref<10240xf32, #tpu.memory_space<vmem_shared>> -> memref<10240xf32, #tpu.memory_space<vmem_shared>>
      tpu.wait_indirect_dma semaphore(%arg21 : memref<!tpu.dma_semaphore, #tpu.memory_space<semaphore_mem>>) src(%arg10 : memref<128xf32, #tpu.memory_space<vmem>>) dst(%dma_wait3A_340 : memref<10240xf32, #tpu.memory_space<vmem_shared>>)
      %mul3A_341 = arith.constant 20 : i32
      %mul3A_342 = arith.muli %scan3A_99, %mul3A_341 : i32
      %add3A_343 = arith.constant 7 : i32
      %add3A_344 = arith.addi %mul3A_342, %add3A_343 : i32
      %dma_wait3A_345 = arith.constant 0 : i32
      %dma_wait3A_346 = tpu.memref_slice %arg8[%add3A_344, %dma_wait3A_345] : memref<120x128xi32, #tpu.memory_space<vmem>> -> memref<1x128xi32, #tpu.memory_space<vmem>>
      %dma_wait3A_347 = tpu.memref_squeeze %dma_wait3A_346 : memref<1x128xi32, #tpu.memory_space<vmem>> -> memref<128xi32, #tpu.memory_space<vmem>>
      %dma_wait3A_348 = arith.constant 0 : i32
      %dma_wait3A_349 = tpu.memref_slice %arg18[%dma_wait3A_348] : memref<10240xf32, #tpu.memory_space<vmem_shared>> -> memref<10240xf32, #tpu.memory_space<vmem_shared>>
      tpu.wait_indirect_dma semaphore(%arg21 : memref<!tpu.dma_semaphore, #tpu.memory_space<semaphore_mem>>) src(%arg10 : memref<128xf32, #tpu.memory_space<vmem>>) dst(%dma_wait3A_349 : memref<10240xf32, #tpu.memory_space<vmem_shared>>)
      %mul3A_350 = arith.constant 20 : i32
      %mul3A_351 = arith.muli %scan3A_99, %mul3A_350 : i32
      %add3A_352 = arith.constant 8 : i32
      %add3A_353 = arith.addi %mul3A_351, %add3A_352 : i32
      %dma_wait3A_354 = arith.constant 0 : i32
      %dma_wait3A_355 = tpu.memref_slice %arg8[%add3A_353, %dma_wait3A_354] : memref<120x128xi32, #tpu.memory_space<vmem>> -> memref<1x128xi32, #tpu.memory_space<vmem>>
      %dma_wait3A_356 = tpu.memref_squeeze %dma_wait3A_355 : memref<1x128xi32, #tpu.memory_space<vmem>> -> memref<128xi32, #tpu.memory_space<vmem>>
      %dma_wait3A_357 = arith.constant 0 : i32
      %dma_wait3A_358 = tpu.memref_slice %arg18[%dma_wait3A_357] : memref<10240xf32, #tpu.memory_space<vmem_shared>> -> memref<10240xf32, #tpu.memory_space<vmem_shared>>
      tpu.wait_indirect_dma semaphore(%arg21 : memref<!tpu.dma_semaphore, #tpu.memory_space<semaphore_mem>>) src(%arg10 : memref<128xf32, #tpu.memory_space<vmem>>) dst(%dma_wait3A_358 : memref<10240xf32, #tpu.memory_space<vmem_shared>>)
      %mul3A_359 = arith.constant 20 : i32
      %mul3A_360 = arith.muli %scan3A_99, %mul3A_359 : i32
      %add3A_361 = arith.constant 9 : i32
      %add3A_362 = arith.addi %mul3A_360, %add3A_361 : i32
      %dma_wait3A_363 = arith.constant 0 : i32
      %dma_wait3A_364 = tpu.memref_slice %arg8[%add3A_362, %dma_wait3A_363] : memref<120x128xi32, #tpu.memory_space<vmem>> -> memref<1x128xi32, #tpu.memory_space<vmem>>
      %dma_wait3A_365 = tpu.memref_squeeze %dma_wait3A_364 : memref<1x128xi32, #tpu.memory_space<vmem>> -> memref<128xi32, #tpu.memory_space<vmem>>
      %dma_wait3A_366 = arith.constant 0 : i32
      %dma_wait3A_367 = tpu.memref_slice %arg18[%dma_wait3A_366] : memref<10240xf32, #tpu.memory_space<vmem_shared>> -> memref<10240xf32, #tpu.memory_space<vmem_shared>>
      tpu.wait_indirect_dma semaphore(%arg21 : memref<!tpu.dma_semaphore, #tpu.memory_space<semaphore_mem>>) src(%arg10 : memref<128xf32, #tpu.memory_space<vmem>>) dst(%dma_wait3A_367 : memref<10240xf32, #tpu.memory_space<vmem_shared>>)
      %mul3A_368 = arith.constant 20 : i32
      %mul3A_369 = arith.muli %scan3A_99, %mul3A_368 : i32
      %add3A_370 = arith.constant 10 : i32
      %add3A_371 = arith.addi %mul3A_369, %add3A_370 : i32
      %dma_wait3A_372 = arith.constant 0 : i32
      %dma_wait3A_373 = tpu.memref_slice %arg8[%add3A_371, %dma_wait3A_372] : memref<120x128xi32, #tpu.memory_space<vmem>> -> memref<1x128xi32, #tpu.memory_space<vmem>>
      %dma_wait3A_374 = tpu.memref_squeeze %dma_wait3A_373 : memref<1x128xi32, #tpu.memory_space<vmem>> -> memref<128xi32, #tpu.memory_space<vmem>>
      %dma_wait3A_375 = arith.constant 0 : i32
      %dma_wait3A_376 = tpu.memref_slice %arg18[%dma_wait3A_375] : memref<10240xf32, #tpu.memory_space<vmem_shared>> -> memref<10240xf32, #tpu.memory_space<vmem_shared>>
      tpu.wait_indirect_dma semaphore(%arg21 : memref<!tpu.dma_semaphore, #tpu.memory_space<semaphore_mem>>) src(%arg10 : memref<128xf32, #tpu.memory_space<vmem>>) dst(%dma_wait3A_376 : memref<10240xf32, #tpu.memory_space<vmem_shared>>)
      %mul3A_377 = arith.constant 20 : i32
      %mul3A_378 = arith.muli %scan3A_99, %mul3A_377 : i32
      %add3A_379 = arith.constant 11 : i32
      %add3A_380 = arith.addi %mul3A_378, %add3A_379 : i32
      %dma_wait3A_381 = arith.constant 0 : i32
      %dma_wait3A_382 = tpu.memref_slice %arg8[%add3A_380, %dma_wait3A_381] : memref<120x128xi32, #tpu.memory_space<vmem>> -> memref<1x128xi32, #tpu.memory_space<vmem>>
      %dma_wait3A_383 = tpu.memref_squeeze %dma_wait3A_382 : memref<1x128xi32, #tpu.memory_space<vmem>> -> memref<128xi32, #tpu.memory_space<vmem>>
      %dma_wait3A_384 = arith.constant 0 : i32
      %dma_wait3A_385 = tpu.memref_slice %arg18[%dma_wait3A_384] : memref<10240xf32, #tpu.memory_space<vmem_shared>> -> memref<10240xf32, #tpu.memory_space<vmem_shared>>
      tpu.wait_indirect_dma semaphore(%arg21 : memref<!tpu.dma_semaphore, #tpu.memory_space<semaphore_mem>>) src(%arg10 : memref<128xf32, #tpu.memory_space<vmem>>) dst(%dma_wait3A_385 : memref<10240xf32, #tpu.memory_space<vmem_shared>>)
      %mul3A_386 = arith.constant 20 : i32
      %mul3A_387 = arith.muli %scan3A_99, %mul3A_386 : i32
      %add3A_388 = arith.constant 12 : i32
      %add3A_389 = arith.addi %mul3A_387, %add3A_388 : i32
      %dma_wait3A_390 = arith.constant 0 : i32
      %dma_wait3A_391 = tpu.memref_slice %arg8[%add3A_389, %dma_wait3A_390] : memref<120x128xi32, #tpu.memory_space<vmem>> -> memref<1x128xi32, #tpu.memory_space<vmem>>
      %dma_wait3A_392 = tpu.memref_squeeze %dma_wait3A_391 : memref<1x128xi32, #tpu.memory_space<vmem>> -> memref<128xi32, #tpu.memory_space<vmem>>
      %dma_wait3A_393 = arith.constant 0 : i32
      %dma_wait3A_394 = tpu.memref_slice %arg18[%dma_wait3A_393] : memref<10240xf32, #tpu.memory_space<vmem_shared>> -> memref<10240xf32, #tpu.memory_space<vmem_shared>>
      tpu.wait_indirect_dma semaphore(%arg21 : memref<!tpu.dma_semaphore, #tpu.memory_space<semaphore_mem>>) src(%arg10 : memref<128xf32, #tpu.memory_space<vmem>>) dst(%dma_wait3A_394 : memref<10240xf32, #tpu.memory_space<vmem_shared>>)
      %mul3A_395 = arith.constant 20 : i32
      %mul3A_396 = arith.muli %scan3A_99, %mul3A_395 : i32
      %add3A_397 = arith.constant 13 : i32
      %add3A_398 = arith.addi %mul3A_396, %add3A_397 : i32
      %dma_wait3A_399 = arith.constant 0 : i32
      %dma_wait3A_400 = tpu.memref_slice %arg8[%add3A_398, %dma_wait3A_399] : memref<120x128xi32, #tpu.memory_space<vmem>> -> memref<1x128xi32, #tpu.memory_space<vmem>>
      %dma_wait3A_401 = tpu.memref_squeeze %dma_wait3A_400 : memref<1x128xi32, #tpu.memory_space<vmem>> -> memref<128xi32, #tpu.memory_space<vmem>>
      %dma_wait3A_402 = arith.constant 0 : i32
      %dma_wait3A_403 = tpu.memref_slice %arg18[%dma_wait3A_402] : memref<10240xf32, #tpu.memory_space<vmem_shared>> -> memref<10240xf32, #tpu.memory_space<vmem_shared>>
      tpu.wait_indirect_dma semaphore(%arg21 : memref<!tpu.dma_semaphore, #tpu.memory_space<semaphore_mem>>) src(%arg10 : memref<128xf32, #tpu.memory_space<vmem>>) dst(%dma_wait3A_403 : memref<10240xf32, #tpu.memory_space<vmem_shared>>)
      %mul3A_404 = arith.constant 20 : i32
      %mul3A_405 = arith.muli %scan3A_99, %mul3A_404 : i32
      %add3A_406 = arith.constant 14 : i32
      %add3A_407 = arith.addi %mul3A_405, %add3A_406 : i32
      %dma_wait3A_408 = arith.constant 0 : i32
      %dma_wait3A_409 = tpu.memref_slice %arg8[%add3A_407, %dma_wait3A_408] : memref<120x128xi32, #tpu.memory_space<vmem>> -> memref<1x128xi32, #tpu.memory_space<vmem>>
      %dma_wait3A_410 = tpu.memref_squeeze %dma_wait3A_409 : memref<1x128xi32, #tpu.memory_space<vmem>> -> memref<128xi32, #tpu.memory_space<vmem>>
      %dma_wait3A_411 = arith.constant 0 : i32
      %dma_wait3A_412 = tpu.memref_slice %arg18[%dma_wait3A_411] : memref<10240xf32, #tpu.memory_space<vmem_shared>> -> memref<10240xf32, #tpu.memory_space<vmem_shared>>
      tpu.wait_indirect_dma semaphore(%arg21 : memref<!tpu.dma_semaphore, #tpu.memory_space<semaphore_mem>>) src(%arg10 : memref<128xf32, #tpu.memory_space<vmem>>) dst(%dma_wait3A_412 : memref<10240xf32, #tpu.memory_space<vmem_shared>>)
      %mul3A_413 = arith.constant 20 : i32
      %mul3A_414 = arith.muli %scan3A_99, %mul3A_413 : i32
      %add3A_415 = arith.constant 15 : i32
      %add3A_416 = arith.addi %mul3A_414, %add3A_415 : i32
      %dma_wait3A_417 = arith.constant 0 : i32
      %dma_wait3A_418 = tpu.memref_slice %arg8[%add3A_416, %dma_wait3A_417] : memref<120x128xi32, #tpu.memory_space<vmem>> -> memref<1x128xi32, #tpu.memory_space<vmem>>
      %dma_wait3A_419 = tpu.memref_squeeze %dma_wait3A_418 : memref<1x128xi32, #tpu.memory_space<vmem>> -> memref<128xi32, #tpu.memory_space<vmem>>
      %dma_wait3A_420 = arith.constant 0 : i32
      %dma_wait3A_421 = tpu.memref_slice %arg18[%dma_wait3A_420] : memref<10240xf32, #tpu.memory_space<vmem_shared>> -> memref<10240xf32, #tpu.memory_space<vmem_shared>>
      tpu.wait_indirect_dma semaphore(%arg21 : memref<!tpu.dma_semaphore, #tpu.memory_space<semaphore_mem>>) src(%arg10 : memref<128xf32, #tpu.memory_space<vmem>>) dst(%dma_wait3A_421 : memref<10240xf32, #tpu.memory_space<vmem_shared>>)
      %mul3A_422 = arith.constant 20 : i32
      %mul3A_423 = arith.muli %scan3A_99, %mul3A_422 : i32
      %add3A_424 = arith.constant 16 : i32
      %add3A_425 = arith.addi %mul3A_423, %add3A_424 : i32
      %dma_wait3A_426 = arith.constant 0 : i32
      %dma_wait3A_427 = tpu.memref_slice %arg8[%add3A_425, %dma_wait3A_426] : memref<120x128xi32, #tpu.memory_space<vmem>> -> memref<1x128xi32, #tpu.memory_space<vmem>>
      %dma_wait3A_428 = tpu.memref_squeeze %dma_wait3A_427 : memref<1x128xi32, #tpu.memory_space<vmem>> -> memref<128xi32, #tpu.memory_space<vmem>>
      %dma_wait3A_429 = arith.constant 0 : i32
      %dma_wait3A_430 = tpu.memref_slice %arg18[%dma_wait3A_429] : memref<10240xf32, #tpu.memory_space<vmem_shared>> -> memref<10240xf32, #tpu.memory_space<vmem_shared>>
      tpu.wait_indirect_dma semaphore(%arg21 : memref<!tpu.dma_semaphore, #tpu.memory_space<semaphore_mem>>) src(%arg10 : memref<128xf32, #tpu.memory_space<vmem>>) dst(%dma_wait3A_430 : memref<10240xf32, #tpu.memory_space<vmem_shared>>)
      %mul3A_431 = arith.constant 20 : i32
      %mul3A_432 = arith.muli %scan3A_99, %mul3A_431 : i32
      %add3A_433 = arith.constant 17 : i32
      %add3A_434 = arith.addi %mul3A_432, %add3A_433 : i32
      %dma_wait3A_435 = arith.constant 0 : i32
      %dma_wait3A_436 = tpu.memref_slice %arg8[%add3A_434, %dma_wait3A_435] : memref<120x128xi32, #tpu.memory_space<vmem>> -> memref<1x128xi32, #tpu.memory_space<vmem>>
      %dma_wait3A_437 = tpu.memref_squeeze %dma_wait3A_436 : memref<1x128xi32, #tpu.memory_space<vmem>> -> memref<128xi32, #tpu.memory_space<vmem>>
      %dma_wait3A_438 = arith.constant 0 : i32
      %dma_wait3A_439 = tpu.memref_slice %arg18[%dma_wait3A_438] : memref<10240xf32, #tpu.memory_space<vmem_shared>> -> memref<10240xf32, #tpu.memory_space<vmem_shared>>
      tpu.wait_indirect_dma semaphore(%arg21 : memref<!tpu.dma_semaphore, #tpu.memory_space<semaphore_mem>>) src(%arg10 : memref<128xf32, #tpu.memory_space<vmem>>) dst(%dma_wait3A_439 : memref<10240xf32, #tpu.memory_space<vmem_shared>>)
      %mul3A_440 = arith.constant 20 : i32
      %mul3A_441 = arith.muli %scan3A_99, %mul3A_440 : i32
      %add3A_442 = arith.constant 18 : i32
      %add3A_443 = arith.addi %mul3A_441, %add3A_442 : i32
      %dma_wait3A_444 = arith.constant 0 : i32
      %dma_wait3A_445 = tpu.memref_slice %arg8[%add3A_443, %dma_wait3A_444] : memref<120x128xi32, #tpu.memory_space<vmem>> -> memref<1x128xi32, #tpu.memory_space<vmem>>
      %dma_wait3A_446 = tpu.memref_squeeze %dma_wait3A_445 : memref<1x128xi32, #tpu.memory_space<vmem>> -> memref<128xi32, #tpu.memory_space<vmem>>
      %dma_wait3A_447 = arith.constant 0 : i32
      %dma_wait3A_448 = tpu.memref_slice %arg18[%dma_wait3A_447] : memref<10240xf32, #tpu.memory_space<vmem_shared>> -> memref<10240xf32, #tpu.memory_space<vmem_shared>>
      tpu.wait_indirect_dma semaphore(%arg21 : memref<!tpu.dma_semaphore, #tpu.memory_space<semaphore_mem>>) src(%arg10 : memref<128xf32, #tpu.memory_space<vmem>>) dst(%dma_wait3A_448 : memref<10240xf32, #tpu.memory_space<vmem_shared>>)
      %mul3A_449 = arith.constant 20 : i32
      %mul3A_450 = arith.muli %scan3A_99, %mul3A_449 : i32
      %add3A_451 = arith.constant 19 : i32
      %add3A_452 = arith.addi %mul3A_450, %add3A_451 : i32
      %dma_wait3A_453 = arith.constant 0 : i32
      %dma_wait3A_454 = tpu.memref_slice %arg8[%add3A_452, %dma_wait3A_453] : memref<120x128xi32, #tpu.memory_space<vmem>> -> memref<1x128xi32, #tpu.memory_space<vmem>>
      %dma_wait3A_455 = tpu.memref_squeeze %dma_wait3A_454 : memref<1x128xi32, #tpu.memory_space<vmem>> -> memref<128xi32, #tpu.memory_space<vmem>>
      %dma_wait3A_456 = arith.constant 0 : i32
      %dma_wait3A_457 = tpu.memref_slice %arg18[%dma_wait3A_456] : memref<10240xf32, #tpu.memory_space<vmem_shared>> -> memref<10240xf32, #tpu.memory_space<vmem_shared>>
      tpu.wait_indirect_dma semaphore(%arg21 : memref<!tpu.dma_semaphore, #tpu.memory_space<semaphore_mem>>) src(%arg10 : memref<128xf32, #tpu.memory_space<vmem>>) dst(%dma_wait3A_457 : memref<10240xf32, #tpu.memory_space<vmem_shared>>)
    }
    %scan3A_70 = arith.constant 4 : i32
    %barrier3A_71 = arith.constant 0 : index
    tpu.barrier barrier_id(%barrier3A_71)
    "tpu.region"() ({
      %run_scoped3A_99 = tpu.sem_alloc : memref<!tpu.dma_semaphore, #tpu.memory_space<semaphore_mem>>
      %dma_start3A = tpu.memref_slice %arg18[%mul3A_0] : memref<10240xf32, #tpu.memory_space<vmem_shared>> -> memref<640xf32, #tpu.memory_space<vmem_shared>>
      %dma_start3A_100 = tpu.memref_slice %arg18[%mul3A_0] : memref<10240xf32, #tpu.memory_space<vmem_shared>> -> memref<640xf32, #tpu.memory_space<vmem_shared>>
      tpu.enqueue_dma source(%dma_start3A_100 : memref<640xf32, #tpu.memory_space<vmem_shared>>) target(%arg12 : memref<640xf32, #tpu.memory_space<vmem>>) target_semaphore(%run_scoped3A_99 : memref<!tpu.dma_semaphore, #tpu.memory_space<semaphore_mem>>)
      %dma_wait3A = tpu.memref_slice %arg18[%mul3A_0] : memref<10240xf32, #tpu.memory_space<vmem_shared>> -> memref<640xf32, #tpu.memory_space<vmem_shared>>
      %dma_wait3A_101 = tpu.memref_slice %arg18[%mul3A_0] : memref<10240xf32, #tpu.memory_space<vmem_shared>> -> memref<640xf32, #tpu.memory_space<vmem_shared>>
      tpu.wait_dma2 semaphore(%run_scoped3A_99 : memref<!tpu.dma_semaphore, #tpu.memory_space<semaphore_mem>>) src(%dma_wait3A_101 : memref<640xf32, #tpu.memory_space<vmem_shared>>) dst(%arg12 : memref<640xf32, #tpu.memory_space<vmem>>)
      tpu.yield
    }) : () -> ()
    "tpu.region"() ({
      %run_scoped3A_99 = tpu.sem_alloc : memref<!tpu.dma_semaphore, #tpu.memory_space<semaphore_mem>>
      %dma_start3A = tpu.memref_slice %arg3[%mul3A_0] : memref<10240xf32, #tpu.memory_space<hbm>> -> memref<640xf32, #tpu.memory_space<hbm>>
      %dma_start3A_100 = tpu.memref_slice %arg3[%mul3A_0] : memref<10240xf32, #tpu.memory_space<hbm>> -> memref<640xf32, #tpu.memory_space<hbm>>
      tpu.enqueue_dma source(%dma_start3A_100 : memref<640xf32, #tpu.memory_space<hbm>>) target(%arg13 : memref<640xf32, #tpu.memory_space<vmem>>) target_semaphore(%run_scoped3A_99 : memref<!tpu.dma_semaphore, #tpu.memory_space<semaphore_mem>>)
      %dma_wait3A = tpu.memref_slice %arg3[%mul3A_0] : memref<10240xf32, #tpu.memory_space<hbm>> -> memref<640xf32, #tpu.memory_space<hbm>>
      %dma_wait3A_101 = tpu.memref_slice %arg3[%mul3A_0] : memref<10240xf32, #tpu.memory_space<hbm>> -> memref<640xf32, #tpu.memory_space<hbm>>
      tpu.wait_dma2 semaphore(%run_scoped3A_99 : memref<!tpu.dma_semaphore, #tpu.memory_space<semaphore_mem>>) src(%dma_wait3A_101 : memref<640xf32, #tpu.memory_space<hbm>>) dst(%arg13 : memref<640xf32, #tpu.memory_space<vmem>>)
      tpu.yield
    }) : () -> ()
    %get3A = arith.constant 0 : index
    %get3A_72 = tpu.vector_load %arg11[%get3A] {strides = array<i32>} : memref<32xf32, #tpu.memory_space<vmem>>, vector<16xf32>,
    %get3A_73 = vector.shape_cast %get3A_72 : vector<16xf32> to vector<16xf32>
    %scan3A_74 = arith.constant 0 : i32
    %scan3A_75 = arith.constant 40 : i32
    %scan3A_76 = arith.addi %scan3A_74, %scan3A_75 : i32
    %scan3A_77 = arith.constant 1 : i32
    scf.for %scan3A_99 = %scan3A_74 to %scan3A_76 step %scan3A_77  : i32 {
      %mul3A_100 = arith.constant 16 : i32
      %mul3A_101 = arith.muli %scan3A_99, %mul3A_100 : i32
      %get3A_102 = arith.index_cast %mul3A_101 : i32 to index
      %get3A_103 = tpu.vector_load %arg12[%get3A_102] {strides = array<i32>} : memref<640xf32, #tpu.memory_space<vmem>>, vector<16xf32>,
      %get3A_104 = vector.shape_cast %get3A_103 : vector<16xf32> to vector<16xf32>
      %mul3A_105 = arith.constant 16 : i32
      %mul3A_106 = arith.muli %scan3A_99, %mul3A_105 : i32
      %get3A_107 = arith.index_cast %mul3A_106 : i32 to index
      %get3A_108 = tpu.vector_load %arg13[%get3A_107] {strides = array<i32>} : memref<640xf32, #tpu.memory_space<vmem>>, vector<16xf32>,
      %get3A_109 = vector.shape_cast %get3A_108 : vector<16xf32> to vector<16xf32>
      %mul3A_110 = arith.constant 1.280000e+02 : f32
      %mul3A_111 = vector.broadcast %mul3A_110 : f32 to vector<16xf32>
      %mul3A_112 = arith.mulf %get3A_104, %mul3A_111 : vector<16xf32>
      %add3A_113 = arith.constant 1.000000e+00 : f32
      %add3A_114 = vector.broadcast %add3A_113 : f32 to vector<16xf32>
      %add3A_115 = arith.addf %mul3A_112, %add3A_114 : vector<16xf32>
      %div3A = arith.constant 1.000000e+00 : f32
      %div3A_116 = vector.broadcast %div3A : f32 to vector<16xf32>
      %div3A_117 = arith.divf %div3A_116, %add3A_115 : vector<16xf32>
      %mul3A_118 = arith.constant 5.000000e-01 : f32
      %mul3A_119 = vector.broadcast %mul3A_118 : f32 to vector<16xf32>
      %mul3A_120 = arith.mulf %mul3A_119, %add3A_115 : vector<16xf32>
      %mul3A_121 = arith.mulf %mul3A_120, %div3A_117 : vector<16xf32>
      %mul3A_122 = arith.mulf %mul3A_121, %div3A_117 : vector<16xf32>
      %sub3A = arith.constant 1.500000e+00 : f32
      %sub3A_123 = vector.broadcast %sub3A : f32 to vector<16xf32>
      %sub3A_124 = arith.subf %sub3A_123, %mul3A_122 : vector<16xf32>
      %mul3A_125 = arith.mulf %div3A_117, %sub3A_124 : vector<16xf32>
      %mul3A_126 = arith.constant 5.000000e-01 : f32
      %mul3A_127 = vector.broadcast %mul3A_126 : f32 to vector<16xf32>
      %mul3A_128 = arith.mulf %mul3A_127, %add3A_115 : vector<16xf32>
      %mul3A_129 = arith.mulf %mul3A_128, %mul3A_125 : vector<16xf32>
      %mul3A_130 = arith.mulf %mul3A_129, %mul3A_125 : vector<16xf32>
      %sub3A_131 = arith.constant 1.500000e+00 : f32
      %sub3A_132 = vector.broadcast %sub3A_131 : f32 to vector<16xf32>
      %sub3A_133 = arith.subf %sub3A_132, %mul3A_130 : vector<16xf32>
      %mul3A_134 = arith.mulf %mul3A_125, %sub3A_133 : vector<16xf32>
      %mul3A_135 = arith.constant 5.000000e-01 : f32
      %mul3A_136 = vector.broadcast %mul3A_135 : f32 to vector<16xf32>
      %mul3A_137 = arith.mulf %mul3A_136, %add3A_115 : vector<16xf32>
      %mul3A_138 = arith.mulf %mul3A_137, %mul3A_134 : vector<16xf32>
      %mul3A_139 = arith.mulf %mul3A_138, %mul3A_134 : vector<16xf32>
      %sub3A_140 = arith.constant 1.500000e+00 : f32
      %sub3A_141 = vector.broadcast %sub3A_140 : f32 to vector<16xf32>
      %sub3A_142 = arith.subf %sub3A_141, %mul3A_139 : vector<16xf32>
      %mul3A_143 = arith.mulf %mul3A_134, %sub3A_142 : vector<16xf32>
      %mul3A_144 = arith.constant 5.000000e-01 : f32
      %mul3A_145 = vector.broadcast %mul3A_144 : f32 to vector<16xf32>
      %mul3A_146 = arith.mulf %mul3A_145, %add3A_115 : vector<16xf32>
      %mul3A_147 = arith.mulf %mul3A_146, %mul3A_143 : vector<16xf32>
      %mul3A_148 = arith.mulf %mul3A_147, %mul3A_143 : vector<16xf32>
      %sub3A_149 = arith.constant 1.500000e+00 : f32
      %sub3A_150 = vector.broadcast %sub3A_149 : f32 to vector<16xf32>
      %sub3A_151 = arith.subf %sub3A_150, %mul3A_148 : vector<16xf32>
      %mul3A_152 = arith.mulf %mul3A_143, %sub3A_151 : vector<16xf32>
      %mul3A_153 = arith.constant 5.000000e-01 : f32
      %mul3A_154 = vector.broadcast %mul3A_153 : f32 to vector<16xf32>
      %mul3A_155 = arith.mulf %mul3A_154, %add3A_115 : vector<16xf32>
      %mul3A_156 = arith.mulf %mul3A_155, %mul3A_152 : vector<16xf32>
      %mul3A_157 = arith.mulf %mul3A_156, %mul3A_152 : vector<16xf32>
      %sub3A_158 = arith.constant 1.500000e+00 : f32
      %sub3A_159 = vector.broadcast %sub3A_158 : f32 to vector<16xf32>
      %sub3A_160 = arith.subf %sub3A_159, %mul3A_157 : vector<16xf32>
      %mul3A_161 = arith.mulf %mul3A_152, %sub3A_160 : vector<16xf32>
      %mul3A_162 = arith.constant 5.000000e-01 : f32
      %mul3A_163 = vector.broadcast %mul3A_162 : f32 to vector<16xf32>
      %mul3A_164 = arith.mulf %mul3A_163, %add3A_115 : vector<16xf32>
      %mul3A_165 = arith.mulf %mul3A_164, %mul3A_161 : vector<16xf32>
      %mul3A_166 = arith.mulf %mul3A_165, %mul3A_161 : vector<16xf32>
      %sub3A_167 = arith.constant 1.500000e+00 : f32
      %sub3A_168 = vector.broadcast %sub3A_167 : f32 to vector<16xf32>
      %sub3A_169 = arith.subf %sub3A_168, %mul3A_166 : vector<16xf32>
      %mul3A_170 = arith.mulf %mul3A_161, %sub3A_169 : vector<16xf32>
      %mul3A_171 = arith.constant 5.000000e-01 : f32
      %mul3A_172 = vector.broadcast %mul3A_171 : f32 to vector<16xf32>
      %mul3A_173 = arith.mulf %mul3A_172, %add3A_115 : vector<16xf32>
      %mul3A_174 = arith.mulf %mul3A_173, %mul3A_170 : vector<16xf32>
      %mul3A_175 = arith.mulf %mul3A_174, %mul3A_170 : vector<16xf32>
      %sub3A_176 = arith.constant 1.500000e+00 : f32
      %sub3A_177 = vector.broadcast %sub3A_176 : f32 to vector<16xf32>
      %sub3A_178 = arith.subf %sub3A_177, %mul3A_175 : vector<16xf32>
      %mul3A_179 = arith.mulf %mul3A_170, %sub3A_178 : vector<16xf32>
      %mul3A_180 = arith.constant 5.000000e-01 : f32
      %mul3A_181 = vector.broadcast %mul3A_180 : f32 to vector<16xf32>
      %mul3A_182 = arith.mulf %mul3A_181, %add3A_115 : vector<16xf32>
      %mul3A_183 = arith.mulf %mul3A_182, %mul3A_179 : vector<16xf32>
      %mul3A_184 = arith.mulf %mul3A_183, %mul3A_179 : vector<16xf32>
      %sub3A_185 = arith.constant 1.500000e+00 : f32
      %sub3A_186 = vector.broadcast %sub3A_185 : f32 to vector<16xf32>
      %sub3A_187 = arith.subf %sub3A_186, %mul3A_184 : vector<16xf32>
      %mul3A_188 = arith.mulf %mul3A_179, %sub3A_187 : vector<16xf32>
      %mul3A_189 = arith.constant 5.000000e-01 : f32
      %mul3A_190 = vector.broadcast %mul3A_189 : f32 to vector<16xf32>
      %mul3A_191 = arith.mulf %mul3A_190, %add3A_115 : vector<16xf32>
      %mul3A_192 = arith.mulf %mul3A_191, %mul3A_188 : vector<16xf32>
      %mul3A_193 = arith.mulf %mul3A_192, %mul3A_188 : vector<16xf32>
      %sub3A_194 = arith.constant 1.500000e+00 : f32
      %sub3A_195 = vector.broadcast %sub3A_194 : f32 to vector<16xf32>
      %sub3A_196 = arith.subf %sub3A_195, %mul3A_193 : vector<16xf32>
      %mul3A_197 = arith.mulf %mul3A_188, %sub3A_196 : vector<16xf32>
      %mul3A_198 = arith.constant 5.000000e-01 : f32
      %mul3A_199 = vector.broadcast %mul3A_198 : f32 to vector<16xf32>
      %mul3A_200 = arith.mulf %mul3A_199, %add3A_115 : vector<16xf32>
      %mul3A_201 = arith.mulf %mul3A_200, %mul3A_197 : vector<16xf32>
      %mul3A_202 = arith.mulf %mul3A_201, %mul3A_197 : vector<16xf32>
      %sub3A_203 = arith.constant 1.500000e+00 : f32
      %sub3A_204 = vector.broadcast %sub3A_203 : f32 to vector<16xf32>
      %sub3A_205 = arith.subf %sub3A_204, %mul3A_202 : vector<16xf32>
      %mul3A_206 = arith.mulf %mul3A_197, %sub3A_205 : vector<16xf32>
      %mul3A_207 = arith.constant 5.000000e-01 : f32
      %mul3A_208 = vector.broadcast %mul3A_207 : f32 to vector<16xf32>
      %mul3A_209 = arith.mulf %mul3A_208, %add3A_115 : vector<16xf32>
      %mul3A_210 = arith.mulf %mul3A_209, %mul3A_206 : vector<16xf32>
      %mul3A_211 = arith.mulf %mul3A_210, %mul3A_206 : vector<16xf32>
      %sub3A_212 = arith.constant 1.500000e+00 : f32
      %sub3A_213 = vector.broadcast %sub3A_212 : f32 to vector<16xf32>
      %sub3A_214 = arith.subf %sub3A_213, %mul3A_211 : vector<16xf32>
      %mul3A_215 = arith.mulf %mul3A_206, %sub3A_214 : vector<16xf32>
      %mul3A_216 = arith.constant 5.000000e-01 : f32
      %mul3A_217 = vector.broadcast %mul3A_216 : f32 to vector<16xf32>
      %mul3A_218 = arith.mulf %mul3A_217, %add3A_115 : vector<16xf32>
      %mul3A_219 = arith.mulf %mul3A_218, %mul3A_215 : vector<16xf32>
      %mul3A_220 = arith.mulf %mul3A_219, %mul3A_215 : vector<16xf32>
      %sub3A_221 = arith.constant 1.500000e+00 : f32
      %sub3A_222 = vector.broadcast %sub3A_221 : f32 to vector<16xf32>
      %sub3A_223 = arith.subf %sub3A_222, %mul3A_220 : vector<16xf32>
      %mul3A_224 = arith.mulf %mul3A_215, %sub3A_223 : vector<16xf32>
      %mul3A_225 = arith.constant 5.000000e-01 : f32
      %mul3A_226 = vector.broadcast %mul3A_225 : f32 to vector<16xf32>
      %mul3A_227 = arith.mulf %mul3A_226, %add3A_115 : vector<16xf32>
      %mul3A_228 = arith.mulf %mul3A_227, %mul3A_224 : vector<16xf32>
      %mul3A_229 = arith.mulf %mul3A_228, %mul3A_224 : vector<16xf32>
      %sub3A_230 = arith.constant 1.500000e+00 : f32
      %sub3A_231 = vector.broadcast %sub3A_230 : f32 to vector<16xf32>
      %sub3A_232 = arith.subf %sub3A_231, %mul3A_229 : vector<16xf32>
      %mul3A_233 = arith.mulf %mul3A_224, %sub3A_232 : vector<16xf32>
      %mul3A_234 = arith.constant 5.000000e-01 : f32
      %mul3A_235 = vector.broadcast %mul3A_234 : f32 to vector<16xf32>
      %mul3A_236 = arith.mulf %mul3A_235, %add3A_115 : vector<16xf32>
      %mul3A_237 = arith.mulf %mul3A_236, %mul3A_233 : vector<16xf32>
      %mul3A_238 = arith.mulf %mul3A_237, %mul3A_233 : vector<16xf32>
      %sub3A_239 = arith.constant 1.500000e+00 : f32
      %sub3A_240 = vector.broadcast %sub3A_239 : f32 to vector<16xf32>
      %sub3A_241 = arith.subf %sub3A_240, %mul3A_238 : vector<16xf32>
      %mul3A_242 = arith.mulf %mul3A_233, %sub3A_241 : vector<16xf32>
      %mul3A_243 = arith.constant 5.000000e-01 : f32
      %mul3A_244 = vector.broadcast %mul3A_243 : f32 to vector<16xf32>
      %mul3A_245 = arith.mulf %mul3A_244, %add3A_115 : vector<16xf32>
      %mul3A_246 = arith.mulf %mul3A_245, %mul3A_242 : vector<16xf32>
      %mul3A_247 = arith.mulf %mul3A_246, %mul3A_242 : vector<16xf32>
      %sub3A_248 = arith.constant 1.500000e+00 : f32
      %sub3A_249 = vector.broadcast %sub3A_248 : f32 to vector<16xf32>
      %sub3A_250 = arith.subf %sub3A_249, %mul3A_247 : vector<16xf32>
      %mul3A_251 = arith.mulf %mul3A_242, %sub3A_250 : vector<16xf32>
      %mul3A_252 = arith.constant 5.000000e-01 : f32
      %mul3A_253 = vector.broadcast %mul3A_252 : f32 to vector<16xf32>
      %mul3A_254 = arith.mulf %mul3A_253, %add3A_115 : vector<16xf32>
      %mul3A_255 = arith.mulf %mul3A_254, %mul3A_251 : vector<16xf32>
      %mul3A_256 = arith.mulf %mul3A_255, %mul3A_251 : vector<16xf32>
      %sub3A_257 = arith.constant 1.500000e+00 : f32
      %sub3A_258 = vector.broadcast %sub3A_257 : f32 to vector<16xf32>
      %sub3A_259 = arith.subf %sub3A_258, %mul3A_256 : vector<16xf32>
      %mul3A_260 = arith.mulf %mul3A_251, %sub3A_259 : vector<16xf32>
      %mul3A_261 = arith.constant 5.000000e-01 : f32
      %mul3A_262 = vector.broadcast %mul3A_261 : f32 to vector<16xf32>
      %mul3A_263 = arith.mulf %mul3A_262, %add3A_115 : vector<16xf32>
      %mul3A_264 = arith.mulf %mul3A_263, %mul3A_260 : vector<16xf32>
      %mul3A_265 = arith.mulf %mul3A_264, %mul3A_260 : vector<16xf32>
      %sub3A_266 = arith.constant 1.500000e+00 : f32
      %sub3A_267 = vector.broadcast %sub3A_266 : f32 to vector<16xf32>
      %sub3A_268 = arith.subf %sub3A_267, %mul3A_265 : vector<16xf32>
      %mul3A_269 = arith.mulf %mul3A_260, %sub3A_268 : vector<16xf32>
      %mul3A_270 = arith.constant 5.000000e-01 : f32
      %mul3A_271 = vector.broadcast %mul3A_270 : f32 to vector<16xf32>
      %mul3A_272 = arith.mulf %mul3A_271, %add3A_115 : vector<16xf32>
      %mul3A_273 = arith.mulf %mul3A_272, %mul3A_269 : vector<16xf32>
      %mul3A_274 = arith.mulf %mul3A_273, %mul3A_269 : vector<16xf32>
      %sub3A_275 = arith.constant 1.500000e+00 : f32
      %sub3A_276 = vector.broadcast %sub3A_275 : f32 to vector<16xf32>
      %sub3A_277 = arith.subf %sub3A_276, %mul3A_274 : vector<16xf32>
      %mul3A_278 = arith.mulf %mul3A_269, %sub3A_277 : vector<16xf32>
      %mul3A_279 = arith.constant 5.000000e-01 : f32
      %mul3A_280 = vector.broadcast %mul3A_279 : f32 to vector<16xf32>
      %mul3A_281 = arith.mulf %mul3A_280, %add3A_115 : vector<16xf32>
      %mul3A_282 = arith.mulf %mul3A_281, %mul3A_278 : vector<16xf32>
      %mul3A_283 = arith.mulf %mul3A_282, %mul3A_278 : vector<16xf32>
      %sub3A_284 = arith.constant 1.500000e+00 : f32
      %sub3A_285 = vector.broadcast %sub3A_284 : f32 to vector<16xf32>
      %sub3A_286 = arith.subf %sub3A_285, %mul3A_283 : vector<16xf32>
      %mul3A_287 = arith.mulf %mul3A_278, %sub3A_286 : vector<16xf32>
      %mul3A_288 = arith.constant 5.000000e-01 : f32
      %mul3A_289 = vector.broadcast %mul3A_288 : f32 to vector<16xf32>
      %mul3A_290 = arith.mulf %mul3A_289, %add3A_115 : vector<16xf32>
      %mul3A_291 = arith.mulf %mul3A_290, %mul3A_287 : vector<16xf32>
      %mul3A_292 = arith.mulf %mul3A_291, %mul3A_287 : vector<16xf32>
      %sub3A_293 = arith.constant 1.500000e+00 : f32
      %sub3A_294 = vector.broadcast %sub3A_293 : f32 to vector<16xf32>
      %sub3A_295 = arith.subf %sub3A_294, %mul3A_292 : vector<16xf32>
      %mul3A_296 = arith.mulf %mul3A_287, %sub3A_295 : vector<16xf32>
      %mul3A_297 = arith.constant 5.000000e-01 : f32
      %mul3A_298 = vector.broadcast %mul3A_297 : f32 to vector<16xf32>
      %mul3A_299 = arith.mulf %mul3A_298, %add3A_115 : vector<16xf32>
      %mul3A_300 = arith.mulf %mul3A_299, %mul3A_296 : vector<16xf32>
      %mul3A_301 = arith.mulf %mul3A_300, %mul3A_296 : vector<16xf32>
      %sub3A_302 = arith.constant 1.500000e+00 : f32
      %sub3A_303 = vector.broadcast %sub3A_302 : f32 to vector<16xf32>
      %sub3A_304 = arith.subf %sub3A_303, %mul3A_301 : vector<16xf32>
      %mul3A_305 = arith.mulf %mul3A_296, %sub3A_304 : vector<16xf32>
      %mul3A_306 = arith.constant 5.000000e-01 : f32
      %mul3A_307 = vector.broadcast %mul3A_306 : f32 to vector<16xf32>
      %mul3A_308 = arith.mulf %mul3A_307, %add3A_115 : vector<16xf32>
      %mul3A_309 = arith.mulf %mul3A_308, %mul3A_305 : vector<16xf32>
      %mul3A_310 = arith.mulf %mul3A_309, %mul3A_305 : vector<16xf32>
      %sub3A_311 = arith.constant 1.500000e+00 : f32
      %sub3A_312 = vector.broadcast %sub3A_311 : f32 to vector<16xf32>
      %sub3A_313 = arith.subf %sub3A_312, %mul3A_310 : vector<16xf32>
      %mul3A_314 = arith.mulf %mul3A_305, %sub3A_313 : vector<16xf32>
      %mul3A_315 = arith.constant 5.000000e-01 : f32
      %mul3A_316 = vector.broadcast %mul3A_315 : f32 to vector<16xf32>
      %mul3A_317 = arith.mulf %mul3A_316, %add3A_115 : vector<16xf32>
      %mul3A_318 = arith.mulf %mul3A_317, %mul3A_314 : vector<16xf32>
      %mul3A_319 = arith.mulf %mul3A_318, %mul3A_314 : vector<16xf32>
      %sub3A_320 = arith.constant 1.500000e+00 : f32
      %sub3A_321 = vector.broadcast %sub3A_320 : f32 to vector<16xf32>
      %sub3A_322 = arith.subf %sub3A_321, %mul3A_319 : vector<16xf32>
      %mul3A_323 = arith.mulf %mul3A_314, %sub3A_322 : vector<16xf32>
      %mul3A_324 = arith.constant 5.000000e-01 : f32
      %mul3A_325 = vector.broadcast %mul3A_324 : f32 to vector<16xf32>
      %mul3A_326 = arith.mulf %mul3A_325, %add3A_115 : vector<16xf32>
      %mul3A_327 = arith.mulf %mul3A_326, %mul3A_323 : vector<16xf32>
      %mul3A_328 = arith.mulf %mul3A_327, %mul3A_323 : vector<16xf32>
      %sub3A_329 = arith.constant 1.500000e+00 : f32
      %sub3A_330 = vector.broadcast %sub3A_329 : f32 to vector<16xf32>
      %sub3A_331 = arith.subf %sub3A_330, %mul3A_328 : vector<16xf32>
      %mul3A_332 = arith.mulf %mul3A_323, %sub3A_331 : vector<16xf32>
      %mul3A_333 = arith.constant 16 : i32
      %mul3A_334 = arith.muli %scan3A_99, %mul3A_333 : i32
      %swap3A_335 = arith.index_cast %mul3A_334 : i32 to index
      %swap3A_336 = tpu.vector_load %arg15[%swap3A_335] {strides = array<i32>} : memref<640xf32, #tpu.memory_space<vmem>>, vector<16xf32>,
      %swap3A_337 = vector.shape_cast %swap3A_336 : vector<16xf32> to vector<16xf32>
      %swap3A_338 = vector.shape_cast %mul3A_332 : vector<16xf32> to vector<16xf32>
      tpu.vector_store %arg15[%swap3A_335], %swap3A_338 {strides = array<i32>} : memref<640xf32, #tpu.memory_space<vmem>>, vector<16xf32>,
      %mul3A_339 = arith.mulf %mul3A_332, %get3A_109 : vector<16xf32>
      %mul3A_340 = arith.mulf %mul3A_339, %get3A_73 : vector<16xf32>
      %mul3A_341 = arith.constant 16 : i32
      %mul3A_342 = arith.muli %scan3A_99, %mul3A_341 : i32
      %swap3A_343 = arith.index_cast %mul3A_342 : i32 to index
      %swap3A_344 = tpu.vector_load %arg14[%swap3A_343] {strides = array<i32>} : memref<640xf32, #tpu.memory_space<vmem>>, vector<16xf32>,
      %swap3A_345 = vector.shape_cast %swap3A_344 : vector<16xf32> to vector<16xf32>
      %swap3A_346 = vector.shape_cast %mul3A_340 : vector<16xf32> to vector<16xf32>
      tpu.vector_store %arg14[%swap3A_343], %swap3A_346 {strides = array<i32>} : memref<640xf32, #tpu.memory_space<vmem>>, vector<16xf32>,
    }
    %scan3A_78 = arith.constant 40 : i32
    "tpu.region"() ({
      %run_scoped3A_99 = tpu.sem_alloc : memref<!tpu.dma_semaphore, #tpu.memory_space<semaphore_mem>>
      %dma_start3A = tpu.memref_slice %arg19[%mul3A_0] : memref<10240xf32, #tpu.memory_space<vmem_shared>> -> memref<640xf32, #tpu.memory_space<vmem_shared>>
      %dma_start3A_100 = tpu.memref_slice %arg19[%mul3A_0] : memref<10240xf32, #tpu.memory_space<vmem_shared>> -> memref<640xf32, #tpu.memory_space<vmem_shared>>
      tpu.enqueue_dma source(%arg14 : memref<640xf32, #tpu.memory_space<vmem>>) target(%dma_start3A_100 : memref<640xf32, #tpu.memory_space<vmem_shared>>) target_semaphore(%run_scoped3A_99 : memref<!tpu.dma_semaphore, #tpu.memory_space<semaphore_mem>>)
      %dma_wait3A = tpu.memref_slice %arg19[%mul3A_0] : memref<10240xf32, #tpu.memory_space<vmem_shared>> -> memref<640xf32, #tpu.memory_space<vmem_shared>>
      %dma_wait3A_101 = tpu.memref_slice %arg19[%mul3A_0] : memref<10240xf32, #tpu.memory_space<vmem_shared>> -> memref<640xf32, #tpu.memory_space<vmem_shared>>
      tpu.wait_dma2 semaphore(%run_scoped3A_99 : memref<!tpu.dma_semaphore, #tpu.memory_space<semaphore_mem>>) src(%arg14 : memref<640xf32, #tpu.memory_space<vmem>>) dst(%dma_wait3A_101 : memref<640xf32, #tpu.memory_space<vmem_shared>>)
      tpu.yield
    }) : () -> ()
    %barrier3A_79 = arith.constant 0 : index
    tpu.barrier barrier_id(%barrier3A_79)
    %scan3A_80 = arith.constant 0 : i32
    %scan3A_81 = arith.constant 2 : i32
    %scan3A_82 = arith.addi %scan3A_80, %scan3A_81 : i32
    %scan3A_83 = arith.constant 1 : i32
    scf.for %scan3A_99 = %scan3A_80 to %scan3A_82 step %scan3A_83  : i32 {
      %mul3A_100 = arith.constant 20 : i32
      %mul3A_101 = arith.muli %scan3A_99, %mul3A_100 : i32
      %add3A_102 = arith.constant 0 : i32
      %add3A_103 = arith.addi %mul3A_101, %add3A_102 : i32
      %dma_start3A = arith.constant 0 : i32
      %dma_start3A_104 = tpu.memref_slice %arg9[%add3A_103, %dma_start3A] : memref<40x128xf32, #tpu.memory_space<vmem>> -> memref<1x128xf32, #tpu.memory_space<vmem>>
      %dma_start3A_105 = tpu.memref_squeeze %dma_start3A_104 : memref<1x128xf32, #tpu.memory_space<vmem>> -> memref<128xf32, #tpu.memory_space<vmem>>
      %dma_start3A_106 = arith.constant 0 : i32
      %dma_start3A_107 = tpu.memref_slice %arg7[%add3A_103, %dma_start3A_106] : memref<40x128xi32, #tpu.memory_space<vmem>> -> memref<1x128xi32, #tpu.memory_space<vmem>>
      %dma_start3A_108 = tpu.memref_squeeze %dma_start3A_107 : memref<1x128xi32, #tpu.memory_space<vmem>> -> memref<128xi32, #tpu.memory_space<vmem>>
      %dma_start3A_109 = arith.constant 0 : i32
      %dma_start3A_110 = tpu.memref_slice %arg19[%dma_start3A_109] : memref<10240xf32, #tpu.memory_space<vmem_shared>> -> memref<10240xf32, #tpu.memory_space<vmem_shared>>
      tpu.enqueue_indirect_dma source(%dma_start3A_110 : memref<10240xf32, #tpu.memory_space<vmem_shared>>) target(%dma_start3A_105 : memref<128xf32, #tpu.memory_space<vmem>>) offsets(%dma_start3A_108 : memref<128xi32, #tpu.memory_space<vmem>>) semaphore(%arg22 : memref<!tpu.dma_semaphore, #tpu.memory_space<semaphore_mem>>)
      %mul3A_111 = arith.constant 20 : i32
      %mul3A_112 = arith.muli %scan3A_99, %mul3A_111 : i32
      %add3A_113 = arith.constant 1 : i32
      %add3A_114 = arith.addi %mul3A_112, %add3A_113 : i32
      %dma_start3A_115 = arith.constant 0 : i32
      %dma_start3A_116 = tpu.memref_slice %arg9[%add3A_114, %dma_start3A_115] : memref<40x128xf32, #tpu.memory_space<vmem>> -> memref<1x128xf32, #tpu.memory_space<vmem>>
      %dma_start3A_117 = tpu.memref_squeeze %dma_start3A_116 : memref<1x128xf32, #tpu.memory_space<vmem>> -> memref<128xf32, #tpu.memory_space<vmem>>
      %dma_start3A_118 = arith.constant 0 : i32
      %dma_start3A_119 = tpu.memref_slice %arg7[%add3A_114, %dma_start3A_118] : memref<40x128xi32, #tpu.memory_space<vmem>> -> memref<1x128xi32, #tpu.memory_space<vmem>>
      %dma_start3A_120 = tpu.memref_squeeze %dma_start3A_119 : memref<1x128xi32, #tpu.memory_space<vmem>> -> memref<128xi32, #tpu.memory_space<vmem>>
      %dma_start3A_121 = arith.constant 0 : i32
      %dma_start3A_122 = tpu.memref_slice %arg19[%dma_start3A_121] : memref<10240xf32, #tpu.memory_space<vmem_shared>> -> memref<10240xf32, #tpu.memory_space<vmem_shared>>
      tpu.enqueue_indirect_dma source(%dma_start3A_122 : memref<10240xf32, #tpu.memory_space<vmem_shared>>) target(%dma_start3A_117 : memref<128xf32, #tpu.memory_space<vmem>>) offsets(%dma_start3A_120 : memref<128xi32, #tpu.memory_space<vmem>>) semaphore(%arg22 : memref<!tpu.dma_semaphore, #tpu.memory_space<semaphore_mem>>)
      %mul3A_123 = arith.constant 20 : i32
      %mul3A_124 = arith.muli %scan3A_99, %mul3A_123 : i32
      %add3A_125 = arith.constant 2 : i32
      %add3A_126 = arith.addi %mul3A_124, %add3A_125 : i32
      %dma_start3A_127 = arith.constant 0 : i32
      %dma_start3A_128 = tpu.memref_slice %arg9[%add3A_126, %dma_start3A_127] : memref<40x128xf32, #tpu.memory_space<vmem>> -> memref<1x128xf32, #tpu.memory_space<vmem>>
      %dma_start3A_129 = tpu.memref_squeeze %dma_start3A_128 : memref<1x128xf32, #tpu.memory_space<vmem>> -> memref<128xf32, #tpu.memory_space<vmem>>
      %dma_start3A_130 = arith.constant 0 : i32
      %dma_start3A_131 = tpu.memref_slice %arg7[%add3A_126, %dma_start3A_130] : memref<40x128xi32, #tpu.memory_space<vmem>> -> memref<1x128xi32, #tpu.memory_space<vmem>>
      %dma_start3A_132 = tpu.memref_squeeze %dma_start3A_131 : memref<1x128xi32, #tpu.memory_space<vmem>> -> memref<128xi32, #tpu.memory_space<vmem>>
      %dma_start3A_133 = arith.constant 0 : i32
      %dma_start3A_134 = tpu.memref_slice %arg19[%dma_start3A_133] : memref<10240xf32, #tpu.memory_space<vmem_shared>> -> memref<10240xf32, #tpu.memory_space<vmem_shared>>
      tpu.enqueue_indirect_dma source(%dma_start3A_134 : memref<10240xf32, #tpu.memory_space<vmem_shared>>) target(%dma_start3A_129 : memref<128xf32, #tpu.memory_space<vmem>>) offsets(%dma_start3A_132 : memref<128xi32, #tpu.memory_space<vmem>>) semaphore(%arg22 : memref<!tpu.dma_semaphore, #tpu.memory_space<semaphore_mem>>)
      %mul3A_135 = arith.constant 20 : i32
      %mul3A_136 = arith.muli %scan3A_99, %mul3A_135 : i32
      %add3A_137 = arith.constant 3 : i32
      %add3A_138 = arith.addi %mul3A_136, %add3A_137 : i32
      %dma_start3A_139 = arith.constant 0 : i32
      %dma_start3A_140 = tpu.memref_slice %arg9[%add3A_138, %dma_start3A_139] : memref<40x128xf32, #tpu.memory_space<vmem>> -> memref<1x128xf32, #tpu.memory_space<vmem>>
      %dma_start3A_141 = tpu.memref_squeeze %dma_start3A_140 : memref<1x128xf32, #tpu.memory_space<vmem>> -> memref<128xf32, #tpu.memory_space<vmem>>
      %dma_start3A_142 = arith.constant 0 : i32
      %dma_start3A_143 = tpu.memref_slice %arg7[%add3A_138, %dma_start3A_142] : memref<40x128xi32, #tpu.memory_space<vmem>> -> memref<1x128xi32, #tpu.memory_space<vmem>>
      %dma_start3A_144 = tpu.memref_squeeze %dma_start3A_143 : memref<1x128xi32, #tpu.memory_space<vmem>> -> memref<128xi32, #tpu.memory_space<vmem>>
      %dma_start3A_145 = arith.constant 0 : i32
      %dma_start3A_146 = tpu.memref_slice %arg19[%dma_start3A_145] : memref<10240xf32, #tpu.memory_space<vmem_shared>> -> memref<10240xf32, #tpu.memory_space<vmem_shared>>
      tpu.enqueue_indirect_dma source(%dma_start3A_146 : memref<10240xf32, #tpu.memory_space<vmem_shared>>) target(%dma_start3A_141 : memref<128xf32, #tpu.memory_space<vmem>>) offsets(%dma_start3A_144 : memref<128xi32, #tpu.memory_space<vmem>>) semaphore(%arg22 : memref<!tpu.dma_semaphore, #tpu.memory_space<semaphore_mem>>)
      %mul3A_147 = arith.constant 20 : i32
      %mul3A_148 = arith.muli %scan3A_99, %mul3A_147 : i32
      %add3A_149 = arith.constant 4 : i32
      %add3A_150 = arith.addi %mul3A_148, %add3A_149 : i32
      %dma_start3A_151 = arith.constant 0 : i32
      %dma_start3A_152 = tpu.memref_slice %arg9[%add3A_150, %dma_start3A_151] : memref<40x128xf32, #tpu.memory_space<vmem>> -> memref<1x128xf32, #tpu.memory_space<vmem>>
      %dma_start3A_153 = tpu.memref_squeeze %dma_start3A_152 : memref<1x128xf32, #tpu.memory_space<vmem>> -> memref<128xf32, #tpu.memory_space<vmem>>
      %dma_start3A_154 = arith.constant 0 : i32
      %dma_start3A_155 = tpu.memref_slice %arg7[%add3A_150, %dma_start3A_154] : memref<40x128xi32, #tpu.memory_space<vmem>> -> memref<1x128xi32, #tpu.memory_space<vmem>>
      %dma_start3A_156 = tpu.memref_squeeze %dma_start3A_155 : memref<1x128xi32, #tpu.memory_space<vmem>> -> memref<128xi32, #tpu.memory_space<vmem>>
      %dma_start3A_157 = arith.constant 0 : i32
      %dma_start3A_158 = tpu.memref_slice %arg19[%dma_start3A_157] : memref<10240xf32, #tpu.memory_space<vmem_shared>> -> memref<10240xf32, #tpu.memory_space<vmem_shared>>
      tpu.enqueue_indirect_dma source(%dma_start3A_158 : memref<10240xf32, #tpu.memory_space<vmem_shared>>) target(%dma_start3A_153 : memref<128xf32, #tpu.memory_space<vmem>>) offsets(%dma_start3A_156 : memref<128xi32, #tpu.memory_space<vmem>>) semaphore(%arg22 : memref<!tpu.dma_semaphore, #tpu.memory_space<semaphore_mem>>)
      %mul3A_159 = arith.constant 20 : i32
      %mul3A_160 = arith.muli %scan3A_99, %mul3A_159 : i32
      %add3A_161 = arith.constant 5 : i32
      %add3A_162 = arith.addi %mul3A_160, %add3A_161 : i32
      %dma_start3A_163 = arith.constant 0 : i32
      %dma_start3A_164 = tpu.memref_slice %arg9[%add3A_162, %dma_start3A_163] : memref<40x128xf32, #tpu.memory_space<vmem>> -> memref<1x128xf32, #tpu.memory_space<vmem>>
      %dma_start3A_165 = tpu.memref_squeeze %dma_start3A_164 : memref<1x128xf32, #tpu.memory_space<vmem>> -> memref<128xf32, #tpu.memory_space<vmem>>
      %dma_start3A_166 = arith.constant 0 : i32
      %dma_start3A_167 = tpu.memref_slice %arg7[%add3A_162, %dma_start3A_166] : memref<40x128xi32, #tpu.memory_space<vmem>> -> memref<1x128xi32, #tpu.memory_space<vmem>>
      %dma_start3A_168 = tpu.memref_squeeze %dma_start3A_167 : memref<1x128xi32, #tpu.memory_space<vmem>> -> memref<128xi32, #tpu.memory_space<vmem>>
      %dma_start3A_169 = arith.constant 0 : i32
      %dma_start3A_170 = tpu.memref_slice %arg19[%dma_start3A_169] : memref<10240xf32, #tpu.memory_space<vmem_shared>> -> memref<10240xf32, #tpu.memory_space<vmem_shared>>
      tpu.enqueue_indirect_dma source(%dma_start3A_170 : memref<10240xf32, #tpu.memory_space<vmem_shared>>) target(%dma_start3A_165 : memref<128xf32, #tpu.memory_space<vmem>>) offsets(%dma_start3A_168 : memref<128xi32, #tpu.memory_space<vmem>>) semaphore(%arg22 : memref<!tpu.dma_semaphore, #tpu.memory_space<semaphore_mem>>)
      %mul3A_171 = arith.constant 20 : i32
      %mul3A_172 = arith.muli %scan3A_99, %mul3A_171 : i32
      %add3A_173 = arith.constant 6 : i32
      %add3A_174 = arith.addi %mul3A_172, %add3A_173 : i32
      %dma_start3A_175 = arith.constant 0 : i32
      %dma_start3A_176 = tpu.memref_slice %arg9[%add3A_174, %dma_start3A_175] : memref<40x128xf32, #tpu.memory_space<vmem>> -> memref<1x128xf32, #tpu.memory_space<vmem>>
      %dma_start3A_177 = tpu.memref_squeeze %dma_start3A_176 : memref<1x128xf32, #tpu.memory_space<vmem>> -> memref<128xf32, #tpu.memory_space<vmem>>
      %dma_start3A_178 = arith.constant 0 : i32
      %dma_start3A_179 = tpu.memref_slice %arg7[%add3A_174, %dma_start3A_178] : memref<40x128xi32, #tpu.memory_space<vmem>> -> memref<1x128xi32, #tpu.memory_space<vmem>>
      %dma_start3A_180 = tpu.memref_squeeze %dma_start3A_179 : memref<1x128xi32, #tpu.memory_space<vmem>> -> memref<128xi32, #tpu.memory_space<vmem>>
      %dma_start3A_181 = arith.constant 0 : i32
      %dma_start3A_182 = tpu.memref_slice %arg19[%dma_start3A_181] : memref<10240xf32, #tpu.memory_space<vmem_shared>> -> memref<10240xf32, #tpu.memory_space<vmem_shared>>
      tpu.enqueue_indirect_dma source(%dma_start3A_182 : memref<10240xf32, #tpu.memory_space<vmem_shared>>) target(%dma_start3A_177 : memref<128xf32, #tpu.memory_space<vmem>>) offsets(%dma_start3A_180 : memref<128xi32, #tpu.memory_space<vmem>>) semaphore(%arg22 : memref<!tpu.dma_semaphore, #tpu.memory_space<semaphore_mem>>)
      %mul3A_183 = arith.constant 20 : i32
      %mul3A_184 = arith.muli %scan3A_99, %mul3A_183 : i32
      %add3A_185 = arith.constant 7 : i32
      %add3A_186 = arith.addi %mul3A_184, %add3A_185 : i32
      %dma_start3A_187 = arith.constant 0 : i32
      %dma_start3A_188 = tpu.memref_slice %arg9[%add3A_186, %dma_start3A_187] : memref<40x128xf32, #tpu.memory_space<vmem>> -> memref<1x128xf32, #tpu.memory_space<vmem>>
      %dma_start3A_189 = tpu.memref_squeeze %dma_start3A_188 : memref<1x128xf32, #tpu.memory_space<vmem>> -> memref<128xf32, #tpu.memory_space<vmem>>
      %dma_start3A_190 = arith.constant 0 : i32
      %dma_start3A_191 = tpu.memref_slice %arg7[%add3A_186, %dma_start3A_190] : memref<40x128xi32, #tpu.memory_space<vmem>> -> memref<1x128xi32, #tpu.memory_space<vmem>>
      %dma_start3A_192 = tpu.memref_squeeze %dma_start3A_191 : memref<1x128xi32, #tpu.memory_space<vmem>> -> memref<128xi32, #tpu.memory_space<vmem>>
      %dma_start3A_193 = arith.constant 0 : i32
      %dma_start3A_194 = tpu.memref_slice %arg19[%dma_start3A_193] : memref<10240xf32, #tpu.memory_space<vmem_shared>> -> memref<10240xf32, #tpu.memory_space<vmem_shared>>
      tpu.enqueue_indirect_dma source(%dma_start3A_194 : memref<10240xf32, #tpu.memory_space<vmem_shared>>) target(%dma_start3A_189 : memref<128xf32, #tpu.memory_space<vmem>>) offsets(%dma_start3A_192 : memref<128xi32, #tpu.memory_space<vmem>>) semaphore(%arg22 : memref<!tpu.dma_semaphore, #tpu.memory_space<semaphore_mem>>)
      %mul3A_195 = arith.constant 20 : i32
      %mul3A_196 = arith.muli %scan3A_99, %mul3A_195 : i32
      %add3A_197 = arith.constant 8 : i32
      %add3A_198 = arith.addi %mul3A_196, %add3A_197 : i32
      %dma_start3A_199 = arith.constant 0 : i32
      %dma_start3A_200 = tpu.memref_slice %arg9[%add3A_198, %dma_start3A_199] : memref<40x128xf32, #tpu.memory_space<vmem>> -> memref<1x128xf32, #tpu.memory_space<vmem>>
      %dma_start3A_201 = tpu.memref_squeeze %dma_start3A_200 : memref<1x128xf32, #tpu.memory_space<vmem>> -> memref<128xf32, #tpu.memory_space<vmem>>
      %dma_start3A_202 = arith.constant 0 : i32
      %dma_start3A_203 = tpu.memref_slice %arg7[%add3A_198, %dma_start3A_202] : memref<40x128xi32, #tpu.memory_space<vmem>> -> memref<1x128xi32, #tpu.memory_space<vmem>>
      %dma_start3A_204 = tpu.memref_squeeze %dma_start3A_203 : memref<1x128xi32, #tpu.memory_space<vmem>> -> memref<128xi32, #tpu.memory_space<vmem>>
      %dma_start3A_205 = arith.constant 0 : i32
      %dma_start3A_206 = tpu.memref_slice %arg19[%dma_start3A_205] : memref<10240xf32, #tpu.memory_space<vmem_shared>> -> memref<10240xf32, #tpu.memory_space<vmem_shared>>
      tpu.enqueue_indirect_dma source(%dma_start3A_206 : memref<10240xf32, #tpu.memory_space<vmem_shared>>) target(%dma_start3A_201 : memref<128xf32, #tpu.memory_space<vmem>>) offsets(%dma_start3A_204 : memref<128xi32, #tpu.memory_space<vmem>>) semaphore(%arg22 : memref<!tpu.dma_semaphore, #tpu.memory_space<semaphore_mem>>)
      %mul3A_207 = arith.constant 20 : i32
      %mul3A_208 = arith.muli %scan3A_99, %mul3A_207 : i32
      %add3A_209 = arith.constant 9 : i32
      %add3A_210 = arith.addi %mul3A_208, %add3A_209 : i32
      %dma_start3A_211 = arith.constant 0 : i32
      %dma_start3A_212 = tpu.memref_slice %arg9[%add3A_210, %dma_start3A_211] : memref<40x128xf32, #tpu.memory_space<vmem>> -> memref<1x128xf32, #tpu.memory_space<vmem>>
      %dma_start3A_213 = tpu.memref_squeeze %dma_start3A_212 : memref<1x128xf32, #tpu.memory_space<vmem>> -> memref<128xf32, #tpu.memory_space<vmem>>
      %dma_start3A_214 = arith.constant 0 : i32
      %dma_start3A_215 = tpu.memref_slice %arg7[%add3A_210, %dma_start3A_214] : memref<40x128xi32, #tpu.memory_space<vmem>> -> memref<1x128xi32, #tpu.memory_space<vmem>>
      %dma_start3A_216 = tpu.memref_squeeze %dma_start3A_215 : memref<1x128xi32, #tpu.memory_space<vmem>> -> memref<128xi32, #tpu.memory_space<vmem>>
      %dma_start3A_217 = arith.constant 0 : i32
      %dma_start3A_218 = tpu.memref_slice %arg19[%dma_start3A_217] : memref<10240xf32, #tpu.memory_space<vmem_shared>> -> memref<10240xf32, #tpu.memory_space<vmem_shared>>
      tpu.enqueue_indirect_dma source(%dma_start3A_218 : memref<10240xf32, #tpu.memory_space<vmem_shared>>) target(%dma_start3A_213 : memref<128xf32, #tpu.memory_space<vmem>>) offsets(%dma_start3A_216 : memref<128xi32, #tpu.memory_space<vmem>>) semaphore(%arg22 : memref<!tpu.dma_semaphore, #tpu.memory_space<semaphore_mem>>)
      %mul3A_219 = arith.constant 20 : i32
      %mul3A_220 = arith.muli %scan3A_99, %mul3A_219 : i32
      %add3A_221 = arith.constant 10 : i32
      %add3A_222 = arith.addi %mul3A_220, %add3A_221 : i32
      %dma_start3A_223 = arith.constant 0 : i32
      %dma_start3A_224 = tpu.memref_slice %arg9[%add3A_222, %dma_start3A_223] : memref<40x128xf32, #tpu.memory_space<vmem>> -> memref<1x128xf32, #tpu.memory_space<vmem>>
      %dma_start3A_225 = tpu.memref_squeeze %dma_start3A_224 : memref<1x128xf32, #tpu.memory_space<vmem>> -> memref<128xf32, #tpu.memory_space<vmem>>
      %dma_start3A_226 = arith.constant 0 : i32
      %dma_start3A_227 = tpu.memref_slice %arg7[%add3A_222, %dma_start3A_226] : memref<40x128xi32, #tpu.memory_space<vmem>> -> memref<1x128xi32, #tpu.memory_space<vmem>>
      %dma_start3A_228 = tpu.memref_squeeze %dma_start3A_227 : memref<1x128xi32, #tpu.memory_space<vmem>> -> memref<128xi32, #tpu.memory_space<vmem>>
      %dma_start3A_229 = arith.constant 0 : i32
      %dma_start3A_230 = tpu.memref_slice %arg19[%dma_start3A_229] : memref<10240xf32, #tpu.memory_space<vmem_shared>> -> memref<10240xf32, #tpu.memory_space<vmem_shared>>
      tpu.enqueue_indirect_dma source(%dma_start3A_230 : memref<10240xf32, #tpu.memory_space<vmem_shared>>) target(%dma_start3A_225 : memref<128xf32, #tpu.memory_space<vmem>>) offsets(%dma_start3A_228 : memref<128xi32, #tpu.memory_space<vmem>>) semaphore(%arg22 : memref<!tpu.dma_semaphore, #tpu.memory_space<semaphore_mem>>)
      %mul3A_231 = arith.constant 20 : i32
      %mul3A_232 = arith.muli %scan3A_99, %mul3A_231 : i32
      %add3A_233 = arith.constant 11 : i32
      %add3A_234 = arith.addi %mul3A_232, %add3A_233 : i32
      %dma_start3A_235 = arith.constant 0 : i32
      %dma_start3A_236 = tpu.memref_slice %arg9[%add3A_234, %dma_start3A_235] : memref<40x128xf32, #tpu.memory_space<vmem>> -> memref<1x128xf32, #tpu.memory_space<vmem>>
      %dma_start3A_237 = tpu.memref_squeeze %dma_start3A_236 : memref<1x128xf32, #tpu.memory_space<vmem>> -> memref<128xf32, #tpu.memory_space<vmem>>
      %dma_start3A_238 = arith.constant 0 : i32
      %dma_start3A_239 = tpu.memref_slice %arg7[%add3A_234, %dma_start3A_238] : memref<40x128xi32, #tpu.memory_space<vmem>> -> memref<1x128xi32, #tpu.memory_space<vmem>>
      %dma_start3A_240 = tpu.memref_squeeze %dma_start3A_239 : memref<1x128xi32, #tpu.memory_space<vmem>> -> memref<128xi32, #tpu.memory_space<vmem>>
      %dma_start3A_241 = arith.constant 0 : i32
      %dma_start3A_242 = tpu.memref_slice %arg19[%dma_start3A_241] : memref<10240xf32, #tpu.memory_space<vmem_shared>> -> memref<10240xf32, #tpu.memory_space<vmem_shared>>
      tpu.enqueue_indirect_dma source(%dma_start3A_242 : memref<10240xf32, #tpu.memory_space<vmem_shared>>) target(%dma_start3A_237 : memref<128xf32, #tpu.memory_space<vmem>>) offsets(%dma_start3A_240 : memref<128xi32, #tpu.memory_space<vmem>>) semaphore(%arg22 : memref<!tpu.dma_semaphore, #tpu.memory_space<semaphore_mem>>)
      %mul3A_243 = arith.constant 20 : i32
      %mul3A_244 = arith.muli %scan3A_99, %mul3A_243 : i32
      %add3A_245 = arith.constant 12 : i32
      %add3A_246 = arith.addi %mul3A_244, %add3A_245 : i32
      %dma_start3A_247 = arith.constant 0 : i32
      %dma_start3A_248 = tpu.memref_slice %arg9[%add3A_246, %dma_start3A_247] : memref<40x128xf32, #tpu.memory_space<vmem>> -> memref<1x128xf32, #tpu.memory_space<vmem>>
      %dma_start3A_249 = tpu.memref_squeeze %dma_start3A_248 : memref<1x128xf32, #tpu.memory_space<vmem>> -> memref<128xf32, #tpu.memory_space<vmem>>
      %dma_start3A_250 = arith.constant 0 : i32
      %dma_start3A_251 = tpu.memref_slice %arg7[%add3A_246, %dma_start3A_250] : memref<40x128xi32, #tpu.memory_space<vmem>> -> memref<1x128xi32, #tpu.memory_space<vmem>>
      %dma_start3A_252 = tpu.memref_squeeze %dma_start3A_251 : memref<1x128xi32, #tpu.memory_space<vmem>> -> memref<128xi32, #tpu.memory_space<vmem>>
      %dma_start3A_253 = arith.constant 0 : i32
      %dma_start3A_254 = tpu.memref_slice %arg19[%dma_start3A_253] : memref<10240xf32, #tpu.memory_space<vmem_shared>> -> memref<10240xf32, #tpu.memory_space<vmem_shared>>
      tpu.enqueue_indirect_dma source(%dma_start3A_254 : memref<10240xf32, #tpu.memory_space<vmem_shared>>) target(%dma_start3A_249 : memref<128xf32, #tpu.memory_space<vmem>>) offsets(%dma_start3A_252 : memref<128xi32, #tpu.memory_space<vmem>>) semaphore(%arg22 : memref<!tpu.dma_semaphore, #tpu.memory_space<semaphore_mem>>)
      %mul3A_255 = arith.constant 20 : i32
      %mul3A_256 = arith.muli %scan3A_99, %mul3A_255 : i32
      %add3A_257 = arith.constant 13 : i32
      %add3A_258 = arith.addi %mul3A_256, %add3A_257 : i32
      %dma_start3A_259 = arith.constant 0 : i32
      %dma_start3A_260 = tpu.memref_slice %arg9[%add3A_258, %dma_start3A_259] : memref<40x128xf32, #tpu.memory_space<vmem>> -> memref<1x128xf32, #tpu.memory_space<vmem>>
      %dma_start3A_261 = tpu.memref_squeeze %dma_start3A_260 : memref<1x128xf32, #tpu.memory_space<vmem>> -> memref<128xf32, #tpu.memory_space<vmem>>
      %dma_start3A_262 = arith.constant 0 : i32
      %dma_start3A_263 = tpu.memref_slice %arg7[%add3A_258, %dma_start3A_262] : memref<40x128xi32, #tpu.memory_space<vmem>> -> memref<1x128xi32, #tpu.memory_space<vmem>>
      %dma_start3A_264 = tpu.memref_squeeze %dma_start3A_263 : memref<1x128xi32, #tpu.memory_space<vmem>> -> memref<128xi32, #tpu.memory_space<vmem>>
      %dma_start3A_265 = arith.constant 0 : i32
      %dma_start3A_266 = tpu.memref_slice %arg19[%dma_start3A_265] : memref<10240xf32, #tpu.memory_space<vmem_shared>> -> memref<10240xf32, #tpu.memory_space<vmem_shared>>
      tpu.enqueue_indirect_dma source(%dma_start3A_266 : memref<10240xf32, #tpu.memory_space<vmem_shared>>) target(%dma_start3A_261 : memref<128xf32, #tpu.memory_space<vmem>>) offsets(%dma_start3A_264 : memref<128xi32, #tpu.memory_space<vmem>>) semaphore(%arg22 : memref<!tpu.dma_semaphore, #tpu.memory_space<semaphore_mem>>)
      %mul3A_267 = arith.constant 20 : i32
      %mul3A_268 = arith.muli %scan3A_99, %mul3A_267 : i32
      %add3A_269 = arith.constant 14 : i32
      %add3A_270 = arith.addi %mul3A_268, %add3A_269 : i32
      %dma_start3A_271 = arith.constant 0 : i32
      %dma_start3A_272 = tpu.memref_slice %arg9[%add3A_270, %dma_start3A_271] : memref<40x128xf32, #tpu.memory_space<vmem>> -> memref<1x128xf32, #tpu.memory_space<vmem>>
      %dma_start3A_273 = tpu.memref_squeeze %dma_start3A_272 : memref<1x128xf32, #tpu.memory_space<vmem>> -> memref<128xf32, #tpu.memory_space<vmem>>
      %dma_start3A_274 = arith.constant 0 : i32
      %dma_start3A_275 = tpu.memref_slice %arg7[%add3A_270, %dma_start3A_274] : memref<40x128xi32, #tpu.memory_space<vmem>> -> memref<1x128xi32, #tpu.memory_space<vmem>>
      %dma_start3A_276 = tpu.memref_squeeze %dma_start3A_275 : memref<1x128xi32, #tpu.memory_space<vmem>> -> memref<128xi32, #tpu.memory_space<vmem>>
      %dma_start3A_277 = arith.constant 0 : i32
      %dma_start3A_278 = tpu.memref_slice %arg19[%dma_start3A_277] : memref<10240xf32, #tpu.memory_space<vmem_shared>> -> memref<10240xf32, #tpu.memory_space<vmem_shared>>
      tpu.enqueue_indirect_dma source(%dma_start3A_278 : memref<10240xf32, #tpu.memory_space<vmem_shared>>) target(%dma_start3A_273 : memref<128xf32, #tpu.memory_space<vmem>>) offsets(%dma_start3A_276 : memref<128xi32, #tpu.memory_space<vmem>>) semaphore(%arg22 : memref<!tpu.dma_semaphore, #tpu.memory_space<semaphore_mem>>)
      %mul3A_279 = arith.constant 20 : i32
      %mul3A_280 = arith.muli %scan3A_99, %mul3A_279 : i32
      %add3A_281 = arith.constant 15 : i32
      %add3A_282 = arith.addi %mul3A_280, %add3A_281 : i32
      %dma_start3A_283 = arith.constant 0 : i32
      %dma_start3A_284 = tpu.memref_slice %arg9[%add3A_282, %dma_start3A_283] : memref<40x128xf32, #tpu.memory_space<vmem>> -> memref<1x128xf32, #tpu.memory_space<vmem>>
      %dma_start3A_285 = tpu.memref_squeeze %dma_start3A_284 : memref<1x128xf32, #tpu.memory_space<vmem>> -> memref<128xf32, #tpu.memory_space<vmem>>
      %dma_start3A_286 = arith.constant 0 : i32
      %dma_start3A_287 = tpu.memref_slice %arg7[%add3A_282, %dma_start3A_286] : memref<40x128xi32, #tpu.memory_space<vmem>> -> memref<1x128xi32, #tpu.memory_space<vmem>>
      %dma_start3A_288 = tpu.memref_squeeze %dma_start3A_287 : memref<1x128xi32, #tpu.memory_space<vmem>> -> memref<128xi32, #tpu.memory_space<vmem>>
      %dma_start3A_289 = arith.constant 0 : i32
      %dma_start3A_290 = tpu.memref_slice %arg19[%dma_start3A_289] : memref<10240xf32, #tpu.memory_space<vmem_shared>> -> memref<10240xf32, #tpu.memory_space<vmem_shared>>
      tpu.enqueue_indirect_dma source(%dma_start3A_290 : memref<10240xf32, #tpu.memory_space<vmem_shared>>) target(%dma_start3A_285 : memref<128xf32, #tpu.memory_space<vmem>>) offsets(%dma_start3A_288 : memref<128xi32, #tpu.memory_space<vmem>>) semaphore(%arg22 : memref<!tpu.dma_semaphore, #tpu.memory_space<semaphore_mem>>)
      %mul3A_291 = arith.constant 20 : i32
      %mul3A_292 = arith.muli %scan3A_99, %mul3A_291 : i32
      %add3A_293 = arith.constant 16 : i32
      %add3A_294 = arith.addi %mul3A_292, %add3A_293 : i32
      %dma_start3A_295 = arith.constant 0 : i32
      %dma_start3A_296 = tpu.memref_slice %arg9[%add3A_294, %dma_start3A_295] : memref<40x128xf32, #tpu.memory_space<vmem>> -> memref<1x128xf32, #tpu.memory_space<vmem>>
      %dma_start3A_297 = tpu.memref_squeeze %dma_start3A_296 : memref<1x128xf32, #tpu.memory_space<vmem>> -> memref<128xf32, #tpu.memory_space<vmem>>
      %dma_start3A_298 = arith.constant 0 : i32
      %dma_start3A_299 = tpu.memref_slice %arg7[%add3A_294, %dma_start3A_298] : memref<40x128xi32, #tpu.memory_space<vmem>> -> memref<1x128xi32, #tpu.memory_space<vmem>>
      %dma_start3A_300 = tpu.memref_squeeze %dma_start3A_299 : memref<1x128xi32, #tpu.memory_space<vmem>> -> memref<128xi32, #tpu.memory_space<vmem>>
      %dma_start3A_301 = arith.constant 0 : i32
      %dma_start3A_302 = tpu.memref_slice %arg19[%dma_start3A_301] : memref<10240xf32, #tpu.memory_space<vmem_shared>> -> memref<10240xf32, #tpu.memory_space<vmem_shared>>
      tpu.enqueue_indirect_dma source(%dma_start3A_302 : memref<10240xf32, #tpu.memory_space<vmem_shared>>) target(%dma_start3A_297 : memref<128xf32, #tpu.memory_space<vmem>>) offsets(%dma_start3A_300 : memref<128xi32, #tpu.memory_space<vmem>>) semaphore(%arg22 : memref<!tpu.dma_semaphore, #tpu.memory_space<semaphore_mem>>)
      %mul3A_303 = arith.constant 20 : i32
      %mul3A_304 = arith.muli %scan3A_99, %mul3A_303 : i32
      %add3A_305 = arith.constant 17 : i32
      %add3A_306 = arith.addi %mul3A_304, %add3A_305 : i32
      %dma_start3A_307 = arith.constant 0 : i32
      %dma_start3A_308 = tpu.memref_slice %arg9[%add3A_306, %dma_start3A_307] : memref<40x128xf32, #tpu.memory_space<vmem>> -> memref<1x128xf32, #tpu.memory_space<vmem>>
      %dma_start3A_309 = tpu.memref_squeeze %dma_start3A_308 : memref<1x128xf32, #tpu.memory_space<vmem>> -> memref<128xf32, #tpu.memory_space<vmem>>
      %dma_start3A_310 = arith.constant 0 : i32
      %dma_start3A_311 = tpu.memref_slice %arg7[%add3A_306, %dma_start3A_310] : memref<40x128xi32, #tpu.memory_space<vmem>> -> memref<1x128xi32, #tpu.memory_space<vmem>>
      %dma_start3A_312 = tpu.memref_squeeze %dma_start3A_311 : memref<1x128xi32, #tpu.memory_space<vmem>> -> memref<128xi32, #tpu.memory_space<vmem>>
      %dma_start3A_313 = arith.constant 0 : i32
      %dma_start3A_314 = tpu.memref_slice %arg19[%dma_start3A_313] : memref<10240xf32, #tpu.memory_space<vmem_shared>> -> memref<10240xf32, #tpu.memory_space<vmem_shared>>
      tpu.enqueue_indirect_dma source(%dma_start3A_314 : memref<10240xf32, #tpu.memory_space<vmem_shared>>) target(%dma_start3A_309 : memref<128xf32, #tpu.memory_space<vmem>>) offsets(%dma_start3A_312 : memref<128xi32, #tpu.memory_space<vmem>>) semaphore(%arg22 : memref<!tpu.dma_semaphore, #tpu.memory_space<semaphore_mem>>)
      %mul3A_315 = arith.constant 20 : i32
      %mul3A_316 = arith.muli %scan3A_99, %mul3A_315 : i32
      %add3A_317 = arith.constant 18 : i32
      %add3A_318 = arith.addi %mul3A_316, %add3A_317 : i32
      %dma_start3A_319 = arith.constant 0 : i32
      %dma_start3A_320 = tpu.memref_slice %arg9[%add3A_318, %dma_start3A_319] : memref<40x128xf32, #tpu.memory_space<vmem>> -> memref<1x128xf32, #tpu.memory_space<vmem>>
      %dma_start3A_321 = tpu.memref_squeeze %dma_start3A_320 : memref<1x128xf32, #tpu.memory_space<vmem>> -> memref<128xf32, #tpu.memory_space<vmem>>
      %dma_start3A_322 = arith.constant 0 : i32
      %dma_start3A_323 = tpu.memref_slice %arg7[%add3A_318, %dma_start3A_322] : memref<40x128xi32, #tpu.memory_space<vmem>> -> memref<1x128xi32, #tpu.memory_space<vmem>>
      %dma_start3A_324 = tpu.memref_squeeze %dma_start3A_323 : memref<1x128xi32, #tpu.memory_space<vmem>> -> memref<128xi32, #tpu.memory_space<vmem>>
      %dma_start3A_325 = arith.constant 0 : i32
      %dma_start3A_326 = tpu.memref_slice %arg19[%dma_start3A_325] : memref<10240xf32, #tpu.memory_space<vmem_shared>> -> memref<10240xf32, #tpu.memory_space<vmem_shared>>
      tpu.enqueue_indirect_dma source(%dma_start3A_326 : memref<10240xf32, #tpu.memory_space<vmem_shared>>) target(%dma_start3A_321 : memref<128xf32, #tpu.memory_space<vmem>>) offsets(%dma_start3A_324 : memref<128xi32, #tpu.memory_space<vmem>>) semaphore(%arg22 : memref<!tpu.dma_semaphore, #tpu.memory_space<semaphore_mem>>)
      %mul3A_327 = arith.constant 20 : i32
      %mul3A_328 = arith.muli %scan3A_99, %mul3A_327 : i32
      %add3A_329 = arith.constant 19 : i32
      %add3A_330 = arith.addi %mul3A_328, %add3A_329 : i32
      %dma_start3A_331 = arith.constant 0 : i32
      %dma_start3A_332 = tpu.memref_slice %arg9[%add3A_330, %dma_start3A_331] : memref<40x128xf32, #tpu.memory_space<vmem>> -> memref<1x128xf32, #tpu.memory_space<vmem>>
      %dma_start3A_333 = tpu.memref_squeeze %dma_start3A_332 : memref<1x128xf32, #tpu.memory_space<vmem>> -> memref<128xf32, #tpu.memory_space<vmem>>
      %dma_start3A_334 = arith.constant 0 : i32
      %dma_start3A_335 = tpu.memref_slice %arg7[%add3A_330, %dma_start3A_334] : memref<40x128xi32, #tpu.memory_space<vmem>> -> memref<1x128xi32, #tpu.memory_space<vmem>>
      %dma_start3A_336 = tpu.memref_squeeze %dma_start3A_335 : memref<1x128xi32, #tpu.memory_space<vmem>> -> memref<128xi32, #tpu.memory_space<vmem>>
      %dma_start3A_337 = arith.constant 0 : i32
      %dma_start3A_338 = tpu.memref_slice %arg19[%dma_start3A_337] : memref<10240xf32, #tpu.memory_space<vmem_shared>> -> memref<10240xf32, #tpu.memory_space<vmem_shared>>
      tpu.enqueue_indirect_dma source(%dma_start3A_338 : memref<10240xf32, #tpu.memory_space<vmem_shared>>) target(%dma_start3A_333 : memref<128xf32, #tpu.memory_space<vmem>>) offsets(%dma_start3A_336 : memref<128xi32, #tpu.memory_space<vmem>>) semaphore(%arg22 : memref<!tpu.dma_semaphore, #tpu.memory_space<semaphore_mem>>)
      %mul3A_339 = arith.constant 20 : i32
      %mul3A_340 = arith.muli %scan3A_99, %mul3A_339 : i32
      %add3A_341 = arith.constant 0 : i32
      %add3A_342 = arith.addi %mul3A_340, %add3A_341 : i32
      %dma_wait3A = arith.constant 0 : i32
      %dma_wait3A_343 = tpu.memref_slice %arg9[%add3A_342, %dma_wait3A] : memref<40x128xf32, #tpu.memory_space<vmem>> -> memref<1x128xf32, #tpu.memory_space<vmem>>
      %dma_wait3A_344 = tpu.memref_squeeze %dma_wait3A_343 : memref<1x128xf32, #tpu.memory_space<vmem>> -> memref<128xf32, #tpu.memory_space<vmem>>
      %dma_wait3A_345 = arith.constant 0 : i32
      %dma_wait3A_346 = tpu.memref_slice %arg7[%add3A_342, %dma_wait3A_345] : memref<40x128xi32, #tpu.memory_space<vmem>> -> memref<1x128xi32, #tpu.memory_space<vmem>>
      %dma_wait3A_347 = tpu.memref_squeeze %dma_wait3A_346 : memref<1x128xi32, #tpu.memory_space<vmem>> -> memref<128xi32, #tpu.memory_space<vmem>>
      %dma_wait3A_348 = arith.constant 0 : i32
      %dma_wait3A_349 = tpu.memref_slice %arg19[%dma_wait3A_348] : memref<10240xf32, #tpu.memory_space<vmem_shared>> -> memref<10240xf32, #tpu.memory_space<vmem_shared>>
      tpu.wait_indirect_dma semaphore(%arg22 : memref<!tpu.dma_semaphore, #tpu.memory_space<semaphore_mem>>) src(%dma_wait3A_349 : memref<10240xf32, #tpu.memory_space<vmem_shared>>) dst(%dma_wait3A_344 : memref<128xf32, #tpu.memory_space<vmem>>)
      %mul3A_350 = arith.constant 20 : i32
      %mul3A_351 = arith.muli %scan3A_99, %mul3A_350 : i32
      %add3A_352 = arith.constant 1 : i32
      %add3A_353 = arith.addi %mul3A_351, %add3A_352 : i32
      %dma_wait3A_354 = arith.constant 0 : i32
      %dma_wait3A_355 = tpu.memref_slice %arg9[%add3A_353, %dma_wait3A_354] : memref<40x128xf32, #tpu.memory_space<vmem>> -> memref<1x128xf32, #tpu.memory_space<vmem>>
      %dma_wait3A_356 = tpu.memref_squeeze %dma_wait3A_355 : memref<1x128xf32, #tpu.memory_space<vmem>> -> memref<128xf32, #tpu.memory_space<vmem>>
      %dma_wait3A_357 = arith.constant 0 : i32
      %dma_wait3A_358 = tpu.memref_slice %arg7[%add3A_353, %dma_wait3A_357] : memref<40x128xi32, #tpu.memory_space<vmem>> -> memref<1x128xi32, #tpu.memory_space<vmem>>
      %dma_wait3A_359 = tpu.memref_squeeze %dma_wait3A_358 : memref<1x128xi32, #tpu.memory_space<vmem>> -> memref<128xi32, #tpu.memory_space<vmem>>
      %dma_wait3A_360 = arith.constant 0 : i32
      %dma_wait3A_361 = tpu.memref_slice %arg19[%dma_wait3A_360] : memref<10240xf32, #tpu.memory_space<vmem_shared>> -> memref<10240xf32, #tpu.memory_space<vmem_shared>>
      tpu.wait_indirect_dma semaphore(%arg22 : memref<!tpu.dma_semaphore, #tpu.memory_space<semaphore_mem>>) src(%dma_wait3A_361 : memref<10240xf32, #tpu.memory_space<vmem_shared>>) dst(%dma_wait3A_356 : memref<128xf32, #tpu.memory_space<vmem>>)
      %mul3A_362 = arith.constant 20 : i32
      %mul3A_363 = arith.muli %scan3A_99, %mul3A_362 : i32
      %add3A_364 = arith.constant 2 : i32
      %add3A_365 = arith.addi %mul3A_363, %add3A_364 : i32
      %dma_wait3A_366 = arith.constant 0 : i32
      %dma_wait3A_367 = tpu.memref_slice %arg9[%add3A_365, %dma_wait3A_366] : memref<40x128xf32, #tpu.memory_space<vmem>> -> memref<1x128xf32, #tpu.memory_space<vmem>>
      %dma_wait3A_368 = tpu.memref_squeeze %dma_wait3A_367 : memref<1x128xf32, #tpu.memory_space<vmem>> -> memref<128xf32, #tpu.memory_space<vmem>>
      %dma_wait3A_369 = arith.constant 0 : i32
      %dma_wait3A_370 = tpu.memref_slice %arg7[%add3A_365, %dma_wait3A_369] : memref<40x128xi32, #tpu.memory_space<vmem>> -> memref<1x128xi32, #tpu.memory_space<vmem>>
      %dma_wait3A_371 = tpu.memref_squeeze %dma_wait3A_370 : memref<1x128xi32, #tpu.memory_space<vmem>> -> memref<128xi32, #tpu.memory_space<vmem>>
      %dma_wait3A_372 = arith.constant 0 : i32
      %dma_wait3A_373 = tpu.memref_slice %arg19[%dma_wait3A_372] : memref<10240xf32, #tpu.memory_space<vmem_shared>> -> memref<10240xf32, #tpu.memory_space<vmem_shared>>
      tpu.wait_indirect_dma semaphore(%arg22 : memref<!tpu.dma_semaphore, #tpu.memory_space<semaphore_mem>>) src(%dma_wait3A_373 : memref<10240xf32, #tpu.memory_space<vmem_shared>>) dst(%dma_wait3A_368 : memref<128xf32, #tpu.memory_space<vmem>>)
      %mul3A_374 = arith.constant 20 : i32
      %mul3A_375 = arith.muli %scan3A_99, %mul3A_374 : i32
      %add3A_376 = arith.constant 3 : i32
      %add3A_377 = arith.addi %mul3A_375, %add3A_376 : i32
      %dma_wait3A_378 = arith.constant 0 : i32
      %dma_wait3A_379 = tpu.memref_slice %arg9[%add3A_377, %dma_wait3A_378] : memref<40x128xf32, #tpu.memory_space<vmem>> -> memref<1x128xf32, #tpu.memory_space<vmem>>
      %dma_wait3A_380 = tpu.memref_squeeze %dma_wait3A_379 : memref<1x128xf32, #tpu.memory_space<vmem>> -> memref<128xf32, #tpu.memory_space<vmem>>
      %dma_wait3A_381 = arith.constant 0 : i32
      %dma_wait3A_382 = tpu.memref_slice %arg7[%add3A_377, %dma_wait3A_381] : memref<40x128xi32, #tpu.memory_space<vmem>> -> memref<1x128xi32, #tpu.memory_space<vmem>>
      %dma_wait3A_383 = tpu.memref_squeeze %dma_wait3A_382 : memref<1x128xi32, #tpu.memory_space<vmem>> -> memref<128xi32, #tpu.memory_space<vmem>>
      %dma_wait3A_384 = arith.constant 0 : i32
      %dma_wait3A_385 = tpu.memref_slice %arg19[%dma_wait3A_384] : memref<10240xf32, #tpu.memory_space<vmem_shared>> -> memref<10240xf32, #tpu.memory_space<vmem_shared>>
      tpu.wait_indirect_dma semaphore(%arg22 : memref<!tpu.dma_semaphore, #tpu.memory_space<semaphore_mem>>) src(%dma_wait3A_385 : memref<10240xf32, #tpu.memory_space<vmem_shared>>) dst(%dma_wait3A_380 : memref<128xf32, #tpu.memory_space<vmem>>)
      %mul3A_386 = arith.constant 20 : i32
      %mul3A_387 = arith.muli %scan3A_99, %mul3A_386 : i32
      %add3A_388 = arith.constant 4 : i32
      %add3A_389 = arith.addi %mul3A_387, %add3A_388 : i32
      %dma_wait3A_390 = arith.constant 0 : i32
      %dma_wait3A_391 = tpu.memref_slice %arg9[%add3A_389, %dma_wait3A_390] : memref<40x128xf32, #tpu.memory_space<vmem>> -> memref<1x128xf32, #tpu.memory_space<vmem>>
      %dma_wait3A_392 = tpu.memref_squeeze %dma_wait3A_391 : memref<1x128xf32, #tpu.memory_space<vmem>> -> memref<128xf32, #tpu.memory_space<vmem>>
      %dma_wait3A_393 = arith.constant 0 : i32
      %dma_wait3A_394 = tpu.memref_slice %arg7[%add3A_389, %dma_wait3A_393] : memref<40x128xi32, #tpu.memory_space<vmem>> -> memref<1x128xi32, #tpu.memory_space<vmem>>
      %dma_wait3A_395 = tpu.memref_squeeze %dma_wait3A_394 : memref<1x128xi32, #tpu.memory_space<vmem>> -> memref<128xi32, #tpu.memory_space<vmem>>
      %dma_wait3A_396 = arith.constant 0 : i32
      %dma_wait3A_397 = tpu.memref_slice %arg19[%dma_wait3A_396] : memref<10240xf32, #tpu.memory_space<vmem_shared>> -> memref<10240xf32, #tpu.memory_space<vmem_shared>>
      tpu.wait_indirect_dma semaphore(%arg22 : memref<!tpu.dma_semaphore, #tpu.memory_space<semaphore_mem>>) src(%dma_wait3A_397 : memref<10240xf32, #tpu.memory_space<vmem_shared>>) dst(%dma_wait3A_392 : memref<128xf32, #tpu.memory_space<vmem>>)
      %mul3A_398 = arith.constant 20 : i32
      %mul3A_399 = arith.muli %scan3A_99, %mul3A_398 : i32
      %add3A_400 = arith.constant 5 : i32
      %add3A_401 = arith.addi %mul3A_399, %add3A_400 : i32
      %dma_wait3A_402 = arith.constant 0 : i32
      %dma_wait3A_403 = tpu.memref_slice %arg9[%add3A_401, %dma_wait3A_402] : memref<40x128xf32, #tpu.memory_space<vmem>> -> memref<1x128xf32, #tpu.memory_space<vmem>>
      %dma_wait3A_404 = tpu.memref_squeeze %dma_wait3A_403 : memref<1x128xf32, #tpu.memory_space<vmem>> -> memref<128xf32, #tpu.memory_space<vmem>>
      %dma_wait3A_405 = arith.constant 0 : i32
      %dma_wait3A_406 = tpu.memref_slice %arg7[%add3A_401, %dma_wait3A_405] : memref<40x128xi32, #tpu.memory_space<vmem>> -> memref<1x128xi32, #tpu.memory_space<vmem>>
      %dma_wait3A_407 = tpu.memref_squeeze %dma_wait3A_406 : memref<1x128xi32, #tpu.memory_space<vmem>> -> memref<128xi32, #tpu.memory_space<vmem>>
      %dma_wait3A_408 = arith.constant 0 : i32
      %dma_wait3A_409 = tpu.memref_slice %arg19[%dma_wait3A_408] : memref<10240xf32, #tpu.memory_space<vmem_shared>> -> memref<10240xf32, #tpu.memory_space<vmem_shared>>
      tpu.wait_indirect_dma semaphore(%arg22 : memref<!tpu.dma_semaphore, #tpu.memory_space<semaphore_mem>>) src(%dma_wait3A_409 : memref<10240xf32, #tpu.memory_space<vmem_shared>>) dst(%dma_wait3A_404 : memref<128xf32, #tpu.memory_space<vmem>>)
      %mul3A_410 = arith.constant 20 : i32
      %mul3A_411 = arith.muli %scan3A_99, %mul3A_410 : i32
      %add3A_412 = arith.constant 6 : i32
      %add3A_413 = arith.addi %mul3A_411, %add3A_412 : i32
      %dma_wait3A_414 = arith.constant 0 : i32
      %dma_wait3A_415 = tpu.memref_slice %arg9[%add3A_413, %dma_wait3A_414] : memref<40x128xf32, #tpu.memory_space<vmem>> -> memref<1x128xf32, #tpu.memory_space<vmem>>
      %dma_wait3A_416 = tpu.memref_squeeze %dma_wait3A_415 : memref<1x128xf32, #tpu.memory_space<vmem>> -> memref<128xf32, #tpu.memory_space<vmem>>
      %dma_wait3A_417 = arith.constant 0 : i32
      %dma_wait3A_418 = tpu.memref_slice %arg7[%add3A_413, %dma_wait3A_417] : memref<40x128xi32, #tpu.memory_space<vmem>> -> memref<1x128xi32, #tpu.memory_space<vmem>>
      %dma_wait3A_419 = tpu.memref_squeeze %dma_wait3A_418 : memref<1x128xi32, #tpu.memory_space<vmem>> -> memref<128xi32, #tpu.memory_space<vmem>>
      %dma_wait3A_420 = arith.constant 0 : i32
      %dma_wait3A_421 = tpu.memref_slice %arg19[%dma_wait3A_420] : memref<10240xf32, #tpu.memory_space<vmem_shared>> -> memref<10240xf32, #tpu.memory_space<vmem_shared>>
      tpu.wait_indirect_dma semaphore(%arg22 : memref<!tpu.dma_semaphore, #tpu.memory_space<semaphore_mem>>) src(%dma_wait3A_421 : memref<10240xf32, #tpu.memory_space<vmem_shared>>) dst(%dma_wait3A_416 : memref<128xf32, #tpu.memory_space<vmem>>)
      %mul3A_422 = arith.constant 20 : i32
      %mul3A_423 = arith.muli %scan3A_99, %mul3A_422 : i32
      %add3A_424 = arith.constant 7 : i32
      %add3A_425 = arith.addi %mul3A_423, %add3A_424 : i32
      %dma_wait3A_426 = arith.constant 0 : i32
      %dma_wait3A_427 = tpu.memref_slice %arg9[%add3A_425, %dma_wait3A_426] : memref<40x128xf32, #tpu.memory_space<vmem>> -> memref<1x128xf32, #tpu.memory_space<vmem>>
      %dma_wait3A_428 = tpu.memref_squeeze %dma_wait3A_427 : memref<1x128xf32, #tpu.memory_space<vmem>> -> memref<128xf32, #tpu.memory_space<vmem>>
      %dma_wait3A_429 = arith.constant 0 : i32
      %dma_wait3A_430 = tpu.memref_slice %arg7[%add3A_425, %dma_wait3A_429] : memref<40x128xi32, #tpu.memory_space<vmem>> -> memref<1x128xi32, #tpu.memory_space<vmem>>
      %dma_wait3A_431 = tpu.memref_squeeze %dma_wait3A_430 : memref<1x128xi32, #tpu.memory_space<vmem>> -> memref<128xi32, #tpu.memory_space<vmem>>
      %dma_wait3A_432 = arith.constant 0 : i32
      %dma_wait3A_433 = tpu.memref_slice %arg19[%dma_wait3A_432] : memref<10240xf32, #tpu.memory_space<vmem_shared>> -> memref<10240xf32, #tpu.memory_space<vmem_shared>>
      tpu.wait_indirect_dma semaphore(%arg22 : memref<!tpu.dma_semaphore, #tpu.memory_space<semaphore_mem>>) src(%dma_wait3A_433 : memref<10240xf32, #tpu.memory_space<vmem_shared>>) dst(%dma_wait3A_428 : memref<128xf32, #tpu.memory_space<vmem>>)
      %mul3A_434 = arith.constant 20 : i32
      %mul3A_435 = arith.muli %scan3A_99, %mul3A_434 : i32
      %add3A_436 = arith.constant 8 : i32
      %add3A_437 = arith.addi %mul3A_435, %add3A_436 : i32
      %dma_wait3A_438 = arith.constant 0 : i32
      %dma_wait3A_439 = tpu.memref_slice %arg9[%add3A_437, %dma_wait3A_438] : memref<40x128xf32, #tpu.memory_space<vmem>> -> memref<1x128xf32, #tpu.memory_space<vmem>>
      %dma_wait3A_440 = tpu.memref_squeeze %dma_wait3A_439 : memref<1x128xf32, #tpu.memory_space<vmem>> -> memref<128xf32, #tpu.memory_space<vmem>>
      %dma_wait3A_441 = arith.constant 0 : i32
      %dma_wait3A_442 = tpu.memref_slice %arg7[%add3A_437, %dma_wait3A_441] : memref<40x128xi32, #tpu.memory_space<vmem>> -> memref<1x128xi32, #tpu.memory_space<vmem>>
      %dma_wait3A_443 = tpu.memref_squeeze %dma_wait3A_442 : memref<1x128xi32, #tpu.memory_space<vmem>> -> memref<128xi32, #tpu.memory_space<vmem>>
      %dma_wait3A_444 = arith.constant 0 : i32
      %dma_wait3A_445 = tpu.memref_slice %arg19[%dma_wait3A_444] : memref<10240xf32, #tpu.memory_space<vmem_shared>> -> memref<10240xf32, #tpu.memory_space<vmem_shared>>
      tpu.wait_indirect_dma semaphore(%arg22 : memref<!tpu.dma_semaphore, #tpu.memory_space<semaphore_mem>>) src(%dma_wait3A_445 : memref<10240xf32, #tpu.memory_space<vmem_shared>>) dst(%dma_wait3A_440 : memref<128xf32, #tpu.memory_space<vmem>>)
      %mul3A_446 = arith.constant 20 : i32
      %mul3A_447 = arith.muli %scan3A_99, %mul3A_446 : i32
      %add3A_448 = arith.constant 9 : i32
      %add3A_449 = arith.addi %mul3A_447, %add3A_448 : i32
      %dma_wait3A_450 = arith.constant 0 : i32
      %dma_wait3A_451 = tpu.memref_slice %arg9[%add3A_449, %dma_wait3A_450] : memref<40x128xf32, #tpu.memory_space<vmem>> -> memref<1x128xf32, #tpu.memory_space<vmem>>
      %dma_wait3A_452 = tpu.memref_squeeze %dma_wait3A_451 : memref<1x128xf32, #tpu.memory_space<vmem>> -> memref<128xf32, #tpu.memory_space<vmem>>
      %dma_wait3A_453 = arith.constant 0 : i32
      %dma_wait3A_454 = tpu.memref_slice %arg7[%add3A_449, %dma_wait3A_453] : memref<40x128xi32, #tpu.memory_space<vmem>> -> memref<1x128xi32, #tpu.memory_space<vmem>>
      %dma_wait3A_455 = tpu.memref_squeeze %dma_wait3A_454 : memref<1x128xi32, #tpu.memory_space<vmem>> -> memref<128xi32, #tpu.memory_space<vmem>>
      %dma_wait3A_456 = arith.constant 0 : i32
      %dma_wait3A_457 = tpu.memref_slice %arg19[%dma_wait3A_456] : memref<10240xf32, #tpu.memory_space<vmem_shared>> -> memref<10240xf32, #tpu.memory_space<vmem_shared>>
      tpu.wait_indirect_dma semaphore(%arg22 : memref<!tpu.dma_semaphore, #tpu.memory_space<semaphore_mem>>) src(%dma_wait3A_457 : memref<10240xf32, #tpu.memory_space<vmem_shared>>) dst(%dma_wait3A_452 : memref<128xf32, #tpu.memory_space<vmem>>)
      %mul3A_458 = arith.constant 20 : i32
      %mul3A_459 = arith.muli %scan3A_99, %mul3A_458 : i32
      %add3A_460 = arith.constant 10 : i32
      %add3A_461 = arith.addi %mul3A_459, %add3A_460 : i32
      %dma_wait3A_462 = arith.constant 0 : i32
      %dma_wait3A_463 = tpu.memref_slice %arg9[%add3A_461, %dma_wait3A_462] : memref<40x128xf32, #tpu.memory_space<vmem>> -> memref<1x128xf32, #tpu.memory_space<vmem>>
      %dma_wait3A_464 = tpu.memref_squeeze %dma_wait3A_463 : memref<1x128xf32, #tpu.memory_space<vmem>> -> memref<128xf32, #tpu.memory_space<vmem>>
      %dma_wait3A_465 = arith.constant 0 : i32
      %dma_wait3A_466 = tpu.memref_slice %arg7[%add3A_461, %dma_wait3A_465] : memref<40x128xi32, #tpu.memory_space<vmem>> -> memref<1x128xi32, #tpu.memory_space<vmem>>
      %dma_wait3A_467 = tpu.memref_squeeze %dma_wait3A_466 : memref<1x128xi32, #tpu.memory_space<vmem>> -> memref<128xi32, #tpu.memory_space<vmem>>
      %dma_wait3A_468 = arith.constant 0 : i32
      %dma_wait3A_469 = tpu.memref_slice %arg19[%dma_wait3A_468] : memref<10240xf32, #tpu.memory_space<vmem_shared>> -> memref<10240xf32, #tpu.memory_space<vmem_shared>>
      tpu.wait_indirect_dma semaphore(%arg22 : memref<!tpu.dma_semaphore, #tpu.memory_space<semaphore_mem>>) src(%dma_wait3A_469 : memref<10240xf32, #tpu.memory_space<vmem_shared>>) dst(%dma_wait3A_464 : memref<128xf32, #tpu.memory_space<vmem>>)
      %mul3A_470 = arith.constant 20 : i32
      %mul3A_471 = arith.muli %scan3A_99, %mul3A_470 : i32
      %add3A_472 = arith.constant 11 : i32
      %add3A_473 = arith.addi %mul3A_471, %add3A_472 : i32
      %dma_wait3A_474 = arith.constant 0 : i32
      %dma_wait3A_475 = tpu.memref_slice %arg9[%add3A_473, %dma_wait3A_474] : memref<40x128xf32, #tpu.memory_space<vmem>> -> memref<1x128xf32, #tpu.memory_space<vmem>>
      %dma_wait3A_476 = tpu.memref_squeeze %dma_wait3A_475 : memref<1x128xf32, #tpu.memory_space<vmem>> -> memref<128xf32, #tpu.memory_space<vmem>>
      %dma_wait3A_477 = arith.constant 0 : i32
      %dma_wait3A_478 = tpu.memref_slice %arg7[%add3A_473, %dma_wait3A_477] : memref<40x128xi32, #tpu.memory_space<vmem>> -> memref<1x128xi32, #tpu.memory_space<vmem>>
      %dma_wait3A_479 = tpu.memref_squeeze %dma_wait3A_478 : memref<1x128xi32, #tpu.memory_space<vmem>> -> memref<128xi32, #tpu.memory_space<vmem>>
      %dma_wait3A_480 = arith.constant 0 : i32
      %dma_wait3A_481 = tpu.memref_slice %arg19[%dma_wait3A_480] : memref<10240xf32, #tpu.memory_space<vmem_shared>> -> memref<10240xf32, #tpu.memory_space<vmem_shared>>
      tpu.wait_indirect_dma semaphore(%arg22 : memref<!tpu.dma_semaphore, #tpu.memory_space<semaphore_mem>>) src(%dma_wait3A_481 : memref<10240xf32, #tpu.memory_space<vmem_shared>>) dst(%dma_wait3A_476 : memref<128xf32, #tpu.memory_space<vmem>>)
      %mul3A_482 = arith.constant 20 : i32
      %mul3A_483 = arith.muli %scan3A_99, %mul3A_482 : i32
      %add3A_484 = arith.constant 12 : i32
      %add3A_485 = arith.addi %mul3A_483, %add3A_484 : i32
      %dma_wait3A_486 = arith.constant 0 : i32
      %dma_wait3A_487 = tpu.memref_slice %arg9[%add3A_485, %dma_wait3A_486] : memref<40x128xf32, #tpu.memory_space<vmem>> -> memref<1x128xf32, #tpu.memory_space<vmem>>
      %dma_wait3A_488 = tpu.memref_squeeze %dma_wait3A_487 : memref<1x128xf32, #tpu.memory_space<vmem>> -> memref<128xf32, #tpu.memory_space<vmem>>
      %dma_wait3A_489 = arith.constant 0 : i32
      %dma_wait3A_490 = tpu.memref_slice %arg7[%add3A_485, %dma_wait3A_489] : memref<40x128xi32, #tpu.memory_space<vmem>> -> memref<1x128xi32, #tpu.memory_space<vmem>>
      %dma_wait3A_491 = tpu.memref_squeeze %dma_wait3A_490 : memref<1x128xi32, #tpu.memory_space<vmem>> -> memref<128xi32, #tpu.memory_space<vmem>>
      %dma_wait3A_492 = arith.constant 0 : i32
      %dma_wait3A_493 = tpu.memref_slice %arg19[%dma_wait3A_492] : memref<10240xf32, #tpu.memory_space<vmem_shared>> -> memref<10240xf32, #tpu.memory_space<vmem_shared>>
      tpu.wait_indirect_dma semaphore(%arg22 : memref<!tpu.dma_semaphore, #tpu.memory_space<semaphore_mem>>) src(%dma_wait3A_493 : memref<10240xf32, #tpu.memory_space<vmem_shared>>) dst(%dma_wait3A_488 : memref<128xf32, #tpu.memory_space<vmem>>)
      %mul3A_494 = arith.constant 20 : i32
      %mul3A_495 = arith.muli %scan3A_99, %mul3A_494 : i32
      %add3A_496 = arith.constant 13 : i32
      %add3A_497 = arith.addi %mul3A_495, %add3A_496 : i32
      %dma_wait3A_498 = arith.constant 0 : i32
      %dma_wait3A_499 = tpu.memref_slice %arg9[%add3A_497, %dma_wait3A_498] : memref<40x128xf32, #tpu.memory_space<vmem>> -> memref<1x128xf32, #tpu.memory_space<vmem>>
      %dma_wait3A_500 = tpu.memref_squeeze %dma_wait3A_499 : memref<1x128xf32, #tpu.memory_space<vmem>> -> memref<128xf32, #tpu.memory_space<vmem>>
      %dma_wait3A_501 = arith.constant 0 : i32
      %dma_wait3A_502 = tpu.memref_slice %arg7[%add3A_497, %dma_wait3A_501] : memref<40x128xi32, #tpu.memory_space<vmem>> -> memref<1x128xi32, #tpu.memory_space<vmem>>
      %dma_wait3A_503 = tpu.memref_squeeze %dma_wait3A_502 : memref<1x128xi32, #tpu.memory_space<vmem>> -> memref<128xi32, #tpu.memory_space<vmem>>
      %dma_wait3A_504 = arith.constant 0 : i32
      %dma_wait3A_505 = tpu.memref_slice %arg19[%dma_wait3A_504] : memref<10240xf32, #tpu.memory_space<vmem_shared>> -> memref<10240xf32, #tpu.memory_space<vmem_shared>>
      tpu.wait_indirect_dma semaphore(%arg22 : memref<!tpu.dma_semaphore, #tpu.memory_space<semaphore_mem>>) src(%dma_wait3A_505 : memref<10240xf32, #tpu.memory_space<vmem_shared>>) dst(%dma_wait3A_500 : memref<128xf32, #tpu.memory_space<vmem>>)
      %mul3A_506 = arith.constant 20 : i32
      %mul3A_507 = arith.muli %scan3A_99, %mul3A_506 : i32
      %add3A_508 = arith.constant 14 : i32
      %add3A_509 = arith.addi %mul3A_507, %add3A_508 : i32
      %dma_wait3A_510 = arith.constant 0 : i32
      %dma_wait3A_511 = tpu.memref_slice %arg9[%add3A_509, %dma_wait3A_510] : memref<40x128xf32, #tpu.memory_space<vmem>> -> memref<1x128xf32, #tpu.memory_space<vmem>>
      %dma_wait3A_512 = tpu.memref_squeeze %dma_wait3A_511 : memref<1x128xf32, #tpu.memory_space<vmem>> -> memref<128xf32, #tpu.memory_space<vmem>>
      %dma_wait3A_513 = arith.constant 0 : i32
      %dma_wait3A_514 = tpu.memref_slice %arg7[%add3A_509, %dma_wait3A_513] : memref<40x128xi32, #tpu.memory_space<vmem>> -> memref<1x128xi32, #tpu.memory_space<vmem>>
      %dma_wait3A_515 = tpu.memref_squeeze %dma_wait3A_514 : memref<1x128xi32, #tpu.memory_space<vmem>> -> memref<128xi32, #tpu.memory_space<vmem>>
      %dma_wait3A_516 = arith.constant 0 : i32
      %dma_wait3A_517 = tpu.memref_slice %arg19[%dma_wait3A_516] : memref<10240xf32, #tpu.memory_space<vmem_shared>> -> memref<10240xf32, #tpu.memory_space<vmem_shared>>
      tpu.wait_indirect_dma semaphore(%arg22 : memref<!tpu.dma_semaphore, #tpu.memory_space<semaphore_mem>>) src(%dma_wait3A_517 : memref<10240xf32, #tpu.memory_space<vmem_shared>>) dst(%dma_wait3A_512 : memref<128xf32, #tpu.memory_space<vmem>>)
      %mul3A_518 = arith.constant 20 : i32
      %mul3A_519 = arith.muli %scan3A_99, %mul3A_518 : i32
      %add3A_520 = arith.constant 15 : i32
      %add3A_521 = arith.addi %mul3A_519, %add3A_520 : i32
      %dma_wait3A_522 = arith.constant 0 : i32
      %dma_wait3A_523 = tpu.memref_slice %arg9[%add3A_521, %dma_wait3A_522] : memref<40x128xf32, #tpu.memory_space<vmem>> -> memref<1x128xf32, #tpu.memory_space<vmem>>
      %dma_wait3A_524 = tpu.memref_squeeze %dma_wait3A_523 : memref<1x128xf32, #tpu.memory_space<vmem>> -> memref<128xf32, #tpu.memory_space<vmem>>
      %dma_wait3A_525 = arith.constant 0 : i32
      %dma_wait3A_526 = tpu.memref_slice %arg7[%add3A_521, %dma_wait3A_525] : memref<40x128xi32, #tpu.memory_space<vmem>> -> memref<1x128xi32, #tpu.memory_space<vmem>>
      %dma_wait3A_527 = tpu.memref_squeeze %dma_wait3A_526 : memref<1x128xi32, #tpu.memory_space<vmem>> -> memref<128xi32, #tpu.memory_space<vmem>>
      %dma_wait3A_528 = arith.constant 0 : i32
      %dma_wait3A_529 = tpu.memref_slice %arg19[%dma_wait3A_528] : memref<10240xf32, #tpu.memory_space<vmem_shared>> -> memref<10240xf32, #tpu.memory_space<vmem_shared>>
      tpu.wait_indirect_dma semaphore(%arg22 : memref<!tpu.dma_semaphore, #tpu.memory_space<semaphore_mem>>) src(%dma_wait3A_529 : memref<10240xf32, #tpu.memory_space<vmem_shared>>) dst(%dma_wait3A_524 : memref<128xf32, #tpu.memory_space<vmem>>)
      %mul3A_530 = arith.constant 20 : i32
      %mul3A_531 = arith.muli %scan3A_99, %mul3A_530 : i32
      %add3A_532 = arith.constant 16 : i32
      %add3A_533 = arith.addi %mul3A_531, %add3A_532 : i32
      %dma_wait3A_534 = arith.constant 0 : i32
      %dma_wait3A_535 = tpu.memref_slice %arg9[%add3A_533, %dma_wait3A_534] : memref<40x128xf32, #tpu.memory_space<vmem>> -> memref<1x128xf32, #tpu.memory_space<vmem>>
      %dma_wait3A_536 = tpu.memref_squeeze %dma_wait3A_535 : memref<1x128xf32, #tpu.memory_space<vmem>> -> memref<128xf32, #tpu.memory_space<vmem>>
      %dma_wait3A_537 = arith.constant 0 : i32
      %dma_wait3A_538 = tpu.memref_slice %arg7[%add3A_533, %dma_wait3A_537] : memref<40x128xi32, #tpu.memory_space<vmem>> -> memref<1x128xi32, #tpu.memory_space<vmem>>
      %dma_wait3A_539 = tpu.memref_squeeze %dma_wait3A_538 : memref<1x128xi32, #tpu.memory_space<vmem>> -> memref<128xi32, #tpu.memory_space<vmem>>
      %dma_wait3A_540 = arith.constant 0 : i32
      %dma_wait3A_541 = tpu.memref_slice %arg19[%dma_wait3A_540] : memref<10240xf32, #tpu.memory_space<vmem_shared>> -> memref<10240xf32, #tpu.memory_space<vmem_shared>>
      tpu.wait_indirect_dma semaphore(%arg22 : memref<!tpu.dma_semaphore, #tpu.memory_space<semaphore_mem>>) src(%dma_wait3A_541 : memref<10240xf32, #tpu.memory_space<vmem_shared>>) dst(%dma_wait3A_536 : memref<128xf32, #tpu.memory_space<vmem>>)
      %mul3A_542 = arith.constant 20 : i32
      %mul3A_543 = arith.muli %scan3A_99, %mul3A_542 : i32
      %add3A_544 = arith.constant 17 : i32
      %add3A_545 = arith.addi %mul3A_543, %add3A_544 : i32
      %dma_wait3A_546 = arith.constant 0 : i32
      %dma_wait3A_547 = tpu.memref_slice %arg9[%add3A_545, %dma_wait3A_546] : memref<40x128xf32, #tpu.memory_space<vmem>> -> memref<1x128xf32, #tpu.memory_space<vmem>>
      %dma_wait3A_548 = tpu.memref_squeeze %dma_wait3A_547 : memref<1x128xf32, #tpu.memory_space<vmem>> -> memref<128xf32, #tpu.memory_space<vmem>>
      %dma_wait3A_549 = arith.constant 0 : i32
      %dma_wait3A_550 = tpu.memref_slice %arg7[%add3A_545, %dma_wait3A_549] : memref<40x128xi32, #tpu.memory_space<vmem>> -> memref<1x128xi32, #tpu.memory_space<vmem>>
      %dma_wait3A_551 = tpu.memref_squeeze %dma_wait3A_550 : memref<1x128xi32, #tpu.memory_space<vmem>> -> memref<128xi32, #tpu.memory_space<vmem>>
      %dma_wait3A_552 = arith.constant 0 : i32
      %dma_wait3A_553 = tpu.memref_slice %arg19[%dma_wait3A_552] : memref<10240xf32, #tpu.memory_space<vmem_shared>> -> memref<10240xf32, #tpu.memory_space<vmem_shared>>
      tpu.wait_indirect_dma semaphore(%arg22 : memref<!tpu.dma_semaphore, #tpu.memory_space<semaphore_mem>>) src(%dma_wait3A_553 : memref<10240xf32, #tpu.memory_space<vmem_shared>>) dst(%dma_wait3A_548 : memref<128xf32, #tpu.memory_space<vmem>>)
      %mul3A_554 = arith.constant 20 : i32
      %mul3A_555 = arith.muli %scan3A_99, %mul3A_554 : i32
      %add3A_556 = arith.constant 18 : i32
      %add3A_557 = arith.addi %mul3A_555, %add3A_556 : i32
      %dma_wait3A_558 = arith.constant 0 : i32
      %dma_wait3A_559 = tpu.memref_slice %arg9[%add3A_557, %dma_wait3A_558] : memref<40x128xf32, #tpu.memory_space<vmem>> -> memref<1x128xf32, #tpu.memory_space<vmem>>
      %dma_wait3A_560 = tpu.memref_squeeze %dma_wait3A_559 : memref<1x128xf32, #tpu.memory_space<vmem>> -> memref<128xf32, #tpu.memory_space<vmem>>
      %dma_wait3A_561 = arith.constant 0 : i32
      %dma_wait3A_562 = tpu.memref_slice %arg7[%add3A_557, %dma_wait3A_561] : memref<40x128xi32, #tpu.memory_space<vmem>> -> memref<1x128xi32, #tpu.memory_space<vmem>>
      %dma_wait3A_563 = tpu.memref_squeeze %dma_wait3A_562 : memref<1x128xi32, #tpu.memory_space<vmem>> -> memref<128xi32, #tpu.memory_space<vmem>>
      %dma_wait3A_564 = arith.constant 0 : i32
      %dma_wait3A_565 = tpu.memref_slice %arg19[%dma_wait3A_564] : memref<10240xf32, #tpu.memory_space<vmem_shared>> -> memref<10240xf32, #tpu.memory_space<vmem_shared>>
      tpu.wait_indirect_dma semaphore(%arg22 : memref<!tpu.dma_semaphore, #tpu.memory_space<semaphore_mem>>) src(%dma_wait3A_565 : memref<10240xf32, #tpu.memory_space<vmem_shared>>) dst(%dma_wait3A_560 : memref<128xf32, #tpu.memory_space<vmem>>)
      %mul3A_566 = arith.constant 20 : i32
      %mul3A_567 = arith.muli %scan3A_99, %mul3A_566 : i32
      %add3A_568 = arith.constant 19 : i32
      %add3A_569 = arith.addi %mul3A_567, %add3A_568 : i32
      %dma_wait3A_570 = arith.constant 0 : i32
      %dma_wait3A_571 = tpu.memref_slice %arg9[%add3A_569, %dma_wait3A_570] : memref<40x128xf32, #tpu.memory_space<vmem>> -> memref<1x128xf32, #tpu.memory_space<vmem>>
      %dma_wait3A_572 = tpu.memref_squeeze %dma_wait3A_571 : memref<1x128xf32, #tpu.memory_space<vmem>> -> memref<128xf32, #tpu.memory_space<vmem>>
      %dma_wait3A_573 = arith.constant 0 : i32
      %dma_wait3A_574 = tpu.memref_slice %arg7[%add3A_569, %dma_wait3A_573] : memref<40x128xi32, #tpu.memory_space<vmem>> -> memref<1x128xi32, #tpu.memory_space<vmem>>
      %dma_wait3A_575 = tpu.memref_squeeze %dma_wait3A_574 : memref<1x128xi32, #tpu.memory_space<vmem>> -> memref<128xi32, #tpu.memory_space<vmem>>
      %dma_wait3A_576 = arith.constant 0 : i32
      %dma_wait3A_577 = tpu.memref_slice %arg19[%dma_wait3A_576] : memref<10240xf32, #tpu.memory_space<vmem_shared>> -> memref<10240xf32, #tpu.memory_space<vmem_shared>>
      tpu.wait_indirect_dma semaphore(%arg22 : memref<!tpu.dma_semaphore, #tpu.memory_space<semaphore_mem>>) src(%dma_wait3A_577 : memref<10240xf32, #tpu.memory_space<vmem_shared>>) dst(%dma_wait3A_572 : memref<128xf32, #tpu.memory_space<vmem>>)
      %mul3A_578 = arith.constant 20 : i32
      %mul3A_579 = arith.muli %scan3A_99, %mul3A_578 : i32
      %add3A_580 = arith.constant 0 : i32
      %add3A_581 = arith.addi %mul3A_579, %add3A_580 : i32
      %add3A_582 = arith.constant 80 : i32
      %add3A_583 = arith.addi %add3A_582, %add3A_581 : i32
      %dma_start3A_584 = arith.constant 0 : i32
      %dma_start3A_585 = tpu.memref_slice %arg9[%add3A_581, %dma_start3A_584] : memref<40x128xf32, #tpu.memory_space<vmem>> -> memref<1x128xf32, #tpu.memory_space<vmem>>
      %dma_start3A_586 = tpu.memref_squeeze %dma_start3A_585 : memref<1x128xf32, #tpu.memory_space<vmem>> -> memref<128xf32, #tpu.memory_space<vmem>>
      %dma_start3A_587 = arith.constant 0 : i32
      %dma_start3A_588 = tpu.memref_slice %arg8[%add3A_583, %dma_start3A_587] : memref<120x128xi32, #tpu.memory_space<vmem>> -> memref<1x128xi32, #tpu.memory_space<vmem>>
      %dma_start3A_589 = tpu.memref_squeeze %dma_start3A_588 : memref<1x128xi32, #tpu.memory_space<vmem>> -> memref<128xi32, #tpu.memory_space<vmem>>
      %dma_start3A_590 = arith.constant 0 : i32
      %dma_start3A_591 = tpu.memref_slice %arg20[%dma_start3A_590] : memref<10240xf32, #tpu.memory_space<vmem_shared>> -> memref<10240xf32, #tpu.memory_space<vmem_shared>>
      tpu.enqueue_indirect_dma source(%dma_start3A_586 : memref<128xf32, #tpu.memory_space<vmem>>) target(%dma_start3A_591 : memref<10240xf32, #tpu.memory_space<vmem_shared>>) offsets(%dma_start3A_589 : memref<128xi32, #tpu.memory_space<vmem>>) semaphore(%arg21 : memref<!tpu.dma_semaphore, #tpu.memory_space<semaphore_mem>>) {add = true}
      %mul3A_592 = arith.constant 20 : i32
      %mul3A_593 = arith.muli %scan3A_99, %mul3A_592 : i32
      %add3A_594 = arith.constant 1 : i32
      %add3A_595 = arith.addi %mul3A_593, %add3A_594 : i32
      %add3A_596 = arith.constant 80 : i32
      %add3A_597 = arith.addi %add3A_596, %add3A_595 : i32
      %dma_start3A_598 = arith.constant 0 : i32
      %dma_start3A_599 = tpu.memref_slice %arg9[%add3A_595, %dma_start3A_598] : memref<40x128xf32, #tpu.memory_space<vmem>> -> memref<1x128xf32, #tpu.memory_space<vmem>>
      %dma_start3A_600 = tpu.memref_squeeze %dma_start3A_599 : memref<1x128xf32, #tpu.memory_space<vmem>> -> memref<128xf32, #tpu.memory_space<vmem>>
      %dma_start3A_601 = arith.constant 0 : i32
      %dma_start3A_602 = tpu.memref_slice %arg8[%add3A_597, %dma_start3A_601] : memref<120x128xi32, #tpu.memory_space<vmem>> -> memref<1x128xi32, #tpu.memory_space<vmem>>
      %dma_start3A_603 = tpu.memref_squeeze %dma_start3A_602 : memref<1x128xi32, #tpu.memory_space<vmem>> -> memref<128xi32, #tpu.memory_space<vmem>>
      %dma_start3A_604 = arith.constant 0 : i32
      %dma_start3A_605 = tpu.memref_slice %arg20[%dma_start3A_604] : memref<10240xf32, #tpu.memory_space<vmem_shared>> -> memref<10240xf32, #tpu.memory_space<vmem_shared>>
      tpu.enqueue_indirect_dma source(%dma_start3A_600 : memref<128xf32, #tpu.memory_space<vmem>>) target(%dma_start3A_605 : memref<10240xf32, #tpu.memory_space<vmem_shared>>) offsets(%dma_start3A_603 : memref<128xi32, #tpu.memory_space<vmem>>) semaphore(%arg21 : memref<!tpu.dma_semaphore, #tpu.memory_space<semaphore_mem>>) {add = true}
      %mul3A_606 = arith.constant 20 : i32
      %mul3A_607 = arith.muli %scan3A_99, %mul3A_606 : i32
      %add3A_608 = arith.constant 2 : i32
      %add3A_609 = arith.addi %mul3A_607, %add3A_608 : i32
      %add3A_610 = arith.constant 80 : i32
      %add3A_611 = arith.addi %add3A_610, %add3A_609 : i32
      %dma_start3A_612 = arith.constant 0 : i32
      %dma_start3A_613 = tpu.memref_slice %arg9[%add3A_609, %dma_start3A_612] : memref<40x128xf32, #tpu.memory_space<vmem>> -> memref<1x128xf32, #tpu.memory_space<vmem>>
      %dma_start3A_614 = tpu.memref_squeeze %dma_start3A_613 : memref<1x128xf32, #tpu.memory_space<vmem>> -> memref<128xf32, #tpu.memory_space<vmem>>
      %dma_start3A_615 = arith.constant 0 : i32
      %dma_start3A_616 = tpu.memref_slice %arg8[%add3A_611, %dma_start3A_615] : memref<120x128xi32, #tpu.memory_space<vmem>> -> memref<1x128xi32, #tpu.memory_space<vmem>>
      %dma_start3A_617 = tpu.memref_squeeze %dma_start3A_616 : memref<1x128xi32, #tpu.memory_space<vmem>> -> memref<128xi32, #tpu.memory_space<vmem>>
      %dma_start3A_618 = arith.constant 0 : i32
      %dma_start3A_619 = tpu.memref_slice %arg20[%dma_start3A_618] : memref<10240xf32, #tpu.memory_space<vmem_shared>> -> memref<10240xf32, #tpu.memory_space<vmem_shared>>
      tpu.enqueue_indirect_dma source(%dma_start3A_614 : memref<128xf32, #tpu.memory_space<vmem>>) target(%dma_start3A_619 : memref<10240xf32, #tpu.memory_space<vmem_shared>>) offsets(%dma_start3A_617 : memref<128xi32, #tpu.memory_space<vmem>>) semaphore(%arg21 : memref<!tpu.dma_semaphore, #tpu.memory_space<semaphore_mem>>) {add = true}
      %mul3A_620 = arith.constant 20 : i32
      %mul3A_621 = arith.muli %scan3A_99, %mul3A_620 : i32
      %add3A_622 = arith.constant 3 : i32
      %add3A_623 = arith.addi %mul3A_621, %add3A_622 : i32
      %add3A_624 = arith.constant 80 : i32
      %add3A_625 = arith.addi %add3A_624, %add3A_623 : i32
      %dma_start3A_626 = arith.constant 0 : i32
      %dma_start3A_627 = tpu.memref_slice %arg9[%add3A_623, %dma_start3A_626] : memref<40x128xf32, #tpu.memory_space<vmem>> -> memref<1x128xf32, #tpu.memory_space<vmem>>
      %dma_start3A_628 = tpu.memref_squeeze %dma_start3A_627 : memref<1x128xf32, #tpu.memory_space<vmem>> -> memref<128xf32, #tpu.memory_space<vmem>>
      %dma_start3A_629 = arith.constant 0 : i32
      %dma_start3A_630 = tpu.memref_slice %arg8[%add3A_625, %dma_start3A_629] : memref<120x128xi32, #tpu.memory_space<vmem>> -> memref<1x128xi32, #tpu.memory_space<vmem>>
      %dma_start3A_631 = tpu.memref_squeeze %dma_start3A_630 : memref<1x128xi32, #tpu.memory_space<vmem>> -> memref<128xi32, #tpu.memory_space<vmem>>
      %dma_start3A_632 = arith.constant 0 : i32
      %dma_start3A_633 = tpu.memref_slice %arg20[%dma_start3A_632] : memref<10240xf32, #tpu.memory_space<vmem_shared>> -> memref<10240xf32, #tpu.memory_space<vmem_shared>>
      tpu.enqueue_indirect_dma source(%dma_start3A_628 : memref<128xf32, #tpu.memory_space<vmem>>) target(%dma_start3A_633 : memref<10240xf32, #tpu.memory_space<vmem_shared>>) offsets(%dma_start3A_631 : memref<128xi32, #tpu.memory_space<vmem>>) semaphore(%arg21 : memref<!tpu.dma_semaphore, #tpu.memory_space<semaphore_mem>>) {add = true}
      %mul3A_634 = arith.constant 20 : i32
      %mul3A_635 = arith.muli %scan3A_99, %mul3A_634 : i32
      %add3A_636 = arith.constant 4 : i32
      %add3A_637 = arith.addi %mul3A_635, %add3A_636 : i32
      %add3A_638 = arith.constant 80 : i32
      %add3A_639 = arith.addi %add3A_638, %add3A_637 : i32
      %dma_start3A_640 = arith.constant 0 : i32
      %dma_start3A_641 = tpu.memref_slice %arg9[%add3A_637, %dma_start3A_640] : memref<40x128xf32, #tpu.memory_space<vmem>> -> memref<1x128xf32, #tpu.memory_space<vmem>>
      %dma_start3A_642 = tpu.memref_squeeze %dma_start3A_641 : memref<1x128xf32, #tpu.memory_space<vmem>> -> memref<128xf32, #tpu.memory_space<vmem>>
      %dma_start3A_643 = arith.constant 0 : i32
      %dma_start3A_644 = tpu.memref_slice %arg8[%add3A_639, %dma_start3A_643] : memref<120x128xi32, #tpu.memory_space<vmem>> -> memref<1x128xi32, #tpu.memory_space<vmem>>
      %dma_start3A_645 = tpu.memref_squeeze %dma_start3A_644 : memref<1x128xi32, #tpu.memory_space<vmem>> -> memref<128xi32, #tpu.memory_space<vmem>>
      %dma_start3A_646 = arith.constant 0 : i32
      %dma_start3A_647 = tpu.memref_slice %arg20[%dma_start3A_646] : memref<10240xf32, #tpu.memory_space<vmem_shared>> -> memref<10240xf32, #tpu.memory_space<vmem_shared>>
      tpu.enqueue_indirect_dma source(%dma_start3A_642 : memref<128xf32, #tpu.memory_space<vmem>>) target(%dma_start3A_647 : memref<10240xf32, #tpu.memory_space<vmem_shared>>) offsets(%dma_start3A_645 : memref<128xi32, #tpu.memory_space<vmem>>) semaphore(%arg21 : memref<!tpu.dma_semaphore, #tpu.memory_space<semaphore_mem>>) {add = true}
      %mul3A_648 = arith.constant 20 : i32
      %mul3A_649 = arith.muli %scan3A_99, %mul3A_648 : i32
      %add3A_650 = arith.constant 5 : i32
      %add3A_651 = arith.addi %mul3A_649, %add3A_650 : i32
      %add3A_652 = arith.constant 80 : i32
      %add3A_653 = arith.addi %add3A_652, %add3A_651 : i32
      %dma_start3A_654 = arith.constant 0 : i32
      %dma_start3A_655 = tpu.memref_slice %arg9[%add3A_651, %dma_start3A_654] : memref<40x128xf32, #tpu.memory_space<vmem>> -> memref<1x128xf32, #tpu.memory_space<vmem>>
      %dma_start3A_656 = tpu.memref_squeeze %dma_start3A_655 : memref<1x128xf32, #tpu.memory_space<vmem>> -> memref<128xf32, #tpu.memory_space<vmem>>
      %dma_start3A_657 = arith.constant 0 : i32
      %dma_start3A_658 = tpu.memref_slice %arg8[%add3A_653, %dma_start3A_657] : memref<120x128xi32, #tpu.memory_space<vmem>> -> memref<1x128xi32, #tpu.memory_space<vmem>>
      %dma_start3A_659 = tpu.memref_squeeze %dma_start3A_658 : memref<1x128xi32, #tpu.memory_space<vmem>> -> memref<128xi32, #tpu.memory_space<vmem>>
      %dma_start3A_660 = arith.constant 0 : i32
      %dma_start3A_661 = tpu.memref_slice %arg20[%dma_start3A_660] : memref<10240xf32, #tpu.memory_space<vmem_shared>> -> memref<10240xf32, #tpu.memory_space<vmem_shared>>
      tpu.enqueue_indirect_dma source(%dma_start3A_656 : memref<128xf32, #tpu.memory_space<vmem>>) target(%dma_start3A_661 : memref<10240xf32, #tpu.memory_space<vmem_shared>>) offsets(%dma_start3A_659 : memref<128xi32, #tpu.memory_space<vmem>>) semaphore(%arg21 : memref<!tpu.dma_semaphore, #tpu.memory_space<semaphore_mem>>) {add = true}
      %mul3A_662 = arith.constant 20 : i32
      %mul3A_663 = arith.muli %scan3A_99, %mul3A_662 : i32
      %add3A_664 = arith.constant 6 : i32
      %add3A_665 = arith.addi %mul3A_663, %add3A_664 : i32
      %add3A_666 = arith.constant 80 : i32
      %add3A_667 = arith.addi %add3A_666, %add3A_665 : i32
      %dma_start3A_668 = arith.constant 0 : i32
      %dma_start3A_669 = tpu.memref_slice %arg9[%add3A_665, %dma_start3A_668] : memref<40x128xf32, #tpu.memory_space<vmem>> -> memref<1x128xf32, #tpu.memory_space<vmem>>
      %dma_start3A_670 = tpu.memref_squeeze %dma_start3A_669 : memref<1x128xf32, #tpu.memory_space<vmem>> -> memref<128xf32, #tpu.memory_space<vmem>>
      %dma_start3A_671 = arith.constant 0 : i32
      %dma_start3A_672 = tpu.memref_slice %arg8[%add3A_667, %dma_start3A_671] : memref<120x128xi32, #tpu.memory_space<vmem>> -> memref<1x128xi32, #tpu.memory_space<vmem>>
      %dma_start3A_673 = tpu.memref_squeeze %dma_start3A_672 : memref<1x128xi32, #tpu.memory_space<vmem>> -> memref<128xi32, #tpu.memory_space<vmem>>
      %dma_start3A_674 = arith.constant 0 : i32
      %dma_start3A_675 = tpu.memref_slice %arg20[%dma_start3A_674] : memref<10240xf32, #tpu.memory_space<vmem_shared>> -> memref<10240xf32, #tpu.memory_space<vmem_shared>>
      tpu.enqueue_indirect_dma source(%dma_start3A_670 : memref<128xf32, #tpu.memory_space<vmem>>) target(%dma_start3A_675 : memref<10240xf32, #tpu.memory_space<vmem_shared>>) offsets(%dma_start3A_673 : memref<128xi32, #tpu.memory_space<vmem>>) semaphore(%arg21 : memref<!tpu.dma_semaphore, #tpu.memory_space<semaphore_mem>>) {add = true}
      %mul3A_676 = arith.constant 20 : i32
      %mul3A_677 = arith.muli %scan3A_99, %mul3A_676 : i32
      %add3A_678 = arith.constant 7 : i32
      %add3A_679 = arith.addi %mul3A_677, %add3A_678 : i32
      %add3A_680 = arith.constant 80 : i32
      %add3A_681 = arith.addi %add3A_680, %add3A_679 : i32
      %dma_start3A_682 = arith.constant 0 : i32
      %dma_start3A_683 = tpu.memref_slice %arg9[%add3A_679, %dma_start3A_682] : memref<40x128xf32, #tpu.memory_space<vmem>> -> memref<1x128xf32, #tpu.memory_space<vmem>>
      %dma_start3A_684 = tpu.memref_squeeze %dma_start3A_683 : memref<1x128xf32, #tpu.memory_space<vmem>> -> memref<128xf32, #tpu.memory_space<vmem>>
      %dma_start3A_685 = arith.constant 0 : i32
      %dma_start3A_686 = tpu.memref_slice %arg8[%add3A_681, %dma_start3A_685] : memref<120x128xi32, #tpu.memory_space<vmem>> -> memref<1x128xi32, #tpu.memory_space<vmem>>
      %dma_start3A_687 = tpu.memref_squeeze %dma_start3A_686 : memref<1x128xi32, #tpu.memory_space<vmem>> -> memref<128xi32, #tpu.memory_space<vmem>>
      %dma_start3A_688 = arith.constant 0 : i32
      %dma_start3A_689 = tpu.memref_slice %arg20[%dma_start3A_688] : memref<10240xf32, #tpu.memory_space<vmem_shared>> -> memref<10240xf32, #tpu.memory_space<vmem_shared>>
      tpu.enqueue_indirect_dma source(%dma_start3A_684 : memref<128xf32, #tpu.memory_space<vmem>>) target(%dma_start3A_689 : memref<10240xf32, #tpu.memory_space<vmem_shared>>) offsets(%dma_start3A_687 : memref<128xi32, #tpu.memory_space<vmem>>) semaphore(%arg21 : memref<!tpu.dma_semaphore, #tpu.memory_space<semaphore_mem>>) {add = true}
      %mul3A_690 = arith.constant 20 : i32
      %mul3A_691 = arith.muli %scan3A_99, %mul3A_690 : i32
      %add3A_692 = arith.constant 8 : i32
      %add3A_693 = arith.addi %mul3A_691, %add3A_692 : i32
      %add3A_694 = arith.constant 80 : i32
      %add3A_695 = arith.addi %add3A_694, %add3A_693 : i32
      %dma_start3A_696 = arith.constant 0 : i32
      %dma_start3A_697 = tpu.memref_slice %arg9[%add3A_693, %dma_start3A_696] : memref<40x128xf32, #tpu.memory_space<vmem>> -> memref<1x128xf32, #tpu.memory_space<vmem>>
      %dma_start3A_698 = tpu.memref_squeeze %dma_start3A_697 : memref<1x128xf32, #tpu.memory_space<vmem>> -> memref<128xf32, #tpu.memory_space<vmem>>
      %dma_start3A_699 = arith.constant 0 : i32
      %dma_start3A_700 = tpu.memref_slice %arg8[%add3A_695, %dma_start3A_699] : memref<120x128xi32, #tpu.memory_space<vmem>> -> memref<1x128xi32, #tpu.memory_space<vmem>>
      %dma_start3A_701 = tpu.memref_squeeze %dma_start3A_700 : memref<1x128xi32, #tpu.memory_space<vmem>> -> memref<128xi32, #tpu.memory_space<vmem>>
      %dma_start3A_702 = arith.constant 0 : i32
      %dma_start3A_703 = tpu.memref_slice %arg20[%dma_start3A_702] : memref<10240xf32, #tpu.memory_space<vmem_shared>> -> memref<10240xf32, #tpu.memory_space<vmem_shared>>
      tpu.enqueue_indirect_dma source(%dma_start3A_698 : memref<128xf32, #tpu.memory_space<vmem>>) target(%dma_start3A_703 : memref<10240xf32, #tpu.memory_space<vmem_shared>>) offsets(%dma_start3A_701 : memref<128xi32, #tpu.memory_space<vmem>>) semaphore(%arg21 : memref<!tpu.dma_semaphore, #tpu.memory_space<semaphore_mem>>) {add = true}
      %mul3A_704 = arith.constant 20 : i32
      %mul3A_705 = arith.muli %scan3A_99, %mul3A_704 : i32
      %add3A_706 = arith.constant 9 : i32
      %add3A_707 = arith.addi %mul3A_705, %add3A_706 : i32
      %add3A_708 = arith.constant 80 : i32
      %add3A_709 = arith.addi %add3A_708, %add3A_707 : i32
      %dma_start3A_710 = arith.constant 0 : i32
      %dma_start3A_711 = tpu.memref_slice %arg9[%add3A_707, %dma_start3A_710] : memref<40x128xf32, #tpu.memory_space<vmem>> -> memref<1x128xf32, #tpu.memory_space<vmem>>
      %dma_start3A_712 = tpu.memref_squeeze %dma_start3A_711 : memref<1x128xf32, #tpu.memory_space<vmem>> -> memref<128xf32, #tpu.memory_space<vmem>>
      %dma_start3A_713 = arith.constant 0 : i32
      %dma_start3A_714 = tpu.memref_slice %arg8[%add3A_709, %dma_start3A_713] : memref<120x128xi32, #tpu.memory_space<vmem>> -> memref<1x128xi32, #tpu.memory_space<vmem>>
      %dma_start3A_715 = tpu.memref_squeeze %dma_start3A_714 : memref<1x128xi32, #tpu.memory_space<vmem>> -> memref<128xi32, #tpu.memory_space<vmem>>
      %dma_start3A_716 = arith.constant 0 : i32
      %dma_start3A_717 = tpu.memref_slice %arg20[%dma_start3A_716] : memref<10240xf32, #tpu.memory_space<vmem_shared>> -> memref<10240xf32, #tpu.memory_space<vmem_shared>>
      tpu.enqueue_indirect_dma source(%dma_start3A_712 : memref<128xf32, #tpu.memory_space<vmem>>) target(%dma_start3A_717 : memref<10240xf32, #tpu.memory_space<vmem_shared>>) offsets(%dma_start3A_715 : memref<128xi32, #tpu.memory_space<vmem>>) semaphore(%arg21 : memref<!tpu.dma_semaphore, #tpu.memory_space<semaphore_mem>>) {add = true}
      %mul3A_718 = arith.constant 20 : i32
      %mul3A_719 = arith.muli %scan3A_99, %mul3A_718 : i32
      %add3A_720 = arith.constant 10 : i32
      %add3A_721 = arith.addi %mul3A_719, %add3A_720 : i32
      %add3A_722 = arith.constant 80 : i32
      %add3A_723 = arith.addi %add3A_722, %add3A_721 : i32
      %dma_start3A_724 = arith.constant 0 : i32
      %dma_start3A_725 = tpu.memref_slice %arg9[%add3A_721, %dma_start3A_724] : memref<40x128xf32, #tpu.memory_space<vmem>> -> memref<1x128xf32, #tpu.memory_space<vmem>>
      %dma_start3A_726 = tpu.memref_squeeze %dma_start3A_725 : memref<1x128xf32, #tpu.memory_space<vmem>> -> memref<128xf32, #tpu.memory_space<vmem>>
      %dma_start3A_727 = arith.constant 0 : i32
      %dma_start3A_728 = tpu.memref_slice %arg8[%add3A_723, %dma_start3A_727] : memref<120x128xi32, #tpu.memory_space<vmem>> -> memref<1x128xi32, #tpu.memory_space<vmem>>
      %dma_start3A_729 = tpu.memref_squeeze %dma_start3A_728 : memref<1x128xi32, #tpu.memory_space<vmem>> -> memref<128xi32, #tpu.memory_space<vmem>>
      %dma_start3A_730 = arith.constant 0 : i32
      %dma_start3A_731 = tpu.memref_slice %arg20[%dma_start3A_730] : memref<10240xf32, #tpu.memory_space<vmem_shared>> -> memref<10240xf32, #tpu.memory_space<vmem_shared>>
      tpu.enqueue_indirect_dma source(%dma_start3A_726 : memref<128xf32, #tpu.memory_space<vmem>>) target(%dma_start3A_731 : memref<10240xf32, #tpu.memory_space<vmem_shared>>) offsets(%dma_start3A_729 : memref<128xi32, #tpu.memory_space<vmem>>) semaphore(%arg21 : memref<!tpu.dma_semaphore, #tpu.memory_space<semaphore_mem>>) {add = true}
      %mul3A_732 = arith.constant 20 : i32
      %mul3A_733 = arith.muli %scan3A_99, %mul3A_732 : i32
      %add3A_734 = arith.constant 11 : i32
      %add3A_735 = arith.addi %mul3A_733, %add3A_734 : i32
      %add3A_736 = arith.constant 80 : i32
      %add3A_737 = arith.addi %add3A_736, %add3A_735 : i32
      %dma_start3A_738 = arith.constant 0 : i32
      %dma_start3A_739 = tpu.memref_slice %arg9[%add3A_735, %dma_start3A_738] : memref<40x128xf32, #tpu.memory_space<vmem>> -> memref<1x128xf32, #tpu.memory_space<vmem>>
      %dma_start3A_740 = tpu.memref_squeeze %dma_start3A_739 : memref<1x128xf32, #tpu.memory_space<vmem>> -> memref<128xf32, #tpu.memory_space<vmem>>
      %dma_start3A_741 = arith.constant 0 : i32
      %dma_start3A_742 = tpu.memref_slice %arg8[%add3A_737, %dma_start3A_741] : memref<120x128xi32, #tpu.memory_space<vmem>> -> memref<1x128xi32, #tpu.memory_space<vmem>>
      %dma_start3A_743 = tpu.memref_squeeze %dma_start3A_742 : memref<1x128xi32, #tpu.memory_space<vmem>> -> memref<128xi32, #tpu.memory_space<vmem>>
      %dma_start3A_744 = arith.constant 0 : i32
      %dma_start3A_745 = tpu.memref_slice %arg20[%dma_start3A_744] : memref<10240xf32, #tpu.memory_space<vmem_shared>> -> memref<10240xf32, #tpu.memory_space<vmem_shared>>
      tpu.enqueue_indirect_dma source(%dma_start3A_740 : memref<128xf32, #tpu.memory_space<vmem>>) target(%dma_start3A_745 : memref<10240xf32, #tpu.memory_space<vmem_shared>>) offsets(%dma_start3A_743 : memref<128xi32, #tpu.memory_space<vmem>>) semaphore(%arg21 : memref<!tpu.dma_semaphore, #tpu.memory_space<semaphore_mem>>) {add = true}
      %mul3A_746 = arith.constant 20 : i32
      %mul3A_747 = arith.muli %scan3A_99, %mul3A_746 : i32
      %add3A_748 = arith.constant 12 : i32
      %add3A_749 = arith.addi %mul3A_747, %add3A_748 : i32
      %add3A_750 = arith.constant 80 : i32
      %add3A_751 = arith.addi %add3A_750, %add3A_749 : i32
      %dma_start3A_752 = arith.constant 0 : i32
      %dma_start3A_753 = tpu.memref_slice %arg9[%add3A_749, %dma_start3A_752] : memref<40x128xf32, #tpu.memory_space<vmem>> -> memref<1x128xf32, #tpu.memory_space<vmem>>
      %dma_start3A_754 = tpu.memref_squeeze %dma_start3A_753 : memref<1x128xf32, #tpu.memory_space<vmem>> -> memref<128xf32, #tpu.memory_space<vmem>>
      %dma_start3A_755 = arith.constant 0 : i32
      %dma_start3A_756 = tpu.memref_slice %arg8[%add3A_751, %dma_start3A_755] : memref<120x128xi32, #tpu.memory_space<vmem>> -> memref<1x128xi32, #tpu.memory_space<vmem>>
      %dma_start3A_757 = tpu.memref_squeeze %dma_start3A_756 : memref<1x128xi32, #tpu.memory_space<vmem>> -> memref<128xi32, #tpu.memory_space<vmem>>
      %dma_start3A_758 = arith.constant 0 : i32
      %dma_start3A_759 = tpu.memref_slice %arg20[%dma_start3A_758] : memref<10240xf32, #tpu.memory_space<vmem_shared>> -> memref<10240xf32, #tpu.memory_space<vmem_shared>>
      tpu.enqueue_indirect_dma source(%dma_start3A_754 : memref<128xf32, #tpu.memory_space<vmem>>) target(%dma_start3A_759 : memref<10240xf32, #tpu.memory_space<vmem_shared>>) offsets(%dma_start3A_757 : memref<128xi32, #tpu.memory_space<vmem>>) semaphore(%arg21 : memref<!tpu.dma_semaphore, #tpu.memory_space<semaphore_mem>>) {add = true}
      %mul3A_760 = arith.constant 20 : i32
      %mul3A_761 = arith.muli %scan3A_99, %mul3A_760 : i32
      %add3A_762 = arith.constant 13 : i32
      %add3A_763 = arith.addi %mul3A_761, %add3A_762 : i32
      %add3A_764 = arith.constant 80 : i32
      %add3A_765 = arith.addi %add3A_764, %add3A_763 : i32
      %dma_start3A_766 = arith.constant 0 : i32
      %dma_start3A_767 = tpu.memref_slice %arg9[%add3A_763, %dma_start3A_766] : memref<40x128xf32, #tpu.memory_space<vmem>> -> memref<1x128xf32, #tpu.memory_space<vmem>>
      %dma_start3A_768 = tpu.memref_squeeze %dma_start3A_767 : memref<1x128xf32, #tpu.memory_space<vmem>> -> memref<128xf32, #tpu.memory_space<vmem>>
      %dma_start3A_769 = arith.constant 0 : i32
      %dma_start3A_770 = tpu.memref_slice %arg8[%add3A_765, %dma_start3A_769] : memref<120x128xi32, #tpu.memory_space<vmem>> -> memref<1x128xi32, #tpu.memory_space<vmem>>
      %dma_start3A_771 = tpu.memref_squeeze %dma_start3A_770 : memref<1x128xi32, #tpu.memory_space<vmem>> -> memref<128xi32, #tpu.memory_space<vmem>>
      %dma_start3A_772 = arith.constant 0 : i32
      %dma_start3A_773 = tpu.memref_slice %arg20[%dma_start3A_772] : memref<10240xf32, #tpu.memory_space<vmem_shared>> -> memref<10240xf32, #tpu.memory_space<vmem_shared>>
      tpu.enqueue_indirect_dma source(%dma_start3A_768 : memref<128xf32, #tpu.memory_space<vmem>>) target(%dma_start3A_773 : memref<10240xf32, #tpu.memory_space<vmem_shared>>) offsets(%dma_start3A_771 : memref<128xi32, #tpu.memory_space<vmem>>) semaphore(%arg21 : memref<!tpu.dma_semaphore, #tpu.memory_space<semaphore_mem>>) {add = true}
      %mul3A_774 = arith.constant 20 : i32
      %mul3A_775 = arith.muli %scan3A_99, %mul3A_774 : i32
      %add3A_776 = arith.constant 14 : i32
      %add3A_777 = arith.addi %mul3A_775, %add3A_776 : i32
      %add3A_778 = arith.constant 80 : i32
      %add3A_779 = arith.addi %add3A_778, %add3A_777 : i32
      %dma_start3A_780 = arith.constant 0 : i32
      %dma_start3A_781 = tpu.memref_slice %arg9[%add3A_777, %dma_start3A_780] : memref<40x128xf32, #tpu.memory_space<vmem>> -> memref<1x128xf32, #tpu.memory_space<vmem>>
      %dma_start3A_782 = tpu.memref_squeeze %dma_start3A_781 : memref<1x128xf32, #tpu.memory_space<vmem>> -> memref<128xf32, #tpu.memory_space<vmem>>
      %dma_start3A_783 = arith.constant 0 : i32
      %dma_start3A_784 = tpu.memref_slice %arg8[%add3A_779, %dma_start3A_783] : memref<120x128xi32, #tpu.memory_space<vmem>> -> memref<1x128xi32, #tpu.memory_space<vmem>>
      %dma_start3A_785 = tpu.memref_squeeze %dma_start3A_784 : memref<1x128xi32, #tpu.memory_space<vmem>> -> memref<128xi32, #tpu.memory_space<vmem>>
      %dma_start3A_786 = arith.constant 0 : i32
      %dma_start3A_787 = tpu.memref_slice %arg20[%dma_start3A_786] : memref<10240xf32, #tpu.memory_space<vmem_shared>> -> memref<10240xf32, #tpu.memory_space<vmem_shared>>
      tpu.enqueue_indirect_dma source(%dma_start3A_782 : memref<128xf32, #tpu.memory_space<vmem>>) target(%dma_start3A_787 : memref<10240xf32, #tpu.memory_space<vmem_shared>>) offsets(%dma_start3A_785 : memref<128xi32, #tpu.memory_space<vmem>>) semaphore(%arg21 : memref<!tpu.dma_semaphore, #tpu.memory_space<semaphore_mem>>) {add = true}
      %mul3A_788 = arith.constant 20 : i32
      %mul3A_789 = arith.muli %scan3A_99, %mul3A_788 : i32
      %add3A_790 = arith.constant 15 : i32
      %add3A_791 = arith.addi %mul3A_789, %add3A_790 : i32
      %add3A_792 = arith.constant 80 : i32
      %add3A_793 = arith.addi %add3A_792, %add3A_791 : i32
      %dma_start3A_794 = arith.constant 0 : i32
      %dma_start3A_795 = tpu.memref_slice %arg9[%add3A_791, %dma_start3A_794] : memref<40x128xf32, #tpu.memory_space<vmem>> -> memref<1x128xf32, #tpu.memory_space<vmem>>
      %dma_start3A_796 = tpu.memref_squeeze %dma_start3A_795 : memref<1x128xf32, #tpu.memory_space<vmem>> -> memref<128xf32, #tpu.memory_space<vmem>>
      %dma_start3A_797 = arith.constant 0 : i32
      %dma_start3A_798 = tpu.memref_slice %arg8[%add3A_793, %dma_start3A_797] : memref<120x128xi32, #tpu.memory_space<vmem>> -> memref<1x128xi32, #tpu.memory_space<vmem>>
      %dma_start3A_799 = tpu.memref_squeeze %dma_start3A_798 : memref<1x128xi32, #tpu.memory_space<vmem>> -> memref<128xi32, #tpu.memory_space<vmem>>
      %dma_start3A_800 = arith.constant 0 : i32
      %dma_start3A_801 = tpu.memref_slice %arg20[%dma_start3A_800] : memref<10240xf32, #tpu.memory_space<vmem_shared>> -> memref<10240xf32, #tpu.memory_space<vmem_shared>>
      tpu.enqueue_indirect_dma source(%dma_start3A_796 : memref<128xf32, #tpu.memory_space<vmem>>) target(%dma_start3A_801 : memref<10240xf32, #tpu.memory_space<vmem_shared>>) offsets(%dma_start3A_799 : memref<128xi32, #tpu.memory_space<vmem>>) semaphore(%arg21 : memref<!tpu.dma_semaphore, #tpu.memory_space<semaphore_mem>>) {add = true}
      %mul3A_802 = arith.constant 20 : i32
      %mul3A_803 = arith.muli %scan3A_99, %mul3A_802 : i32
      %add3A_804 = arith.constant 16 : i32
      %add3A_805 = arith.addi %mul3A_803, %add3A_804 : i32
      %add3A_806 = arith.constant 80 : i32
      %add3A_807 = arith.addi %add3A_806, %add3A_805 : i32
      %dma_start3A_808 = arith.constant 0 : i32
      %dma_start3A_809 = tpu.memref_slice %arg9[%add3A_805, %dma_start3A_808] : memref<40x128xf32, #tpu.memory_space<vmem>> -> memref<1x128xf32, #tpu.memory_space<vmem>>
      %dma_start3A_810 = tpu.memref_squeeze %dma_start3A_809 : memref<1x128xf32, #tpu.memory_space<vmem>> -> memref<128xf32, #tpu.memory_space<vmem>>
      %dma_start3A_811 = arith.constant 0 : i32
      %dma_start3A_812 = tpu.memref_slice %arg8[%add3A_807, %dma_start3A_811] : memref<120x128xi32, #tpu.memory_space<vmem>> -> memref<1x128xi32, #tpu.memory_space<vmem>>
      %dma_start3A_813 = tpu.memref_squeeze %dma_start3A_812 : memref<1x128xi32, #tpu.memory_space<vmem>> -> memref<128xi32, #tpu.memory_space<vmem>>
      %dma_start3A_814 = arith.constant 0 : i32
      %dma_start3A_815 = tpu.memref_slice %arg20[%dma_start3A_814] : memref<10240xf32, #tpu.memory_space<vmem_shared>> -> memref<10240xf32, #tpu.memory_space<vmem_shared>>
      tpu.enqueue_indirect_dma source(%dma_start3A_810 : memref<128xf32, #tpu.memory_space<vmem>>) target(%dma_start3A_815 : memref<10240xf32, #tpu.memory_space<vmem_shared>>) offsets(%dma_start3A_813 : memref<128xi32, #tpu.memory_space<vmem>>) semaphore(%arg21 : memref<!tpu.dma_semaphore, #tpu.memory_space<semaphore_mem>>) {add = true}
      %mul3A_816 = arith.constant 20 : i32
      %mul3A_817 = arith.muli %scan3A_99, %mul3A_816 : i32
      %add3A_818 = arith.constant 17 : i32
      %add3A_819 = arith.addi %mul3A_817, %add3A_818 : i32
      %add3A_820 = arith.constant 80 : i32
      %add3A_821 = arith.addi %add3A_820, %add3A_819 : i32
      %dma_start3A_822 = arith.constant 0 : i32
      %dma_start3A_823 = tpu.memref_slice %arg9[%add3A_819, %dma_start3A_822] : memref<40x128xf32, #tpu.memory_space<vmem>> -> memref<1x128xf32, #tpu.memory_space<vmem>>
      %dma_start3A_824 = tpu.memref_squeeze %dma_start3A_823 : memref<1x128xf32, #tpu.memory_space<vmem>> -> memref<128xf32, #tpu.memory_space<vmem>>
      %dma_start3A_825 = arith.constant 0 : i32
      %dma_start3A_826 = tpu.memref_slice %arg8[%add3A_821, %dma_start3A_825] : memref<120x128xi32, #tpu.memory_space<vmem>> -> memref<1x128xi32, #tpu.memory_space<vmem>>
      %dma_start3A_827 = tpu.memref_squeeze %dma_start3A_826 : memref<1x128xi32, #tpu.memory_space<vmem>> -> memref<128xi32, #tpu.memory_space<vmem>>
      %dma_start3A_828 = arith.constant 0 : i32
      %dma_start3A_829 = tpu.memref_slice %arg20[%dma_start3A_828] : memref<10240xf32, #tpu.memory_space<vmem_shared>> -> memref<10240xf32, #tpu.memory_space<vmem_shared>>
      tpu.enqueue_indirect_dma source(%dma_start3A_824 : memref<128xf32, #tpu.memory_space<vmem>>) target(%dma_start3A_829 : memref<10240xf32, #tpu.memory_space<vmem_shared>>) offsets(%dma_start3A_827 : memref<128xi32, #tpu.memory_space<vmem>>) semaphore(%arg21 : memref<!tpu.dma_semaphore, #tpu.memory_space<semaphore_mem>>) {add = true}
      %mul3A_830 = arith.constant 20 : i32
      %mul3A_831 = arith.muli %scan3A_99, %mul3A_830 : i32
      %add3A_832 = arith.constant 18 : i32
      %add3A_833 = arith.addi %mul3A_831, %add3A_832 : i32
      %add3A_834 = arith.constant 80 : i32
      %add3A_835 = arith.addi %add3A_834, %add3A_833 : i32
      %dma_start3A_836 = arith.constant 0 : i32
      %dma_start3A_837 = tpu.memref_slice %arg9[%add3A_833, %dma_start3A_836] : memref<40x128xf32, #tpu.memory_space<vmem>> -> memref<1x128xf32, #tpu.memory_space<vmem>>
      %dma_start3A_838 = tpu.memref_squeeze %dma_start3A_837 : memref<1x128xf32, #tpu.memory_space<vmem>> -> memref<128xf32, #tpu.memory_space<vmem>>
      %dma_start3A_839 = arith.constant 0 : i32
      %dma_start3A_840 = tpu.memref_slice %arg8[%add3A_835, %dma_start3A_839] : memref<120x128xi32, #tpu.memory_space<vmem>> -> memref<1x128xi32, #tpu.memory_space<vmem>>
      %dma_start3A_841 = tpu.memref_squeeze %dma_start3A_840 : memref<1x128xi32, #tpu.memory_space<vmem>> -> memref<128xi32, #tpu.memory_space<vmem>>
      %dma_start3A_842 = arith.constant 0 : i32
      %dma_start3A_843 = tpu.memref_slice %arg20[%dma_start3A_842] : memref<10240xf32, #tpu.memory_space<vmem_shared>> -> memref<10240xf32, #tpu.memory_space<vmem_shared>>
      tpu.enqueue_indirect_dma source(%dma_start3A_838 : memref<128xf32, #tpu.memory_space<vmem>>) target(%dma_start3A_843 : memref<10240xf32, #tpu.memory_space<vmem_shared>>) offsets(%dma_start3A_841 : memref<128xi32, #tpu.memory_space<vmem>>) semaphore(%arg21 : memref<!tpu.dma_semaphore, #tpu.memory_space<semaphore_mem>>) {add = true}
      %mul3A_844 = arith.constant 20 : i32
      %mul3A_845 = arith.muli %scan3A_99, %mul3A_844 : i32
      %add3A_846 = arith.constant 19 : i32
      %add3A_847 = arith.addi %mul3A_845, %add3A_846 : i32
      %add3A_848 = arith.constant 80 : i32
      %add3A_849 = arith.addi %add3A_848, %add3A_847 : i32
      %dma_start3A_850 = arith.constant 0 : i32
      %dma_start3A_851 = tpu.memref_slice %arg9[%add3A_847, %dma_start3A_850] : memref<40x128xf32, #tpu.memory_space<vmem>> -> memref<1x128xf32, #tpu.memory_space<vmem>>
      %dma_start3A_852 = tpu.memref_squeeze %dma_start3A_851 : memref<1x128xf32, #tpu.memory_space<vmem>> -> memref<128xf32, #tpu.memory_space<vmem>>
      %dma_start3A_853 = arith.constant 0 : i32
      %dma_start3A_854 = tpu.memref_slice %arg8[%add3A_849, %dma_start3A_853] : memref<120x128xi32, #tpu.memory_space<vmem>> -> memref<1x128xi32, #tpu.memory_space<vmem>>
      %dma_start3A_855 = tpu.memref_squeeze %dma_start3A_854 : memref<1x128xi32, #tpu.memory_space<vmem>> -> memref<128xi32, #tpu.memory_space<vmem>>
      %dma_start3A_856 = arith.constant 0 : i32
      %dma_start3A_857 = tpu.memref_slice %arg20[%dma_start3A_856] : memref<10240xf32, #tpu.memory_space<vmem_shared>> -> memref<10240xf32, #tpu.memory_space<vmem_shared>>
      tpu.enqueue_indirect_dma source(%dma_start3A_852 : memref<128xf32, #tpu.memory_space<vmem>>) target(%dma_start3A_857 : memref<10240xf32, #tpu.memory_space<vmem_shared>>) offsets(%dma_start3A_855 : memref<128xi32, #tpu.memory_space<vmem>>) semaphore(%arg21 : memref<!tpu.dma_semaphore, #tpu.memory_space<semaphore_mem>>) {add = true}
      %mul3A_858 = arith.constant 20 : i32
      %mul3A_859 = arith.muli %scan3A_99, %mul3A_858 : i32
      %add3A_860 = arith.constant 0 : i32
      %add3A_861 = arith.addi %mul3A_859, %add3A_860 : i32
      %add3A_862 = arith.constant 80 : i32
      %add3A_863 = arith.addi %add3A_862, %add3A_861 : i32
      %dma_wait3A_864 = arith.constant 0 : i32
      %dma_wait3A_865 = tpu.memref_slice %arg9[%add3A_861, %dma_wait3A_864] : memref<40x128xf32, #tpu.memory_space<vmem>> -> memref<1x128xf32, #tpu.memory_space<vmem>>
      %dma_wait3A_866 = tpu.memref_squeeze %dma_wait3A_865 : memref<1x128xf32, #tpu.memory_space<vmem>> -> memref<128xf32, #tpu.memory_space<vmem>>
      %dma_wait3A_867 = arith.constant 0 : i32
      %dma_wait3A_868 = tpu.memref_slice %arg8[%add3A_863, %dma_wait3A_867] : memref<120x128xi32, #tpu.memory_space<vmem>> -> memref<1x128xi32, #tpu.memory_space<vmem>>
      %dma_wait3A_869 = tpu.memref_squeeze %dma_wait3A_868 : memref<1x128xi32, #tpu.memory_space<vmem>> -> memref<128xi32, #tpu.memory_space<vmem>>
      %dma_wait3A_870 = arith.constant 0 : i32
      %dma_wait3A_871 = tpu.memref_slice %arg20[%dma_wait3A_870] : memref<10240xf32, #tpu.memory_space<vmem_shared>> -> memref<10240xf32, #tpu.memory_space<vmem_shared>>
      tpu.wait_indirect_dma semaphore(%arg21 : memref<!tpu.dma_semaphore, #tpu.memory_space<semaphore_mem>>) src(%dma_wait3A_866 : memref<128xf32, #tpu.memory_space<vmem>>) dst(%dma_wait3A_871 : memref<10240xf32, #tpu.memory_space<vmem_shared>>)
      %mul3A_872 = arith.constant 20 : i32
      %mul3A_873 = arith.muli %scan3A_99, %mul3A_872 : i32
      %add3A_874 = arith.constant 1 : i32
      %add3A_875 = arith.addi %mul3A_873, %add3A_874 : i32
      %add3A_876 = arith.constant 80 : i32
      %add3A_877 = arith.addi %add3A_876, %add3A_875 : i32
      %dma_wait3A_878 = arith.constant 0 : i32
      %dma_wait3A_879 = tpu.memref_slice %arg9[%add3A_875, %dma_wait3A_878] : memref<40x128xf32, #tpu.memory_space<vmem>> -> memref<1x128xf32, #tpu.memory_space<vmem>>
      %dma_wait3A_880 = tpu.memref_squeeze %dma_wait3A_879 : memref<1x128xf32, #tpu.memory_space<vmem>> -> memref<128xf32, #tpu.memory_space<vmem>>
      %dma_wait3A_881 = arith.constant 0 : i32
      %dma_wait3A_882 = tpu.memref_slice %arg8[%add3A_877, %dma_wait3A_881] : memref<120x128xi32, #tpu.memory_space<vmem>> -> memref<1x128xi32, #tpu.memory_space<vmem>>
      %dma_wait3A_883 = tpu.memref_squeeze %dma_wait3A_882 : memref<1x128xi32, #tpu.memory_space<vmem>> -> memref<128xi32, #tpu.memory_space<vmem>>
      %dma_wait3A_884 = arith.constant 0 : i32
      %dma_wait3A_885 = tpu.memref_slice %arg20[%dma_wait3A_884] : memref<10240xf32, #tpu.memory_space<vmem_shared>> -> memref<10240xf32, #tpu.memory_space<vmem_shared>>
      tpu.wait_indirect_dma semaphore(%arg21 : memref<!tpu.dma_semaphore, #tpu.memory_space<semaphore_mem>>) src(%dma_wait3A_880 : memref<128xf32, #tpu.memory_space<vmem>>) dst(%dma_wait3A_885 : memref<10240xf32, #tpu.memory_space<vmem_shared>>)
      %mul3A_886 = arith.constant 20 : i32
      %mul3A_887 = arith.muli %scan3A_99, %mul3A_886 : i32
      %add3A_888 = arith.constant 2 : i32
      %add3A_889 = arith.addi %mul3A_887, %add3A_888 : i32
      %add3A_890 = arith.constant 80 : i32
      %add3A_891 = arith.addi %add3A_890, %add3A_889 : i32
      %dma_wait3A_892 = arith.constant 0 : i32
      %dma_wait3A_893 = tpu.memref_slice %arg9[%add3A_889, %dma_wait3A_892] : memref<40x128xf32, #tpu.memory_space<vmem>> -> memref<1x128xf32, #tpu.memory_space<vmem>>
      %dma_wait3A_894 = tpu.memref_squeeze %dma_wait3A_893 : memref<1x128xf32, #tpu.memory_space<vmem>> -> memref<128xf32, #tpu.memory_space<vmem>>
      %dma_wait3A_895 = arith.constant 0 : i32
      %dma_wait3A_896 = tpu.memref_slice %arg8[%add3A_891, %dma_wait3A_895] : memref<120x128xi32, #tpu.memory_space<vmem>> -> memref<1x128xi32, #tpu.memory_space<vmem>>
      %dma_wait3A_897 = tpu.memref_squeeze %dma_wait3A_896 : memref<1x128xi32, #tpu.memory_space<vmem>> -> memref<128xi32, #tpu.memory_space<vmem>>
      %dma_wait3A_898 = arith.constant 0 : i32
      %dma_wait3A_899 = tpu.memref_slice %arg20[%dma_wait3A_898] : memref<10240xf32, #tpu.memory_space<vmem_shared>> -> memref<10240xf32, #tpu.memory_space<vmem_shared>>
      tpu.wait_indirect_dma semaphore(%arg21 : memref<!tpu.dma_semaphore, #tpu.memory_space<semaphore_mem>>) src(%dma_wait3A_894 : memref<128xf32, #tpu.memory_space<vmem>>) dst(%dma_wait3A_899 : memref<10240xf32, #tpu.memory_space<vmem_shared>>)
      %mul3A_900 = arith.constant 20 : i32
      %mul3A_901 = arith.muli %scan3A_99, %mul3A_900 : i32
      %add3A_902 = arith.constant 3 : i32
      %add3A_903 = arith.addi %mul3A_901, %add3A_902 : i32
      %add3A_904 = arith.constant 80 : i32
      %add3A_905 = arith.addi %add3A_904, %add3A_903 : i32
      %dma_wait3A_906 = arith.constant 0 : i32
      %dma_wait3A_907 = tpu.memref_slice %arg9[%add3A_903, %dma_wait3A_906] : memref<40x128xf32, #tpu.memory_space<vmem>> -> memref<1x128xf32, #tpu.memory_space<vmem>>
      %dma_wait3A_908 = tpu.memref_squeeze %dma_wait3A_907 : memref<1x128xf32, #tpu.memory_space<vmem>> -> memref<128xf32, #tpu.memory_space<vmem>>
      %dma_wait3A_909 = arith.constant 0 : i32
      %dma_wait3A_910 = tpu.memref_slice %arg8[%add3A_905, %dma_wait3A_909] : memref<120x128xi32, #tpu.memory_space<vmem>> -> memref<1x128xi32, #tpu.memory_space<vmem>>
      %dma_wait3A_911 = tpu.memref_squeeze %dma_wait3A_910 : memref<1x128xi32, #tpu.memory_space<vmem>> -> memref<128xi32, #tpu.memory_space<vmem>>
      %dma_wait3A_912 = arith.constant 0 : i32
      %dma_wait3A_913 = tpu.memref_slice %arg20[%dma_wait3A_912] : memref<10240xf32, #tpu.memory_space<vmem_shared>> -> memref<10240xf32, #tpu.memory_space<vmem_shared>>
      tpu.wait_indirect_dma semaphore(%arg21 : memref<!tpu.dma_semaphore, #tpu.memory_space<semaphore_mem>>) src(%dma_wait3A_908 : memref<128xf32, #tpu.memory_space<vmem>>) dst(%dma_wait3A_913 : memref<10240xf32, #tpu.memory_space<vmem_shared>>)
      %mul3A_914 = arith.constant 20 : i32
      %mul3A_915 = arith.muli %scan3A_99, %mul3A_914 : i32
      %add3A_916 = arith.constant 4 : i32
      %add3A_917 = arith.addi %mul3A_915, %add3A_916 : i32
      %add3A_918 = arith.constant 80 : i32
      %add3A_919 = arith.addi %add3A_918, %add3A_917 : i32
      %dma_wait3A_920 = arith.constant 0 : i32
      %dma_wait3A_921 = tpu.memref_slice %arg9[%add3A_917, %dma_wait3A_920] : memref<40x128xf32, #tpu.memory_space<vmem>> -> memref<1x128xf32, #tpu.memory_space<vmem>>
      %dma_wait3A_922 = tpu.memref_squeeze %dma_wait3A_921 : memref<1x128xf32, #tpu.memory_space<vmem>> -> memref<128xf32, #tpu.memory_space<vmem>>
      %dma_wait3A_923 = arith.constant 0 : i32
      %dma_wait3A_924 = tpu.memref_slice %arg8[%add3A_919, %dma_wait3A_923] : memref<120x128xi32, #tpu.memory_space<vmem>> -> memref<1x128xi32, #tpu.memory_space<vmem>>
      %dma_wait3A_925 = tpu.memref_squeeze %dma_wait3A_924 : memref<1x128xi32, #tpu.memory_space<vmem>> -> memref<128xi32, #tpu.memory_space<vmem>>
      %dma_wait3A_926 = arith.constant 0 : i32
      %dma_wait3A_927 = tpu.memref_slice %arg20[%dma_wait3A_926] : memref<10240xf32, #tpu.memory_space<vmem_shared>> -> memref<10240xf32, #tpu.memory_space<vmem_shared>>
      tpu.wait_indirect_dma semaphore(%arg21 : memref<!tpu.dma_semaphore, #tpu.memory_space<semaphore_mem>>) src(%dma_wait3A_922 : memref<128xf32, #tpu.memory_space<vmem>>) dst(%dma_wait3A_927 : memref<10240xf32, #tpu.memory_space<vmem_shared>>)
      %mul3A_928 = arith.constant 20 : i32
      %mul3A_929 = arith.muli %scan3A_99, %mul3A_928 : i32
      %add3A_930 = arith.constant 5 : i32
      %add3A_931 = arith.addi %mul3A_929, %add3A_930 : i32
      %add3A_932 = arith.constant 80 : i32
      %add3A_933 = arith.addi %add3A_932, %add3A_931 : i32
      %dma_wait3A_934 = arith.constant 0 : i32
      %dma_wait3A_935 = tpu.memref_slice %arg9[%add3A_931, %dma_wait3A_934] : memref<40x128xf32, #tpu.memory_space<vmem>> -> memref<1x128xf32, #tpu.memory_space<vmem>>
      %dma_wait3A_936 = tpu.memref_squeeze %dma_wait3A_935 : memref<1x128xf32, #tpu.memory_space<vmem>> -> memref<128xf32, #tpu.memory_space<vmem>>
      %dma_wait3A_937 = arith.constant 0 : i32
      %dma_wait3A_938 = tpu.memref_slice %arg8[%add3A_933, %dma_wait3A_937] : memref<120x128xi32, #tpu.memory_space<vmem>> -> memref<1x128xi32, #tpu.memory_space<vmem>>
      %dma_wait3A_939 = tpu.memref_squeeze %dma_wait3A_938 : memref<1x128xi32, #tpu.memory_space<vmem>> -> memref<128xi32, #tpu.memory_space<vmem>>
      %dma_wait3A_940 = arith.constant 0 : i32
      %dma_wait3A_941 = tpu.memref_slice %arg20[%dma_wait3A_940] : memref<10240xf32, #tpu.memory_space<vmem_shared>> -> memref<10240xf32, #tpu.memory_space<vmem_shared>>
      tpu.wait_indirect_dma semaphore(%arg21 : memref<!tpu.dma_semaphore, #tpu.memory_space<semaphore_mem>>) src(%dma_wait3A_936 : memref<128xf32, #tpu.memory_space<vmem>>) dst(%dma_wait3A_941 : memref<10240xf32, #tpu.memory_space<vmem_shared>>)
      %mul3A_942 = arith.constant 20 : i32
      %mul3A_943 = arith.muli %scan3A_99, %mul3A_942 : i32
      %add3A_944 = arith.constant 6 : i32
      %add3A_945 = arith.addi %mul3A_943, %add3A_944 : i32
      %add3A_946 = arith.constant 80 : i32
      %add3A_947 = arith.addi %add3A_946, %add3A_945 : i32
      %dma_wait3A_948 = arith.constant 0 : i32
      %dma_wait3A_949 = tpu.memref_slice %arg9[%add3A_945, %dma_wait3A_948] : memref<40x128xf32, #tpu.memory_space<vmem>> -> memref<1x128xf32, #tpu.memory_space<vmem>>
      %dma_wait3A_950 = tpu.memref_squeeze %dma_wait3A_949 : memref<1x128xf32, #tpu.memory_space<vmem>> -> memref<128xf32, #tpu.memory_space<vmem>>
      %dma_wait3A_951 = arith.constant 0 : i32
      %dma_wait3A_952 = tpu.memref_slice %arg8[%add3A_947, %dma_wait3A_951] : memref<120x128xi32, #tpu.memory_space<vmem>> -> memref<1x128xi32, #tpu.memory_space<vmem>>
      %dma_wait3A_953 = tpu.memref_squeeze %dma_wait3A_952 : memref<1x128xi32, #tpu.memory_space<vmem>> -> memref<128xi32, #tpu.memory_space<vmem>>
      %dma_wait3A_954 = arith.constant 0 : i32
      %dma_wait3A_955 = tpu.memref_slice %arg20[%dma_wait3A_954] : memref<10240xf32, #tpu.memory_space<vmem_shared>> -> memref<10240xf32, #tpu.memory_space<vmem_shared>>
      tpu.wait_indirect_dma semaphore(%arg21 : memref<!tpu.dma_semaphore, #tpu.memory_space<semaphore_mem>>) src(%dma_wait3A_950 : memref<128xf32, #tpu.memory_space<vmem>>) dst(%dma_wait3A_955 : memref<10240xf32, #tpu.memory_space<vmem_shared>>)
      %mul3A_956 = arith.constant 20 : i32
      %mul3A_957 = arith.muli %scan3A_99, %mul3A_956 : i32
      %add3A_958 = arith.constant 7 : i32
      %add3A_959 = arith.addi %mul3A_957, %add3A_958 : i32
      %add3A_960 = arith.constant 80 : i32
      %add3A_961 = arith.addi %add3A_960, %add3A_959 : i32
      %dma_wait3A_962 = arith.constant 0 : i32
      %dma_wait3A_963 = tpu.memref_slice %arg9[%add3A_959, %dma_wait3A_962] : memref<40x128xf32, #tpu.memory_space<vmem>> -> memref<1x128xf32, #tpu.memory_space<vmem>>
      %dma_wait3A_964 = tpu.memref_squeeze %dma_wait3A_963 : memref<1x128xf32, #tpu.memory_space<vmem>> -> memref<128xf32, #tpu.memory_space<vmem>>
      %dma_wait3A_965 = arith.constant 0 : i32
      %dma_wait3A_966 = tpu.memref_slice %arg8[%add3A_961, %dma_wait3A_965] : memref<120x128xi32, #tpu.memory_space<vmem>> -> memref<1x128xi32, #tpu.memory_space<vmem>>
      %dma_wait3A_967 = tpu.memref_squeeze %dma_wait3A_966 : memref<1x128xi32, #tpu.memory_space<vmem>> -> memref<128xi32, #tpu.memory_space<vmem>>
      %dma_wait3A_968 = arith.constant 0 : i32
      %dma_wait3A_969 = tpu.memref_slice %arg20[%dma_wait3A_968] : memref<10240xf32, #tpu.memory_space<vmem_shared>> -> memref<10240xf32, #tpu.memory_space<vmem_shared>>
      tpu.wait_indirect_dma semaphore(%arg21 : memref<!tpu.dma_semaphore, #tpu.memory_space<semaphore_mem>>) src(%dma_wait3A_964 : memref<128xf32, #tpu.memory_space<vmem>>) dst(%dma_wait3A_969 : memref<10240xf32, #tpu.memory_space<vmem_shared>>)
      %mul3A_970 = arith.constant 20 : i32
      %mul3A_971 = arith.muli %scan3A_99, %mul3A_970 : i32
      %add3A_972 = arith.constant 8 : i32
      %add3A_973 = arith.addi %mul3A_971, %add3A_972 : i32
      %add3A_974 = arith.constant 80 : i32
      %add3A_975 = arith.addi %add3A_974, %add3A_973 : i32
      %dma_wait3A_976 = arith.constant 0 : i32
      %dma_wait3A_977 = tpu.memref_slice %arg9[%add3A_973, %dma_wait3A_976] : memref<40x128xf32, #tpu.memory_space<vmem>> -> memref<1x128xf32, #tpu.memory_space<vmem>>
      %dma_wait3A_978 = tpu.memref_squeeze %dma_wait3A_977 : memref<1x128xf32, #tpu.memory_space<vmem>> -> memref<128xf32, #tpu.memory_space<vmem>>
      %dma_wait3A_979 = arith.constant 0 : i32
      %dma_wait3A_980 = tpu.memref_slice %arg8[%add3A_975, %dma_wait3A_979] : memref<120x128xi32, #tpu.memory_space<vmem>> -> memref<1x128xi32, #tpu.memory_space<vmem>>
      %dma_wait3A_981 = tpu.memref_squeeze %dma_wait3A_980 : memref<1x128xi32, #tpu.memory_space<vmem>> -> memref<128xi32, #tpu.memory_space<vmem>>
      %dma_wait3A_982 = arith.constant 0 : i32
      %dma_wait3A_983 = tpu.memref_slice %arg20[%dma_wait3A_982] : memref<10240xf32, #tpu.memory_space<vmem_shared>> -> memref<10240xf32, #tpu.memory_space<vmem_shared>>
      tpu.wait_indirect_dma semaphore(%arg21 : memref<!tpu.dma_semaphore, #tpu.memory_space<semaphore_mem>>) src(%dma_wait3A_978 : memref<128xf32, #tpu.memory_space<vmem>>) dst(%dma_wait3A_983 : memref<10240xf32, #tpu.memory_space<vmem_shared>>)
      %mul3A_984 = arith.constant 20 : i32
      %mul3A_985 = arith.muli %scan3A_99, %mul3A_984 : i32
      %add3A_986 = arith.constant 9 : i32
      %add3A_987 = arith.addi %mul3A_985, %add3A_986 : i32
      %add3A_988 = arith.constant 80 : i32
      %add3A_989 = arith.addi %add3A_988, %add3A_987 : i32
      %dma_wait3A_990 = arith.constant 0 : i32
      %dma_wait3A_991 = tpu.memref_slice %arg9[%add3A_987, %dma_wait3A_990] : memref<40x128xf32, #tpu.memory_space<vmem>> -> memref<1x128xf32, #tpu.memory_space<vmem>>
      %dma_wait3A_992 = tpu.memref_squeeze %dma_wait3A_991 : memref<1x128xf32, #tpu.memory_space<vmem>> -> memref<128xf32, #tpu.memory_space<vmem>>
      %dma_wait3A_993 = arith.constant 0 : i32
      %dma_wait3A_994 = tpu.memref_slice %arg8[%add3A_989, %dma_wait3A_993] : memref<120x128xi32, #tpu.memory_space<vmem>> -> memref<1x128xi32, #tpu.memory_space<vmem>>
      %dma_wait3A_995 = tpu.memref_squeeze %dma_wait3A_994 : memref<1x128xi32, #tpu.memory_space<vmem>> -> memref<128xi32, #tpu.memory_space<vmem>>
      %dma_wait3A_996 = arith.constant 0 : i32
      %dma_wait3A_997 = tpu.memref_slice %arg20[%dma_wait3A_996] : memref<10240xf32, #tpu.memory_space<vmem_shared>> -> memref<10240xf32, #tpu.memory_space<vmem_shared>>
      tpu.wait_indirect_dma semaphore(%arg21 : memref<!tpu.dma_semaphore, #tpu.memory_space<semaphore_mem>>) src(%dma_wait3A_992 : memref<128xf32, #tpu.memory_space<vmem>>) dst(%dma_wait3A_997 : memref<10240xf32, #tpu.memory_space<vmem_shared>>)
      %mul3A_998 = arith.constant 20 : i32
      %mul3A_999 = arith.muli %scan3A_99, %mul3A_998 : i32
      %add3A_1000 = arith.constant 10 : i32
      %add3A_1001 = arith.addi %mul3A_999, %add3A_1000 : i32
      %add3A_1002 = arith.constant 80 : i32
      %add3A_1003 = arith.addi %add3A_1002, %add3A_1001 : i32
      %dma_wait3A_1004 = arith.constant 0 : i32
      %dma_wait3A_1005 = tpu.memref_slice %arg9[%add3A_1001, %dma_wait3A_1004] : memref<40x128xf32, #tpu.memory_space<vmem>> -> memref<1x128xf32, #tpu.memory_space<vmem>>
      %dma_wait3A_1006 = tpu.memref_squeeze %dma_wait3A_1005 : memref<1x128xf32, #tpu.memory_space<vmem>> -> memref<128xf32, #tpu.memory_space<vmem>>
      %dma_wait3A_1007 = arith.constant 0 : i32
      %dma_wait3A_1008 = tpu.memref_slice %arg8[%add3A_1003, %dma_wait3A_1007] : memref<120x128xi32, #tpu.memory_space<vmem>> -> memref<1x128xi32, #tpu.memory_space<vmem>>
      %dma_wait3A_1009 = tpu.memref_squeeze %dma_wait3A_1008 : memref<1x128xi32, #tpu.memory_space<vmem>> -> memref<128xi32, #tpu.memory_space<vmem>>
      %dma_wait3A_1010 = arith.constant 0 : i32
      %dma_wait3A_1011 = tpu.memref_slice %arg20[%dma_wait3A_1010] : memref<10240xf32, #tpu.memory_space<vmem_shared>> -> memref<10240xf32, #tpu.memory_space<vmem_shared>>
      tpu.wait_indirect_dma semaphore(%arg21 : memref<!tpu.dma_semaphore, #tpu.memory_space<semaphore_mem>>) src(%dma_wait3A_1006 : memref<128xf32, #tpu.memory_space<vmem>>) dst(%dma_wait3A_1011 : memref<10240xf32, #tpu.memory_space<vmem_shared>>)
      %mul3A_1012 = arith.constant 20 : i32
      %mul3A_1013 = arith.muli %scan3A_99, %mul3A_1012 : i32
      %add3A_1014 = arith.constant 11 : i32
      %add3A_1015 = arith.addi %mul3A_1013, %add3A_1014 : i32
      %add3A_1016 = arith.constant 80 : i32
      %add3A_1017 = arith.addi %add3A_1016, %add3A_1015 : i32
      %dma_wait3A_1018 = arith.constant 0 : i32
      %dma_wait3A_1019 = tpu.memref_slice %arg9[%add3A_1015, %dma_wait3A_1018] : memref<40x128xf32, #tpu.memory_space<vmem>> -> memref<1x128xf32, #tpu.memory_space<vmem>>
      %dma_wait3A_1020 = tpu.memref_squeeze %dma_wait3A_1019 : memref<1x128xf32, #tpu.memory_space<vmem>> -> memref<128xf32, #tpu.memory_space<vmem>>
      %dma_wait3A_1021 = arith.constant 0 : i32
      %dma_wait3A_1022 = tpu.memref_slice %arg8[%add3A_1017, %dma_wait3A_1021] : memref<120x128xi32, #tpu.memory_space<vmem>> -> memref<1x128xi32, #tpu.memory_space<vmem>>
      %dma_wait3A_1023 = tpu.memref_squeeze %dma_wait3A_1022 : memref<1x128xi32, #tpu.memory_space<vmem>> -> memref<128xi32, #tpu.memory_space<vmem>>
      %dma_wait3A_1024 = arith.constant 0 : i32
      %dma_wait3A_1025 = tpu.memref_slice %arg20[%dma_wait3A_1024] : memref<10240xf32, #tpu.memory_space<vmem_shared>> -> memref<10240xf32, #tpu.memory_space<vmem_shared>>
      tpu.wait_indirect_dma semaphore(%arg21 : memref<!tpu.dma_semaphore, #tpu.memory_space<semaphore_mem>>) src(%dma_wait3A_1020 : memref<128xf32, #tpu.memory_space<vmem>>) dst(%dma_wait3A_1025 : memref<10240xf32, #tpu.memory_space<vmem_shared>>)
      %mul3A_1026 = arith.constant 20 : i32
      %mul3A_1027 = arith.muli %scan3A_99, %mul3A_1026 : i32
      %add3A_1028 = arith.constant 12 : i32
      %add3A_1029 = arith.addi %mul3A_1027, %add3A_1028 : i32
      %add3A_1030 = arith.constant 80 : i32
      %add3A_1031 = arith.addi %add3A_1030, %add3A_1029 : i32
      %dma_wait3A_1032 = arith.constant 0 : i32
      %dma_wait3A_1033 = tpu.memref_slice %arg9[%add3A_1029, %dma_wait3A_1032] : memref<40x128xf32, #tpu.memory_space<vmem>> -> memref<1x128xf32, #tpu.memory_space<vmem>>
      %dma_wait3A_1034 = tpu.memref_squeeze %dma_wait3A_1033 : memref<1x128xf32, #tpu.memory_space<vmem>> -> memref<128xf32, #tpu.memory_space<vmem>>
      %dma_wait3A_1035 = arith.constant 0 : i32
      %dma_wait3A_1036 = tpu.memref_slice %arg8[%add3A_1031, %dma_wait3A_1035] : memref<120x128xi32, #tpu.memory_space<vmem>> -> memref<1x128xi32, #tpu.memory_space<vmem>>
      %dma_wait3A_1037 = tpu.memref_squeeze %dma_wait3A_1036 : memref<1x128xi32, #tpu.memory_space<vmem>> -> memref<128xi32, #tpu.memory_space<vmem>>
      %dma_wait3A_1038 = arith.constant 0 : i32
      %dma_wait3A_1039 = tpu.memref_slice %arg20[%dma_wait3A_1038] : memref<10240xf32, #tpu.memory_space<vmem_shared>> -> memref<10240xf32, #tpu.memory_space<vmem_shared>>
      tpu.wait_indirect_dma semaphore(%arg21 : memref<!tpu.dma_semaphore, #tpu.memory_space<semaphore_mem>>) src(%dma_wait3A_1034 : memref<128xf32, #tpu.memory_space<vmem>>) dst(%dma_wait3A_1039 : memref<10240xf32, #tpu.memory_space<vmem_shared>>)
      %mul3A_1040 = arith.constant 20 : i32
      %mul3A_1041 = arith.muli %scan3A_99, %mul3A_1040 : i32
      %add3A_1042 = arith.constant 13 : i32
      %add3A_1043 = arith.addi %mul3A_1041, %add3A_1042 : i32
      %add3A_1044 = arith.constant 80 : i32
      %add3A_1045 = arith.addi %add3A_1044, %add3A_1043 : i32
      %dma_wait3A_1046 = arith.constant 0 : i32
      %dma_wait3A_1047 = tpu.memref_slice %arg9[%add3A_1043, %dma_wait3A_1046] : memref<40x128xf32, #tpu.memory_space<vmem>> -> memref<1x128xf32, #tpu.memory_space<vmem>>
      %dma_wait3A_1048 = tpu.memref_squeeze %dma_wait3A_1047 : memref<1x128xf32, #tpu.memory_space<vmem>> -> memref<128xf32, #tpu.memory_space<vmem>>
      %dma_wait3A_1049 = arith.constant 0 : i32
      %dma_wait3A_1050 = tpu.memref_slice %arg8[%add3A_1045, %dma_wait3A_1049] : memref<120x128xi32, #tpu.memory_space<vmem>> -> memref<1x128xi32, #tpu.memory_space<vmem>>
      %dma_wait3A_1051 = tpu.memref_squeeze %dma_wait3A_1050 : memref<1x128xi32, #tpu.memory_space<vmem>> -> memref<128xi32, #tpu.memory_space<vmem>>
      %dma_wait3A_1052 = arith.constant 0 : i32
      %dma_wait3A_1053 = tpu.memref_slice %arg20[%dma_wait3A_1052] : memref<10240xf32, #tpu.memory_space<vmem_shared>> -> memref<10240xf32, #tpu.memory_space<vmem_shared>>
      tpu.wait_indirect_dma semaphore(%arg21 : memref<!tpu.dma_semaphore, #tpu.memory_space<semaphore_mem>>) src(%dma_wait3A_1048 : memref<128xf32, #tpu.memory_space<vmem>>) dst(%dma_wait3A_1053 : memref<10240xf32, #tpu.memory_space<vmem_shared>>)
      %mul3A_1054 = arith.constant 20 : i32
      %mul3A_1055 = arith.muli %scan3A_99, %mul3A_1054 : i32
      %add3A_1056 = arith.constant 14 : i32
      %add3A_1057 = arith.addi %mul3A_1055, %add3A_1056 : i32
      %add3A_1058 = arith.constant 80 : i32
      %add3A_1059 = arith.addi %add3A_1058, %add3A_1057 : i32
      %dma_wait3A_1060 = arith.constant 0 : i32
      %dma_wait3A_1061 = tpu.memref_slice %arg9[%add3A_1057, %dma_wait3A_1060] : memref<40x128xf32, #tpu.memory_space<vmem>> -> memref<1x128xf32, #tpu.memory_space<vmem>>
      %dma_wait3A_1062 = tpu.memref_squeeze %dma_wait3A_1061 : memref<1x128xf32, #tpu.memory_space<vmem>> -> memref<128xf32, #tpu.memory_space<vmem>>
      %dma_wait3A_1063 = arith.constant 0 : i32
      %dma_wait3A_1064 = tpu.memref_slice %arg8[%add3A_1059, %dma_wait3A_1063] : memref<120x128xi32, #tpu.memory_space<vmem>> -> memref<1x128xi32, #tpu.memory_space<vmem>>
      %dma_wait3A_1065 = tpu.memref_squeeze %dma_wait3A_1064 : memref<1x128xi32, #tpu.memory_space<vmem>> -> memref<128xi32, #tpu.memory_space<vmem>>
      %dma_wait3A_1066 = arith.constant 0 : i32
      %dma_wait3A_1067 = tpu.memref_slice %arg20[%dma_wait3A_1066] : memref<10240xf32, #tpu.memory_space<vmem_shared>> -> memref<10240xf32, #tpu.memory_space<vmem_shared>>
      tpu.wait_indirect_dma semaphore(%arg21 : memref<!tpu.dma_semaphore, #tpu.memory_space<semaphore_mem>>) src(%dma_wait3A_1062 : memref<128xf32, #tpu.memory_space<vmem>>) dst(%dma_wait3A_1067 : memref<10240xf32, #tpu.memory_space<vmem_shared>>)
      %mul3A_1068 = arith.constant 20 : i32
      %mul3A_1069 = arith.muli %scan3A_99, %mul3A_1068 : i32
      %add3A_1070 = arith.constant 15 : i32
      %add3A_1071 = arith.addi %mul3A_1069, %add3A_1070 : i32
      %add3A_1072 = arith.constant 80 : i32
      %add3A_1073 = arith.addi %add3A_1072, %add3A_1071 : i32
      %dma_wait3A_1074 = arith.constant 0 : i32
      %dma_wait3A_1075 = tpu.memref_slice %arg9[%add3A_1071, %dma_wait3A_1074] : memref<40x128xf32, #tpu.memory_space<vmem>> -> memref<1x128xf32, #tpu.memory_space<vmem>>
      %dma_wait3A_1076 = tpu.memref_squeeze %dma_wait3A_1075 : memref<1x128xf32, #tpu.memory_space<vmem>> -> memref<128xf32, #tpu.memory_space<vmem>>
      %dma_wait3A_1077 = arith.constant 0 : i32
      %dma_wait3A_1078 = tpu.memref_slice %arg8[%add3A_1073, %dma_wait3A_1077] : memref<120x128xi32, #tpu.memory_space<vmem>> -> memref<1x128xi32, #tpu.memory_space<vmem>>
      %dma_wait3A_1079 = tpu.memref_squeeze %dma_wait3A_1078 : memref<1x128xi32, #tpu.memory_space<vmem>> -> memref<128xi32, #tpu.memory_space<vmem>>
      %dma_wait3A_1080 = arith.constant 0 : i32
      %dma_wait3A_1081 = tpu.memref_slice %arg20[%dma_wait3A_1080] : memref<10240xf32, #tpu.memory_space<vmem_shared>> -> memref<10240xf32, #tpu.memory_space<vmem_shared>>
      tpu.wait_indirect_dma semaphore(%arg21 : memref<!tpu.dma_semaphore, #tpu.memory_space<semaphore_mem>>) src(%dma_wait3A_1076 : memref<128xf32, #tpu.memory_space<vmem>>) dst(%dma_wait3A_1081 : memref<10240xf32, #tpu.memory_space<vmem_shared>>)
      %mul3A_1082 = arith.constant 20 : i32
      %mul3A_1083 = arith.muli %scan3A_99, %mul3A_1082 : i32
      %add3A_1084 = arith.constant 16 : i32
      %add3A_1085 = arith.addi %mul3A_1083, %add3A_1084 : i32
      %add3A_1086 = arith.constant 80 : i32
      %add3A_1087 = arith.addi %add3A_1086, %add3A_1085 : i32
      %dma_wait3A_1088 = arith.constant 0 : i32
      %dma_wait3A_1089 = tpu.memref_slice %arg9[%add3A_1085, %dma_wait3A_1088] : memref<40x128xf32, #tpu.memory_space<vmem>> -> memref<1x128xf32, #tpu.memory_space<vmem>>
      %dma_wait3A_1090 = tpu.memref_squeeze %dma_wait3A_1089 : memref<1x128xf32, #tpu.memory_space<vmem>> -> memref<128xf32, #tpu.memory_space<vmem>>
      %dma_wait3A_1091 = arith.constant 0 : i32
      %dma_wait3A_1092 = tpu.memref_slice %arg8[%add3A_1087, %dma_wait3A_1091] : memref<120x128xi32, #tpu.memory_space<vmem>> -> memref<1x128xi32, #tpu.memory_space<vmem>>
      %dma_wait3A_1093 = tpu.memref_squeeze %dma_wait3A_1092 : memref<1x128xi32, #tpu.memory_space<vmem>> -> memref<128xi32, #tpu.memory_space<vmem>>
      %dma_wait3A_1094 = arith.constant 0 : i32
      %dma_wait3A_1095 = tpu.memref_slice %arg20[%dma_wait3A_1094] : memref<10240xf32, #tpu.memory_space<vmem_shared>> -> memref<10240xf32, #tpu.memory_space<vmem_shared>>
      tpu.wait_indirect_dma semaphore(%arg21 : memref<!tpu.dma_semaphore, #tpu.memory_space<semaphore_mem>>) src(%dma_wait3A_1090 : memref<128xf32, #tpu.memory_space<vmem>>) dst(%dma_wait3A_1095 : memref<10240xf32, #tpu.memory_space<vmem_shared>>)
      %mul3A_1096 = arith.constant 20 : i32
      %mul3A_1097 = arith.muli %scan3A_99, %mul3A_1096 : i32
      %add3A_1098 = arith.constant 17 : i32
      %add3A_1099 = arith.addi %mul3A_1097, %add3A_1098 : i32
      %add3A_1100 = arith.constant 80 : i32
      %add3A_1101 = arith.addi %add3A_1100, %add3A_1099 : i32
      %dma_wait3A_1102 = arith.constant 0 : i32
      %dma_wait3A_1103 = tpu.memref_slice %arg9[%add3A_1099, %dma_wait3A_1102] : memref<40x128xf32, #tpu.memory_space<vmem>> -> memref<1x128xf32, #tpu.memory_space<vmem>>
      %dma_wait3A_1104 = tpu.memref_squeeze %dma_wait3A_1103 : memref<1x128xf32, #tpu.memory_space<vmem>> -> memref<128xf32, #tpu.memory_space<vmem>>
      %dma_wait3A_1105 = arith.constant 0 : i32
      %dma_wait3A_1106 = tpu.memref_slice %arg8[%add3A_1101, %dma_wait3A_1105] : memref<120x128xi32, #tpu.memory_space<vmem>> -> memref<1x128xi32, #tpu.memory_space<vmem>>
      %dma_wait3A_1107 = tpu.memref_squeeze %dma_wait3A_1106 : memref<1x128xi32, #tpu.memory_space<vmem>> -> memref<128xi32, #tpu.memory_space<vmem>>
      %dma_wait3A_1108 = arith.constant 0 : i32
      %dma_wait3A_1109 = tpu.memref_slice %arg20[%dma_wait3A_1108] : memref<10240xf32, #tpu.memory_space<vmem_shared>> -> memref<10240xf32, #tpu.memory_space<vmem_shared>>
      tpu.wait_indirect_dma semaphore(%arg21 : memref<!tpu.dma_semaphore, #tpu.memory_space<semaphore_mem>>) src(%dma_wait3A_1104 : memref<128xf32, #tpu.memory_space<vmem>>) dst(%dma_wait3A_1109 : memref<10240xf32, #tpu.memory_space<vmem_shared>>)
      %mul3A_1110 = arith.constant 20 : i32
      %mul3A_1111 = arith.muli %scan3A_99, %mul3A_1110 : i32
      %add3A_1112 = arith.constant 18 : i32
      %add3A_1113 = arith.addi %mul3A_1111, %add3A_1112 : i32
      %add3A_1114 = arith.constant 80 : i32
      %add3A_1115 = arith.addi %add3A_1114, %add3A_1113 : i32
      %dma_wait3A_1116 = arith.constant 0 : i32
      %dma_wait3A_1117 = tpu.memref_slice %arg9[%add3A_1113, %dma_wait3A_1116] : memref<40x128xf32, #tpu.memory_space<vmem>> -> memref<1x128xf32, #tpu.memory_space<vmem>>
      %dma_wait3A_1118 = tpu.memref_squeeze %dma_wait3A_1117 : memref<1x128xf32, #tpu.memory_space<vmem>> -> memref<128xf32, #tpu.memory_space<vmem>>
      %dma_wait3A_1119 = arith.constant 0 : i32
      %dma_wait3A_1120 = tpu.memref_slice %arg8[%add3A_1115, %dma_wait3A_1119] : memref<120x128xi32, #tpu.memory_space<vmem>> -> memref<1x128xi32, #tpu.memory_space<vmem>>
      %dma_wait3A_1121 = tpu.memref_squeeze %dma_wait3A_1120 : memref<1x128xi32, #tpu.memory_space<vmem>> -> memref<128xi32, #tpu.memory_space<vmem>>
      %dma_wait3A_1122 = arith.constant 0 : i32
      %dma_wait3A_1123 = tpu.memref_slice %arg20[%dma_wait3A_1122] : memref<10240xf32, #tpu.memory_space<vmem_shared>> -> memref<10240xf32, #tpu.memory_space<vmem_shared>>
      tpu.wait_indirect_dma semaphore(%arg21 : memref<!tpu.dma_semaphore, #tpu.memory_space<semaphore_mem>>) src(%dma_wait3A_1118 : memref<128xf32, #tpu.memory_space<vmem>>) dst(%dma_wait3A_1123 : memref<10240xf32, #tpu.memory_space<vmem_shared>>)
      %mul3A_1124 = arith.constant 20 : i32
      %mul3A_1125 = arith.muli %scan3A_99, %mul3A_1124 : i32
      %add3A_1126 = arith.constant 19 : i32
      %add3A_1127 = arith.addi %mul3A_1125, %add3A_1126 : i32
      %add3A_1128 = arith.constant 80 : i32
      %add3A_1129 = arith.addi %add3A_1128, %add3A_1127 : i32
      %dma_wait3A_1130 = arith.constant 0 : i32
      %dma_wait3A_1131 = tpu.memref_slice %arg9[%add3A_1127, %dma_wait3A_1130] : memref<40x128xf32, #tpu.memory_space<vmem>> -> memref<1x128xf32, #tpu.memory_space<vmem>>
      %dma_wait3A_1132 = tpu.memref_squeeze %dma_wait3A_1131 : memref<1x128xf32, #tpu.memory_space<vmem>> -> memref<128xf32, #tpu.memory_space<vmem>>
      %dma_wait3A_1133 = arith.constant 0 : i32
      %dma_wait3A_1134 = tpu.memref_slice %arg8[%add3A_1129, %dma_wait3A_1133] : memref<120x128xi32, #tpu.memory_space<vmem>> -> memref<1x128xi32, #tpu.memory_space<vmem>>
      %dma_wait3A_1135 = tpu.memref_squeeze %dma_wait3A_1134 : memref<1x128xi32, #tpu.memory_space<vmem>> -> memref<128xi32, #tpu.memory_space<vmem>>
      %dma_wait3A_1136 = arith.constant 0 : i32
      %dma_wait3A_1137 = tpu.memref_slice %arg20[%dma_wait3A_1136] : memref<10240xf32, #tpu.memory_space<vmem_shared>> -> memref<10240xf32, #tpu.memory_space<vmem_shared>>
      tpu.wait_indirect_dma semaphore(%arg21 : memref<!tpu.dma_semaphore, #tpu.memory_space<semaphore_mem>>) src(%dma_wait3A_1132 : memref<128xf32, #tpu.memory_space<vmem>>) dst(%dma_wait3A_1137 : memref<10240xf32, #tpu.memory_space<vmem_shared>>)
    }
    %scan3A_84 = arith.constant 2 : i32
    %barrier3A_85 = arith.constant 0 : index
    tpu.barrier barrier_id(%barrier3A_85)
    "tpu.region"() ({
      %run_scoped3A_99 = tpu.sem_alloc : memref<!tpu.dma_semaphore, #tpu.memory_space<semaphore_mem>>
      %dma_start3A = tpu.memref_slice %arg20[%mul3A_0] : memref<10240xf32, #tpu.memory_space<vmem_shared>> -> memref<640xf32, #tpu.memory_space<vmem_shared>>
      %dma_start3A_100 = tpu.memref_slice %arg20[%mul3A_0] : memref<10240xf32, #tpu.memory_space<vmem_shared>> -> memref<640xf32, #tpu.memory_space<vmem_shared>>
      tpu.enqueue_dma source(%dma_start3A_100 : memref<640xf32, #tpu.memory_space<vmem_shared>>) target(%arg16 : memref<640xf32, #tpu.memory_space<vmem>>) target_semaphore(%run_scoped3A_99 : memref<!tpu.dma_semaphore, #tpu.memory_space<semaphore_mem>>)
      %dma_wait3A = tpu.memref_slice %arg20[%mul3A_0] : memref<10240xf32, #tpu.memory_space<vmem_shared>> -> memref<640xf32, #tpu.memory_space<vmem_shared>>
      %dma_wait3A_101 = tpu.memref_slice %arg20[%mul3A_0] : memref<10240xf32, #tpu.memory_space<vmem_shared>> -> memref<640xf32, #tpu.memory_space<vmem_shared>>
      tpu.wait_dma2 semaphore(%run_scoped3A_99 : memref<!tpu.dma_semaphore, #tpu.memory_space<semaphore_mem>>) src(%dma_wait3A_101 : memref<640xf32, #tpu.memory_space<vmem_shared>>) dst(%arg16 : memref<640xf32, #tpu.memory_space<vmem>>)
      tpu.yield
    }) : () -> ()
    %get3A_86 = arith.constant 16 : index
    %get3A_87 = tpu.vector_load %arg11[%get3A_86] {strides = array<i32>} : memref<32xf32, #tpu.memory_space<vmem>>, vector<16xf32>,
    %get3A_88 = vector.shape_cast %get3A_87 : vector<16xf32> to vector<16xf32>
    %eq3A_89 = arith.constant 0 : i32
    %eq3A_90 = arith.cmpi eq, %arg0, %eq3A_89 : i32
    %convert_element_type3A_91 = arith.extui %eq3A_90 : i1 to i32
    %cond3A_92 = arith.constant 0 : i32
    %cond3A_93 = arith.cmpi ne, %convert_element_type3A_91, %cond3A_92 : i32
    scf.if %cond3A_93 {
      %scan3A_99 = arith.constant 0 : i32
      %scan3A_100 = arith.constant 40 : i32
      %scan3A_101 = arith.addi %scan3A_99, %scan3A_100 : i32
      %scan3A_102 = arith.constant 1 : i32
      scf.for %scan3A_104 = %scan3A_99 to %scan3A_101 step %scan3A_102  : i32 {
        %mul3A_105 = arith.constant 16 : i32
        %mul3A_106 = arith.muli %scan3A_104, %mul3A_105 : i32
        %get3A_107 = arith.index_cast %mul3A_106 : i32 to index
        %get3A_108 = tpu.vector_load %arg16[%get3A_107] {strides = array<i32>} : memref<640xf32, #tpu.memory_space<vmem>>, vector<16xf32>,
        %get3A_109 = vector.shape_cast %get3A_108 : vector<16xf32> to vector<16xf32>
        %mul3A_110 = arith.constant 16 : i32
        %mul3A_111 = arith.muli %scan3A_104, %mul3A_110 : i32
        %get3A_112 = arith.index_cast %mul3A_111 : i32 to index
        %get3A_113 = tpu.vector_load %arg15[%get3A_112] {strides = array<i32>} : memref<640xf32, #tpu.memory_space<vmem>>, vector<16xf32>,
        %get3A_114 = vector.shape_cast %get3A_113 : vector<16xf32> to vector<16xf32>
        %mul3A_115 = arith.constant 16 : i32
        %mul3A_116 = arith.muli %scan3A_104, %mul3A_115 : i32
        %get3A_117 = arith.index_cast %mul3A_116 : i32 to index
        %get3A_118 = tpu.vector_load %arg13[%get3A_117] {strides = array<i32>} : memref<640xf32, #tpu.memory_space<vmem>>, vector<16xf32>,
        %get3A_119 = vector.shape_cast %get3A_118 : vector<16xf32> to vector<16xf32>
        %mul3A_120 = arith.constant 1.280000e+02 : f32
        %mul3A_121 = vector.broadcast %mul3A_120 : f32 to vector<16xf32>
        %mul3A_122 = arith.mulf %mul3A_121, %get3A_114 : vector<16xf32>
        %mul3A_123 = arith.mulf %mul3A_122, %get3A_109 : vector<16xf32>
        %mul3A_124 = arith.mulf %get3A_114, %get3A_114 : vector<16xf32>
        %mul3A_125 = arith.mulf %mul3A_124, %get3A_119 : vector<16xf32>
        %mul3A_126 = arith.mulf %mul3A_125, %get3A_73 : vector<16xf32>
        %add3A_127 = arith.addf %mul3A_123, %mul3A_126 : vector<16xf32>
        %add3A_128 = arith.addf %add3A_127, %get3A_88 : vector<16xf32>
        %mul3A_129 = arith.constant 16 : i32
        %mul3A_130 = arith.muli %scan3A_104, %mul3A_129 : i32
        %swap3A_131 = arith.index_cast %mul3A_130 : i32 to index
        %swap3A_132 = tpu.vector_load %arg17[%swap3A_131] {strides = array<i32>} : memref<640xf32, #tpu.memory_space<vmem>>, vector<16xf32>,
        %swap3A_133 = vector.shape_cast %swap3A_132 : vector<16xf32> to vector<16xf32>
        %swap3A_134 = vector.shape_cast %add3A_128 : vector<16xf32> to vector<16xf32>
        tpu.vector_store %arg17[%swap3A_131], %swap3A_134 {strides = array<i32>} : memref<640xf32, #tpu.memory_space<vmem>>, vector<16xf32>,
      }
      %scan3A_103 = arith.constant 40 : i32
      "tpu.region"() ({
        %run_scoped3A_104 = tpu.sem_alloc : memref<!tpu.dma_semaphore, #tpu.memory_space<semaphore_mem>>
        %dma_start3A = tpu.memref_slice %arg5[%mul3A_0] : memref<16384xf32, #tpu.memory_space<hbm>> -> memref<640xf32, #tpu.memory_space<hbm>>
        %dma_start3A_105 = tpu.memref_slice %arg5[%mul3A_0] : memref<16384xf32, #tpu.memory_space<hbm>> -> memref<640xf32, #tpu.memory_space<hbm>>
        tpu.enqueue_dma source(%arg17 : memref<640xf32, #tpu.memory_space<vmem>>) target(%dma_start3A_105 : memref<640xf32, #tpu.memory_space<hbm>>) target_semaphore(%run_scoped3A_104 : memref<!tpu.dma_semaphore, #tpu.memory_space<semaphore_mem>>)
        %dma_wait3A = tpu.memref_slice %arg5[%mul3A_0] : memref<16384xf32, #tpu.memory_space<hbm>> -> memref<640xf32, #tpu.memory_space<hbm>>
        %dma_wait3A_106 = tpu.memref_slice %arg5[%mul3A_0] : memref<16384xf32, #tpu.memory_space<hbm>> -> memref<640xf32, #tpu.memory_space<hbm>>
        tpu.wait_dma2 semaphore(%run_scoped3A_104 : memref<!tpu.dma_semaphore, #tpu.memory_space<semaphore_mem>>) src(%arg17 : memref<640xf32, #tpu.memory_space<vmem>>) dst(%dma_wait3A_106 : memref<640xf32, #tpu.memory_space<hbm>>)
        tpu.yield
      }) : () -> ()
    } else {
    }
    %eq3A_94 = arith.constant 1 : i32
    %eq3A_95 = arith.cmpi eq, %arg0, %eq3A_94 : i32
    %convert_element_type3A_96 = arith.extui %eq3A_95 : i1 to i32
    %cond3A_97 = arith.constant 0 : i32
    %cond3A_98 = arith.cmpi ne, %convert_element_type3A_96, %cond3A_97 : i32
    scf.if %cond3A_98 {
      %scan3A_99 = arith.constant 0 : i32
      %scan3A_100 = arith.constant 40 : i32
      %scan3A_101 = arith.addi %scan3A_99, %scan3A_100 : i32
      %scan3A_102 = arith.constant 1 : i32
      scf.for %scan3A_104 = %scan3A_99 to %scan3A_101 step %scan3A_102  : i32 {
        %mul3A_105 = arith.constant 16 : i32
        %mul3A_106 = arith.muli %scan3A_104, %mul3A_105 : i32
        %get3A_107 = arith.index_cast %mul3A_106 : i32 to index
        %get3A_108 = tpu.vector_load %arg16[%get3A_107] {strides = array<i32>} : memref<640xf32, #tpu.memory_space<vmem>>, vector<16xf32>,
        %get3A_109 = vector.shape_cast %get3A_108 : vector<16xf32> to vector<16xf32>
        %mul3A_110 = arith.constant 16 : i32
        %mul3A_111 = arith.muli %scan3A_104, %mul3A_110 : i32
        %get3A_112 = arith.index_cast %mul3A_111 : i32 to index
        %get3A_113 = tpu.vector_load %arg15[%get3A_112] {strides = array<i32>} : memref<640xf32, #tpu.memory_space<vmem>>, vector<16xf32>,
        %get3A_114 = vector.shape_cast %get3A_113 : vector<16xf32> to vector<16xf32>
        %mul3A_115 = arith.constant 1.280000e+02 : f32
        %mul3A_116 = vector.broadcast %mul3A_115 : f32 to vector<16xf32>
        %mul3A_117 = arith.mulf %mul3A_116, %get3A_114 : vector<16xf32>
        %mul3A_118 = arith.mulf %mul3A_117, %get3A_109 : vector<16xf32>
        %mul3A_119 = arith.constant 16 : i32
        %mul3A_120 = arith.muli %scan3A_104, %mul3A_119 : i32
        %swap3A_121 = arith.index_cast %mul3A_120 : i32 to index
        %swap3A_122 = tpu.vector_load %arg17[%swap3A_121] {strides = array<i32>} : memref<640xf32, #tpu.memory_space<vmem>>, vector<16xf32>,
        %swap3A_123 = vector.shape_cast %swap3A_122 : vector<16xf32> to vector<16xf32>
        %swap3A_124 = vector.shape_cast %mul3A_118 : vector<16xf32> to vector<16xf32>
        tpu.vector_store %arg17[%swap3A_121], %swap3A_124 {strides = array<i32>} : memref<640xf32, #tpu.memory_space<vmem>>, vector<16xf32>,
      }
      %scan3A_103 = arith.constant 40 : i32
      "tpu.region"() ({
        %run_scoped3A_104 = tpu.sem_alloc : memref<!tpu.dma_semaphore, #tpu.memory_space<semaphore_mem>>
        %dma_start3A = tpu.memref_slice %arg6[%mul3A_0] : memref<16384xf32, #tpu.memory_space<hbm>> -> memref<640xf32, #tpu.memory_space<hbm>>
        %dma_start3A_105 = tpu.memref_slice %arg6[%mul3A_0] : memref<16384xf32, #tpu.memory_space<hbm>> -> memref<640xf32, #tpu.memory_space<hbm>>
        tpu.enqueue_dma source(%arg17 : memref<640xf32, #tpu.memory_space<vmem>>) target(%dma_start3A_105 : memref<640xf32, #tpu.memory_space<hbm>>) target_semaphore(%run_scoped3A_104 : memref<!tpu.dma_semaphore, #tpu.memory_space<semaphore_mem>>)
        %dma_wait3A = tpu.memref_slice %arg6[%mul3A_0] : memref<16384xf32, #tpu.memory_space<hbm>> -> memref<640xf32, #tpu.memory_space<hbm>>
        %dma_wait3A_106 = tpu.memref_slice %arg6[%mul3A_0] : memref<16384xf32, #tpu.memory_space<hbm>> -> memref<640xf32, #tpu.memory_space<hbm>>
        tpu.wait_dma2 semaphore(%run_scoped3A_104 : memref<!tpu.dma_semaphore, #tpu.memory_space<semaphore_mem>>) src(%arg17 : memref<640xf32, #tpu.memory_space<vmem>>) dst(%dma_wait3A_106 : memref<640xf32, #tpu.memory_space<hbm>>)
        tpu.yield
      }) : () -> ()
    } else {
    }
    return
  }
}

module attributes {stable_mosaic.version = 14 : i64} {
  func.func @_mlp_a_body(%arg0: i32, %arg1: memref<10500x128xf32, #tpu.memory_space<vmem>>, %arg2: memref<10500x128xf32, #tpu.memory_space<vmem>>, %arg3: memref<1x2xf32, #tpu.memory_space<vmem>>, %arg4: memref<128x128xf32, #tpu.memory_space<vmem>>, %arg5: memref<10500x128xf32, #tpu.memory_space<vmem>>) attributes {dimension_semantics = [#tpu.dimension_semantics<arbitrary>], iteration_bounds = array<i64: 4>, scalar_prefetch = 0 : i64, scratch_operands = 1 : i64, tpu.core_type = #tpu.core_type<tc>, window_params = [{pipeline_mode = #tpu.pipeline_mode<synchronous>, transform_indices = @transform_0, window_bounds = array<i64: 10500, 128>}, {transform_indices = @transform_1, window_bounds = array<i64: 10500, 128>}, {pipeline_mode = #tpu.pipeline_mode<synchronous>, transform_indices = @transform_2, window_bounds = array<i64: 1, 2>}, {transform_indices = @transform_3, window_bounds = array<i64: 128, 128>}]} {
    %eq3A = arith.constant 0 : i32
    %eq3A_0 = arith.cmpi eq, %arg0, %eq3A : i32
    %convert_element_type3A = arith.extui %eq3A_0 : i1 to i32
    %cond3A = arith.constant 0 : i32
    %cond3A_1 = arith.cmpi ne, %convert_element_type3A, %cond3A : i32
    scf.if %cond3A_1 {
      %iota3A = tpu.iota {dimensions = array<i32: 0>} : vector<10500x128xi32>
      %get3A_10 = arith.constant 0 : index
      %get3A_11 = arith.constant 0 : index
      %get3A_12 = vector.load %arg1[%get3A_10, %get3A_11] : memref<10500x128xf32, #tpu.memory_space<vmem>>, vector<10500x128xf32>
      %get3A_13 = arith.constant 0 : index
      %get3A_14 = arith.constant 0 : index
      %get3A_15 = vector.load %arg3[%get3A_13, %get3A_14] : memref<1x2xf32, #tpu.memory_space<vmem>>, vector<1x1xf32>
      %get3A_16 = vector.extract %get3A_15[0, 0] : f32 from vector<1x1xf32>
      %get3A_17 = arith.constant 0 : index
      %get3A_18 = arith.constant 1 : index
      %get3A_19 = vector.load %arg3[%get3A_17, %get3A_18] : memref<1x2xf32, #tpu.memory_space<vmem>>, vector<1x1xf32>
      %get3A_20 = vector.extract %get3A_19[0, 0] : f32 from vector<1x1xf32>
      %lt3A = arith.constant 10000 : i32
      %lt3A_21 = vector.broadcast %lt3A : i32 to vector<10500x128xi32>
      %lt3A_22 = arith.cmpi slt, %iota3A, %lt3A_21 : vector<10500x128xi32>
      %mul3A = vector.broadcast %get3A_16 : f32 to vector<10500x128xf32>
      %mul3A_23 = arith.mulf %mul3A, %get3A_12 : vector<10500x128xf32>
      %add3A = vector.broadcast %get3A_20 : f32 to vector<10500x128xf32>
      %add3A_24 = arith.addf %mul3A_23, %add3A : vector<10500x128xf32>
      %max3A = arith.constant 0.000000e+00 : f32
      %max3A_25 = vector.broadcast %max3A : f32 to vector<10500x128xf32>
      %max3A_26 = arith.maximumf %add3A_24, %max3A_25 : vector<10500x128xf32>
      %select_n3A = arith.select %lt3A_22, %max3A_26, %get3A_12 : vector<10500x128xi1>, vector<10500x128xf32>
      %swap3A_27 = arith.constant 0 : index
      %swap3A_28 = arith.constant 0 : index
      %swap3A_29 = vector.load %arg5[%swap3A_27, %swap3A_28] : memref<10500x128xf32, #tpu.memory_space<vmem>>, vector<10500x128xf32>
      tpu.vector_store %arg5[%swap3A_27, %swap3A_28], %select_n3A {strides = array<i32>} : memref<10500x128xf32, #tpu.memory_space<vmem>>, vector<10500x128xf32>,
    } else {
    }
    %get3A = arith.constant 0 : index
    %get3A_2 = arith.constant 0 : index
    %get3A_3 = vector.load %arg5[%get3A, %get3A_2] : memref<10500x128xf32, #tpu.memory_space<vmem>>, vector<10500x128xf32>
    %get3A_4 = arith.constant 0 : index
    %get3A_5 = arith.constant 0 : index
    %get3A_6 = vector.load %arg2[%get3A_4, %get3A_5] : memref<10500x128xf32, #tpu.memory_space<vmem>>, vector<10500x128xf32>
    %dot_general3A = arith.constant dense<0.000000e+00> : vector<128x128xf32>
    %dot_general3A_7 = tpu.matmul %get3A_3, %get3A_6, %dot_general3A {dimension_numbers = #tpu.dot_dimension_numbers<[0], [0], [1], [1], [0, 1, 1, 1], [], []>, transpose_lhs_hint = false} : vector<10500x128xf32>, vector<10500x128xf32>, vector<128x128xf32> -> vector<128x128xf32>
    %swap3A = arith.constant 0 : index
    %swap3A_8 = arith.constant 0 : index
    %swap3A_9 = vector.load %arg4[%swap3A, %swap3A_8] : memref<128x128xf32, #tpu.memory_space<vmem>>, vector<128x128xf32>
    tpu.vector_store %arg4[%swap3A, %swap3A_8], %dot_general3A_7 {strides = array<i32>} : memref<128x128xf32, #tpu.memory_space<vmem>>, vector<128x128xf32>,
    return
  }
  func.func @transform_0(%arg0: i32) -> (i32, i32) {
    %c0_i32 = arith.constant 0 : i32
    %c0_i32_0 = arith.constant 0 : i32
    %c0_i32_1 = arith.constant 0 : i32
    return %c0_i32, %c0_i32_0 : i32, i32
  }
  func.func @transform_1(%arg0: i32) -> (i32, i32) {
    %c0_i32 = arith.constant 0 : i32
    %c0_i32_0 = arith.constant 0 : i32
    return %c0_i32, %arg0 : i32, i32
  }
  func.func @transform_2(%arg0: i32) -> (i32, i32) {
    %c0_i32 = arith.constant 0 : i32
    %c0_i32_0 = arith.constant 0 : i32
    %c0_i32_1 = arith.constant 0 : i32
    return %c0_i32, %c0_i32_0 : i32, i32
  }
  func.func @transform_3(%arg0: i32) -> (i32, i32) {
    %c0_i32 = arith.constant 0 : i32
    %c0_i32_0 = arith.constant 0 : i32
    return %c0_i32, %arg0 : i32, i32
  }
}

module attributes {stable_mosaic.version = 14 : i64} {
  func.func @_mlp_b_body(%arg0: i32, %arg1: memref<128x512xf32, #tpu.memory_space<vmem>>, %arg2: memref<128x128xf32, #tpu.memory_space<vmem>>, %arg3: memref<128x128xf32, #tpu.memory_space<vmem>>, %arg4: memref<128x128xf32, #tpu.memory_space<vmem>>, %arg5: memref<128x512xf32, #tpu.memory_space<vmem>>, %arg6: memref<256x512xf32, #tpu.memory_space<vmem>>, %arg7: memref<10500x256xf32, #tpu.memory_space<vmem>>, %arg8: memref<1x512xf32, #tpu.memory_space<vmem>>, %arg9: memref<1x256xf32, #tpu.memory_space<vmem>>, %arg10: memref<1x10500xf32, #tpu.memory_space<vmem>>, %arg11: memref<1x2xf32, #tpu.memory_space<vmem>>, %arg12: memref<500x128xf32, #tpu.memory_space<vmem>>, %arg13: memref<10000x128xf32, #tpu.memory_space<vmem>>) attributes {dimension_semantics = [#tpu.dimension_semantics<arbitrary>], iteration_bounds = array<i64: 1>, scalar_prefetch = 0 : i64, scratch_operands = 0 : i64, tpu.core_type = #tpu.core_type<tc>, window_params = [{pipeline_mode = #tpu.pipeline_mode<synchronous>, transform_indices = @transform_0, window_bounds = array<i64: 128, 512>}, {transform_indices = @transform_1, window_bounds = array<i64: 128, 128>}, {pipeline_mode = #tpu.pipeline_mode<synchronous>, transform_indices = @transform_2, window_bounds = array<i64: 128, 128>}, {pipeline_mode = #tpu.pipeline_mode<synchronous>, transform_indices = @transform_3, window_bounds = array<i64: 128, 128>}, {transform_indices = @transform_4, window_bounds = array<i64: 128, 512>}, {pipeline_mode = #tpu.pipeline_mode<synchronous>, transform_indices = @transform_5, window_bounds = array<i64: 256, 512>}, {pipeline_mode = #tpu.pipeline_mode<synchronous>, transform_indices = @transform_6, window_bounds = array<i64: 10500, 256>}, {pipeline_mode = #tpu.pipeline_mode<synchronous>, transform_indices = @transform_7, window_bounds = array<i64: 1, 512>}, {pipeline_mode = #tpu.pipeline_mode<synchronous>, transform_indices = @transform_8, window_bounds = array<i64: 1, 256>}, {pipeline_mode = #tpu.pipeline_mode<synchronous>, transform_indices = @transform_9, window_bounds = array<i64: 1, 10500>}, {pipeline_mode = #tpu.pipeline_mode<synchronous>, transform_indices = @transform_10, window_bounds = array<i64: 1, 2>}, {pipeline_mode = #tpu.pipeline_mode<synchronous>, transform_indices = @transform_11, window_bounds = array<i64: 500, 128>}, {pipeline_mode = #tpu.pipeline_mode<synchronous>, transform_indices = @transform_12, window_bounds = array<i64: 10000, 128>}]} {
    %get3A = arith.constant 0 : index
    %get3A_0 = arith.constant 0 : index
    %get3A_1 = vector.load %arg11[%get3A, %get3A_0] : memref<1x2xf32, #tpu.memory_space<vmem>>, vector<1x1xf32>
    %get3A_2 = vector.extract %get3A_1[0, 0] : f32 from vector<1x1xf32>
    %get3A_3 = arith.constant 0 : index
    %get3A_4 = arith.constant 1 : index
    %get3A_5 = vector.load %arg11[%get3A_3, %get3A_4] : memref<1x2xf32, #tpu.memory_space<vmem>>, vector<1x1xf32>
    %get3A_6 = vector.extract %get3A_5[0, 0] : f32 from vector<1x1xf32>
    %iota3A = tpu.iota {dimensions = array<i32: 0>} : vector<128x128xi32>
    %iota3A_7 = tpu.iota {dimensions = array<i32: 1>} : vector<128x128xi32>
    %mul3A = arith.constant 128 : i32
    %mul3A_8 = vector.broadcast %mul3A : i32 to vector<128x128xi32>
    %mul3A_9 = arith.muli %iota3A, %mul3A_8 : vector<128x128xi32>
    %add3A = arith.addi %mul3A_9, %iota3A_7 : vector<128x128xi32>
    %get3A_10 = arith.constant 0 : index
    %get3A_11 = arith.constant 0 : index
    %get3A_12 = vector.load %arg2[%get3A_10, %get3A_11] : memref<128x128xf32, #tpu.memory_space<vmem>>, vector<128x128xf32>
    %mul3A_13 = vector.broadcast %get3A_2 : f32 to vector<128x128xf32>
    %mul3A_14 = arith.mulf %mul3A_13, %get3A_12 : vector<128x128xf32>
    %add3A_15 = vector.broadcast %get3A_6 : f32 to vector<128x128xf32>
    %add3A_16 = arith.addf %mul3A_14, %add3A_15 : vector<128x128xf32>
    %max3A = arith.constant 0.000000e+00 : f32
    %max3A_17 = vector.broadcast %max3A : f32 to vector<128x128xf32>
    %max3A_18 = arith.maximumf %add3A_16, %max3A_17 : vector<128x128xf32>
    %get3A_19 = arith.constant 0 : index
    %get3A_20 = arith.constant 0 : index
    %get3A_21 = vector.load %arg3[%get3A_19, %get3A_20] : memref<128x128xf32, #tpu.memory_space<vmem>>, vector<128x128xf32>
    %get3A_22 = arith.constant 0 : index
    %get3A_23 = arith.constant 0 : index
    %get3A_24 = vector.load %arg4[%get3A_22, %get3A_23] : memref<128x128xf32, #tpu.memory_space<vmem>>, vector<128x128xf32>
    %add3A_25 = arith.addf %get3A_21, %get3A_24 : vector<128x128xf32>
    %max3A_26 = arith.constant 0.000000e+00 : f32
    %max3A_27 = vector.broadcast %max3A_26 : f32 to vector<128x128xf32>
    %max3A_28 = arith.maximumf %add3A_25, %max3A_27 : vector<128x128xf32>
    %lt3A = arith.constant 10000 : i32
    %lt3A_29 = vector.broadcast %lt3A : i32 to vector<128x128xi32>
    %lt3A_30 = arith.cmpi slt, %add3A, %lt3A_29 : vector<128x128xi32>
    %sub3A = arith.subf %max3A_28, %max3A_18 : vector<128x128xf32>
    %jit3A = arith.constant 0.000000e+00 : f32
    %broadcast_in_dim3A = vector.broadcast %jit3A : f32 to vector<128x128xf32>
    %select_n3A = arith.select %lt3A_30, %sub3A, %broadcast_in_dim3A : vector<128x128xi1>, vector<128x128xf32>
    %get3A_31 = arith.constant 0 : index
    %get3A_32 = arith.constant 0 : index
    %get3A_33 = vector.load %arg5[%get3A_31, %get3A_32] : memref<128x512xf32, #tpu.memory_space<vmem>>, vector<128x512xf32>
    %dot_general3A = arith.constant dense<0.000000e+00> : vector<128x512xf32>
    %dot_general3A_34 = tpu.matmul %select_n3A, %get3A_33, %dot_general3A {dimension_numbers = #tpu.dot_dimension_numbers<[0], [0], [1], [1], [0, 1, 1, 1], [], []>, transpose_lhs_hint = false} : vector<128x128xf32>, vector<128x512xf32>, vector<128x512xf32> -> vector<128x512xf32>
    %get3A_35 = arith.constant 0 : index
    %get3A_36 = arith.constant 0 : index
    %get3A_37 = vector.load %arg1[%get3A_35, %get3A_36] : memref<128x512xf32, #tpu.memory_space<vmem>>, vector<128x512xf32>
    %add3A_38 = arith.addf %get3A_37, %dot_general3A_34 : vector<128x512xf32>
    %get3A_39 = arith.constant 0 : index
    %get3A_40 = arith.constant 0 : index
    %get3A_41 = vector.load %arg8[%get3A_39, %get3A_40] : memref<1x512xf32, #tpu.memory_space<vmem>>, vector<1x512xf32>
    %add3A_42 = vector.broadcast %get3A_41 : vector<1x512xf32> to vector<128x512xf32>
    %add3A_43 = arith.addf %add3A_38, %add3A_42 : vector<128x512xf32>
    %max3A_44 = arith.constant 0.000000e+00 : f32
    %max3A_45 = vector.broadcast %max3A_44 : f32 to vector<128x512xf32>
    %max3A_46 = arith.maximumf %add3A_43, %max3A_45 : vector<128x512xf32>
    %get3A_47 = arith.constant 0 : index
    %get3A_48 = arith.constant 0 : index
    %get3A_49 = vector.load %arg6[%get3A_47, %get3A_48] : memref<256x512xf32, #tpu.memory_space<vmem>>, vector<256x512xf32>
    %dot_general3A_50 = arith.constant dense<0.000000e+00> : vector<128x256xf32>
    %dot_general3A_51 = tpu.matmul %max3A_46, %get3A_49, %dot_general3A_50 {dimension_numbers = #tpu.dot_dimension_numbers<[1], [1], [0], [0], [0, 0, 1, 0], [], []>, transpose_lhs_hint = false} : vector<128x512xf32>, vector<256x512xf32>, vector<128x256xf32> -> vector<128x256xf32>
    %get3A_52 = arith.constant 0 : index
    %get3A_53 = arith.constant 0 : index
    %get3A_54 = vector.load %arg9[%get3A_52, %get3A_53] : memref<1x256xf32, #tpu.memory_space<vmem>>, vector<1x256xf32>
    %add3A_55 = vector.broadcast %get3A_54 : vector<1x256xf32> to vector<128x256xf32>
    %add3A_56 = arith.addf %dot_general3A_51, %add3A_55 : vector<128x256xf32>
    %max3A_57 = arith.constant 0.000000e+00 : f32
    %max3A_58 = vector.broadcast %max3A_57 : f32 to vector<128x256xf32>
    %max3A_59 = arith.maximumf %add3A_56, %max3A_58 : vector<128x256xf32>
    %get3A_60 = arith.constant 0 : index
    %get3A_61 = arith.constant 0 : index
    %get3A_62 = vector.load %arg7[%get3A_60, %get3A_61] : memref<10500x256xf32, #tpu.memory_space<vmem>>, vector<10500x256xf32>
    %dot_general3A_63 = arith.constant dense<0.000000e+00> : vector<10500x128xf32>
    %dot_general3A_64 = tpu.matmul %get3A_62, %max3A_59, %dot_general3A_63 {dimension_numbers = #tpu.dot_dimension_numbers<[1], [1], [0], [0], [0, 0, 1, 0], [], []>, transpose_lhs_hint = false} : vector<10500x256xf32>, vector<128x256xf32>, vector<10500x128xf32> -> vector<10500x128xf32>
    %get3A_65 = arith.constant 0 : index
    %get3A_66 = arith.constant 0 : index
    %get3A_67 = vector.load %arg10[%get3A_65, %get3A_66] : memref<1x10500xf32, #tpu.memory_space<vmem>>, vector<1x10500xf32>
    %broadcast_in_dim3A_68 = arith.constant 1.000000e+00 : f32
    %broadcast_in_dim3A_69 = vector.broadcast %broadcast_in_dim3A_68 : f32 to vector<1x128xf32>
    %dot_general3A_70 = arith.constant dense<0.000000e+00> : vector<10500x128xf32>
    %dot_general3A_71 = tpu.matmul %get3A_67, %broadcast_in_dim3A_69, %dot_general3A_70 {dimension_numbers = #tpu.dot_dimension_numbers<[0], [0], [1], [1], [0, 1, 1, 1], [], []>, transpose_lhs_hint = false} : vector<1x10500xf32>, vector<1x128xf32>, vector<10500x128xf32> -> vector<10500x128xf32>
    %add3A_72 = arith.addf %dot_general3A_64, %dot_general3A_71 : vector<10500x128xf32>
    %slice3A = vector.extract_strided_slice %add3A_72 {offsets = [0, 0], sizes = [500, 128], strides = [1, 1]} : vector<10500x128xf32> to vector<500x128xf32>
    %swap3A = arith.constant 0 : index
    %swap3A_73 = arith.constant 0 : index
    %swap3A_74 = vector.load %arg12[%swap3A, %swap3A_73] : memref<500x128xf32, #tpu.memory_space<vmem>>, vector<500x128xf32>
    tpu.vector_store %arg12[%swap3A, %swap3A_73], %slice3A {strides = array<i32>} : memref<500x128xf32, #tpu.memory_space<vmem>>, vector<500x128xf32>,
    %slice3A_75 = vector.extract_strided_slice %add3A_72 {offsets = [500, 0], sizes = [10000, 128], strides = [1, 1]} : vector<10500x128xf32> to vector<10000x128xf32>
    %swap3A_76 = arith.constant 0 : index
    %swap3A_77 = arith.constant 0 : index
    %swap3A_78 = vector.load %arg13[%swap3A_76, %swap3A_77] : memref<10000x128xf32, #tpu.memory_space<vmem>>, vector<10000x128xf32>
    tpu.vector_store %arg13[%swap3A_76, %swap3A_77], %slice3A_75 {strides = array<i32>} : memref<10000x128xf32, #tpu.memory_space<vmem>>, vector<10000x128xf32>,
    return
  }
  func.func @transform_0(%arg0: i32) -> (i32, i32) {
    %c0_i32 = arith.constant 0 : i32
    %c0_i32_0 = arith.constant 0 : i32
    %c0_i32_1 = arith.constant 0 : i32
    return %c0_i32, %c0_i32_0 : i32, i32
  }
  func.func @transform_1(%arg0: i32) -> (i32, i32) {
    %c0_i32 = arith.constant 0 : i32
    %c0_i32_0 = arith.constant 0 : i32
    %c0_i32_1 = arith.constant 0 : i32
    return %c0_i32, %c0_i32_0 : i32, i32
  }
  func.func @transform_2(%arg0: i32) -> (i32, i32) {
    %c0_i32 = arith.constant 0 : i32
    %c0_i32_0 = arith.constant 0 : i32
    %c0_i32_1 = arith.constant 0 : i32
    return %c0_i32, %c0_i32_0 : i32, i32
  }
  func.func @transform_3(%arg0: i32) -> (i32, i32) {
    %c0_i32 = arith.constant 0 : i32
    %c0_i32_0 = arith.constant 0 : i32
    %c0_i32_1 = arith.constant 0 : i32
    return %c0_i32, %c0_i32_0 : i32, i32
  }
  func.func @transform_4(%arg0: i32) -> (i32, i32) {
    %c0_i32 = arith.constant 0 : i32
    %c0_i32_0 = arith.constant 0 : i32
    %c0_i32_1 = arith.constant 0 : i32
    return %c0_i32, %c0_i32_0 : i32, i32
  }
  func.func @transform_5(%arg0: i32) -> (i32, i32) {
    %c0_i32 = arith.constant 0 : i32
    %c0_i32_0 = arith.constant 0 : i32
    %c0_i32_1 = arith.constant 0 : i32
    return %c0_i32, %c0_i32_0 : i32, i32
  }
  func.func @transform_6(%arg0: i32) -> (i32, i32) {
    %c0_i32 = arith.constant 0 : i32
    %c0_i32_0 = arith.constant 0 : i32
    %c0_i32_1 = arith.constant 0 : i32
    return %c0_i32, %c0_i32_0 : i32, i32
  }
  func.func @transform_7(%arg0: i32) -> (i32, i32) {
    %c0_i32 = arith.constant 0 : i32
    %c0_i32_0 = arith.constant 0 : i32
    %c0_i32_1 = arith.constant 0 : i32
    return %c0_i32, %c0_i32_0 : i32, i32
  }
  func.func @transform_8(%arg0: i32) -> (i32, i32) {
    %c0_i32 = arith.constant 0 : i32
    %c0_i32_0 = arith.constant 0 : i32
    %c0_i32_1 = arith.constant 0 : i32
    return %c0_i32, %c0_i32_0 : i32, i32
  }
  func.func @transform_9(%arg0: i32) -> (i32, i32) {
    %c0_i32 = arith.constant 0 : i32
    %c0_i32_0 = arith.constant 0 : i32
    %c0_i32_1 = arith.constant 0 : i32
    return %c0_i32, %c0_i32_0 : i32, i32
  }
  func.func @transform_10(%arg0: i32) -> (i32, i32) {
    %c0_i32 = arith.constant 0 : i32
    %c0_i32_0 = arith.constant 0 : i32
    %c0_i32_1 = arith.constant 0 : i32
    return %c0_i32, %c0_i32_0 : i32, i32
  }
  func.func @transform_11(%arg0: i32) -> (i32, i32) {
    %c0_i32 = arith.constant 0 : i32
    %c0_i32_0 = arith.constant 0 : i32
    %c0_i32_1 = arith.constant 0 : i32
    return %c0_i32, %c0_i32_0 : i32, i32
  }
  func.func @transform_12(%arg0: i32) -> (i32, i32) {
    %c0_i32 = arith.constant 0 : i32
    %c0_i32_0 = arith.constant 0 : i32
    %c0_i32_1 = arith.constant 0 : i32
    return %c0_i32, %c0_i32_0 : i32, i32
  }
}

</mosaic_0001>

<sc_bundles>
// kernel: kernel.5.cloned.1.call-start
scs
__scs_entry_jumppad:
0x0: {  	(pc) =	sbr.rel $0x88, $3  }
0x1: {  	(tag) =	ssettag $0x0;
	lr =	simm.s32 $0x1  }
0x2: {  	[smem:$0x3F97] =	sst lr;
	_ =	strace $0xD0000000  }
0x3: {  	_ = 	snop  }
0x4: {  	_ = 	snop  }
0x5: {  	_ = 	snop  }
0x6: {  	_ = 	snop  }
0x7: {  	_ = 	snop  }
__scs_overlays_trampoline_lowered:
0x8: {  	[smem:$0x3FA6] =	sst s0  }
0x9: {  	[smem:$0x3FA7] =	sst s1  }
0xa: {  	[smem:$0x3FA8] =	sst s2  }
0xb: {  	[smem:$0x3FA9] =	sst s3  }
0xc: {  	[smem:$0x3FAA] =	sst s4  }
0xd: {  	[smem:$0x3FAB] =	sst s5  }
0xe: {  	[smem:$0x3FAC] =	sst s6  }
0xf: {  	[smem:$0x3FAD] =	sst s7  }
0x10: {  	[smem:$0x3FAE] =	sst s8  }
0x11: {  	[smem:$0x3FAF] =	sst s9;
	s0 =	simm.s32 @!p0 $0x0  }
0x12: {  	s1 =	sld [smem:$0x3F95];
	s0 =	simm.s32 @p0 $0x1  }
0x13: {  	[smem:$0x3FB0] =	sst s0;
	s0 =	simm.s32 @!p1 $0x0  }
0x14: {  	s2 =	sld [smem:$0x3F94];
	s0 =	simm.s32 @p1 $0x1  }
0x15: {  	[smem:$0x3FB1] =	sst s0;
	s0 =	simm.s32 @!p2 $0x0  }
0x16: {  	s3 =	sld [smem:$0x3FDB];
	s0 =	simm.s32 @p2 $0x1  }
0x17: {  	s4 =	simm.s32 $0x1BF5;
	[smem:$0x3FB3] =	sst s0  }
0x18: {  	s0 =	sld [smem:$0x3F96];
	_ =	swait.ge [sflag:s4], $0x0  }
0x19: {  	s7 =	sld [smem:$0x3F97]  }
0x1a: {  	s8 =	sadd.s32 $0xFFFFE003, lr  }
0x1b: {  	s9 =	sadd.s32 $0xFFFFFEF7, lr;
	s5 =	simm.s32 $0xFFFFFFFF;
	p2 =	slt.u32 s8, $0xFFFFF086  }
0x1c: {  	p1 =	slt.u32 s9, $0xF7A;
	s5 =	simm.s32 @!p2 $0x0  }
0x1d: {  	s5 =	simm.s32 @p1 $0x1;
	p0 =	seq.s32 s7, s2  }
0x1e: {  	s7 =	smul.u32 @!p0 $0xF7A, s2;
	p2 =	seq.s32 @!p0 s5, $0x0  }
0x1f: {  	s9 =	smul.u32 $0xF7A, s1;
	s8 =	simm.s32 @!p0 $0x1BF5;
	p2 =	por !p2, p0  }
0x20: {  	[sflag:s8] =	ssyncset.s32 @!p0 $0xFFFFF086;
	s6 =	sadd.s32 @!p0 s3, s7;
	s7 =	simm.s32 @!p0 $0x108  }
0x21: {  	s3 =	sadd.s32 s3, s9;
	s6 =	sadd.s32 @!p0 $0x88, s6;
	s7 =	simm.s32 @p2 $0x1082  }
0x22: {  	[simem:s7], [sflag:s8] =	dma.local @!p0 [hbm:s6], $0xF7A  }
0x23: {  	s9 =	sor.u32 $0xD0000000, s2;
	s6 =	simm.s32 $0x108;
	_ =	swait.ge @!p0 [sflag:s8], $0x0  }
0x24: {  	s3 =	sadd.s32 $0x88, s3;
	s6 =	simm.s32 @!p1 $0x1082;
	[sflag:s4] =	ssyncset.s32 $0xFFFFF086  }
0x25: {  	[simem:s6], [sflag:s4] =	dma.local [hbm:s3], $0xF7A  }
0x26: {  	[smem:$0x3F97] =	sst s1;
	(tag) =	ssettag s2;
	_ =	strace s9  }
0x27: {  	s1 =	sld [smem:$0x3FA7]  }
0x28: {  	s2 =	sld [smem:$0x3FA8]  }
0x29: {  	s4 =	sld [smem:$0x3FAA]  }
0x2a: {  	p0 =	seq.s32 s5, $0x0;
	s5 =	sld [smem:$0x3FAB]  }
0x2b: {  	s6 =	sld [smem:$0x3FAC]  }
0x2c: {  	s7 =	sld [smem:$0x3FAD]  }
0x2d: {  	s3 =	simm.s32 $0x108;
	s8 =	sld [smem:$0x3FAE]  }
0x2e: {  	s3 =	simm.s32 @!p0 $0x1082;
	s9 =	sld [smem:$0x3FAF]  }
0x2f: {  	lr =	sadd.s32 s0, s3;
	s0 =	sld [smem:$0x3FA6]  }
0x30: {  	s3 =	sld [smem:$0x3FA9]  }
0x31: {  	[smem:$0x3FB2] =	sst s10  }
0x32: {  	s10 =	sld [smem:$0x3FB0];
	_ =	sdelay $0x3  }
0x33: {  	p0 =	seq.s32 s10, $0x1;
	s10 =	sld [smem:$0x3FB2];
	_ =	sdelay $0x3  }
0x34: {  	[smem:$0x3FB2] =	sst s10  }
0x35: {  	s10 =	sld [smem:$0x3FB1];
	_ =	sdelay $0x3  }
0x36: {  	p1 =	seq.s32 s10, $0x1;
	s10 =	sld [smem:$0x3FB2];
	_ =	sdelay $0x3  }
0x37: {  	[smem:$0x3FB2] =	sst s10  }
0x38: {  	s10 =	sld [smem:$0x3FB3]  }
0x39: {  	_ = 	snop;
	(pc) =	sbr.ind lr, $3  }
0x3a: {  	_ = 	snop  }
0x3b: {  	_ = 	snop  }
0x3c: {  	p2 =	seq.s32 s10, $0x1;
	s10 =	sld [smem:$0x3FB2]  }
0x3d: {  	_ =	shalt  }
0x3e: {  	_ =	shalt  }
0x3f: {  	_ =	shalt  }
0x40: {  	_ =	shalt  }
0x41: {  	_ =	shalt  }
0x42: {  	_ =	shalt  }
0x43: {  	_ =	shalt  }
0x44: {  	_ =	shalt  }
0x45: {  	_ =	shalt  }
0x46: {  	_ =	shalt  }
0x47: {  	_ =	shalt  }
0x48: {  	_ =	shalt  }
0x49: {  	_ =	shalt  }
0x4a: {  	_ =	shalt  }
0x4b: {  	_ =	shalt  }
0x4c: {  	_ =	shalt  }
0x4d: {  	_ =	shalt  }
0x4e: {  	_ =	shalt  }
0x4f: {  	_ =	shalt  }
0x50: {  	_ =	shalt  }
0x51: {  	_ =	shalt  }
0x52: {  	_ =	shalt  }
0x53: {  	_ =	shalt  }
0x54: {  	_ =	shalt  }
0x55: {  	_ =	shalt  }
0x56: {  	_ =	shalt  }
0x57: {  	_ =	shalt  }
0x58: {  	_ =	shalt  }
0x59: {  	_ =	shalt  }
0x5a: {  	_ =	shalt  }
0x5b: {  	_ =	shalt  }
0x5c: {  	_ =	shalt  }
0x5d: {  	_ =	shalt  }
0x5e: {  	_ =	shalt  }
0x5f: {  	_ =	shalt  }
0x60: {  	_ =	shalt  }
0x61: {  	_ =	shalt  }
0x62: {  	_ =	shalt  }
0x63: {  	_ =	shalt  }
0x64: {  	_ =	shalt  }
0x65: {  	_ =	shalt  }
0x66: {  	_ =	shalt  }
0x67: {  	_ =	shalt  }
0x68: {  	_ =	shalt  }
0x69: {  	_ =	shalt  }
0x6a: {  	_ =	shalt  }
0x6b: {  	_ =	shalt  }
0x6c: {  	_ =	shalt  }
0x6d: {  	_ =	shalt  }
0x6e: {  	_ =	shalt  }
0x6f: {  	_ =	shalt  }
0x70: {  	_ =	shalt  }
0x71: {  	_ =	shalt  }
0x72: {  	_ =	shalt  }
0x73: {  	_ =	shalt  }
0x74: {  	_ =	shalt  }
0x75: {  	_ =	shalt  }
0x76: {  	_ =	shalt  }
0x77: {  	_ =	shalt  }
0x78: {  	_ =	shalt  }
0x79: {  	_ =	shalt  }
0x7a: {  	_ =	shalt  }
0x7b: {  	_ =	shalt  }
0x7c: {  	_ =	shalt  }
0x7d: {  	_ =	shalt  }
0x7e: {  	_ =	shalt  }
0x7f: {  	_ =	shalt  }
0x80: {  	_ =	shalt  }
0x81: {  	_ =	shalt  }
0x82: {  	_ =	shalt  }
0x83: {  	_ =	shalt  }
0x84: {  	_ =	shalt  }
0x85: {  	_ =	shalt  }
0x86: {  	_ =	shalt  }
0x87: {  	_ =	shalt  }
.Lfunc_end0:
.L_simem_size_0:
called_computation_lowered:
.L_overlay_start_0:
0x88: {  	s2 =	sld [smem:$0x3FD9]  }
0x89: {  	s3 =	sld [smem:$0x3FFE];
	_ =	sdelay $0x1  }
0x8a: {  	s1 =	srdreg.scid  }
0x8b: {  	s0 =	sand.u32 $0x1, s1  }
0x8c: {  	s14 =	sshll.u32 s0, $0xA;
	s2 =	sadd.s32 s3, s2  }
0x8d: {  	s2 =	sadd.s32 s2, s14  }
0x8e: {  	[smem:$0x3FBE] =	sst s2  }
0x8f: {  	_ = 	snop  }
0x90: {  	s2 =	sld [smem:$0x3FD0];
	_ =	sdelay $0x2  }
0x91: {  	s15 =	simm.s32 $0xA;
	s4 =	simm.s32 $0x10  }
0x92: {  	[smem:s4], [sflag:s15] =	dma.local [hbm:s2], $0x1  }
0x93: {  	_ =	swait.eq [sflag:s15], $0x1  }
0x94: {  	[sflag:s15] =	ssyncset.done $0x0  }
0x95: {  	s16 =	sld [smem:$0x10];
	[sflag:s15] =	ssyncadd.s32 $0xFFFFFFFF  }
0x96: {  	s17 =	sld [smem:$0x11];
	(tm) =	ssettm $0x1  }
0x97: {  	s18 =	sld [smem:$0x3FFB];
	_ =	sdelay $0x3  }
0x98: {  	_ =	strace s18  }
0x99: {  	s4 =	sld [smem:$0x3FFC];
	_ =	sdelay $0x3  }
0x9a: {  	_ =	strace s4  }
0x9b: {  	s4 =	sld [smem:$0x3FFD];
	_ =	sdelay $0x3  }
0x9c: {  	_ =	strace s4  }
0x9d: {  	_ =	strace $0x8FFFFFFF  }
0x9e: {  	s19 =	sld [smem:$0x3FDB];
	_ =	sdelay $0x1  }
0x9f: {  	s5 =	simm.s32 $_scs_section_size  }
0xa0: {  	s6 =	simm.s32 $_size__tile_overlayer_lowered;
	s7 =	simm.s32 $_tile_overlayer_lowered  }
0xa1: {  	s22 =	simm.s32 $0x1BFF;
	s21 =	sshll.u32 s7, $0x1;
	s4 =	sadd.s32 s5, s19  }
0xa2: {  	s8 =	simm.s32 $0x0;
	s20 =	sshll.u32 s6, $0x1;
	s6 =	sadd.s32 s21, s4  }
0xa3: {  	[timem:s8], [sflag:s22] =	dma.local [hbm:s6], s20  }
0xa4: {  	_ =	swait.ge [sflag:s22], s20  }
0xa5: {  	s5 =	ssub.s32 $0x0, s20;
	[sflag:s22] =	ssyncset.done $0x0  }
0xa6: {  	[sflag:s22] =	ssyncadd.s32 s5;
	_ =	sdelay $0x1  }
0xa7: {  	s23 =	simm.s32 $0x1B8B  }
0xa8: {  	_ =	swait.ge [sflag:s23], $0x1  }
0xa9: {  	[sflag:s23] =	ssyncset.done $0x0  }
0xaa: {  	s25 =	simm.s32 $0x1B8E;
	s24 =	sld [smem:$0x3FFE];
	[sflag:s23] =	ssyncadd.s32 $0xFFFFFFFF  }
0xab: {  	s26 =	simm.s32 $execute0_lowered;
	[smem:$0x3FD2] =	sst s25  }
0xac: {  	s6 =	sshll.u32 s26, $0x1;
	_ =	strace $0x80000046;
	[dreg:$0x1] =	wrdreg $0xFFFFFFFF  }
0xad: {  	s28 =	simm.s32 $_size_execute0_lowered;
	s4 =	sadd.s32 s4, s6;
	[dreg:$0x0] =	wrdreg $0x0  }
0xae: {  	s6 =	sshll.u32 s28, $0x1;
	[dreg:$0x2] =	wrdreg s4  }
0xaf: {  	[dreg:$0x3] =	wrdreg s6  }
0xb0: {  	[dreg:$0x4] =	wrdreg $0xC0  }
0xb1: {  	_ =	task [dreg:s8], $0x5FFFF  }
0xb2: {  	[dreg:$0x1] =	wrdreg $0xFFFFFFFF  }
0xb3: {  	[dreg:$0x0] =	wrdreg $0x60  }
0xb4: {  	[dreg:$0x2] =	wrdreg s17  }
0xb5: {  	[dreg:$0x3] =	wrdreg s24  }
0xb6: {  	[dreg:$0x4] =	wrdreg s16  }
0xb7: {  	[dreg:$0x5] =	wrdreg $0x74000  }
0xb8: {  	[dreg:$0x6] =	wrdreg $0x79000  }
0xb9: {  	[dreg:$0x7] =	wrdreg $0x76800  }
0xba: {  	[dreg:$0x8] =	wrdreg $0x9  }
0xbb: {  	_ =	task.clear_ibuf [dreg:s8], $0x9FFFF;
	_ =	strace $0x90000046  }
0xbc: {  	s29 =	simm.s32 $0x9;
	_ =	strace $0x80000048  }
0xbd: {  	_ =	swait.ge [sflag:s29], $0x1  }
0xbe: {  	[sflag:s29] =	ssyncadd.s32 $0xFFFFFFFF  }
0xbf: {  	_ =	strace $0x90000048  }
0xc0: {  	_ =	sfence  }
0xc1: {  	s30 =	sld [smem:$0x0];
	_ =	sdelay $0x2  }
0xc2: {  	s31 =	sshll.u32 s1, $0xD;
	s1 =	sshrl.u32 s1, $0x2  }
0xc3: {  	s3 =	sand.u32 $0x4000, s31;
	s1 =	sadd.s32 s1, s30  }
0xc4: {  	s0 =	sor.u32 s3, s0;
	s1 =	sshll.u32 s1, $0x11  }
0xc5: {  	s0 =	sor.u32 s1, s0  }
0xc6: {  	s0 =	sadd.s32 $0x8F2B, s0  }
0xc7: {  	[sflag:s0] =	ssyncadd.remote.s32 $0x1  }
0xc8: {  	_ =	sfence.sel $0xFFFF  }
0xc9: {  	[dreg:$0x0] =	wrdreg $0xFFFFFFFF;
	(pc) =	sbr.abs _section_cstart, $3  }
0xca: {  	[dreg:$0x1] =	wrdreg $0xFFFFFFFF  }
0xcb: {  	_ =	task.clear_ibuf [dreg:s8], $0x2FFFF;
	_ =	strace $0x9FFFFFFF  }
0xcc: {  	(tm) =	ssettm $0x7FFFFFFF  }
0xcd: {  	_ =	shalt  }
tec
execute0_lowered:
.L_overlay_start_1:
0x0: {  	(tag) =	ssettag $0x1  }
0x1: {  	s0 =	rddreg [dreg:$0x0]  }
0x2: {  	s1 =	rddreg [dreg:$0x1]  }
0x3: {  	s13 =	rddreg [dreg:$0x2]  }
0x4: {  	s3 =	rddreg [dreg:$0x3]  }
0x5: {  	s4 =	rddreg [dreg:$0x4];
	s6 =	stileid.u32  }
0x6: {  	s5 =	rddreg [dreg:$0x5];
	s14 =	simm.s32 $0x0;
	s8 =	srdreg.scid  }
0x7: {  	s20 =	simm.s32 $0x3;
	s31 =	simm.s32 $0x2;
	s2 =	smul.u32 $0x280, s6  }
0x8: {  	[smem:$0x7FF] =	sst s14;
	s9 =	sadd.s32 $0x2E00, s1;
	s10 =	smul.u32 $0x180, s6  }
0x9: {  	s15 =	sadd.s32 $0x3000, s1;
	s22 =	sand.u32 $0x1, s8;
	s12 =	smul.u32 $0x2800, s6  }
0xa: {  	_ =	strace $0x80000047;
	[dreg:$0x8] =	wrdreg s9;
	s8 =	ssub.s32 $0x2, s22  }
0xb: {  	s23 =	sshll.u32 s22, $0x4;
	p0 =	seq.s32 s22, $0x0;
	[dreg:$0x9] =	wrdreg s15  }
0xc: {  	s7 =	sshrl.u32 s2, $0x3;
	s11 =	sshrl.u32 s8, $0x1;
	s9 =	sor.u32 s6, s23  }
0xd: {  	s6 =	sadd.s32 s2, s3;
	s16 =	sadd.s32 s2, s4;
	s10 =	sshrl.u32 s10, $0x3  }
0xe: {  	s12 =	sshrl.u32 s12, $0x3;
	s28 =	sadd.s32 s2, s5;
	[dreg:$0x7] =	wrdreg s7  }
0xf: {  	s2 =	simm.s32 $0x7180;
	s7 =	sadd.s32 s7, s1;
	[dreg:$0x10] =	wrdreg s28  }
0x10: {  	s8 =	ssub.s32 s8, s11;
	s9 =	smul.u32 $0x1400, s9;
	[dreg:$0xa] =	wrdreg s6  }
0x11: {  	s11 =	smov.u32 s15;
	s24 =	sadd.s32 s0, s12;
	[dreg:$0xb] =	wrdreg s16  }
0x12: {  	s11 =	smov.u32 @p0 s13;
	s25 =	sadd.s32 $0x5000, s24;
	s26 =	sadd.s32 $0x2800, s7  }
0x13: {  	s29 =	smax.u32 s8, $0x1;
	s24 =	simm.s32 $0x80;
	[dreg:$0xd] =	wrdreg s25  }
.Ltmp0:
0x14: {  	s9 =	sshrl.u32 s9, $0x3;
	[dreg:$0xf] =	wrdreg s26;
	(pc) =	sbr.rel .LBB2_1-.Ltmp0, $4  }
0x15: {  	s10 =	sadd.s32 s11, s10;
	[dreg:$0x11] =	wrdreg s29;
	s0 =	sadd.s32 s0, s9  }
0x16: {  	p0 =	sne.s32 s22, $0x0;
	s30 =	sadd.s32 $0x500, s10;
	[dreg:$0xc] =	wrdreg s0  }
0x17: {  	s25 =	simm.s32 $0x6400;
	s0 =	sadd.s32 $0x5000, s0;
	[dreg:$0x12] =	wrdreg s30  }
0x18: {  	v0 =	vimm.f32 $0.0e+00;
	v1 =	vimm.f32 $1.000000000e+00;
	s26 =	simm.s32 $0x1;
	[dreg:$0xe] =	wrdreg s0;
	s0 =	simm.s32 $0x0  }
.LBB2_13:
0x19: {  	v2 =	vmul.f32 $1.280000000e+02, v2;
	_ =	sdelay $0x1  }
0x1a: {  	v2 =	vmul.f32 v2, v3;
	_ =	sdelay $0x1  }
0x1b: {  	[tilespmem:s1+$0x7180] =	vst v2;
	s1 =	rddreg [dreg:$0x9]  }
.LBB2_14:
0x1c: {  	s2 =	rddreg [dreg:$0x7]  }
0x1d: {  	s1 =	sadd.s32 s1, s2;
	s2 =	simm.s32 $0x7180  }
0x1e: {  	[hbm4b:s1+s14] =	stream.linear.scatter [tilespmem:s2], [sflag:$0x3], $0x280, $0x38;
	[tilespmem:$0x7B80] =	vst v63  }
0x1f: {  	_ =	swait.ge [sflag:s20], $0x280  }
0x20: {  	s0 =	sadd.s32 $0x1, s0;
	s30 =	rddreg [dreg:$0x11]  }
0x21: {  	p1 =	sne.s32 s0, s30  }
.Ltmp1:
0x22: {  	_ = 	snop;
	(pc) =	sbr.rel @!p1 .LBB2_15-.Ltmp1, $3  }
0x23: {  	_ =	sdelay $0x1  }
0x24: {  	[sflag:s20] =	ssyncset.done $0x0  }
0x25: {  	s6 =	rddreg [dreg:$0xa];
	[sflag:s20] =	ssyncadd.s32 $0xFFFFFD80  }
.LBB2_1:
0x26: {  	[tilespmem:$0x7180] =	vst v0  }
0x27: {  	[tilespmem:$0x7190] =	vst v0  }
0x28: {  	[tilespmem:$0x71A0] =	vst v0  }
0x29: {  	[tilespmem:$0x71B0] =	vst v0  }
0x2a: {  	[tilespmem:$0x71C0] =	vst v0  }
0x2b: {  	[tilespmem:$0x71D0] =	vst v0  }
0x2c: {  	[tilespmem:$0x71E0] =	vst v0  }
0x2d: {  	[tilespmem:$0x71F0] =	vst v0  }
0x2e: {  	[tilespmem:$0x7200] =	vst v0  }
0x2f: {  	[tilespmem:$0x7210] =	vst v0  }
0x30: {  	[tilespmem:$0x7220] =	vst v0  }
0x31: {  	[tilespmem:$0x7230] =	vst v0  }
0x32: {  	[tilespmem:$0x7240] =	vst v0  }
0x33: {  	[tilespmem:$0x7250] =	vst v0  }
0x34: {  	[tilespmem:$0x7260] =	vst v0  }
0x35: {  	[tilespmem:$0x7270] =	vst v0  }
0x36: {  	[tilespmem:$0x7280] =	vst v0  }
0x37: {  	[tilespmem:$0x7290] =	vst v0  }
0x38: {  	[tilespmem:$0x72A0] =	vst v0  }
0x39: {  	[tilespmem:$0x72B0] =	vst v0  }
0x3a: {  	[tilespmem:$0x72C0] =	vst v0  }
0x3b: {  	[tilespmem:$0x72D0] =	vst v0  }
0x3c: {  	[tilespmem:$0x72E0] =	vst v0  }
0x3d: {  	[tilespmem:$0x72F0] =	vst v0  }
0x3e: {  	[tilespmem:$0x7300] =	vst v0  }
0x3f: {  	[tilespmem:$0x7310] =	vst v0  }
0x40: {  	[tilespmem:$0x7320] =	vst v0  }
0x41: {  	[tilespmem:$0x7330] =	vst v0  }
0x42: {  	[tilespmem:$0x7340] =	vst v0  }
0x43: {  	[tilespmem:$0x7350] =	vst v0  }
0x44: {  	[tilespmem:$0x7360] =	vst v0  }
0x45: {  	[tilespmem:$0x7370] =	vst v0  }
0x46: {  	[tilespmem:$0x7380] =	vst v0  }
0x47: {  	[tilespmem:$0x7390] =	vst v0  }
0x48: {  	[tilespmem:$0x73A0] =	vst v0  }
0x49: {  	[tilespmem:$0x73B0] =	vst v0  }
0x4a: {  	[tilespmem:$0x73C0] =	vst v0  }
0x4b: {  	[tilespmem:$0x73D0] =	vst v0  }
0x4c: {  	[tilespmem:$0x73E0] =	vst v0  }
0x4d: {  	[tilespmem:$0x73F0] =	vst v0  }
0x4e: {  	[tilespmem:$0x6400] =	vst v1  }
0x4f: {  	[tilespmem:$0x6410] =	vst v1  }
0x50: {  	[tilespmem:$0x6420] =	vst v1  }
0x51: {  	[tilespmem:$0x6430] =	vst v1  }
0x52: {  	[tilespmem:$0x6440] =	vst v1  }
0x53: {  	[tilespmem:$0x6450] =	vst v1  }
0x54: {  	[tilespmem:$0x6460] =	vst v1  }
0x55: {  	[tilespmem:$0x6470] =	vst v1  }
0x56: {  	[spmem:s6] =	stream.linear.scatter [tilespmem:s2], [sflag:$0x3], $0x280, $0x38;
	[tilespmem:$0x7B80] =	vst v63  }
0x57: {  	_ =	swait.ge [sflag:s20], $0x280  }
0x58: {  	[sflag:s20] =	ssyncset.done $0x0  }
0x59: {  	[sflag:s20] =	ssyncadd.s32 $0xFFFFFD80  }
0x5a: {  	[spmem:s16] =	stream.linear.scatter [tilespmem:s2], [sflag:$0x3], $0x280, $0x38;
	[tilespmem:$0x7B80] =	vst v63  }
0x5b: {  	_ =	swait.ge [sflag:s20], $0x280  }
0x5c: {  	[sflag:s20] =	ssyncset.done $0x0  }
0x5d: {  	s1 =	rddreg [dreg:$0x12];
	[sflag:s20] =	ssyncadd.s32 $0xFFFFFD80  }
0x5e: {  	[hbm4b:s1+s14] =	stream.linear.scatter [tilespmem:s2], [sflag:$0x3], $0x180, $0x38;
	[tilespmem:$0x7B80] =	vst v63  }
0x5f: {  	_ =	swait.ge [sflag:s20], $0x180  }
0x60: {  	[sflag:s20] =	ssyncset.done $0x0  }
0x61: {  	s21 =	simm.s32 $0x6480;
	s19 =	rddreg [dreg:$0x8];
	[sflag:s20] =	ssyncadd.s32 $0xFFFFFE80  }
0x62: {  	[tilespmem:s21], [sflag:$0x3] =	stream.linear.gather [hbm4b:s19+s14], $0x80, $0x38;
	[tilespmem:$0x7B80] =	vst v63  }
0x63: {  	_ =	swait.ge [sflag:s20], $0x80  }
0x64: {  	[sflag:s20] =	ssyncset.done $0x0  }
0x65: {  	s23 =	simm.s32 $0x1400;
	s22 =	rddreg [dreg:$0xd];
	[sflag:s20] =	ssyncadd.s32 $0xFFFFFF80  }
0x66: {  	[tilespmem:s23], [sflag:$0x3] =	stream.linear.gather [hbm4b:s22+s14], $0x2800, $0x38;
	[tilespmem:$0x7B80] =	vst v63  }
0x67: {  	_ =	swait.ge [sflag:s20], $0x2800  }
0x68: {  	[sflag:s20] =	ssyncset.done $0x0  }
0x69: {  	s28 =	rddreg [dreg:$0xc];
	[sflag:s20] =	ssyncadd.s32 $0xFFFFD800  }
0x6a: {  	[tilespmem:s14], [sflag:$0x3] =	stream.linear.gather [hbm4b:s28+s14], $0x1400, $0x38;
	[tilespmem:$0x7B80] =	vst v63  }
0x6b: {  	_ =	swait.ge [sflag:s20], $0x1400  }
0x6c: {  	[sflag:s20] =	ssyncset.done $0x0  }
0x6d: {  	s30 =	simm.s32 $0x3C00;
	s29 =	rddreg [dreg:$0xe];
	[sflag:s20] =	ssyncadd.s32 $0xFFFFEC00  }
0x6e: {  	[tilespmem:s30], [sflag:$0x3] =	stream.linear.gather [hbm4b:s29+s14], $0x1400, $0x38;
	[tilespmem:$0x7B80] =	vst v63  }
0x6f: {  	_ =	swait.ge [sflag:s20], $0x1400  }
0x70: {  	[sflag:s20] =	ssyncset.done $0x0  }
0x71: {  	[sflag:s20] =	ssyncadd.s32 $0xFFFFEC00  }
0x72: {  	s2 =	simm.s32 $0x1400;
	[bflag:$0x0] =	sbarrier.arrive $0xFFFF  }
0x73: {  	[spmem:s3] =	stream.indirect.scatter.add.f32 [tilespmem:s25], [sflag:$0x1], $0x1, s2, s24, $0xb8;
	[tilespmem:$0x7B80] =	vst v63  }
0x74: {  	s7 =	simm.s32 $0x1480  }
0x75: {  	[spmem:s3] =	stream.indirect.scatter.add.f32 [tilespmem:s25], [sflag:$0x1], $0x1, s7, s24, $0xb8;
	[tilespmem:$0x7B80] =	vst v63  }
0x76: {  	s8 =	simm.s32 $0x1500  }
0x77: {  	[spmem:s3] =	stream.indirect.scatter.add.f32 [tilespmem:s25], [sflag:$0x1], $0x1, s8, s24, $0xb8;
	[tilespmem:$0x7B80] =	vst v63  }
0x78: {  	s9 =	simm.s32 $0x1580  }
0x79: {  	[spmem:s3] =	stream.indirect.scatter.add.f32 [tilespmem:s25], [sflag:$0x1], $0x1, s9, s24, $0xb8;
	[tilespmem:$0x7B80] =	vst v63  }
0x7a: {  	s10 =	simm.s32 $0x1600  }
0x7b: {  	[spmem:s3] =	stream.indirect.scatter.add.f32 [tilespmem:s25], [sflag:$0x1], $0x1, s10, s24, $0xb8;
	[tilespmem:$0x7B80] =	vst v63  }
0x7c: {  	s11 =	simm.s32 $0x1680  }
0x7d: {  	[spmem:s3] =	stream.indirect.scatter.add.f32 [tilespmem:s25], [sflag:$0x1], $0x1, s11, s24, $0xb8;
	[tilespmem:$0x7B80] =	vst v63  }
0x7e: {  	s12 =	simm.s32 $0x1700  }
0x7f: {  	[spmem:s3] =	stream.indirect.scatter.add.f32 [tilespmem:s25], [sflag:$0x1], $0x1, s12, s24, $0xb8;
	[tilespmem:$0x7B80] =	vst v63  }
0x80: {  	s13 =	simm.s32 $0x1780  }
0x81: {  	[spmem:s3] =	stream.indirect.scatter.add.f32 [tilespmem:s25], [sflag:$0x1], $0x1, s13, s24, $0xb8;
	[tilespmem:$0x7B80] =	vst v63  }
0x82: {  	s14 =	simm.s32 $0x1800  }
0x83: {  	[spmem:s3] =	stream.indirect.scatter.add.f32 [tilespmem:s25], [sflag:$0x1], $0x1, s14, s24, $0xb8;
	[tilespmem:$0x7B80] =	vst v63  }
0x84: {  	s15 =	simm.s32 $0x1880  }
0x85: {  	[spmem:s3] =	stream.indirect.scatter.add.f32 [tilespmem:s25], [sflag:$0x1], $0x1, s15, s24, $0xb8;
	[tilespmem:$0x7B80] =	vst v63  }
0x86: {  	s16 =	simm.s32 $0x1900  }
0x87: {  	[spmem:s3] =	stream.indirect.scatter.add.f32 [tilespmem:s25], [sflag:$0x1], $0x1, s16, s24, $0xb8;
	[tilespmem:$0x7B80] =	vst v63  }
0x88: {  	s17 =	simm.s32 $0x1980  }
0x89: {  	[spmem:s3] =	stream.indirect.scatter.add.f32 [tilespmem:s25], [sflag:$0x1], $0x1, s17, s24, $0xb8;
	[tilespmem:$0x7B80] =	vst v63  }
0x8a: {  	s18 =	simm.s32 $0x1A00  }
0x8b: {  	[spmem:s3] =	stream.indirect.scatter.add.f32 [tilespmem:s25], [sflag:$0x1], $0x1, s18, s24, $0xb8;
	[tilespmem:$0x7B80] =	vst v63  }
0x8c: {  	s19 =	simm.s32 $0x1A80  }
0x8d: {  	[spmem:s3] =	stream.indirect.scatter.add.f32 [tilespmem:s25], [sflag:$0x1], $0x1, s19, s24, $0xb8;
	[tilespmem:$0x7B80] =	vst v63  }
0x8e: {  	s21 =	simm.s32 $0x1B00  }
0x8f: {  	[spmem:s3] =	stream.indirect.scatter.add.f32 [tilespmem:s25], [sflag:$0x1], $0x1, s21, s24, $0xb8;
	[tilespmem:$0x7B80] =	vst v63  }
0x90: {  	s22 =	simm.s32 $0x1B80  }
0x91: {  	[spmem:s3] =	stream.indirect.scatter.add.f32 [tilespmem:s25], [sflag:$0x1], $0x1, s22, s24, $0xb8;
	[tilespmem:$0x7B80] =	vst v63  }
0x92: {  	s23 =	simm.s32 $0x1C00  }
0x93: {  	[spmem:s3] =	stream.indirect.scatter.add.f32 [tilespmem:s25], [sflag:$0x1], $0x1, s23, s24, $0xb8;
	[tilespmem:$0x7B80] =	vst v63  }
0x94: {  	s28 =	simm.s32 $0x1C80  }
0x95: {  	[spmem:s3] =	stream.indirect.scatter.add.f32 [tilespmem:s25], [sflag:$0x1], $0x1, s28, s24, $0xb8;
	[tilespmem:$0x7B80] =	vst v63  }
0x96: {  	s29 =	simm.s32 $0x1D00  }
0x97: {  	[spmem:s3] =	stream.indirect.scatter.add.f32 [tilespmem:s25], [sflag:$0x1], $0x1, s29, s24, $0xb8;
	[tilespmem:$0x7B80] =	vst v63  }
0x98: {  	s30 =	simm.s32 $0x1D80  }
0x99: {  	[spmem:s3] =	stream.indirect.scatter.add.f32 [tilespmem:s25], [sflag:$0x1], $0x1, s30, s24, $0xb8;
	[tilespmem:$0x7B80] =	vst v63  }
0x9a: {  	_ =	swait.ge [sflag:s26], $0x80  }
0x9b: {  	[sflag:s26] =	ssyncset.done $0x0  }
0x9c: {  	[sflag:s26] =	ssyncadd.s32 $0xFFFFFF80  }
0x9d: {  	_ =	swait.ge [sflag:s26], $0x80  }
0x9e: {  	[sflag:s26] =	ssyncset.done $0x0  }
0x9f: {  	[sflag:s26] =	ssyncadd.s32 $0xFFFFFF80  }
0xa0: {  	_ =	swait.ge [sflag:s26], $0x80  }
0xa1: {  	[sflag:s26] =	ssyncset.done $0x0  }
0xa2: {  	[sflag:s26] =	ssyncadd.s32 $0xFFFFFF80  }
0xa3: {  	_ =	swait.ge [sflag:s26], $0x80  }
0xa4: {  	[sflag:s26] =	ssyncset.done $0x0  }
0xa5: {  	[sflag:s26] =	ssyncadd.s32 $0xFFFFFF80  }
0xa6: {  	_ =	swait.ge [sflag:s26], $0x80  }
0xa7: {  	[sflag:s26] =	ssyncset.done $0x0  }
0xa8: {  	[sflag:s26] =	ssyncadd.s32 $0xFFFFFF80  }
0xa9: {  	_ =	swait.ge [sflag:s26], $0x80  }
0xaa: {  	[sflag:s26] =	ssyncset.done $0x0  }
0xab: {  	[sflag:s26] =	ssyncadd.s32 $0xFFFFFF80  }
0xac: {  	_ =	swait.ge [sflag:s26], $0x80  }
0xad: {  	[sflag:s26] =	ssyncset.done $0x0  }
0xae: {  	[sflag:s26] =	ssyncadd.s32 $0xFFFFFF80  }
0xaf: {  	_ =	swait.ge [sflag:s26], $0x80  }
0xb0: {  	[sflag:s26] =	ssyncset.done $0x0  }
0xb1: {  	[sflag:s26] =	ssyncadd.s32 $0xFFFFFF80  }
0xb2: {  	_ =	swait.ge [sflag:s26], $0x80  }
0xb3: {  	[sflag:s26] =	ssyncset.done $0x0  }
0xb4: {  	[sflag:s26] =	ssyncadd.s32 $0xFFFFFF80  }
0xb5: {  	_ =	swait.ge [sflag:s26], $0x80  }
0xb6: {  	[sflag:s26] =	ssyncset.done $0x0  }
0xb7: {  	[sflag:s26] =	ssyncadd.s32 $0xFFFFFF80  }
0xb8: {  	_ =	swait.ge [sflag:s26], $0x80  }
0xb9: {  	[sflag:s26] =	ssyncset.done $0x0  }
0xba: {  	[sflag:s26] =	ssyncadd.s32 $0xFFFFFF80  }
0xbb: {  	_ =	swait.ge [sflag:s26], $0x80  }
0xbc: {  	[sflag:s26] =	ssyncset.done $0x0  }
0xbd: {  	[sflag:s26] =	ssyncadd.s32 $0xFFFFFF80  }
0xbe: {  	_ =	swait.ge [sflag:s26], $0x80  }
0xbf: {  	[sflag:s26] =	ssyncset.done $0x0  }
0xc0: {  	[sflag:s26] =	ssyncadd.s32 $0xFFFFFF80  }
0xc1: {  	_ =	swait.ge [sflag:s26], $0x80  }
0xc2: {  	[sflag:s26] =	ssyncset.done $0x0  }
0xc3: {  	[sflag:s26] =	ssyncadd.s32 $0xFFFFFF80  }
0xc4: {  	_ =	swait.ge [sflag:s26], $0x80  }
0xc5: {  	[sflag:s26] =	ssyncset.done $0x0  }
0xc6: {  	[sflag:s26] =	ssyncadd.s32 $0xFFFFFF80  }
0xc7: {  	_ =	swait.ge [sflag:s26], $0x80  }
0xc8: {  	[sflag:s26] =	ssyncset.done $0x0  }
0xc9: {  	[sflag:s26] =	ssyncadd.s32 $0xFFFFFF80  }
0xca: {  	_ =	swait.ge [sflag:s26], $0x80  }
0xcb: {  	[sflag:s26] =	ssyncset.done $0x0  }
0xcc: {  	[sflag:s26] =	ssyncadd.s32 $0xFFFFFF80  }
0xcd: {  	_ =	swait.ge [sflag:s26], $0x80  }
0xce: {  	[sflag:s26] =	ssyncset.done $0x0  }
0xcf: {  	[sflag:s26] =	ssyncadd.s32 $0xFFFFFF80  }
0xd0: {  	_ =	swait.ge [sflag:s26], $0x80  }
0xd1: {  	[sflag:s26] =	ssyncset.done $0x0  }
0xd2: {  	[sflag:s26] =	ssyncadd.s32 $0xFFFFFF80  }
0xd3: {  	_ =	swait.ge [sflag:s26], $0x80  }
0xd4: {  	s7 =	simm.s32 $0x5000;
	s9 =	simm.s32 $0xA00;
	[sflag:s26] =	ssyncset.done $0x0  }
.LBB2_2:
0xd5: {  	s8 =	sadd.s32 $0x1400, s9  }
0xd6: {  	[sflag:s26] =	ssyncadd.s32 $0xFFFFFF80;
	s2 =	smov.u32 s7;
	s1 =	sadd.s32 $0x2800, s7  }
0xd7: {  	[spmem:s3] =	stream.indirect.scatter.add.f32 [tilespmem:s25], [sflag:$0x1], $0x1, s8, s24, $0xb8;
	[tilespmem:$0x7B80] =	vst v63  }
0xd8: {  	p1 =	sne.s32 s7, $0x7800;
	s7 =	sadd.s32 $0x1480, s9  }
0xd9: {  	[spmem:s3] =	stream.indirect.scatter.add.f32 [tilespmem:s25], [sflag:$0x1], $0x1, s7, s24, $0xb8;
	[tilespmem:$0x7B80] =	vst v63  }
0xda: {  	s7 =	sadd.s32 $0x1500, s9  }
0xdb: {  	[spmem:s3] =	stream.indirect.scatter.add.f32 [tilespmem:s25], [sflag:$0x1], $0x1, s7, s24, $0xb8;
	[tilespmem:$0x7B80] =	vst v63  }
0xdc: {  	s7 =	sadd.s32 $0x1580, s9  }
0xdd: {  	[spmem:s3] =	stream.indirect.scatter.add.f32 [tilespmem:s25], [sflag:$0x1], $0x1, s7, s24, $0xb8;
	[tilespmem:$0x7B80] =	vst v63  }
0xde: {  	s7 =	sadd.s32 $0x1600, s9  }
0xdf: {  	[spmem:s3] =	stream.indirect.scatter.add.f32 [tilespmem:s25], [sflag:$0x1], $0x1, s7, s24, $0xb8;
	[tilespmem:$0x7B80] =	vst v63  }
0xe0: {  	s7 =	sadd.s32 $0x1680, s9  }
0xe1: {  	[spmem:s3] =	stream.indirect.scatter.add.f32 [tilespmem:s25], [sflag:$0x1], $0x1, s7, s24, $0xb8;
	[tilespmem:$0x7B80] =	vst v63  }
0xe2: {  	s7 =	sadd.s32 $0x1700, s9  }
0xe3: {  	[spmem:s3] =	stream.indirect.scatter.add.f32 [tilespmem:s25], [sflag:$0x1], $0x1, s7, s24, $0xb8;
	[tilespmem:$0x7B80] =	vst v63  }
0xe4: {  	s7 =	sadd.s32 $0x1780, s9  }
0xe5: {  	[spmem:s3] =	stream.indirect.scatter.add.f32 [tilespmem:s25], [sflag:$0x1], $0x1, s7, s24, $0xb8;
	[tilespmem:$0x7B80] =	vst v63  }
0xe6: {  	s7 =	sadd.s32 $0x1800, s9  }
0xe7: {  	[spmem:s3] =	stream.indirect.scatter.add.f32 [tilespmem:s25], [sflag:$0x1], $0x1, s7, s24, $0xb8;
	[tilespmem:$0x7B80] =	vst v63  }
0xe8: {  	s7 =	sadd.s32 $0x1880, s9  }
0xe9: {  	[spmem:s3] =	stream.indirect.scatter.add.f32 [tilespmem:s25], [sflag:$0x1], $0x1, s7, s24, $0xb8;
	[tilespmem:$0x7B80] =	vst v63  }
0xea: {  	s7 =	sadd.s32 $0x1900, s9  }
0xeb: {  	[spmem:s3] =	stream.indirect.scatter.add.f32 [tilespmem:s25], [sflag:$0x1], $0x1, s7, s24, $0xb8;
	[tilespmem:$0x7B80] =	vst v63  }
0xec: {  	s7 =	sadd.s32 $0x1980, s9  }
0xed: {  	[spmem:s3] =	stream.indirect.scatter.add.f32 [tilespmem:s25], [sflag:$0x1], $0x1, s7, s24, $0xb8;
	[tilespmem:$0x7B80] =	vst v63  }
0xee: {  	s7 =	sadd.s32 $0x1A00, s9  }
0xef: {  	[spmem:s3] =	stream.indirect.scatter.add.f32 [tilespmem:s25], [sflag:$0x1], $0x1, s7, s24, $0xb8;
	[tilespmem:$0x7B80] =	vst v63  }
0xf0: {  	s7 =	sadd.s32 $0x1A80, s9  }
0xf1: {  	[spmem:s3] =	stream.indirect.scatter.add.f32 [tilespmem:s25], [sflag:$0x1], $0x1, s7, s24, $0xb8;
	[tilespmem:$0x7B80] =	vst v63  }
0xf2: {  	s7 =	sadd.s32 $0x1B00, s9  }
0xf3: {  	[spmem:s3] =	stream.indirect.scatter.add.f32 [tilespmem:s25], [sflag:$0x1], $0x1, s7, s24, $0xb8;
	[tilespmem:$0x7B80] =	vst v63  }
0xf4: {  	s7 =	sadd.s32 $0x1B80, s9  }
0xf5: {  	[spmem:s3] =	stream.indirect.scatter.add.f32 [tilespmem:s25], [sflag:$0x1], $0x1, s7, s24, $0xb8;
	[tilespmem:$0x7B80] =	vst v63  }
0xf6: {  	s7 =	sadd.s32 $0x1C00, s9  }
0xf7: {  	[spmem:s3] =	stream.indirect.scatter.add.f32 [tilespmem:s25], [sflag:$0x1], $0x1, s7, s24, $0xb8;
	[tilespmem:$0x7B80] =	vst v63  }
0xf8: {  	s7 =	sadd.s32 $0x1C80, s9  }
0xf9: {  	[spmem:s3] =	stream.indirect.scatter.add.f32 [tilespmem:s25], [sflag:$0x1], $0x1, s7, s24, $0xb8;
	[tilespmem:$0x7B80] =	vst v63  }
0xfa: {  	s7 =	sadd.s32 $0x1D00, s9  }
0xfb: {  	[spmem:s3] =	stream.indirect.scatter.add.f32 [tilespmem:s25], [sflag:$0x1], $0x1, s7, s24, $0xb8;
	[tilespmem:$0x7B80] =	vst v63  }
0xfc: {  	s7 =	sadd.s32 $0x1D80, s9  }
0xfd: {  	[spmem:s3] =	stream.indirect.scatter.add.f32 [tilespmem:s25], [sflag:$0x1], $0x1, s7, s24, $0xb8;
	[tilespmem:$0x7B80] =	vst v63  }
0xfe: {  	_ =	swait.ge [sflag:s26], $0x80  }
0xff: {  	[sflag:s26] =	ssyncset.done $0x0  }
0x100: {  	[sflag:s26] =	ssyncadd.s32 $0xFFFFFF80  }
0x101: {  	_ =	swait.ge [sflag:s26], $0x80  }
0x102: {  	[sflag:s26] =	ssyncset.done $0x0  }
0x103: {  	[sflag:s26] =	ssyncadd.s32 $0xFFFFFF80  }
0x104: {  	_ =	swait.ge [sflag:s26], $0x80  }
0x105: {  	[sflag:s26] =	ssyncset.done $0x0  }
0x106: {  	[sflag:s26] =	ssyncadd.s32 $0xFFFFFF80  }
0x107: {  	_ =	swait.ge [sflag:s26], $0x80  }
0x108: {  	[sflag:s26] =	ssyncset.done $0x0  }
0x109: {  	[sflag:s26] =	ssyncadd.s32 $0xFFFFFF80  }
0x10a: {  	_ =	swait.ge [sflag:s26], $0x80  }
0x10b: {  	[sflag:s26] =	ssyncset.done $0x0  }
0x10c: {  	[sflag:s26] =	ssyncadd.s32 $0xFFFFFF80  }
0x10d: {  	_ =	swait.ge [sflag:s26], $0x80  }
0x10e: {  	[sflag:s26] =	ssyncset.done $0x0  }
0x10f: {  	[sflag:s26] =	ssyncadd.s32 $0xFFFFFF80  }
0x110: {  	_ =	swait.ge [sflag:s26], $0x80  }
0x111: {  	[sflag:s26] =	ssyncset.done $0x0  }
0x112: {  	[sflag:s26] =	ssyncadd.s32 $0xFFFFFF80  }
0x113: {  	_ =	swait.ge [sflag:s26], $0x80  }
0x114: {  	[sflag:s26] =	ssyncset.done $0x0  }
0x115: {  	[sflag:s26] =	ssyncadd.s32 $0xFFFFFF80  }
0x116: {  	_ =	swait.ge [sflag:s26], $0x80  }
0x117: {  	[sflag:s26] =	ssyncset.done $0x0  }
0x118: {  	[sflag:s26] =	ssyncadd.s32 $0xFFFFFF80  }
0x119: {  	_ =	swait.ge [sflag:s26], $0x80  }
0x11a: {  	[sflag:s26] =	ssyncset.done $0x0  }
0x11b: {  	[sflag:s26] =	ssyncadd.s32 $0xFFFFFF80  }
0x11c: {  	_ =	swait.ge [sflag:s26], $0x80  }
0x11d: {  	[sflag:s26] =	ssyncset.done $0x0  }
0x11e: {  	[sflag:s26] =	ssyncadd.s32 $0xFFFFFF80  }
0x11f: {  	_ =	swait.ge [sflag:s26], $0x80  }
0x120: {  	[sflag:s26] =	ssyncset.done $0x0  }
0x121: {  	[sflag:s26] =	ssyncadd.s32 $0xFFFFFF80  }
0x122: {  	_ =	swait.ge [sflag:s26], $0x80  }
0x123: {  	[sflag:s26] =	ssyncset.done $0x0  }
0x124: {  	[sflag:s26] =	ssyncadd.s32 $0xFFFFFF80  }
0x125: {  	_ =	swait.ge [sflag:s26], $0x80  }
0x126: {  	[sflag:s26] =	ssyncset.done $0x0  }
0x127: {  	[sflag:s26] =	ssyncadd.s32 $0xFFFFFF80  }
0x128: {  	_ =	swait.ge [sflag:s26], $0x80  }
0x129: {  	[sflag:s26] =	ssyncset.done $0x0  }
0x12a: {  	[sflag:s26] =	ssyncadd.s32 $0xFFFFFF80  }
0x12b: {  	_ =	swait.ge [sflag:s26], $0x80  }
0x12c: {  	[sflag:s26] =	ssyncset.done $0x0  }
0x12d: {  	[sflag:s26] =	ssyncadd.s32 $0xFFFFFF80  }
0x12e: {  	_ =	swait.ge [sflag:s26], $0x80  }
0x12f: {  	[sflag:s26] =	ssyncset.done $0x0  }
0x130: {  	[sflag:s26] =	ssyncadd.s32 $0xFFFFFF80  }
0x131: {  	_ =	swait.ge [sflag:s26], $0x80  }
0x132: {  	[sflag:s26] =	ssyncset.done $0x0  }
0x133: {  	[sflag:s26] =	ssyncadd.s32 $0xFFFFFF80  }
.Ltmp2:
0x134: {  	_ =	swait.ge [sflag:s26], $0x80;
	(pc) =	sbr.rel @p1 .LBB2_2-.Ltmp2, $4  }
0x135: {  	[sflag:s26] =	ssyncset.done $0x0  }
0x136: {  	[sflag:s26] =	ssyncadd.s32 $0xFFFFFF80  }
0x137: {  	_ =	swait.ge [sflag:s26], $0x80  }
0x138: {  	s9 =	sshra.s32 s2, $0x2;
	s7 =	smov.u32 s1;
	[sflag:s26] =	ssyncset.done $0x0  }
0x139: {  	s1 =	sadd.s32 $0x1400, s9;
	[sflag:s26] =	ssyncadd.s32 $0xFFFFFF80  }
0x13a: {  	[spmem:s3] =	stream.indirect.scatter.add.f32 [tilespmem:s25], [sflag:$0x1], $0x1, s1, s24, $0xb8;
	[tilespmem:$0x7B80] =	vst v63  }
0x13b: {  	s17 =	sadd.s32 $0x1480, s9  }
0x13c: {  	[spmem:s3] =	stream.indirect.scatter.add.f32 [tilespmem:s25], [sflag:$0x1], $0x1, s17, s24, $0xb8;
	[tilespmem:$0x7B80] =	vst v63  }
0x13d: {  	s18 =	sadd.s32 $0x1500, s9  }
0x13e: {  	[spmem:s3] =	stream.indirect.scatter.add.f32 [tilespmem:s25], [sflag:$0x1], $0x1, s18, s24, $0xb8;
	[tilespmem:$0x7B80] =	vst v63  }
0x13f: {  	s19 =	sadd.s32 $0x1580, s9  }
0x140: {  	[spmem:s3] =	stream.indirect.scatter.add.f32 [tilespmem:s25], [sflag:$0x1], $0x1, s19, s24, $0xb8;
	[tilespmem:$0x7B80] =	vst v63  }
0x141: {  	s21 =	sadd.s32 $0x1600, s9  }
0x142: {  	[spmem:s3] =	stream.indirect.scatter.add.f32 [tilespmem:s25], [sflag:$0x1], $0x1, s21, s24, $0xb8;
	[tilespmem:$0x7B80] =	vst v63  }
0x143: {  	s22 =	sadd.s32 $0x1680, s9  }
0x144: {  	[spmem:s3] =	stream.indirect.scatter.add.f32 [tilespmem:s25], [sflag:$0x1], $0x1, s22, s24, $0xb8;
	[tilespmem:$0x7B80] =	vst v63  }
0x145: {  	s23 =	sadd.s32 $0x1700, s9  }
0x146: {  	[spmem:s3] =	stream.indirect.scatter.add.f32 [tilespmem:s25], [sflag:$0x1], $0x1, s23, s24, $0xb8;
	[tilespmem:$0x7B80] =	vst v63  }
0x147: {  	s2 =	sadd.s32 $0x1780, s9  }
0x148: {  	[spmem:s3] =	stream.indirect.scatter.add.f32 [tilespmem:s25], [sflag:$0x1], $0x1, s2, s24, $0xb8;
	[tilespmem:$0x7B80] =	vst v63  }
0x149: {  	s7 =	sadd.s32 $0x1800, s9  }
0x14a: {  	[spmem:s3] =	stream.indirect.scatter.add.f32 [tilespmem:s25], [sflag:$0x1], $0x1, s7, s24, $0xb8;
	[tilespmem:$0x7B80] =	vst v63  }
0x14b: {  	s8 =	sadd.s32 $0x1880, s9  }
0x14c: {  	[spmem:s3] =	stream.indirect.scatter.add.f32 [tilespmem:s25], [sflag:$0x1], $0x1, s8, s24, $0xb8;
	[tilespmem:$0x7B80] =	vst v63  }
0x14d: {  	s10 =	sadd.s32 $0x1900, s9  }
0x14e: {  	[spmem:s3] =	stream.indirect.scatter.add.f32 [tilespmem:s25], [sflag:$0x1], $0x1, s10, s24, $0xb8;
	[tilespmem:$0x7B80] =	vst v63  }
0x14f: {  	s11 =	sadd.s32 $0x1980, s9  }
0x150: {  	[spmem:s3] =	stream.indirect.scatter.add.f32 [tilespmem:s25], [sflag:$0x1], $0x1, s11, s24, $0xb8;
	[tilespmem:$0x7B80] =	vst v63  }
0x151: {  	s12 =	sadd.s32 $0x1A00, s9  }
0x152: {  	[spmem:s3] =	stream.indirect.scatter.add.f32 [tilespmem:s25], [sflag:$0x1], $0x1, s12, s24, $0xb8;
	[tilespmem:$0x7B80] =	vst v63  }
0x153: {  	s13 =	sadd.s32 $0x1A80, s9  }
0x154: {  	[spmem:s3] =	stream.indirect.scatter.add.f32 [tilespmem:s25], [sflag:$0x1], $0x1, s13, s24, $0xb8;
	[tilespmem:$0x7B80] =	vst v63  }
0x155: {  	s14 =	sadd.s32 $0x1B00, s9  }
0x156: {  	[spmem:s3] =	stream.indirect.scatter.add.f32 [tilespmem:s25], [sflag:$0x1], $0x1, s14, s24, $0xb8;
	[tilespmem:$0x7B80] =	vst v63  }
0x157: {  	s15 =	sadd.s32 $0x1B80, s9  }
0x158: {  	[spmem:s3] =	stream.indirect.scatter.add.f32 [tilespmem:s25], [sflag:$0x1], $0x1, s15, s24, $0xb8;
	[tilespmem:$0x7B80] =	vst v63  }
0x159: {  	s16 =	sadd.s32 $0x1C00, s9  }
0x15a: {  	[spmem:s3] =	stream.indirect.scatter.add.f32 [tilespmem:s25], [sflag:$0x1], $0x1, s16, s24, $0xb8;
	[tilespmem:$0x7B80] =	vst v63  }
0x15b: {  	s17 =	sadd.s32 $0x1C80, s9  }
0x15c: {  	[spmem:s3] =	stream.indirect.scatter.add.f32 [tilespmem:s25], [sflag:$0x1], $0x1, s17, s24, $0xb8;
	[tilespmem:$0x7B80] =	vst v63  }
0x15d: {  	s18 =	sadd.s32 $0x1D00, s9  }
0x15e: {  	[spmem:s3] =	stream.indirect.scatter.add.f32 [tilespmem:s25], [sflag:$0x1], $0x1, s18, s24, $0xb8;
	[tilespmem:$0x7B80] =	vst v63  }
0x15f: {  	s19 =	sadd.s32 $0x1D80, s9  }
0x160: {  	[spmem:s3] =	stream.indirect.scatter.add.f32 [tilespmem:s25], [sflag:$0x1], $0x1, s19, s24, $0xb8;
	[tilespmem:$0x7B80] =	vst v63  }
0x161: {  	_ =	swait.ge [sflag:s26], $0x80  }
0x162: {  	[sflag:s26] =	ssyncset.done $0x0  }
0x163: {  	[sflag:s26] =	ssyncadd.s32 $0xFFFFFF80  }
0x164: {  	_ =	swait.ge [sflag:s26], $0x80  }
0x165: {  	[sflag:s26] =	ssyncset.done $0x0  }
0x166: {  	[sflag:s26] =	ssyncadd.s32 $0xFFFFFF80  }
0x167: {  	_ =	swait.ge [sflag:s26], $0x80  }
0x168: {  	[sflag:s26] =	ssyncset.done $0x0  }
0x169: {  	[sflag:s26] =	ssyncadd.s32 $0xFFFFFF80  }
0x16a: {  	_ =	swait.ge [sflag:s26], $0x80  }
0x16b: {  	[sflag:s26] =	ssyncset.done $0x0  }
0x16c: {  	[sflag:s26] =	ssyncadd.s32 $0xFFFFFF80  }
0x16d: {  	_ =	swait.ge [sflag:s26], $0x80  }
0x16e: {  	[sflag:s26] =	ssyncset.done $0x0  }
0x16f: {  	[sflag:s26] =	ssyncadd.s32 $0xFFFFFF80  }
0x170: {  	_ =	swait.ge [sflag:s26], $0x80  }
0x171: {  	[sflag:s26] =	ssyncset.done $0x0  }
0x172: {  	[sflag:s26] =	ssyncadd.s32 $0xFFFFFF80  }
0x173: {  	_ =	swait.ge [sflag:s26], $0x80  }
0x174: {  	[sflag:s26] =	ssyncset.done $0x0  }
0x175: {  	[sflag:s26] =	ssyncadd.s32 $0xFFFFFF80  }
0x176: {  	_ =	swait.ge [sflag:s26], $0x80  }
0x177: {  	[sflag:s26] =	ssyncset.done $0x0  }
0x178: {  	[sflag:s26] =	ssyncadd.s32 $0xFFFFFF80  }
0x179: {  	_ =	swait.ge [sflag:s26], $0x80  }
0x17a: {  	[sflag:s26] =	ssyncset.done $0x0  }
0x17b: {  	[sflag:s26] =	ssyncadd.s32 $0xFFFFFF80  }
0x17c: {  	_ =	swait.ge [sflag:s26], $0x80  }
0x17d: {  	[sflag:s26] =	ssyncset.done $0x0  }
0x17e: {  	[sflag:s26] =	ssyncadd.s32 $0xFFFFFF80  }
0x17f: {  	_ =	swait.ge [sflag:s26], $0x80  }
0x180: {  	[sflag:s26] =	ssyncset.done $0x0  }
0x181: {  	[sflag:s26] =	ssyncadd.s32 $0xFFFFFF80  }
0x182: {  	_ =	swait.ge [sflag:s26], $0x80  }
0x183: {  	[sflag:s26] =	ssyncset.done $0x0  }
0x184: {  	[sflag:s26] =	ssyncadd.s32 $0xFFFFFF80  }
0x185: {  	_ =	swait.ge [sflag:s26], $0x80  }
0x186: {  	[sflag:s26] =	ssyncset.done $0x0  }
0x187: {  	[sflag:s26] =	ssyncadd.s32 $0xFFFFFF80  }
0x188: {  	_ =	swait.ge [sflag:s26], $0x80  }
0x189: {  	[sflag:s26] =	ssyncset.done $0x0  }
0x18a: {  	[sflag:s26] =	ssyncadd.s32 $0xFFFFFF80  }
0x18b: {  	_ =	swait.ge [sflag:s26], $0x80  }
0x18c: {  	[sflag:s26] =	ssyncset.done $0x0  }
0x18d: {  	[sflag:s26] =	ssyncadd.s32 $0xFFFFFF80  }
0x18e: {  	_ =	swait.ge [sflag:s26], $0x80  }
0x18f: {  	[sflag:s26] =	ssyncset.done $0x0  }
0x190: {  	[sflag:s26] =	ssyncadd.s32 $0xFFFFFF80  }
0x191: {  	_ =	swait.ge [sflag:s26], $0x80  }
0x192: {  	[sflag:s26] =	ssyncset.done $0x0  }
0x193: {  	[sflag:s26] =	ssyncadd.s32 $0xFFFFFF80  }
0x194: {  	_ =	swait.ge [sflag:s26], $0x80  }
0x195: {  	[sflag:s26] =	ssyncset.done $0x0  }
0x196: {  	[sflag:s26] =	ssyncadd.s32 $0xFFFFFF80  }
0x197: {  	_ =	swait.ge [sflag:s26], $0x80  }
0x198: {  	[sflag:s26] =	ssyncset.done $0x0  }
0x199: {  	[sflag:s26] =	ssyncadd.s32 $0xFFFFFF80  }
0x19a: {  	_ =	swait.ge [sflag:s26], $0x80  }
0x19b: {  	[sflag:s26] =	ssyncset.done $0x0  }
0x19c: {  	[sflag:s26] =	ssyncadd.s32 $0xFFFFFF80  }
0x19d: {  	s21 =	simm.s32 $0x6500;
	[bflag:$0x0] =	sbarrier.arrive $0xFFFF  }
0x19e: {  	[tilespmem:s21], [sflag:$0x3] =	stream.linear.gather [spmem:s6], $0x280, $0x38;
	[tilespmem:$0x7B80] =	vst v63  }
0x19f: {  	_ =	swait.ge [sflag:s20], $0x280  }
0x1a0: {  	s22 =	simm.s32 $0x0;
	[sflag:s20] =	ssyncset.done $0x0  }
0x1a1: {  	s23 =	simm.s32 $0x6780;
	s2 =	rddreg [dreg:$0xf];
	[sflag:s20] =	ssyncadd.s32 $0xFFFFFD80  }
0x1a2: {  	[tilespmem:s23], [sflag:$0x3] =	stream.linear.gather [hbm4b:s2+s22], $0x280, $0x38;
	[tilespmem:$0x7B80] =	vst v63  }
0x1a3: {  	_ =	swait.ge [sflag:s20], $0x280  }
0x1a4: {  	[sflag:s20] =	ssyncset.done $0x0  }
0x1a5: {  	s30 =	simm.s32 $0x0;
	[sflag:s20] =	ssyncadd.s32 $0xFFFFFD80  }
0x1a6: {  	v2 =	vld [tilespmem:s30+$0x6500];
	_ =	sdelay $0x4  }
0x1a7: {  	v2 =	vmul.f32 $1.280000000e+02, v2;
	_ =	sdelay $0x1  }
0x1a8: {  	v2 =	vadd.f32 $1.000000000e+00, v2;
	_ =	sdelay $0x1  }
0x1a9: {  	(erf) = vrcp.f32 v2;
	_ =	sdelay $0x1  }
0x1aa: {  	s23 =	simm.s32 $0x10  }
0x1ab: {  	v3 =	vld [tilespmem:s23+$0x6500];
	_ =	sdelay $0x4  }
0x1ac: {  	v10 =	vmul.f32 $5.000000000e-01, v2;
	v2 =	vmul.f32 $1.280000000e+02, v3  }
0x1ad: {  	v3 =	vpop (erf)  }
0x1ae: {  	v2 =	vadd.f32 $1.000000000e+00, v2;
	v4 =	vmul.f32 v3, v10;
	_ =	sdelay $0x1  }
0x1af: {  	(erf) = vrcp.f32 v2;
	v4 =	vmul.f32 v4, v3;
	_ =	sdelay $0x1  }
0x1b0: {  	v4 =	vsub.f32 $1.500000000e+00, v4;
	_ =	sdelay $0x1  }
0x1b1: {  	v3 =	vmul.f32 v4, v3;
	_ =	sdelay $0x1  }
0x1b2: {  	v4 =	vmul.f32 v3, v10  }
0x1b3: {  	s21 =	simm.s32 $0x20  }
0x1b4: {  	v5 =	vld [tilespmem:s21+$0x6500];
	v8 =	vmul.f32 $5.000000000e-01, v2;
	v4 =	vmul.f32 v4, v3  }
0x1b5: {  	v2 =	vpop (erf)  }
0x1b6: {  	v6 =	vmul.f32 v2, v8;
	v4 =	vsub.f32 $1.500000000e+00, v4;
	_ =	sdelay $0x1  }
0x1b7: {  	v3 =	vmul.f32 v4, v3;
	v4 =	vmul.f32 v6, v2  }
0x1b8: {  	v5 =	vmul.f32 $1.280000000e+02, v5  }
0x1b9: {  	v6 =	vmul.f32 v3, v10;
	v4 =	vsub.f32 $1.500000000e+00, v4  }
0x1ba: {  	v5 =	vadd.f32 $1.000000000e+00, v5  }
0x1bb: {  	v6 =	vmul.f32 v6, v3;
	v2 =	vmul.f32 v4, v2  }
0x1bc: {  	(erf) = vrcp.f32 v5  }
0x1bd: {  	v4 =	vsub.f32 $1.500000000e+00, v6;
	v6 =	vmul.f32 v2, v8;
	_ =	sdelay $0x1  }
0x1be: {  	v3 =	vmul.f32 v4, v3;
	v4 =	vmul.f32 v6, v2;
	_ =	sdelay $0x1  }
0x1bf: {  	v4 =	vsub.f32 $1.500000000e+00, v4  }
0x1c0: {  	s2 =	simm.s32 $0x30  }
0x1c1: {  	v7 =	vld [tilespmem:s2+$0x6500];
	v6 =	vmul.f32 v3, v10  }
0x1c2: {  	v5 =	vmul.f32 $5.000000000e-01, v5  }
0x1c3: {  	v6 =	vmul.f32 v6, v3;
	v2 =	vmul.f32 v4, v2;
	v4 =	vpop (erf)  }
0x1c4: {  	v9 =	vmul.f32 v4, v5  }
0x1c5: {  	v6 =	vsub.f32 $1.500000000e+00, v6;
	v11 =	vmul.f32 v2, v8  }
0x1c6: {  	v7 =	vmul.f32 $1.280000000e+02, v7;
	v9 =	vmul.f32 v9, v4  }
0x1c7: {  	v3 =	vmul.f32 v6, v3;
	v6 =	vmul.f32 v11, v2  }
0x1c8: {  	v7 =	vadd.f32 $1.000000000e+00, v7;
	v9 =	vsub.f32 $1.500000000e+00, v9  }
0x1c9: {  	v11 =	vmul.f32 v3, v10;
	v6 =	vsub.f32 $1.500000000e+00, v6  }
0x1ca: {  	(erf) = vrcp.f32 v7;
	v4 =	vmul.f32 v9, v4  }
0x1cb: {  	v2 =	vmul.f32 v6, v2;
	v9 =	vmul.f32 v11, v3  }
0x1cc: {  	v6 =	vmul.f32 v4, v5  }
0x1cd: {  	v11 =	vmul.f32 v2, v8;
	v9 =	vsub.f32 $1.500000000e+00, v9  }
0x1ce: {  	v6 =	vmul.f32 v6, v4  }
0x1cf: {  	v9 =	vmul.f32 v9, v3;
	v3 =	vmul.f32 v11, v2  }
0x1d0: {  	v6 =	vsub.f32 $1.500000000e+00, v6  }
0x1d1: {  	v11 =	vmul.f32 v9, v10;
	v12 =	vsub.f32 $1.500000000e+00, v3  }
0x1d2: {  	v3 =	vmul.f32 $5.000000000e-01, v7;
	v4 =	vmul.f32 v6, v4  }
0x1d3: {  	v7 =	vpop (erf);
	v6 =	vmul.f32 v11, v9;
	v2 =	vmul.f32 v12, v2  }
0x1d4: {  	v12 =	vmul.f32 v7, v3;
	v11 =	vmul.f32 v4, v5  }
0x1d5: {  	s22 =	simm.s32 $0x40;
	v6 =	vsub.f32 $1.500000000e+00, v6;
	v13 =	vmul.f32 v2, v8  }
0x1d6: {  	v14 =	vld [tilespmem:s22+$0x6500];
	v12 =	vmul.f32 v12, v7;
	v11 =	vmul.f32 v11, v4  }
0x1d7: {  	v6 =	vmul.f32 v6, v9;
	v9 =	vmul.f32 v13, v2  }
0x1d8: {  	v12 =	vsub.f32 $1.500000000e+00, v12;
	v11 =	vsub.f32 $1.500000000e+00, v11  }
0x1d9: {  	v13 =	vmul.f32 v6, v10;
	v9 =	vsub.f32 $1.500000000e+00, v9  }
0x1da: {  	v7 =	vmul.f32 v12, v7;
	v4 =	vmul.f32 v11, v4  }
0x1db: {  	v2 =	vmul.f32 v9, v2;
	v9 =	vmul.f32 $1.280000000e+02, v14  }
0x1dc: {  	v12 =	vmul.f32 v7, v3;
	v13 =	vmul.f32 v13, v6  }
0x1dd: {  	v11 =	vmul.f32 v4, v5;
	v14 =	vmul.f32 v2, v8  }
0x1de: {  	v9 =	vadd.f32 $1.000000000e+00, v9;
	v12 =	vmul.f32 v12, v7  }
0x1df: {  	v13 =	vsub.f32 $1.500000000e+00, v13;
	v11 =	vmul.f32 v11, v4;
	v14 =	vmul.f32 v14, v2  }
0x1e0: {  	(erf) = vrcp.f32 v9;
	v12 =	vsub.f32 $1.500000000e+00, v12  }
0x1e1: {  	v6 =	vmul.f32 v13, v6;
	v11 =	vsub.f32 $1.500000000e+00, v11;
	v13 =	vsub.f32 $1.500000000e+00, v14  }
0x1e2: {  	v7 =	vmul.f32 v12, v7  }
0x1e3: {  	v11 =	vmul.f32 v11, v4;
	v2 =	vmul.f32 v13, v2  }
0x1e4: {  	v4 =	vmul.f32 v6, v10;
	v13 =	vmul.f32 v7, v3  }
0x1e5: {  	v12 =	vmul.f32 v11, v5;
	v14 =	vmul.f32 v2, v8  }
0x1e6: {  	v4 =	vmul.f32 v4, v6  }
0x1e7: {  	v13 =	vmul.f32 v13, v7;
	v12 =	vmul.f32 v12, v11  }
0x1e8: {  	v15 =	vsub.f32 $1.500000000e+00, v4;
	v4 =	vmul.f32 $5.000000000e-01, v9  }
0x1e9: {  	v9 =	vmul.f32 v14, v2;
	v13 =	vsub.f32 $1.500000000e+00, v13;
	v12 =	vsub.f32 $1.500000000e+00, v12;
	v14 =	vpop (erf)  }
0x1ea: {  	v6 =	vmul.f32 v15, v6;
	v15 =	vmul.f32 v14, v4  }
0x1eb: {  	v7 =	vmul.f32 v13, v7;
	v11 =	vmul.f32 v12, v11  }
0x1ec: {  	v9 =	vsub.f32 $1.500000000e+00, v9;
	v12 =	vmul.f32 v6, v10;
	v13 =	vmul.f32 v15, v14  }
0x1ed: {  	v15 =	vmul.f32 v11, v5  }
0x1ee: {  	v2 =	vmul.f32 v9, v2;
	v9 =	vmul.f32 v12, v6;
	v12 =	vsub.f32 $1.500000000e+00, v13  }
0x1ef: {  	v16 =	vmul.f32 v7, v3;
	v13 =	vmul.f32 v15, v11  }
0x1f0: {  	s28 =	simm.s32 $0x50;
	v9 =	vsub.f32 $1.500000000e+00, v9;
	v12 =	vmul.f32 v12, v14  }
0x1f1: {  	v15 =	vmul.f32 v16, v7;
	v16 =	vld [tilespmem:s28+$0x6500];
	v14 =	vmul.f32 v2, v8;
	v13 =	vsub.f32 $1.500000000e+00, v13  }
0x1f2: {  	v6 =	vmul.f32 v9, v6;
	v9 =	vmul.f32 v12, v4  }
0x1f3: {  	v15 =	vsub.f32 $1.500000000e+00, v15;
	v14 =	vmul.f32 v14, v2;
	v11 =	vmul.f32 v13, v11  }
0x1f4: {  	v13 =	vmul.f32 v6, v10;
	v9 =	vmul.f32 v9, v12  }
0x1f5: {  	v7 =	vmul.f32 v15, v7;
	v14 =	vsub.f32 $1.500000000e+00, v14  }
0x1f6: {  	v16 =	vmul.f32 $1.280000000e+02, v16;
	v13 =	vmul.f32 v13, v6;
	v9 =	vsub.f32 $1.500000000e+00, v9  }
0x1f7: {  	v15 =	vmul.f32 v7, v3;
	v17 =	vmul.f32 v11, v5  }
0x1f8: {  	v2 =	vmul.f32 v14, v2;
	v13 =	vsub.f32 $1.500000000e+00, v13;
	v9 =	vmul.f32 v9, v12  }
0x1f9: {  	v15 =	vmul.f32 v15, v7;
	v17 =	vmul.f32 v17, v11  }
0x1fa: {  	v14 =	vadd.f32 $1.000000000e+00, v16;
	v6 =	vmul.f32 v13, v6;
	v13 =	vmul.f32 v9, v4  }
0x1fb: {  	v12 =	vsub.f32 $1.500000000e+00, v15  }
0x1fc: {  	(erf) = vrcp.f32 v14;
	v15 =	vsub.f32 $1.500000000e+00, v17;
	v13 =	vmul.f32 v13, v9  }
0x1fd: {  	v7 =	vmul.f32 v12, v7;
	v12 =	vmul.f32 v6, v10  }
0x1fe: {  	v16 =	vmul.f32 v2, v8;
	v11 =	vmul.f32 v15, v11;
	v13 =	vsub.f32 $1.500000000e+00, v13  }
0x1ff: {  	v15 =	vmul.f32 v7, v3;
	v12 =	vmul.f32 v12, v6  }
0x200: {  	v17 =	vmul.f32 v11, v5;
	v9 =	vmul.f32 v13, v9  }
0x201: {  	v15 =	vmul.f32 v15, v7;
	v13 =	vmul.f32 v16, v2  }
0x202: {  	v16 =	vmul.f32 v17, v11;
	v17 =	vmul.f32 v9, v4  }
0x203: {  	v12 =	vsub.f32 $1.500000000e+00, v12  }
0x204: {  	v15 =	vsub.f32 $1.500000000e+00, v15  }
0x205: {  	v12 =	vmul.f32 v12, v6;
	v6 =	vmul.f32 $5.000000000e-01, v14  }
0x206: {  	v13 =	vsub.f32 $1.500000000e+00, v13;
	v7 =	vmul.f32 v15, v7;
	v15 =	vmul.f32 v17, v9;
	v17 =	vpop (erf)  }
0x207: {  	v16 =	vsub.f32 $1.500000000e+00, v16;
	v14 =	vmul.f32 v12, v10;
	v19 =	vmul.f32 v17, v6  }
0x208: {  	v2 =	vmul.f32 v13, v2;
	v18 =	vmul.f32 v7, v3;
	v15 =	vsub.f32 $1.500000000e+00, v15  }
0x209: {  	v14 =	vmul.f32 v14, v12;
	v19 =	vmul.f32 v19, v17  }
0x20a: {  	v11 =	vmul.f32 v16, v11;
	v9 =	vmul.f32 v15, v9  }
0x20b: {  	v18 =	vmul.f32 v18, v7;
	v13 =	vsub.f32 $1.500000000e+00, v14;
	v14 =	vsub.f32 $1.500000000e+00, v19  }
0x20c: {  	v15 =	vmul.f32 v2, v8;
	v16 =	vmul.f32 v9, v4  }
0x20d: {  	v12 =	vmul.f32 v13, v12;
	v13 =	vmul.f32 v14, v17  }
0x20e: {  	v15 =	vmul.f32 v15, v2;
	v16 =	vmul.f32 v16, v9;
	v14 =	vsub.f32 $1.500000000e+00, v18  }
0x20f: {  	v17 =	vmul.f32 v12, v10;
	v18 =	vmul.f32 v13, v6  }
0x210: {  	v7 =	vmul.f32 v14, v7;
	v14 =	vsub.f32 $1.500000000e+00, v15;
	v15 =	vsub.f32 $1.500000000e+00, v16  }
0x211: {  	s29 =	simm.s32 $0x60;
	v16 =	vmul.f32 v17, v12;
	v17 =	vmul.f32 v18, v13  }
0x212: {  	v19 =	vld [tilespmem:s29+$0x6500];
	v2 =	vmul.f32 v14, v2;
	v9 =	vmul.f32 v15, v9  }
0x213: {  	v14 =	vmul.f32 v7, v3;
	v15 =	vsub.f32 $1.500000000e+00, v16;
	v16 =	vsub.f32 $1.500000000e+00, v17  }
0x214: {  	v17 =	vmul.f32 v2, v8;
	v18 =	vmul.f32 v9, v4  }
0x215: {  	v12 =	vmul.f32 v15, v12;
	v13 =	vmul.f32 v16, v13  }
0x216: {  	v15 =	vmul.f32 v17, v2;
	v16 =	vmul.f32 v18, v9  }
0x217: {  	v19 =	vmul.f32 $1.280000000e+02, v19;
	v17 =	vmul.f32 v13, v6  }
0x218: {  	v14 =	vmul.f32 v14, v7;
	v15 =	vsub.f32 $1.500000000e+00, v15;
	v16 =	vsub.f32 $1.500000000e+00, v16  }
0x219: {  	v18 =	vmul.f32 v12, v10;
	v17 =	vmul.f32 v17, v13  }
0x21a: {  	v2 =	vmul.f32 v15, v2;
	v9 =	vmul.f32 v16, v9  }
0x21b: {  	v15 =	vmul.f32 v18, v12;
	v16 =	vsub.f32 $1.500000000e+00, v17;
	v17 =	vadd.f32 $1.000000000e+00, v19  }
0x21c: {  	v18 =	vmul.f32 v2, v8;
	v19 =	vmul.f32 v9, v4  }
0x21d: {  	v13 =	vmul.f32 v16, v13;
	(erf) = vrcp.f32 v17  }
0x21e: {  	v15 =	vsub.f32 $1.500000000e+00, v15;
	v16 =	vmul.f32 v11, v5;
	v18 =	vmul.f32 v18, v2  }
0x21f: {  	v14 =	vsub.f32 $1.500000000e+00, v14;
	v19 =	vmul.f32 v19, v9;
	v20 =	vmul.f32 v13, v6  }
0x220: {  	v12 =	vmul.f32 v15, v12;
	v16 =	vmul.f32 v16, v11;
	v18 =	vsub.f32 $1.500000000e+00, v18  }
0x221: {  	v14 =	vmul.f32 v14, v7;
	v7 =	vsub.f32 $1.500000000e+00, v19;
	v15 =	vmul.f32 v20, v13  }
0x222: {  	v2 =	vmul.f32 v18, v2;
	v16 =	vsub.f32 $1.500000000e+00, v16;
	v18 =	vmul.f32 v12, v10  }
0x223: {  	v9 =	vmul.f32 v7, v9;
	v7 =	vsub.f32 $1.500000000e+00, v15  }
0x224: {  	v11 =	vmul.f32 v16, v11;
	v15 =	vmul.f32 v18, v12  }
0x225: {  	v13 =	vmul.f32 v7, v13;
	v7 =	vmul.f32 $5.000000000e-01, v17  }
0x226: {  	v19 =	vmul.f32 v14, v3;
	v17 =	vmul.f32 v11, v5;
	v15 =	vsub.f32 $1.500000000e+00, v15;
	v18 =	vpop (erf)  }
0x227: {  	v20 =	vmul.f32 v13, v6;
	v21 =	vmul.f32 v18, v7  }
0x228: {  	v17 =	vmul.f32 v17, v11;
	v12 =	vmul.f32 v15, v12  }
0x229: {  	v15 =	vmul.f32 v20, v13;
	v20 =	vmul.f32 v21, v18  }
0x22a: {  	v16 =	vmul.f32 v9, v4;
	v17 =	vsub.f32 $1.500000000e+00, v17;
	v22 =	vmul.f32 v12, v10  }
0x22b: {  	v21 =	vmul.f32 v2, v8;
	v15 =	vsub.f32 $1.500000000e+00, v15;
	v20 =	vsub.f32 $1.500000000e+00, v20  }
0x22c: {  	v11 =	vmul.f32 v17, v11;
	v17 =	vmul.f32 v22, v12  }
0x22d: {  	v13 =	vmul.f32 v15, v13;
	v15 =	vmul.f32 v20, v18  }
0x22e: {  	v18 =	vmul.f32 v21, v2;
	v20 =	vmul.f32 v11, v5;
	v17 =	vsub.f32 $1.500000000e+00, v17  }
0x22f: {  	v21 =	vmul.f32 v13, v6;
	v22 =	vmul.f32 v15, v7  }
0x230: {  	v20 =	vmul.f32 v20, v11;
	v12 =	vmul.f32 v17, v12  }
0x231: {  	v17 =	vsub.f32 $1.500000000e+00, v18;
	v18 =	vmul.f32 v21, v13;
	v21 =	vmul.f32 v22, v15  }
0x232: {  	v16 =	vmul.f32 v16, v9;
	v20 =	vsub.f32 $1.500000000e+00, v20;
	v22 =	vmul.f32 v12, v10  }
0x233: {  	v2 =	vmul.f32 v17, v2;
	v17 =	vsub.f32 $1.500000000e+00, v18;
	v18 =	vsub.f32 $1.500000000e+00, v21  }
0x234: {  	v20 =	vmul.f32 v20, v11;
	v11 =	vmul.f32 v22, v12  }
0x235: {  	v13 =	vmul.f32 v17, v13;
	v15 =	vmul.f32 v18, v15  }
0x236: {  	v17 =	vmul.f32 v2, v8;
	v18 =	vmul.f32 v20, v5;
	v11 =	vsub.f32 $1.500000000e+00, v11  }
0x237: {  	v21 =	vmul.f32 v13, v6;
	v22 =	vmul.f32 v15, v7  }
0x238: {  	v18 =	vmul.f32 v18, v20;
	v12 =	vmul.f32 v11, v12  }
0x239: {  	v11 =	vsub.f32 $1.500000000e+00, v16;
	v17 =	vmul.f32 v17, v2;
	v16 =	vmul.f32 v21, v13  }
0x23a: {  	v21 =	vmul.f32 v22, v15;
	v18 =	vsub.f32 $1.500000000e+00, v18;
	v22 =	vmul.f32 v12, v10  }
0x23b: {  	v11 =	vmul.f32 v11, v9;
	v17 =	vsub.f32 $1.500000000e+00, v17;
	v9 =	vsub.f32 $1.500000000e+00, v16  }
0x23c: {  	v16 =	vsub.f32 $1.500000000e+00, v21;
	v18 =	vmul.f32 v18, v20;
	v20 =	vmul.f32 v22, v12  }
0x23d: {  	v19 =	vmul.f32 v19, v14  }
0x23e: {  	s1 =	simm.s32 $0x70;
	v2 =	vmul.f32 v17, v2;
	v15 =	vmul.f32 v16, v15;
	v17 =	vsub.f32 $1.500000000e+00, v20  }
0x23f: {  	v13 =	vmul.f32 v9, v13;
	v9 =	vld [tilespmem:s1+$0x6500];
	v16 =	vmul.f32 v11, v4  }
0x240: {  	v21 =	vmul.f32 v15, v7;
	v12 =	vmul.f32 v17, v12  }
0x241: {  	v22 =	vmul.f32 v18, v5;
	v23 =	vmul.f32 v16, v11;
	v16 =	vsub.f32 $1.500000000e+00, v19  }
0x242: {  	v17 =	vmul.f32 v21, v15;
	v19 =	vmul.f32 v12, v10  }
0x243: {  	v21 =	vmul.f32 v22, v18;
	v14 =	vmul.f32 v16, v14  }
0x244: {  	v9 =	vmul.f32 $1.280000000e+02, v9;
	v16 =	vsub.f32 $1.500000000e+00, v17;
	v17 =	vmul.f32 v19, v12  }
0x245: {  	v19 =	vmul.f32 v2, v8;
	v22 =	vmul.f32 v14, v3  }
0x246: {  	v9 =	vadd.f32 $1.000000000e+00, v9;
	v15 =	vmul.f32 v16, v15  }
0x247: {  	v16 =	vsub.f32 $1.500000000e+00, v17;
	v17 =	vmul.f32 v19, v2;
	v19 =	vmul.f32 v22, v14  }
0x248: {  	(erf) = vrcp.f32 v9  }
0x249: {  	v22 =	vmul.f32 v15, v7;
	v19 =	vsub.f32 $1.500000000e+00, v19  }
0x24a: {  	v20 =	vmul.f32 v13, v6;
	v12 =	vmul.f32 v16, v12;
	v16 =	vsub.f32 $1.500000000e+00, v17  }
0x24b: {  	v17 =	vsub.f32 $1.500000000e+00, v21;
	v21 =	vmul.f32 v22, v15;
	v14 =	vmul.f32 v19, v14  }
0x24c: {  	v22 =	vmul.f32 v12, v10;
	v2 =	vmul.f32 v16, v2  }
0x24d: {  	v16 =	vmul.f32 v17, v18;
	v17 =	vsub.f32 $1.500000000e+00, v21;
	v21 =	vmul.f32 v14, v3  }
0x24e: {  	v20 =	vmul.f32 v20, v13;
	v19 =	vmul.f32 v2, v8  }
0x24f: {  	v18 =	vmul.f32 v22, v12;
	v15 =	vmul.f32 v17, v15  }
0x250: {  	v9 =	vmul.f32 $5.000000000e-01, v9;
	v17 =	vmul.f32 v19, v2  }
0x251: {  	v18 =	vsub.f32 $1.500000000e+00, v18;
	v19 =	vmul.f32 v21, v14;
	v21 =	vpop (erf);
	v22 =	vmul.f32 v15, v7  }
0x252: {  	v24 =	vmul.f32 v16, v5;
	v17 =	vsub.f32 $1.500000000e+00, v17;
	v25 =	vmul.f32 v21, v9  }
0x253: {  	v18 =	vmul.f32 v18, v12;
	v12 =	vsub.f32 $1.500000000e+00, v19;
	v19 =	vmul.f32 v22, v15  }
0x254: {  	v2 =	vmul.f32 v17, v2;
	v22 =	vmul.f32 v25, v21  }
0x255: {  	v17 =	vmul.f32 v24, v16;
	v12 =	vmul.f32 v12, v14;
	v14 =	vsub.f32 $1.500000000e+00, v19  }
0x256: {  	v19 =	vmul.f32 v18, v10;
	v24 =	vmul.f32 v2, v8;
	v22 =	vsub.f32 $1.500000000e+00, v22  }
0x257: {  	v25 =	vmul.f32 v12, v3;
	v14 =	vmul.f32 v14, v15  }
0x258: {  	v15 =	vmul.f32 v24, v2;
	v21 =	vmul.f32 v22, v21  }
0x259: {  	v20 =	vsub.f32 $1.500000000e+00, v20;
	v24 =	vmul.f32 v25, v12;
	v22 =	vmul.f32 v14, v7  }
0x25a: {  	v26 =	vsub.f32 $1.500000000e+00, v17;
	v17 =	vsub.f32 $1.500000000e+00, v15;
	v25 =	vmul.f32 v21, v9  }
0x25b: {  	v15 =	vmul.f32 v20, v13;
	v13 =	vsub.f32 $1.500000000e+00, v24;
	v22 =	vmul.f32 v22, v14  }
0x25c: {  	v2 =	vmul.f32 v17, v2;
	v20 =	vmul.f32 v25, v21  }
0x25d: {  	v16 =	vmul.f32 v26, v16;
	v17 =	vmul.f32 v13, v12;
	v22 =	vsub.f32 $1.500000000e+00, v22  }
0x25e: {  	v24 =	vmul.f32 v15, v6;
	v25 =	vmul.f32 v2, v8;
	v12 =	vsub.f32 $1.500000000e+00, v20  }
0x25f: {  	v13 =	vmul.f32 v22, v14;
	v14 =	vmul.f32 v19, v18  }
0x260: {  	v19 =	vmul.f32 v25, v2;
	v20 =	vmul.f32 v12, v21  }
0x261: {  	v26 =	vmul.f32 v17, v3;
	v21 =	vmul.f32 v13, v7;
	v14 =	vsub.f32 $1.500000000e+00, v14  }
0x262: {  	v12 =	vmul.f32 v24, v15;
	v24 =	vsub.f32 $1.500000000e+00, v19;
	v22 =	vmul.f32 v20, v9  }
0x263: {  	v21 =	vmul.f32 v21, v13;
	v19 =	vmul.f32 v14, v18  }
0x264: {  	v18 =	vmul.f32 v24, v2;
	v25 =	vmul.f32 v22, v20  }
0x265: {  	v22 =	vsub.f32 $1.500000000e+00, v23;
	v14 =	vsub.f32 $1.500000000e+00, v21;
	v24 =	vmul.f32 v19, v10  }
0x266: {  	s9 =	simm.s32 $0x200;
	v2 =	vld [tilespmem:$0x6480];
	v21 =	vmul.f32 v26, v17;
	v23 =	vmul.f32 v18, v8;
	v25 =	vsub.f32 $1.500000000e+00, v25  }
.LBB2_4:
0x267: {  	s8 =	sshra.s32 s9, $0x2;
	p1 =	sne.s32 s9, $0x9C0;
	s9 =	sadd.s32 $0x40, s9;
	v22 =	vmul.f32 v22, v11;
	v24 =	vmul.f32 v24, v19;
	v11 =	vmov v15  }
0x268: {  	v15 =	vld [tilespmem:s8+$0x6500];
	v20 =	vmul.f32 v25, v20;
	v21 =	vsub.f32 $1.500000000e+00, v21;
	v23 =	vmul.f32 v23, v18  }
0x269: {  	v25 =	vmul.f32 v22, v4;
	v24 =	vsub.f32 $1.500000000e+00, v24  }
0x26a: {  	v26 =	vmul.f32 v20, v9;
	v21 =	vmul.f32 v21, v17;
	v17 =	vsub.f32 $1.500000000e+00, v23  }
0x26b: {  	v23 =	vmul.f32 v25, v22;
	v19 =	vmul.f32 v24, v19  }
0x26c: {  	v24 =	vmul.f32 v26, v20;
	v17 =	vmul.f32 v17, v18  }
0x26d: {  	v15 =	vmul.f32 $1.280000000e+02, v15;
	v18 =	vsub.f32 $1.500000000e+00, v23;
	v23 =	vmul.f32 v19, v10  }
0x26e: {  	v25 =	vmul.f32 v16, v5;
	v24 =	vsub.f32 $1.500000000e+00, v24;
	v26 =	vmul.f32 v17, v8  }
0x26f: {  	v15 =	vadd.f32 $1.000000000e+00, v15;
	v18 =	vmul.f32 v18, v22;
	v22 =	vmul.f32 v23, v19  }
0x270: {  	v23 =	vmul.f32 v25, v16;
	v20 =	vmul.f32 v24, v20  }
0x271: {  	v24 =	vmul.f32 v26, v17;
	(erf) = vrcp.f32 v15;
	v22 =	vsub.f32 $1.500000000e+00, v22  }
0x272: {  	v26 =	vmul.f32 v21, v3;
	v23 =	vsub.f32 $1.500000000e+00, v23;
	v25 =	vmul.f32 v20, v9  }
0x273: {  	v27 =	vmul.f32 v18, v4;
	v24 =	vsub.f32 $1.500000000e+00, v24;
	v19 =	vmul.f32 v22, v19  }
0x274: {  	v16 =	vmul.f32 v23, v16;
	v22 =	vmul.f32 v25, v20  }
0x275: {  	v23 =	vmul.f32 v27, v18;
	v25 =	vmul.f32 v19, v10;
	v10 =	vmovc v8;
	v8 =	vmovc v5;
	v5 =	vmov v3  }
0x276: {  	v26 =	vmul.f32 v26, v21;
	v24 =	vmul.f32 v24, v17;
	v3 =	vmovc v4;
	v4 =	vmovc v6;
	v22 =	vsub.f32 $1.500000000e+00, v22  }
0x277: {  	v17 =	vsub.f32 $1.500000000e+00, v23;
	v6 =	vmovc v7;
	v7 =	vmovc v9;
	v23 =	vmul.f32 v16, v8;
	v28 =	vmul.f32 v25, v19  }
0x278: {  	v20 =	vmul.f32 v22, v20;
	v22 =	vmul.f32 v24, v10;
	v27 =	vld [tilespmem:s30+$0x6780]  }
0x279: {  	v9 =	vmul.f32 $5.000000000e-01, v15;
	v15 =	vmul.f32 v23, v16;
	v23 =	vsub.f32 $1.500000000e+00, v28  }
0x27a: {  	v25 =	vpop (erf);
	v28 =	vmul.f32 v20, v7  }
0x27b: {  	v15 =	vsub.f32 $1.500000000e+00, v15;
	v29 =	vmul.f32 v25, v9;
	v19 =	vmul.f32 v23, v19  }
0x27c: {  	v17 =	vmul.f32 v17, v18;
	v23 =	vmul.f32 v28, v20  }
0x27d: {  	v16 =	vmul.f32 v15, v16;
	v18 =	vmul.f32 v29, v25;
	[tilespmem:s30+$0x6C80] =	vst v19  }
0x27e: {  	v19 =	vmul.f32 v19, v27;
	v15 =	vsub.f32 $1.500000000e+00, v23;
	v23 =	vmul.f32 v17, v3  }
0x27f: {  	v27 =	vmul.f32 v16, v8;
	v18 =	vsub.f32 $1.500000000e+00, v18  }
0x280: {  	v20 =	vmul.f32 v15, v20;
	v15 =	vmul.f32 v19, v2  }
0x281: {  	v19 =	vmul.f32 v27, v16;
	v18 =	vmul.f32 v18, v25  }
0x282: {  	v23 =	vmul.f32 v23, v17;
	v25 =	vmul.f32 v20, v7;
	[tilespmem:s30+$0x6A00] =	vst v15;
	s30 =	smov.u32 s23;
	s23 =	smov.u32 s21;
	s21 =	smov.u32 s2  }
0x283: {  	v26 =	vsub.f32 $1.500000000e+00, v26;
	v19 =	vsub.f32 $1.500000000e+00, v19;
	s2 =	smov.u32 s22;
	s22 =	smov.u32 s28;
	s28 =	smov.u32 s29;
	v27 =	vmul.f32 v18, v9  }
0x284: {  	v15 =	vmul.f32 v14, v13;
	v13 =	vsub.f32 $1.500000000e+00, v23;
	s29 =	smov.u32 s1;
	s1 =	smov.u32 s8;
	v25 =	vmul.f32 v25, v20  }
0x285: {  	v23 =	vmul.f32 v19, v16;
	v14 =	vmul.f32 v27, v18  }
0x286: {  	v17 =	vmul.f32 v13, v17;
	v16 =	vmul.f32 v26, v21;
	v19 =	vsub.f32 $1.500000000e+00, v25  }
0x287: {  	v21 =	vmul.f32 v15, v6;
	v25 =	vmul.f32 v23, v8;
	v14 =	vsub.f32 $1.500000000e+00, v14  }
0x288: {  	v13 =	vmul.f32 v19, v20;
	v19 =	vmul.f32 v22, v24  }
0x289: {  	v20 =	vmul.f32 v14, v18;
	v14 =	vmul.f32 v25, v23  }
0x28a: {  	v26 =	vmul.f32 v17, v3;
	v18 =	vmul.f32 v13, v7;
	v19 =	vsub.f32 $1.500000000e+00, v19  }
.Ltmp3:
0x28b: {  	v21 =	vmul.f32 v21, v15;
	v22 =	vmul.f32 v20, v9;
	v14 =	vsub.f32 $1.500000000e+00, v14;
	(pc) =	sbr.rel @p1 .LBB2_4-.Ltmp3, $4  }
0x28c: {  	v25 =	vmul.f32 v18, v13;
	v19 =	vmul.f32 v19, v24  }
0x28d: {  	v27 =	vmul.f32 v22, v20;
	v18 =	vmul.f32 v14, v23  }
0x28e: {  	v22 =	vsub.f32 $1.500000000e+00, v12;
	v12 =	vmovc v21;
	v14 =	vsub.f32 $1.500000000e+00, v25;
	v24 =	vmul.f32 v19, v10  }
0x28f: {  	v21 =	vmul.f32 v26, v17;
	v25 =	vsub.f32 $1.500000000e+00, v27;
	v23 =	vmul.f32 v18, v8  }
0x290: {  	v24 =	vmul.f32 v24, v19  }
0x291: {  	v26 =	vmul.f32 v16, v5;
	v11 =	vmul.f32 v22, v11  }
0x292: {  	v13 =	vmul.f32 v14, v13;
	v12 =	vsub.f32 $1.500000000e+00, v12;
	v20 =	vmul.f32 v25, v20  }
0x293: {  	v23 =	vmul.f32 v23, v18;
	v21 =	vsub.f32 $1.500000000e+00, v21;
	v50 =	vmul.f32 v26, v16  }
0x294: {  	v24 =	vsub.f32 $1.500000000e+00, v24;
	v51 =	vmul.f32 v11, v4;
	v47 =	vmul.f32 v13, v7  }
0x295: {  	v12 =	vmul.f32 v12, v15;
	v25 =	vmul.f32 v20, v9;
	v23 =	vsub.f32 $1.500000000e+00, v23  }
0x296: {  	v17 =	vmul.f32 v21, v17;
	v52 =	vmul.f32 v24, v19;
	v53 =	vsub.f32 $1.500000000e+00, v50  }
0x297: {  	v54 =	vmul.f32 v51, v11;
	v49 =	vmul.f32 v25, v20  }
0x298: {  	v57 =	vmul.f32 v23, v18;
	v56 =	vmul.f32 v53, v16  }
0x299: {  	v34 =	vmul.f32 v17, v3;
	v55 =	vmul.f32 v52, v10;
	v25 =	vsub.f32 $1.500000000e+00, v54  }
0x29a: {  	v22 =	vsub.f32 $1.500000000e+00, v49;
	v59 =	vmul.f32 v57, v8;
	v24 =	vmul.f32 v56, v5  }
0x29b: {  	v11 =	vmul.f32 v25, v11;
	v25 =	vmul.f32 v34, v17  }
0x29c: {  	v20 =	vmul.f32 v22, v20;
	v22 =	vmul.f32 v55, v52  }
0x29d: {  	v60 =	vmul.f32 v59, v57;
	v24 =	vmul.f32 v24, v56  }
0x29e: {  	v62 =	vmul.f32 v11, v4;
	v25 =	vsub.f32 $1.500000000e+00, v25;
	v58 =	vmul.f32 v20, v9  }
0x29f: {  	v55 =	vmul.f32 v12, v6;
	v22 =	vsub.f32 $1.500000000e+00, v22;
	v29 =	vsub.f32 $1.500000000e+00, v60  }
0x2a0: {  	v61 =	vsub.f32 $1.500000000e+00, v24;
	v28 =	vmul.f32 v62, v11;
	v23 =	vmul.f32 v58, v20  }
0x2a1: {  	v19 =	vmul.f32 v22, v52;
	v18 =	vmul.f32 v29, v57  }
0x2a2: {  	v17 =	vmul.f32 v25, v17;
	v16 =	vmul.f32 v61, v56;
	v31 =	vsub.f32 $1.500000000e+00, v28  }
0x2a3: {  	v23 =	vsub.f32 $1.500000000e+00, v23;
	v63 =	vmul.f32 v19, v10;
	v36 =	vmul.f32 v18, v8  }
0x2a4: {  	v30 =	vmul.f32 v16, v5;
	v11 =	vmul.f32 v31, v11  }
0x2a5: {  	v20 =	vmul.f32 v23, v20;
	v10 =	vmul.f32 v63, v19  }
0x2a6: {  	v41 =	vmul.f32 v36, v18;
	v33 =	vmul.f32 v30, v16  }
0x2a7: {  	v32 =	vld [tilespmem:s30+$0x6780];
	v38 =	vmul.f32 v11, v4;
	v23 =	vmul.f32 v20, v9  }
0x2a8: {  	v53 =	vmul.f32 v17, v3;
	v10 =	vsub.f32 $1.500000000e+00, v10;
	v37 =	vsub.f32 $1.500000000e+00, v33  }
0x2a9: {  	v22 =	vsub.f32 $1.500000000e+00, v41;
	v42 =	vmul.f32 v38, v11;
	v23 =	vmul.f32 v23, v20  }
0x2aa: {  	v10 =	vmul.f32 v10, v19;
	v16 =	vmul.f32 v37, v16  }
0x2ab: {  	v44 =	vmul.f32 v22, v18;
	v35 =	vsub.f32 $1.500000000e+00, v23;
	v23 =	vsub.f32 $1.500000000e+00, v42  }
0x2ac: {  	v39 =	vmul.f32 v10, v32;
	v43 =	vmul.f32 v16, v5  }
0x2ad: {  	v20 =	vmul.f32 v35, v20;
	v11 =	vmul.f32 v23, v11  }
0x2ae: {  	v22 =	vmul.f32 v44, v8;
	v24 =	vmul.f32 v43, v16  }
0x2af: {  	v40 =	vmul.f32 v20, v9;
	v51 =	vmul.f32 v11, v4  }
0x2b0: {  	v21 =	vmul.f32 v39, v2;
	v46 =	vsub.f32 $1.500000000e+00, v24;
	v24 =	vmul.f32 v55, v12  }
0x2b1: {  	v19 =	vmul.f32 v40, v20;
	v54 =	vmul.f32 v51, v11  }
0x2b2: {  	v48 =	vmul.f32 v22, v44;
	v16 =	vmul.f32 v46, v16;
	v24 =	vsub.f32 $1.500000000e+00, v24  }
0x2b3: {  	v45 =	vsub.f32 $1.500000000e+00, v19;
	v19 =	vmul.f32 v47, v13;
	v57 =	vsub.f32 $1.500000000e+00, v54  }
0x2b4: {  	v50 =	vmul.f32 v16, v5;
	v12 =	vmul.f32 v24, v12  }
0x2b5: {  	v18 =	vmul.f32 v45, v20;
	v20 =	vsub.f32 $1.500000000e+00, v48;
	v11 =	vmul.f32 v57, v11  }
0x2b6: {  	v52 =	vmul.f32 v50, v16;
	v24 =	vmul.f32 v12, v6  }
0x2b7: {  	v49 =	vmul.f32 v18, v9;
	v14 =	vmul.f32 v20, v44  }
0x2b8: {  	v19 =	vsub.f32 $1.500000000e+00, v19;
	v20 =	vmul.f32 v53, v17;
	v63 =	vmul.f32 v11, v4  }
0x2b9: {  	v15 =	vsub.f32 $1.500000000e+00, v52;
	v24 =	vmul.f32 v24, v12;
	v56 =	vmul.f32 v14, v8  }
0x2ba: {  	v13 =	vmul.f32 v19, v13;
	v20 =	vsub.f32 $1.500000000e+00, v20;
	v22 =	vmul.f32 v49, v18  }
0x2bb: {  	v15 =	vmul.f32 v15, v16;
	v32 =	vsub.f32 $1.500000000e+00, v24;
	v58 =	vmul.f32 v56, v14  }
0x2bc: {  	v31 =	vmul.f32 v13, v7;
	v17 =	vmul.f32 v20, v17;
	v22 =	vsub.f32 $1.500000000e+00, v22  }
0x2bd: {  	v59 =	vmul.f32 v15, v5;
	v12 =	vmul.f32 v32, v12;
	v60 =	vsub.f32 $1.500000000e+00, v58  }
0x2be: {  	v62 =	vmul.f32 v17, v3;
	v30 =	vmul.f32 v22, v18  }
0x2bf: {  	v18 =	vmul.f32 v31, v13;
	v14 =	vmul.f32 v60, v14  }
0x2c0: {  	v61 =	vmul.f32 v59, v15;
	v37 =	vmul.f32 v12, v6  }
0x2c1: {  	v16 =	vmul.f32 v62, v17;
	v28 =	vmul.f32 v14, v8  }
0x2c2: {  	v34 =	vmul.f32 v30, v9;
	v18 =	vsub.f32 $1.500000000e+00, v18;
	v39 =	vmul.f32 v37, v12  }
0x2c3: {  	v20 =	vsub.f32 $1.500000000e+00, v61;
	v16 =	vsub.f32 $1.500000000e+00, v16;
	v8 =	vmul.f32 v28, v14  }
0x2c4: {  	v36 =	vmul.f32 v34, v30;
	v13 =	vmul.f32 v18, v13;
	v41 =	vsub.f32 $1.500000000e+00, v39  }
0x2c5: {  	[tilespmem:s30+$0x6C80] =	vst v10;
	v15 =	vmul.f32 v20, v15;
	v16 =	vmul.f32 v16, v17;
	v8 =	vsub.f32 $1.500000000e+00, v8  }
0x2c6: {  	[tilespmem:s30+$0x6A00] =	vst v21;
	v40 =	vmul.f32 v13, v7;
	v12 =	vmul.f32 v41, v12  }
0x2c7: {  	v33 =	vld [tilespmem:s23+$0x6780];
	v35 =	vmul.f32 v16, v3;
	v8 =	vmul.f32 v8, v14;
	v14 =	vsub.f32 $1.500000000e+00, v36  }
0x2c8: {  	v42 =	vmul.f32 v40, v13;
	v46 =	vmul.f32 v12, v6  }
0x2c9: {  	v20 =	vmul.f32 v35, v16;
	v14 =	vmul.f32 v14, v30  }
0x2ca: {  	v29 =	vmul.f32 v63, v11;
	v38 =	vmul.f32 v15, v5;
	v18 =	vsub.f32 $1.500000000e+00, v42  }
0x2cb: {  	v49 =	vmul.f32 v46, v12;
	v20 =	vsub.f32 $1.500000000e+00, v20;
	v43 =	vmul.f32 v14, v9  }
0x2cc: {  	v19 =	vsub.f32 $1.500000000e+00, v29;
	v17 =	vmul.f32 v8, v33;
	v13 =	vmul.f32 v18, v13  }
0x2cd: {  	v16 =	vmul.f32 v20, v16;
	v20 =	vmul.f32 v43, v14  }
0x2ce: {  	v11 =	vmul.f32 v19, v11;
	v45 =	vmul.f32 v38, v15;
	v51 =	vsub.f32 $1.500000000e+00, v49  }
0x2cf: {  	v10 =	vmul.f32 v17, v2;
	v50 =	vmul.f32 v13, v7;
	v47 =	vsub.f32 $1.500000000e+00, v20  }
0x2d0: {  	v12 =	vmul.f32 v51, v12;
	v44 =	vmul.f32 v16, v3  }
0x2d1: {  	v52 =	vmul.f32 v50, v13;
	v14 =	vmul.f32 v47, v14  }
0x2d2: {  	v48 =	vsub.f32 $1.500000000e+00, v45;
	v56 =	vmul.f32 v12, v6;
	v17 =	vmul.f32 v44, v16  }
0x2d3: {  	v54 =	vmul.f32 v11, v4;
	v18 =	vsub.f32 $1.500000000e+00, v52;
	v53 =	vmul.f32 v14, v9  }
0x2d4: {  	v15 =	vmul.f32 v48, v15;
	v60 =	vmul.f32 v56, v12;
	v17 =	vsub.f32 $1.500000000e+00, v17  }
0x2d5: {  	v13 =	vmul.f32 v18, v13;
	v19 =	vmul.f32 v53, v14  }
0x2d6: {  	v63 =	vsub.f32 $1.500000000e+00, v60;
	v16 =	vmul.f32 v17, v16;
	v17 =	vmul.f32 v54, v11  }
0x2d7: {  	v55 =	vmul.f32 v15, v5;
	v58 =	vsub.f32 $1.500000000e+00, v19  }
0x2d8: {  	v61 =	vmul.f32 v13, v7;
	v12 =	vmul.f32 v63, v12;
	v17 =	vsub.f32 $1.500000000e+00, v17  }
0x2d9: {  	v57 =	vmul.f32 v16, v3;
	v14 =	vmul.f32 v58, v14  }
0x2da: {  	v24 =	vmul.f32 v61, v13;
	v11 =	vmul.f32 v17, v11  }
0x2db: {  	v30 =	vmul.f32 v12, v6;
	v25 =	vmul.f32 v14, v9  }
0x2dc: {  	v62 =	vmul.f32 v57, v16;
	v27 =	vsub.f32 $1.500000000e+00, v24;
	v26 =	vmul.f32 v11, v4  }
0x2dd: {  	v34 =	vmul.f32 v30, v12;
	v28 =	vmul.f32 v25, v14  }
0x2de: {  	v18 =	vsub.f32 $1.500000000e+00, v62;
	v13 =	vmul.f32 v27, v13;
	v29 =	vmul.f32 v26, v11  }
0x2df: {  	v59 =	vmul.f32 v55, v15;
	v37 =	vsub.f32 $1.500000000e+00, v34;
	v31 =	vsub.f32 $1.500000000e+00, v28  }
0x2e0: {  	v16 =	vmul.f32 v18, v16;
	v35 =	vmul.f32 v13, v7;
	v33 =	vsub.f32 $1.500000000e+00, v29  }
0x2e1: {  	v12 =	vmul.f32 v37, v12;
	v14 =	vmul.f32 v31, v14  }
0x2e2: {  	v38 =	vmul.f32 v35, v13;
	v11 =	vmul.f32 v33, v11  }
0x2e3: {  	v36 =	vmul.f32 v16, v3;
	v39 =	vmul.f32 v14, v9  }
0x2e4: {  	v44 =	vmul.f32 v12, v6;
	v41 =	vsub.f32 $1.500000000e+00, v38;
	v40 =	vmul.f32 v11, v4  }
0x2e5: {  	v17 =	vmul.f32 v36, v16;
	v42 =	vmul.f32 v39, v14  }
0x2e6: {  	v19 =	vsub.f32 $1.500000000e+00, v59;
	v13 =	vmul.f32 v41, v13;
	v43 =	vmul.f32 v40, v11  }
0x2e7: {  	v47 =	vmul.f32 v44, v12;
	v17 =	vsub.f32 $1.500000000e+00, v17;
	v45 =	vsub.f32 $1.500000000e+00, v42  }
0x2e8: {  	v15 =	vmul.f32 v19, v15;
	v48 =	vmul.f32 v13, v7;
	v46 =	vsub.f32 $1.500000000e+00, v43  }
0x2e9: {  	v49 =	vsub.f32 $1.500000000e+00, v47;
	v16 =	vmul.f32 v17, v16;
	v14 =	vmul.f32 v45, v14  }
0x2ea: {  	v19 =	vmul.f32 v48, v13;
	v11 =	vmul.f32 v46, v11  }
0x2eb: {  	v12 =	vmul.f32 v49, v12;
	v50 =	vmul.f32 v14, v9  }
0x2ec: {  	v52 =	vmul.f32 v16, v3;
	v19 =	vsub.f32 $1.500000000e+00, v19;
	v51 =	vmul.f32 v11, v4  }
0x2ed: {  	v53 =	vmul.f32 v12, v6;
	v20 =	vmul.f32 v50, v14  }
0x2ee: {  	v13 =	vmul.f32 v19, v13;
	v21 =	vmul.f32 v51, v11  }
0x2ef: {  	v17 =	vmul.f32 v52, v16;
	v54 =	vsub.f32 $1.500000000e+00, v20  }
0x2f0: {  	v56 =	vmul.f32 v53, v12;
	v57 =	vmul.f32 v13, v7;
	v55 =	vsub.f32 $1.500000000e+00, v21  }
0x2f1: {  	v32 =	vmul.f32 v15, v5;
	v17 =	vsub.f32 $1.500000000e+00, v17;
	v14 =	vmul.f32 v54, v14  }
0x2f2: {  	v59 =	vsub.f32 $1.500000000e+00, v56;
	v60 =	vmul.f32 v57, v13;
	v11 =	vmul.f32 v55, v11  }
0x2f3: {  	v16 =	vmul.f32 v17, v16;
	v61 =	vmul.f32 v14, v9  }
0x2f4: {  	v12 =	vmul.f32 v59, v12;
	v63 =	vsub.f32 $1.500000000e+00, v60;
	v62 =	vmul.f32 v11, v4  }
0x2f5: {  	v28 =	vmul.f32 v16, v3;
	v24 =	vmul.f32 v61, v14  }
0x2f6: {  	v13 =	vmul.f32 v63, v13;
	v25 =	vmul.f32 v62, v11  }
0x2f7: {  	v18 =	vmul.f32 v32, v15;
	v26 =	vmul.f32 v12, v6;
	v27 =	vsub.f32 $1.500000000e+00, v24  }
0x2f8: {  	v30 =	vmul.f32 v28, v16;
	v29 =	vmul.f32 v13, v7;
	v19 =	vsub.f32 $1.500000000e+00, v25  }
0x2f9: {  	v18 =	vsub.f32 $1.500000000e+00, v18;
	v20 =	vmul.f32 v26, v12;
	v14 =	vmul.f32 v27, v14  }
0x2fa: {  	v17 =	vsub.f32 $1.500000000e+00, v30;
	v32 =	vmul.f32 v29, v13;
	v11 =	vmul.f32 v19, v11  }
0x2fb: {  	v15 =	vmul.f32 v18, v15;
	v31 =	vsub.f32 $1.500000000e+00, v20;
	v33 =	vmul.f32 v14, v9  }
0x2fc: {  	v40 =	vmul.f32 v17, v16;
	v35 =	vsub.f32 $1.500000000e+00, v32;
	v34 =	vmul.f32 v11, v4  }
0x2fd: {  	v12 =	vmul.f32 v31, v12;
	v36 =	vmul.f32 v33, v14  }
0x2fe: {  	v13 =	vmul.f32 v35, v13;
	v37 =	vmul.f32 v34, v11  }
0x2ff: {  	v58 =	vmul.f32 v15, v5;
	v38 =	vmul.f32 v12, v6;
	v39 =	vsub.f32 $1.500000000e+00, v36  }
0x300: {  	v45 =	vmul.f32 v40, v3;
	v43 =	vmul.f32 v13, v7;
	v41 =	vsub.f32 $1.500000000e+00, v37  }
0x301: {  	v42 =	vmul.f32 v38, v12;
	v14 =	vmul.f32 v39, v14  }
0x302: {  	[tilespmem:s23+$0x6A00] =	vst v10;
	v10 =	vmul.f32 v43, v13;
	v11 =	vmul.f32 v41, v11  }
0x303: {  	v5 =	vmul.f32 v58, v15;
	v46 =	vsub.f32 $1.500000000e+00, v42;
	v47 =	vmul.f32 v14, v9  }
0x304: {  	v49 =	vmul.f32 v45, v40;
	v10 =	vsub.f32 $1.500000000e+00, v10;
	v48 =	vmul.f32 v11, v4  }
0x305: {  	[tilespmem:s23+$0x6C80] =	vst v8;
	v5 =	vsub.f32 $1.500000000e+00, v5;
	v12 =	vmul.f32 v46, v12;
	v17 =	vmul.f32 v47, v14  }
0x306: {  	v44 =	vld [tilespmem:s21+$0x6780];
	v16 =	vsub.f32 $1.500000000e+00, v49;
	v10 =	vmul.f32 v10, v13;
	v50 =	vmul.f32 v48, v11  }
0x307: {  	v5 =	vmul.f32 v5, v15;
	v51 =	vmul.f32 v12, v6;
	v52 =	vsub.f32 $1.500000000e+00, v17  }
0x308: {  	v8 =	vmul.f32 v16, v40;
	v55 =	vmul.f32 v10, v7;
	v53 =	vsub.f32 $1.500000000e+00, v50  }
0x309: {  	v54 =	vmul.f32 v51, v12;
	v13 =	vmul.f32 v52, v14  }
0x30a: {  	v57 =	vmul.f32 v55, v10;
	v11 =	vmul.f32 v53, v11  }
0x30b: {  	v15 =	vmul.f32 v5, v44;
	v56 =	vsub.f32 $1.500000000e+00, v54;
	v58 =	vmul.f32 v13, v9  }
0x30c: {  	v3 =	vmul.f32 v8, v3;
	v60 =	vsub.f32 $1.500000000e+00, v57;
	v59 =	vmul.f32 v11, v4  }
0x30d: {  	v12 =	vmul.f32 v56, v12;
	v61 =	vmul.f32 v58, v13  }
0x30e: {  	v10 =	vmul.f32 v60, v10;
	v62 =	vmul.f32 v59, v11  }
0x30f: {  	v15 =	vmul.f32 v15, v2;
	v63 =	vmul.f32 v12, v6;
	v20 =	vsub.f32 $1.500000000e+00, v61  }
0x310: {  	v3 =	vmul.f32 v3, v8;
	v23 =	vmul.f32 v10, v7;
	v21 =	vsub.f32 $1.500000000e+00, v62  }
0x311: {  	[tilespmem:s21+$0x6C80] =	vst v5;
	v22 =	vmul.f32 v63, v12;
	v13 =	vmul.f32 v20, v13  }
0x312: {  	[tilespmem:s21+$0x6A00] =	vst v15;
	v3 =	vsub.f32 $1.500000000e+00, v3;
	v5 =	vmul.f32 v23, v10;
	v11 =	vmul.f32 v21, v11  }
0x313: {  	v15 =	vld [tilespmem:s2+$0x6780];
	v24 =	vsub.f32 $1.500000000e+00, v22;
	v25 =	vmul.f32 v13, v9  }
0x314: {  	v3 =	vmul.f32 v3, v8;
	v5 =	vsub.f32 $1.500000000e+00, v5;
	v26 =	vmul.f32 v11, v4  }
0x315: {  	v12 =	vmul.f32 v24, v12;
	v27 =	vmul.f32 v25, v13  }
0x316: {  	v5 =	vmul.f32 v5, v10;
	v28 =	vmul.f32 v26, v11  }
0x317: {  	v29 =	vmul.f32 v12, v6;
	v8 =	vsub.f32 $1.500000000e+00, v27  }
0x318: {  	v30 =	vmul.f32 v3, v15;
	v32 =	vmul.f32 v5, v7;
	v14 =	vsub.f32 $1.500000000e+00, v28  }
0x319: {  	v31 =	vmul.f32 v29, v12;
	v8 =	vmul.f32 v8, v13  }
0x31a: {  	v34 =	vmul.f32 v32, v5;
	v11 =	vmul.f32 v14, v11  }
0x31b: {  	v33 =	vsub.f32 $1.500000000e+00, v31;
	v35 =	vmul.f32 v8, v9  }
0x31c: {  	[tilespmem:s2+$0x6C80] =	vst v3;
	v10 =	vmul.f32 v30, v2;
	v3 =	vsub.f32 $1.500000000e+00, v34;
	v36 =	vmul.f32 v11, v4  }
0x31d: {  	v12 =	vmul.f32 v33, v12;
	v37 =	vmul.f32 v35, v8  }
0x31e: {  	[tilespmem:s2+$0x6A00] =	vst v10;
	v3 =	vmul.f32 v3, v5;
	v4 =	vmul.f32 v36, v11  }
0x31f: {  	v39 =	vld [tilespmem:s22+$0x6780];
	v38 =	vmul.f32 v12, v6;
	v40 =	vsub.f32 $1.500000000e+00, v37  }
0x320: {  	v41 =	vmul.f32 v3, v7;
	v4 =	vsub.f32 $1.500000000e+00, v4  }
0x321: {  	v10 =	vmul.f32 v38, v12;
	v5 =	vmul.f32 v40, v8  }
0x322: {  	v43 =	vmul.f32 v41, v3;
	v4 =	vmul.f32 v4, v11  }
0x323: {  	v42 =	vsub.f32 $1.500000000e+00, v10;
	v44 =	vmul.f32 v5, v9  }
0x324: {  	v10 =	vsub.f32 $1.500000000e+00, v43;
	v45 =	vmul.f32 v4, v39  }
0x325: {  	v8 =	vmul.f32 v42, v12;
	v11 =	vmul.f32 v44, v5  }
0x326: {  	v3 =	vmul.f32 v10, v3  }
0x327: {  	v46 =	vmul.f32 v45, v2;
	v47 =	vmul.f32 v8, v6;
	v48 =	vsub.f32 $1.500000000e+00, v11  }
0x328: {  	[tilespmem:s22+$0x6C80] =	vst v4;
	v50 =	vmul.f32 v3, v7  }
0x329: {  	[tilespmem:s22+$0x6A00] =	vst v46;
	v6 =	vmul.f32 v47, v8;
	v4 =	vmul.f32 v48, v5  }
0x32a: {  	v52 =	vmul.f32 v50, v3;
	v49 =	vld [tilespmem:s28+$0x6780]  }
0x32b: {  	v51 =	vsub.f32 $1.500000000e+00, v6;
	v53 =	vmul.f32 v4, v9  }
0x32c: {  	v6 =	vsub.f32 $1.500000000e+00, v52  }
0x32d: {  	v5 =	vmul.f32 v51, v8;
	v54 =	vmul.f32 v53, v4  }
0x32e: {  	v3 =	vmul.f32 v6, v3  }
0x32f: {  	v10 =	vmul.f32 v5, v49;
	v55 =	vsub.f32 $1.500000000e+00, v54  }
0x330: {  	v57 =	vmul.f32 v3, v7  }
0x331: {  	v56 =	vmul.f32 v10, v2;
	v4 =	vmul.f32 v55, v4  }
0x332: {  	[tilespmem:s28+$0x6C80] =	vst v5  }
0x333: {  	v58 =	vmul.f32 v57, v3;
	[tilespmem:s28+$0x6A00] =	vst v56;
	v6 =	vmul.f32 v4, v9  }
0x334: {  	v59 =	vld [tilespmem:s29+$0x6780]  }
0x335: {  	v5 =	vsub.f32 $1.500000000e+00, v58;
	v6 =	vmul.f32 v6, v4;
	_ =	sdelay $0x1  }
0x336: {  	v3 =	vmul.f32 v5, v3;
	v60 =	vsub.f32 $1.500000000e+00, v6;
	_ =	sdelay $0x1  }
0x337: {  	v61 =	vmul.f32 v3, v59;
	v4 =	vmul.f32 v60, v4;
	_ =	sdelay $0x1  }
0x338: {  	v62 =	vmul.f32 v61, v2;
	v63 =	vmul.f32 v4, v9  }
0x339: {  	[tilespmem:s29+$0x6C80] =	vst v3  }
0x33a: {  	[tilespmem:s29+$0x6A00] =	vst v62;
	v3 =	vmul.f32 v63, v4  }
0x33b: {  	v5 =	vld [tilespmem:s1+$0x6780]  }
0x33c: {  	v3 =	vsub.f32 $1.500000000e+00, v3;
	_ =	sdelay $0x1  }
0x33d: {  	v3 =	vmul.f32 v3, v4;
	_ =	sdelay $0x1  }
0x33e: {  	v4 =	vmul.f32 v3, v5;
	_ =	sdelay $0x1  }
0x33f: {  	v4 =	vmul.f32 v4, v2  }
0x340: {  	[tilespmem:s1+$0x6C80] =	vst v3  }
0x341: {  	s30 =	simm.s32 $0x6A00;
	s29 =	rddreg [dreg:$0x10];
	[tilespmem:s1+$0x6A00] =	vst v4  }
0x342: {  	[spmem:s29] =	stream.linear.scatter [tilespmem:s30], [sflag:$0x3], $0x280, $0x38;
	[tilespmem:$0x7B80] =	vst v63  }
0x343: {  	_ =	swait.ge [sflag:s20], $0x280  }
0x344: {  	[sflag:s20] =	ssyncset.done $0x0  }
0x345: {  	[sflag:s20] =	ssyncadd.s32 $0xFFFFFD80  }
0x346: {  	p1 =	por $0x1, $0x1;
	s1 =	simm.s32 $0x0;
	[bflag:$0x0] =	sbarrier.arrive $0xFFFF  }
.LBB2_6:
0x347: {  	s19 =	smul.u32 $0xA00, s1;
	_ =	sdelay $0x1  }
0x348: {  	s2 =	sadd.s32 $0x5000, s19  }
0x349: {  	[tilespmem:s2], [sflag:$0x2] =	stream.indirect.gather [spmem:s5], $0x1, s19, s24, $0xb8;
	[tilespmem:$0x7B80] =	vst v63  }
0x34a: {  	s7 =	sor.u32 $0x80, s19;
	s8 =	sadd.s32 $0x5080, s19  }
0x34b: {  	[tilespmem:s8], [sflag:$0x2] =	stream.indirect.gather [spmem:s5], $0x1, s7, s24, $0xb8;
	[tilespmem:$0x7B80] =	vst v63  }
0x34c: {  	s30 =	sor.u32 $0x100, s19;
	s9 =	sadd.s32 $0x5100, s19  }
0x34d: {  	[tilespmem:s9], [sflag:$0x2] =	stream.indirect.gather [spmem:s5], $0x1, s30, s24, $0xb8;
	[tilespmem:$0x7B80] =	vst v63  }
0x34e: {  	s6 =	sor.u32 $0x180, s19;
	s21 =	sadd.s32 $0x5180, s19  }
0x34f: {  	[tilespmem:s21], [sflag:$0x2] =	stream.indirect.gather [spmem:s5], $0x1, s6, s24, $0xb8;
	[tilespmem:$0x7B80] =	vst v63  }
0x350: {  	s10 =	sadd.s32 $0x200, s19;
	s22 =	sadd.s32 $0x5200, s19  }
0x351: {  	[tilespmem:s22], [sflag:$0x2] =	stream.indirect.gather [spmem:s5], $0x1, s10, s24, $0xb8;
	[tilespmem:$0x7B80] =	vst v63  }
0x352: {  	s11 =	sadd.s32 $0x280, s19;
	s23 =	sadd.s32 $0x5280, s19  }
0x353: {  	[tilespmem:s23], [sflag:$0x2] =	stream.indirect.gather [spmem:s5], $0x1, s11, s24, $0xb8;
	[tilespmem:$0x7B80] =	vst v63  }
0x354: {  	s12 =	sadd.s32 $0x300, s19;
	s28 =	sadd.s32 $0x5300, s19  }
0x355: {  	[tilespmem:s28], [sflag:$0x2] =	stream.indirect.gather [spmem:s5], $0x1, s12, s24, $0xb8;
	[tilespmem:$0x7B80] =	vst v63  }
0x356: {  	s13 =	sadd.s32 $0x380, s19;
	s29 =	sadd.s32 $0x5380, s19  }
0x357: {  	[tilespmem:s29], [sflag:$0x2] =	stream.indirect.gather [spmem:s5], $0x1, s13, s24, $0xb8;
	[tilespmem:$0x7B80] =	vst v63  }
0x358: {  	s14 =	sadd.s32 $0x400, s19;
	s30 =	sadd.s32 $0x5400, s19  }
0x359: {  	[tilespmem:s30], [sflag:$0x2] =	stream.indirect.gather [spmem:s5], $0x1, s14, s24, $0xb8;
	[tilespmem:$0x7B80] =	vst v63  }
0x35a: {  	s15 =	sadd.s32 $0x480, s19;
	s13 =	sadd.s32 $0x5480, s19  }
0x35b: {  	[tilespmem:s13], [sflag:$0x2] =	stream.indirect.gather [spmem:s5], $0x1, s15, s24, $0xb8;
	[tilespmem:$0x7B80] =	vst v63  }
0x35c: {  	s16 =	sadd.s32 $0x500, s19;
	s14 =	sadd.s32 $0x5500, s19  }
0x35d: {  	[tilespmem:s14], [sflag:$0x2] =	stream.indirect.gather [spmem:s5], $0x1, s16, s24, $0xb8;
	[tilespmem:$0x7B80] =	vst v63  }
0x35e: {  	s17 =	sadd.s32 $0x580, s19;
	s15 =	sadd.s32 $0x5580, s19  }
0x35f: {  	[tilespmem:s15], [sflag:$0x2] =	stream.indirect.gather [spmem:s5], $0x1, s17, s24, $0xb8;
	[tilespmem:$0x7B80] =	vst v63  }
0x360: {  	s18 =	sadd.s32 $0x600, s19;
	s16 =	sadd.s32 $0x5600, s19  }
0x361: {  	[tilespmem:s16], [sflag:$0x2] =	stream.indirect.gather [spmem:s5], $0x1, s18, s24, $0xb8;
	[tilespmem:$0x7B80] =	vst v63  }
0x362: {  	s6 =	sadd.s32 $0x680, s19;
	s17 =	sadd.s32 $0x5680, s19  }
0x363: {  	[tilespmem:s17], [sflag:$0x2] =	stream.indirect.gather [spmem:s5], $0x1, s6, s24, $0xb8;
	[tilespmem:$0x7B80] =	vst v63  }
0x364: {  	s10 =	sadd.s32 $0x700, s19;
	s18 =	sadd.s32 $0x5700, s19  }
0x365: {  	[tilespmem:s18], [sflag:$0x2] =	stream.indirect.gather [spmem:s5], $0x1, s10, s24, $0xb8;
	[tilespmem:$0x7B80] =	vst v63  }
0x366: {  	s7 =	sadd.s32 $0x5780, s19;
	s10 =	sadd.s32 $0x780, s19  }
0x367: {  	[tilespmem:s7], [sflag:$0x2] =	stream.indirect.gather [spmem:s5], $0x1, s10, s24, $0xb8;
	[tilespmem:$0x7B80] =	vst v63  }
0x368: {  	s11 =	sadd.s32 $0x800, s19;
	s12 =	sadd.s32 $0x5800, s19  }
0x369: {  	[tilespmem:s12], [sflag:$0x2] =	stream.indirect.gather [spmem:s5], $0x1, s11, s24, $0xb8;
	[tilespmem:$0x7B80] =	vst v63  }
0x36a: {  	s10 =	sadd.s32 $0x5880, s19;
	s11 =	sadd.s32 $0x880, s19  }
0x36b: {  	[tilespmem:s10], [sflag:$0x2] =	stream.indirect.gather [spmem:s5], $0x1, s11, s24, $0xb8;
	[tilespmem:$0x7B80] =	vst v63  }
0x36c: {  	s6 =	sadd.s32 $0x900, s19;
	s11 =	sadd.s32 $0x5900, s19  }
0x36d: {  	[tilespmem:s11], [sflag:$0x2] =	stream.indirect.gather [spmem:s5], $0x1, s6, s24, $0xb8;
	[tilespmem:$0x7B80] =	vst v63  }
0x36e: {  	s6 =	sadd.s32 $0x980, s19;
	s19 =	sadd.s32 $0x5980, s19  }
0x36f: {  	[tilespmem:s19], [sflag:$0x2] =	stream.indirect.gather [spmem:s5], $0x1, s6, s24, $0xb8;
	[tilespmem:$0x7B80] =	vst v63  }
0x370: {  	_ =	swait.ge [sflag:s31], $0x80  }
0x371: {  	[sflag:s31] =	ssyncset.done $0x0  }
0x372: {  	[sflag:s31] =	ssyncadd.s32 $0xFFFFFF80  }
0x373: {  	_ =	swait.ge [sflag:s31], $0x80  }
0x374: {  	[sflag:s31] =	ssyncset.done $0x0  }
0x375: {  	[sflag:s31] =	ssyncadd.s32 $0xFFFFFF80  }
0x376: {  	_ =	swait.ge [sflag:s31], $0x80  }
0x377: {  	[sflag:s31] =	ssyncset.done $0x0  }
0x378: {  	[sflag:s31] =	ssyncadd.s32 $0xFFFFFF80  }
0x379: {  	_ =	swait.ge [sflag:s31], $0x80  }
0x37a: {  	[sflag:s31] =	ssyncset.done $0x0  }
0x37b: {  	[sflag:s31] =	ssyncadd.s32 $0xFFFFFF80  }
0x37c: {  	_ =	swait.ge [sflag:s31], $0x80  }
0x37d: {  	[sflag:s31] =	ssyncset.done $0x0  }
0x37e: {  	[sflag:s31] =	ssyncadd.s32 $0xFFFFFF80  }
0x37f: {  	_ =	swait.ge [sflag:s31], $0x80  }
0x380: {  	[sflag:s31] =	ssyncset.done $0x0  }
0x381: {  	[sflag:s31] =	ssyncadd.s32 $0xFFFFFF80  }
0x382: {  	_ =	swait.ge [sflag:s31], $0x80  }
0x383: {  	[sflag:s31] =	ssyncset.done $0x0  }
0x384: {  	[sflag:s31] =	ssyncadd.s32 $0xFFFFFF80  }
0x385: {  	_ =	swait.ge [sflag:s31], $0x80  }
0x386: {  	[sflag:s31] =	ssyncset.done $0x0  }
0x387: {  	[sflag:s31] =	ssyncadd.s32 $0xFFFFFF80  }
0x388: {  	_ =	swait.ge [sflag:s31], $0x80  }
0x389: {  	[sflag:s31] =	ssyncset.done $0x0  }
0x38a: {  	[sflag:s31] =	ssyncadd.s32 $0xFFFFFF80  }
0x38b: {  	_ =	swait.ge [sflag:s31], $0x80  }
0x38c: {  	[sflag:s31] =	ssyncset.done $0x0  }
0x38d: {  	[sflag:s31] =	ssyncadd.s32 $0xFFFFFF80  }
0x38e: {  	_ =	swait.ge [sflag:s31], $0x80  }
0x38f: {  	[sflag:s31] =	ssyncset.done $0x0  }
0x390: {  	[sflag:s31] =	ssyncadd.s32 $0xFFFFFF80  }
0x391: {  	_ =	swait.ge [sflag:s31], $0x80  }
0x392: {  	[sflag:s31] =	ssyncset.done $0x0  }
0x393: {  	[sflag:s31] =	ssyncadd.s32 $0xFFFFFF80  }
0x394: {  	_ =	swait.ge [sflag:s31], $0x80  }
0x395: {  	[sflag:s31] =	ssyncset.done $0x0  }
0x396: {  	[sflag:s31] =	ssyncadd.s32 $0xFFFFFF80  }
0x397: {  	_ =	swait.ge [sflag:s31], $0x80  }
0x398: {  	[sflag:s31] =	ssyncset.done $0x0  }
0x399: {  	[sflag:s31] =	ssyncadd.s32 $0xFFFFFF80  }
0x39a: {  	_ =	swait.ge [sflag:s31], $0x80  }
0x39b: {  	[sflag:s31] =	ssyncset.done $0x0  }
0x39c: {  	[sflag:s31] =	ssyncadd.s32 $0xFFFFFF80  }
0x39d: {  	_ =	swait.ge [sflag:s31], $0x80  }
0x39e: {  	[sflag:s31] =	ssyncset.done $0x0  }
0x39f: {  	[sflag:s31] =	ssyncadd.s32 $0xFFFFFF80  }
0x3a0: {  	_ =	swait.ge [sflag:s31], $0x80  }
0x3a1: {  	[sflag:s31] =	ssyncset.done $0x0  }
0x3a2: {  	[sflag:s31] =	ssyncadd.s32 $0xFFFFFF80  }
0x3a3: {  	_ =	swait.ge [sflag:s31], $0x80  }
0x3a4: {  	[sflag:s31] =	ssyncset.done $0x0  }
0x3a5: {  	[sflag:s31] =	ssyncadd.s32 $0xFFFFFF80  }
0x3a6: {  	_ =	swait.ge [sflag:s31], $0x80  }
0x3a7: {  	[sflag:s31] =	ssyncset.done $0x0  }
0x3a8: {  	s6 =	smul.u32 $0x2800, s1;
	[sflag:s31] =	ssyncadd.s32 $0xFFFFFF80  }
0x3a9: {  	_ =	swait.ge [sflag:s31], $0x80  }
0x3aa: {  	s1 =	sshra.s32 s6, $0x2;
	[sflag:s31] =	ssyncset.done $0x0  }
0x3ab: {  	s6 =	sadd.s32 $0x3C00, s1;
	[sflag:s31] =	ssyncadd.s32 $0xFFFFFF80  }
0x3ac: {  	[spmem:s4] =	stream.indirect.scatter.add.f32 [tilespmem:s2], [sflag:$0x1], $0x1, s6, s24, $0xb8;
	[tilespmem:$0x7B80] =	vst v63  }
0x3ad: {  	s6 =	sadd.s32 $0x3C80, s1  }
0x3ae: {  	[spmem:s4] =	stream.indirect.scatter.add.f32 [tilespmem:s8], [sflag:$0x1], $0x1, s6, s24, $0xb8;
	[tilespmem:$0x7B80] =	vst v63  }
0x3af: {  	s8 =	sadd.s32 $0x3D00, s1  }
0x3b0: {  	[spmem:s4] =	stream.indirect.scatter.add.f32 [tilespmem:s9], [sflag:$0x1], $0x1, s8, s24, $0xb8;
	[tilespmem:$0x7B80] =	vst v63  }
0x3b1: {  	s9 =	sadd.s32 $0x3D80, s1  }
0x3b2: {  	[spmem:s4] =	stream.indirect.scatter.add.f32 [tilespmem:s21], [sflag:$0x1], $0x1, s9, s24, $0xb8;
	[tilespmem:$0x7B80] =	vst v63  }
0x3b3: {  	s21 =	sadd.s32 $0x3E00, s1  }
0x3b4: {  	[spmem:s4] =	stream.indirect.scatter.add.f32 [tilespmem:s22], [sflag:$0x1], $0x1, s21, s24, $0xb8;
	[tilespmem:$0x7B80] =	vst v63  }
0x3b5: {  	s22 =	sadd.s32 $0x3E80, s1  }
0x3b6: {  	[spmem:s4] =	stream.indirect.scatter.add.f32 [tilespmem:s23], [sflag:$0x1], $0x1, s22, s24, $0xb8;
	[tilespmem:$0x7B80] =	vst v63  }
0x3b7: {  	s23 =	sadd.s32 $0x3F00, s1  }
0x3b8: {  	[spmem:s4] =	stream.indirect.scatter.add.f32 [tilespmem:s28], [sflag:$0x1], $0x1, s23, s24, $0xb8;
	[tilespmem:$0x7B80] =	vst v63  }
0x3b9: {  	s6 =	sadd.s32 $0x3F80, s1  }
0x3ba: {  	[spmem:s4] =	stream.indirect.scatter.add.f32 [tilespmem:s29], [sflag:$0x1], $0x1, s6, s24, $0xb8;
	[tilespmem:$0x7B80] =	vst v63  }
0x3bb: {  	s8 =	sadd.s32 $0x4000, s1  }
0x3bc: {  	[spmem:s4] =	stream.indirect.scatter.add.f32 [tilespmem:s30], [sflag:$0x1], $0x1, s8, s24, $0xb8;
	[tilespmem:$0x7B80] =	vst v63  }
0x3bd: {  	s9 =	sadd.s32 $0x4080, s1  }
0x3be: {  	[spmem:s4] =	stream.indirect.scatter.add.f32 [tilespmem:s13], [sflag:$0x1], $0x1, s9, s24, $0xb8;
	[tilespmem:$0x7B80] =	vst v63  }
0x3bf: {  	s13 =	sadd.s32 $0x4100, s1  }
0x3c0: {  	[spmem:s4] =	stream.indirect.scatter.add.f32 [tilespmem:s14], [sflag:$0x1], $0x1, s13, s24, $0xb8;
	[tilespmem:$0x7B80] =	vst v63  }
0x3c1: {  	s14 =	sadd.s32 $0x4180, s1  }
0x3c2: {  	[spmem:s4] =	stream.indirect.scatter.add.f32 [tilespmem:s15], [sflag:$0x1], $0x1, s14, s24, $0xb8;
	[tilespmem:$0x7B80] =	vst v63  }
0x3c3: {  	s15 =	sadd.s32 $0x4200, s1  }
0x3c4: {  	[spmem:s4] =	stream.indirect.scatter.add.f32 [tilespmem:s16], [sflag:$0x1], $0x1, s15, s24, $0xb8;
	[tilespmem:$0x7B80] =	vst v63  }
0x3c5: {  	s21 =	sadd.s32 $0x4280, s1  }
0x3c6: {  	[spmem:s4] =	stream.indirect.scatter.add.f32 [tilespmem:s17], [sflag:$0x1], $0x1, s21, s24, $0xb8;
	[tilespmem:$0x7B80] =	vst v63  }
0x3c7: {  	s22 =	sadd.s32 $0x4300, s1  }
0x3c8: {  	[spmem:s4] =	stream.indirect.scatter.add.f32 [tilespmem:s18], [sflag:$0x1], $0x1, s22, s24, $0xb8;
	[tilespmem:$0x7B80] =	vst v63  }
0x3c9: {  	s23 =	sadd.s32 $0x4380, s1  }
0x3ca: {  	[spmem:s4] =	stream.indirect.scatter.add.f32 [tilespmem:s7], [sflag:$0x1], $0x1, s23, s24, $0xb8;
	[tilespmem:$0x7B80] =	vst v63  }
0x3cb: {  	s28 =	sadd.s32 $0x4400, s1  }
0x3cc: {  	[spmem:s4] =	stream.indirect.scatter.add.f32 [tilespmem:s12], [sflag:$0x1], $0x1, s28, s24, $0xb8;
	[tilespmem:$0x7B80] =	vst v63  }
0x3cd: {  	s29 =	sadd.s32 $0x4480, s1  }
0x3ce: {  	[spmem:s4] =	stream.indirect.scatter.add.f32 [tilespmem:s10], [sflag:$0x1], $0x1, s29, s24, $0xb8;
	[tilespmem:$0x7B80] =	vst v63  }
0x3cf: {  	s30 =	sadd.s32 $0x4500, s1  }
0x3d0: {  	[spmem:s4] =	stream.indirect.scatter.add.f32 [tilespmem:s11], [sflag:$0x1], $0x1, s30, s24, $0xb8;
	[tilespmem:$0x7B80] =	vst v63  }
0x3d1: {  	s1 =	sadd.s32 $0x4580, s1  }
0x3d2: {  	[spmem:s4] =	stream.indirect.scatter.add.f32 [tilespmem:s19], [sflag:$0x1], $0x1, s1, s24, $0xb8;
	[tilespmem:$0x7B80] =	vst v63  }
0x3d3: {  	s1 =	simm.s32 $0x1  }
0x3d4: {  	_ =	swait.ge [sflag:s1], $0x80  }
0x3d5: {  	[sflag:s1] =	ssyncset.done $0x0  }
0x3d6: {  	[sflag:s1] =	ssyncadd.s32 $0xFFFFFF80  }
0x3d7: {  	_ =	swait.ge [sflag:s1], $0x80  }
0x3d8: {  	[sflag:s1] =	ssyncset.done $0x0  }
0x3d9: {  	[sflag:s1] =	ssyncadd.s32 $0xFFFFFF80  }
0x3da: {  	_ =	swait.ge [sflag:s1], $0x80  }
0x3db: {  	[sflag:s1] =	ssyncset.done $0x0  }
0x3dc: {  	[sflag:s1] =	ssyncadd.s32 $0xFFFFFF80  }
0x3dd: {  	_ =	swait.ge [sflag:s1], $0x80  }
0x3de: {  	[sflag:s1] =	ssyncset.done $0x0  }
0x3df: {  	[sflag:s1] =	ssyncadd.s32 $0xFFFFFF80  }
0x3e0: {  	_ =	swait.ge [sflag:s1], $0x80  }
0x3e1: {  	[sflag:s1] =	ssyncset.done $0x0  }
0x3e2: {  	[sflag:s1] =	ssyncadd.s32 $0xFFFFFF80  }
0x3e3: {  	_ =	swait.ge [sflag:s1], $0x80  }
0x3e4: {  	[sflag:s1] =	ssyncset.done $0x0  }
0x3e5: {  	[sflag:s1] =	ssyncadd.s32 $0xFFFFFF80  }
0x3e6: {  	_ =	swait.ge [sflag:s1], $0x80  }
0x3e7: {  	[sflag:s1] =	ssyncset.done $0x0  }
0x3e8: {  	[sflag:s1] =	ssyncadd.s32 $0xFFFFFF80  }
0x3e9: {  	_ =	swait.ge [sflag:s1], $0x80  }
0x3ea: {  	[sflag:s1] =	ssyncset.done $0x0  }
0x3eb: {  	[sflag:s1] =	ssyncadd.s32 $0xFFFFFF80  }
0x3ec: {  	_ =	swait.ge [sflag:s1], $0x80  }
0x3ed: {  	[sflag:s1] =	ssyncset.done $0x0  }
0x3ee: {  	[sflag:s1] =	ssyncadd.s32 $0xFFFFFF80  }
0x3ef: {  	_ =	swait.ge [sflag:s1], $0x80  }
0x3f0: {  	[sflag:s1] =	ssyncset.done $0x0  }
0x3f1: {  	[sflag:s1] =	ssyncadd.s32 $0xFFFFFF80  }
0x3f2: {  	_ =	swait.ge [sflag:s1], $0x80  }
0x3f3: {  	[sflag:s1] =	ssyncset.done $0x0  }
0x3f4: {  	[sflag:s1] =	ssyncadd.s32 $0xFFFFFF80  }
0x3f5: {  	_ =	swait.ge [sflag:s1], $0x80  }
0x3f6: {  	[sflag:s1] =	ssyncset.done $0x0  }
0x3f7: {  	[sflag:s1] =	ssyncadd.s32 $0xFFFFFF80  }
0x3f8: {  	_ =	swait.ge [sflag:s1], $0x80  }
0x3f9: {  	[sflag:s1] =	ssyncset.done $0x0  }
0x3fa: {  	[sflag:s1] =	ssyncadd.s32 $0xFFFFFF80  }
0x3fb: {  	_ =	swait.ge [sflag:s1], $0x80  }
0x3fc: {  	[sflag:s1] =	ssyncset.done $0x0  }
0x3fd: {  	[sflag:s1] =	ssyncadd.s32 $0xFFFFFF80  }
0x3fe: {  	_ =	swait.ge [sflag:s1], $0x80  }
0x3ff: {  	[sflag:s1] =	ssyncset.done $0x0  }
0x400: {  	[sflag:s1] =	ssyncadd.s32 $0xFFFFFF80  }
0x401: {  	_ =	swait.ge [sflag:s1], $0x80  }
0x402: {  	[sflag:s1] =	ssyncset.done $0x0  }
0x403: {  	[sflag:s1] =	ssyncadd.s32 $0xFFFFFF80  }
0x404: {  	_ =	swait.ge [sflag:s1], $0x80  }
0x405: {  	[sflag:s1] =	ssyncset.done $0x0  }
0x406: {  	[sflag:s1] =	ssyncadd.s32 $0xFFFFFF80  }
0x407: {  	_ =	swait.ge [sflag:s1], $0x80  }
0x408: {  	[sflag:s1] =	ssyncset.done $0x0  }
0x409: {  	[sflag:s1] =	ssyncadd.s32 $0xFFFFFF80  }
0x40a: {  	p2 =	por p1, p1;
	_ =	swait.ge [sflag:s1], $0x80  }
.Ltmp4:
0x40b: {  	[sflag:s1] =	ssyncset.done $0x0;
	(pc) =	sbr.rel @p2 .LBB2_6-.Ltmp4, $4  }
0x40c: {  	[sflag:s1] =	ssyncadd.s32 $0xFFFFFF80  }
0x40d: {  	_ =	swait.ge [sflag:s1], $0x80  }
0x40e: {  	[sflag:s1] =	ssyncset.done $0x0  }
0x40f: {  	p1 =	por $0x0, $0x0;
	[sflag:s1] =	ssyncadd.s32 $0xFFFFFF80  }
0x410: {  	[bflag:$0x0] =	sbarrier.arrive $0xFFFF  }
.Ltmp5:
0x411: {  	s1 =	simm.s32 $0x6F00;
	s16 =	rddreg [dreg:$0xb];
	(pc) =	sbr.rel @p0 .LBB2_11-.Ltmp5, $4  }
0x412: {  	[tilespmem:s1], [sflag:$0x3] =	stream.linear.gather [spmem:s16], $0x280, $0x38;
	[tilespmem:$0x7B80] =	vst v63  }
0x413: {  	_ =	swait.ge [sflag:s20], $0x280  }
0x414: {  	[sflag:s20] =	ssyncset.done $0x0  }
0x415: {  	s1 =	simm.s32 $0x0;
	[sflag:s20] =	ssyncadd.s32 $0xFFFFFD80  }
0x416: {  	v5 =	vld [tilespmem:s1+$0x6C80];
	_ =	sdelay $0x1  }
0x417: {  	v6 =	vld [tilespmem:s1+$0x6780];
	_ =	sdelay $0x1  }
0x418: {  	v7 =	vld [tilespmem:s1+$0x6F00]  }
0x419: {  	s2 =	simm.s32 $0x10;
	v8 =	vmul.f32 v5, v5  }
0x41a: {  	v4 =	vld [tilespmem:s2+$0x6C80]  }
0x41b: {  	v3 =	vld [tilespmem:$0x6490];
	v9 =	vmul.f32 $1.280000000e+02, v5;
	v6 =	vmul.f32 v6, v8  }
0x41c: {  	v5 =	vld [tilespmem:s2+$0x6780]  }
0x41d: {  	v7 =	vmul.f32 v9, v7;
	v8 =	vmul.f32 v6, v2  }
0x41e: {  	s7 =	simm.s32 $0x80;
	s14 =	simm.s32 $0x0;
	v6 =	vld [tilespmem:s2+$0x6F00]  }
.LBB2_9:
0x41f: {  	s6 =	sshra.s32 s7, $0x2;
	p1 =	seq.s32 s7, $0x9C0;
	s7 =	sadd.s32 $0x40, s7;
	v9 =	vmul.f32 v4, v4;
	v7 =	vadd.f32 v8, v7;
	v8 =	vmov v4  }
.Ltmp6:
0x420: {  	v4 =	vld [tilespmem:s6+$0x6C80];
	(pc) =	sbr.rel @!p1 .LBB2_9-.Ltmp6, $4  }
0x421: {  	v8 =	vmul.f32 $1.280000000e+02, v8;
	v9 =	vmul.f32 v5, v9;
	v10 =	vadd.f32 v7, v3  }
0x422: {  	v5 =	vld [tilespmem:s6+$0x6780]  }
0x423: {  	v7 =	vmul.f32 v8, v6;
	v8 =	vmul.f32 v9, v2;
	[tilespmem:s1+$0x7180] =	vst v10;
	s1 =	smov.u32 s2;
	s2 =	smov.u32 s6  }
0x424: {  	v6 =	vld [tilespmem:s2+$0x6F00]  }
0x425: {  	v9 =	vmul.f32 v4, v4;
	_ =	sdelay $0x1  }
0x426: {  	v61 =	vmul.f32 $1.280000000e+02, v4;
	v5 =	vmul.f32 v5, v9;
	_ =	sdelay $0x1  }
0x427: {  	v4 =	vmul.f32 v61, v6;
	v2 =	vmul.f32 v5, v2  }
0x428: {  	v62 =	vadd.f32 v8, v7  }
.Ltmp7:
0x429: {  	v2 =	vadd.f32 v2, v4;
	(pc) =	sbr.rel .LBB2_14-.Ltmp7, $4  }
0x42a: {  	v63 =	vadd.f32 v62, v3  }
0x42b: {  	v2 =	vadd.f32 v2, v3  }
0x42c: {  	[tilespmem:s1+$0x7180] =	vst v63  }
0x42d: {  	s1 =	rddreg [dreg:$0x2];
	[tilespmem:s2+$0x7180] =	vst v2  }
.LBB2_11:
0x42e: {  	v2 =	vld [tilespmem:s1+$0x6C80];
	_ =	sdelay $0x1  }
0x42f: {  	v3 =	vld [tilespmem:s1+$0x6F00]  }
0x430: {  	s2 =	simm.s32 $0x40;
	s14 =	simm.s32 $0x0  }
.LBB2_12:
0x431: {  	p1 =	sne.s32 s2, $0x9C0  }
.Ltmp8:
0x432: {  	s6 =	sshra.s32 s2, $0x2;
	s2 =	sadd.s32 $0x40, s2;
	v4 =	vmul.f32 $1.280000000e+02, v2;
	(pc) =	sbr.rel @p1 .LBB2_12-.Ltmp8, $4  }
0x433: {  	v2 =	vld [tilespmem:s6+$0x6C80]  }
0x434: {  	v4 =	vmul.f32 v4, v3  }
0x435: {  	v3 =	vld [tilespmem:s6+$0x6F00]  }
0x436: {  	[tilespmem:s1+$0x7180] =	vst v4;
	s1 =	smov.u32 s6  }
.Ltmp9:
0x437: {  	_ = 	snop;
	(pc) =	sbr.rel .LBB2_13-.Ltmp9, $1  }
0x438: {  	_ =	sdelay $0x3  }
.LBB2_15:
0x439: {  	_ =	sfence.sel $0x180000  }
0x43a: {  	[bflag:$0x0] =	sbarrier.arrive $0xFFFF  }
0x43b: {  	_ =	strace $0x90000047  }
0x43c: {  	s0 =	stileid.u32;
	[bflag:$0x2] =	sbarrier.arrive $0xFFFF  }
0x43d: {  	p0 =	sne.s32 s0, $0x0;
	s0 =	rddreg [dreg:$0x6]  }
0x43e: {  	s0 =	sadd.s32 @!p0 $0x100000, s0  }
0x43f: {  	[sflag:s0] =	ssyncadd.tile.s32 @!p0 $0x1;
	_ =	shalt  }
.Lfunc_end2:
_tile_overlayer_lowered:
.L_overlay_start_2:
0x440: {  	(tag) =	ssettag $0x2  }
0x441: {  	s0 =	rddreg [dreg:$0x0];
	s2 =	stileid.u32  }
0x442: {  	s1 =	rddreg [dreg:$0x1];
	p0 =	sne.s32 s2, $0x0  }
0x443: {  	s3 =	rddreg [dreg:$0x2];
	[bflag:$0x3] =	sbarrier.arrive $0xFFFF;
	s2 =	simm.s32 @!p0 $0x1C03  }
0x444: {  	[timem:s3], [sflag:s2] =	dma.local @!p0 [hbm:s0], s1  }
0x445: {  	s0 =	simm.s32 @!p0 $0x3  }
0x446: {  	_ =	swait.ge @!p0 [sflag:s0], s1  }
0x447: {  	s1 =	ssub.s32 @!p0 $0x0, s1;
	[sflag:s0] =	ssyncset.done @!p0 $0x0  }
0x448: {  	[sflag:s0] =	ssyncadd.s32 @!p0 s1  }
0x449: {  	[bflag:$0x3] =	sbarrier.arrive $0xFFFF  }
0x44a: {  	_ =	shalt  }

</sc_bundles>
